<compile_context>
chip_gen: v7x
topology: tpu7x:2x2x1
jax: 0.10.2.dev20260603
libtpu: 0.0.44.dev20260713+nightly
codegen_flags: <defaults>
</compile_context>

<pallas_src>
import functools

import jax
import jax.numpy as jnp
from jax import lax
from jax.experimental import pallas as pl
from jax.experimental.pallas import tpu as pltpu
from jax.experimental.pallas import tpu_sc as plsc

NC = 2
NS = 16
LANES = 16
CHUNK = 80
NSLOT = 3


def _sc_aggregate(x, pkd, val, n_chunks, per_worker, n_nodes, d):
    rows0 = (n_nodes // NS) // 8 * 8
    rows_last = n_nodes - (NS - 1) * rows0
    assert rows_last % 8 == 0 and rows_last >= rows0
    zr = 16
    assert rows0 % zr == 0 and rows_last % zr == 0
    d_slices = d // LANES
    groups = CHUNK // LANES

    mesh = plsc.VectorSubcoreMesh(core_axis_name="c", subcore_axis_name="s")

    @functools.partial(
        pl.kernel,
        mesh=mesh,
        out_type=jax.ShapeDtypeStruct((NC, n_nodes, d), jnp.float32),
        scratch_types=[
            pltpu.VMEM((NSLOT, CHUNK), jnp.int32),
            pltpu.VMEM((NSLOT, CHUNK), jnp.float32),
            pltpu.VMEM((NSLOT, CHUNK), jnp.int32),
            pltpu.VMEM((NSLOT, CHUNK, d), jnp.float32),
            pltpu.VMEM((zr, d), jnp.float32),
            pltpu.VMEM_SHARED((n_nodes, d), jnp.float32),
            pltpu.SemaphoreType.DMA,
            pltpu.SemaphoreType.DMA((NSLOT,)),
            pltpu.SemaphoreType.DMA((NSLOT,)),
        ],
    )
    def body(x_hbm, pkd_hbm, val_hbm, out_hbm,
             pkdc, valc, dstc, rows_v, zbuf_v, acc_sh, gsem, ssem, esem):
        cid = lax.axis_index("c")
        sid = lax.axis_index("s")
        wbase = (cid * NS + sid) * per_worker

        for r in range(zr):
            for j in range(d_slices):
                zbuf_v[r, pl.ds(j * LANES, LANES)] = jnp.zeros(
                    (LANES,), jnp.float32)
        base = pl.multiple_of(sid * rows0, 8)
        for t in range(rows0 // zr):
            pltpu.sync_copy(zbuf_v, acc_sh.at[pl.ds(base + t * zr, zr)])

        @pl.when(sid == NS - 1)
        def _zero_tail():
            for t in range(rows0 // zr, rows_last // zr):
                pltpu.sync_copy(zbuf_v, acc_sh.at[pl.ds(base + t * zr, zr)])
        plsc.subcore_barrier()

        def echunk(k):
            return pl.ds(pl.multiple_of(wbase + k * CHUNK, 8), CHUNK)

        def edge_start(k, slot):
            pltpu.async_copy(pkd_hbm.at[echunk(k)], pkdc.at[slot],
                             esem.at[slot])
            pltpu.async_copy(val_hbm.at[echunk(k)], valc.at[slot],
                             esem.at[slot])

        def edge_wait(k, slot):
            pltpu.make_async_copy(pkd_hbm.at[echunk(k)], pkdc.at[slot],
                                  esem.at[slot]).wait()
            pltpu.make_async_copy(val_hbm.at[echunk(k)], valc.at[slot],
                                  esem.at[slot]).wait()

        def unpack(slot):
            for g in range(groups):
                sl = pl.ds(g * LANES, LANES)
                pkd16 = pkdc[slot, sl]
                dstc[slot, sl] = lax.bitwise_and(pkd16, 0xFFFF)
                pkdc[slot, sl] = lax.shift_right_logical(pkd16, 16)

        def gather_start(slot):
            pltpu.async_copy(x_hbm.at[pkdc.at[slot]], rows_v.at[slot], gsem)

        def gather_wait(slot):
            pltpu.make_async_copy(
                x_hbm.at[pkdc.at[slot]], rows_v.at[slot], gsem).wait()

        def scatter_start(slot):
            pltpu.async_copy(rows_v.at[slot], acc_sh.at[dstc.at[slot]],
                             ssem.at[slot], add=True)

        def scatter_wait(slot):
            pltpu.make_async_copy(rows_v.at[slot], acc_sh.at[dstc.at[slot]],
                                  ssem.at[slot]).wait()

        edge_start(0, 0)
        edge_wait(0, 0)
        unpack(0)
        gather_start(0)
        edge_start(1, 1)

        def chunk_body(k, _):
            s = lax.rem(k, NSLOT)
            snext = lax.rem(k + 1, NSLOT)
            gather_wait(s)

            @pl.when(k >= NSLOT - 1)
            def _free_next():
                scatter_wait(snext)

            @pl.when(k + 1 < n_chunks)
            def _prefetch():
                edge_wait(k + 1, snext)
                unpack(snext)
                gather_start(snext)

            @pl.when(k + 2 < n_chunks)
            def _prefetch_edges():
                edge_start(k + 2, lax.rem(k + 2, NSLOT))

            def scale(g, _):
                vals16 = valc[s, pl.ds(g * LANES, LANES)]
                for l in range(LANES):
                    v = vals16[l]
                    e = g * LANES + l
                    for j in range(d_slices):
                        sl = pl.ds(j * LANES, LANES)
                        rows_v[s, e, sl] = rows_v[s, e, sl] * v
                return 0
            lax.fori_loop(0, groups, scale, 0)

            scatter_start(s)
            return 0
        lax.fori_loop(0, n_chunks, chunk_body, 0)

        for k in (n_chunks - 2, n_chunks - 1):
            scatter_wait(k % NSLOT)
        plsc.subcore_barrier()

        @pl.when(sid < NS - 1)
        def _wb_main():
            sl = pl.ds(base, rows0)
            pltpu.sync_copy(acc_sh.at[sl], out_hbm.at[cid, sl])

        @pl.when(sid == NS - 1)
        def _wb_tail():
            sl = pl.ds(base, rows_last)
            pltpu.sync_copy(acc_sh.at[sl], out_hbm.at[cid, sl])

    return body(x, pkd, val)


def _tc_finish(partials, W, b, n_nodes, d_in, d_out, block_m):
    def body(p_ref, w_ref, b_ref, o_ref):
        a = p_ref[0] + p_ref[1]
        acc = jnp.dot(a, w_ref[...], preferred_element_type=jnp.float32)
        o_ref[...] = jnp.maximum(acc + b_ref[...], 0.0)

    return pl.pallas_call(
        body,
        grid=(n_nodes // block_m,),
        in_specs=[
            pl.BlockSpec((NC, block_m, d_in), lambda i: (0, i, 0)),
            pl.BlockSpec((d_in, d_out), lambda i: (0, 0)),
            pl.BlockSpec((1, d_out), lambda i: (0, 0)),
        ],
        out_specs=pl.BlockSpec((block_m, d_out), lambda i: (i, 0)),
        out_shape=jax.ShapeDtypeStruct((n_nodes, d_out), jnp.float32),
    )(partials, W, b.reshape(1, d_out))


def kernel(x, edge_index, edge_vals, W, b):
    n_nodes, d_in = x.shape
    d_out = W.shape[1]
    e = edge_vals.shape[0]
    workers = NC * NS
    per_worker = e // workers
    n_chunks = per_worker // CHUNK
    assert per_worker * workers == e and n_chunks * CHUNK == per_worker
    assert n_chunks >= NSLOT and per_worker % 8 == 0
    assert n_nodes < (1 << 16)

    ei = edge_index.astype(jnp.int32)
    pkd = jnp.bitwise_or(jnp.left_shift(ei[0], 16), ei[1])

    partials = _sc_aggregate(x, pkd, edge_vals, n_chunks, per_worker,
                             n_nodes, d_in)
    return _tc_finish(partials, W, b, n_nodes, d_in, d_out, block_m=1000)

# --- scband reference (transcript-rebuilt; emitter-appended) ---
"""Pipeline reference for scband-graph-convolution-31585189495294 (READ-ONLY COPY).

The authoritative reference and input builder live on the scoring server;
editing this copy changes nothing except your own understanding.
"""

import jax, jax.numpy as jnp
import numpy as np

N = 10000
E = 320000
D_IN = 128
D_OUT = 128


def setup_inputs(seed: int = 0) -> dict:
    key = jax.random.key(seed)
    k1, k2, k3, k4 = jax.random.split(key, 4)
    x = jax.random.normal(k1, (N, D_IN), dtype=jnp.float32)
    # sparse 'support' matrix in COO form: edge_index[0]=src(col), edge_index[1]=dst(row)
    edge_index = jax.random.randint(k2, (2, E), 0, N)
    edge_vals = jax.random.uniform(k3, (E,), dtype=jnp.float32)
    # glorot init per original glorot([input_dim, output_dim])
    init_range = float(np.sqrt(6.0 / (D_IN + D_OUT)))
    W = jax.random.uniform(k4, (D_IN, D_OUT), minval=-init_range, maxval=init_range, dtype=jnp.float32)
    b = jnp.zeros((D_OUT,), dtype=jnp.float32)
    return {"x": x, "edge_index": edge_index, "edge_vals": edge_vals, "W": W, "b": b}


def reference(x, edge_index, edge_vals, W, b):
    # dropout disabled (rate=0 -> identity), dense inputs path
    # weighted = dot(x, W)
    weighted = x @ W
    # output = dot(support, weighted, sparse=True)  -- sparse matmul via gather + segment_sum
    src = edge_index[0]
    dst = edge_index[1]
    msgs = jnp.take(weighted, src, axis=0) * edge_vals[:, None]
    agg = jax.ops.segment_sum(msgs, dst, num_segments=N)
    # output += bias; act = relu
    return jax.nn.relu(agg + b)

if __name__ == "__main__":
    import jax
    _d = setup_inputs()
    print(jax.jit(kernel)(*tuple(_d.values())))

</pallas_src>

<mosaic_0001>
#map = affine_map<(d0, d1) -> (0, 0)>
#map1 = affine_map<(d0, d1) -> (0)>
#map2 = affine_map<(d0, d1) -> (0, 0, 0)>
module attributes {stable_mosaic.version = 14 : i64} {
  func.func @body(%arg0: i32, %arg1: i32, %arg2: memref<10000x128xf32, #tpu.memory_space<hbm>>, %arg3: memref<320000xi32, #tpu.memory_space<hbm>>, %arg4: memref<320000xf32, #tpu.memory_space<hbm>>, %arg5: memref<2x10000x128xf32, #tpu.memory_space<hbm>>, %arg6: memref<3x80xi32, #tpu.memory_space<vmem>>, %arg7: memref<3x80xf32, #tpu.memory_space<vmem>>, %arg8: memref<3x80xi32, #tpu.memory_space<vmem>>, %arg9: memref<3x80x128xf32, #tpu.memory_space<vmem>>, %arg10: memref<16x128xf32, #tpu.memory_space<vmem>>, %arg11: memref<10000x128xf32, #tpu.memory_space<vmem_shared>>, %arg12: memref<!tpu.dma_semaphore, #tpu.memory_space<semaphore_mem>>, %arg13: memref<3x!tpu.dma_semaphore, #tpu.memory_space<semaphore_mem>>, %arg14: memref<3x!tpu.dma_semaphore, #tpu.memory_space<semaphore_mem>>) attributes {dimension_semantics = [#tpu.dimension_semantics<core_parallel>, #tpu.dimension_semantics<subcore_parallel>], iteration_bounds = array<i64: 2, 16>, scalar_prefetch = 0 : i64, scratch_operands = 9 : i64, tpu.core_type = #tpu.core_type<sc_vector_subcore>, window_params = [{transform_indices = #map}, {transform_indices = #map1}, {transform_indices = #map1}, {transform_indices = #map2}]} {
    %mul3A = arith.constant 16 : i32
    %mul3A_0 = arith.muli %arg0, %mul3A : i32
    %add3A = arith.addi %mul3A_0, %arg1 : i32
    %mul3A_1 = arith.constant 10000 : i32
    %mul3A_2 = arith.muli %add3A, %mul3A_1 : i32
    %broadcast_in_dim3A = arith.constant 0.000000e+00 : f32
    %broadcast_in_dim3A_3 = vector.broadcast %broadcast_in_dim3A : f32 to vector<16xf32>
    %swap3A = arith.constant 0 : i32
    %swap3A_4 = arith.index_cast %swap3A : i32 to index
    %swap3A_5 = arith.constant 0 : index
    %swap3A_6 = tpu.vector_load %arg10[%swap3A_4, %swap3A_5] {strides = array<i32>} : memref<16x128xf32, #tpu.memory_space<vmem>>, vector<1x16xf32>,
    %swap3A_7 = vector.shape_cast %swap3A_6 : vector<1x16xf32> to vector<16xf32>
    %swap3A_8 = vector.shape_cast %broadcast_in_dim3A_3 : vector<16xf32> to vector<1x16xf32>
    tpu.vector_store %arg10[%swap3A_4, %swap3A_5], %swap3A_8 {strides = array<i32>} : memref<16x128xf32, #tpu.memory_space<vmem>>, vector<1x16xf32>,
    %broadcast_in_dim3A_9 = arith.constant 0.000000e+00 : f32
    %broadcast_in_dim3A_10 = vector.broadcast %broadcast_in_dim3A_9 : f32 to vector<16xf32>
    %swap3A_11 = arith.constant 0 : i32
    %swap3A_12 = arith.index_cast %swap3A_11 : i32 to index
    %swap3A_13 = arith.constant 16 : index
    %swap3A_14 = tpu.vector_load %arg10[%swap3A_12, %swap3A_13] {strides = array<i32>} : memref<16x128xf32, #tpu.memory_space<vmem>>, vector<1x16xf32>,
    %swap3A_15 = vector.shape_cast %swap3A_14 : vector<1x16xf32> to vector<16xf32>
    %swap3A_16 = vector.shape_cast %broadcast_in_dim3A_10 : vector<16xf32> to vector<1x16xf32>
    tpu.vector_store %arg10[%swap3A_12, %swap3A_13], %swap3A_16 {strides = array<i32>} : memref<16x128xf32, #tpu.memory_space<vmem>>, vector<1x16xf32>,
    %broadcast_in_dim3A_17 = arith.constant 0.000000e+00 : f32
    %broadcast_in_dim3A_18 = vector.broadcast %broadcast_in_dim3A_17 : f32 to vector<16xf32>
    %swap3A_19 = arith.constant 0 : i32
    %swap3A_20 = arith.index_cast %swap3A_19 : i32 to index
    %swap3A_21 = arith.constant 32 : index
    %swap3A_22 = tpu.vector_load %arg10[%swap3A_20, %swap3A_21] {strides = array<i32>} : memref<16x128xf32, #tpu.memory_space<vmem>>, vector<1x16xf32>,
    %swap3A_23 = vector.shape_cast %swap3A_22 : vector<1x16xf32> to vector<16xf32>
    %swap3A_24 = vector.shape_cast %broadcast_in_dim3A_18 : vector<16xf32> to vector<1x16xf32>
    tpu.vector_store %arg10[%swap3A_20, %swap3A_21], %swap3A_24 {strides = array<i32>} : memref<16x128xf32, #tpu.memory_space<vmem>>, vector<1x16xf32>,
    %broadcast_in_dim3A_25 = arith.constant 0.000000e+00 : f32
    %broadcast_in_dim3A_26 = vector.broadcast %broadcast_in_dim3A_25 : f32 to vector<16xf32>
    %swap3A_27 = arith.constant 0 : i32
    %swap3A_28 = arith.index_cast %swap3A_27 : i32 to index
    %swap3A_29 = arith.constant 48 : index
    %swap3A_30 = tpu.vector_load %arg10[%swap3A_28, %swap3A_29] {strides = array<i32>} : memref<16x128xf32, #tpu.memory_space<vmem>>, vector<1x16xf32>,
    %swap3A_31 = vector.shape_cast %swap3A_30 : vector<1x16xf32> to vector<16xf32>
    %swap3A_32 = vector.shape_cast %broadcast_in_dim3A_26 : vector<16xf32> to vector<1x16xf32>
    tpu.vector_store %arg10[%swap3A_28, %swap3A_29], %swap3A_32 {strides = array<i32>} : memref<16x128xf32, #tpu.memory_space<vmem>>, vector<1x16xf32>,
    %broadcast_in_dim3A_33 = arith.constant 0.000000e+00 : f32
    %broadcast_in_dim3A_34 = vector.broadcast %broadcast_in_dim3A_33 : f32 to vector<16xf32>
    %swap3A_35 = arith.constant 0 : i32
    %swap3A_36 = arith.index_cast %swap3A_35 : i32 to index
    %swap3A_37 = arith.constant 64 : index
    %swap3A_38 = tpu.vector_load %arg10[%swap3A_36, %swap3A_37] {strides = array<i32>} : memref<16x128xf32, #tpu.memory_space<vmem>>, vector<1x16xf32>,
    %swap3A_39 = vector.shape_cast %swap3A_38 : vector<1x16xf32> to vector<16xf32>
    %swap3A_40 = vector.shape_cast %broadcast_in_dim3A_34 : vector<16xf32> to vector<1x16xf32>
    tpu.vector_store %arg10[%swap3A_36, %swap3A_37], %swap3A_40 {strides = array<i32>} : memref<16x128xf32, #tpu.memory_space<vmem>>, vector<1x16xf32>,
    %broadcast_in_dim3A_41 = arith.constant 0.000000e+00 : f32
    %broadcast_in_dim3A_42 = vector.broadcast %broadcast_in_dim3A_41 : f32 to vector<16xf32>
    %swap3A_43 = arith.constant 0 : i32
    %swap3A_44 = arith.index_cast %swap3A_43 : i32 to index
    %swap3A_45 = arith.constant 80 : index
    %swap3A_46 = tpu.vector_load %arg10[%swap3A_44, %swap3A_45] {strides = array<i32>} : memref<16x128xf32, #tpu.memory_space<vmem>>, vector<1x16xf32>,
    %swap3A_47 = vector.shape_cast %swap3A_46 : vector<1x16xf32> to vector<16xf32>
    %swap3A_48 = vector.shape_cast %broadcast_in_dim3A_42 : vector<16xf32> to vector<1x16xf32>
    tpu.vector_store %arg10[%swap3A_44, %swap3A_45], %swap3A_48 {strides = array<i32>} : memref<16x128xf32, #tpu.memory_space<vmem>>, vector<1x16xf32>,
    %broadcast_in_dim3A_49 = arith.constant 0.000000e+00 : f32
    %broadcast_in_dim3A_50 = vector.broadcast %broadcast_in_dim3A_49 : f32 to vector<16xf32>
    %swap3A_51 = arith.constant 0 : i32
    %swap3A_52 = arith.index_cast %swap3A_51 : i32 to index
    %swap3A_53 = arith.constant 96 : index
    %swap3A_54 = tpu.vector_load %arg10[%swap3A_52, %swap3A_53] {strides = array<i32>} : memref<16x128xf32, #tpu.memory_space<vmem>>, vector<1x16xf32>,
    %swap3A_55 = vector.shape_cast %swap3A_54 : vector<1x16xf32> to vector<16xf32>
    %swap3A_56 = vector.shape_cast %broadcast_in_dim3A_50 : vector<16xf32> to vector<1x16xf32>
    tpu.vector_store %arg10[%swap3A_52, %swap3A_53], %swap3A_56 {strides = array<i32>} : memref<16x128xf32, #tpu.memory_space<vmem>>, vector<1x16xf32>,
    %broadcast_in_dim3A_57 = arith.constant 0.000000e+00 : f32
    %broadcast_in_dim3A_58 = vector.broadcast %broadcast_in_dim3A_57 : f32 to vector<16xf32>
    %swap3A_59 = arith.constant 0 : i32
    %swap3A_60 = arith.index_cast %swap3A_59 : i32 to index
    %swap3A_61 = arith.constant 112 : index
    %swap3A_62 = tpu.vector_load %arg10[%swap3A_60, %swap3A_61] {strides = array<i32>} : memref<16x128xf32, #tpu.memory_space<vmem>>, vector<1x16xf32>,
    %swap3A_63 = vector.shape_cast %swap3A_62 : vector<1x16xf32> to vector<16xf32>
    %swap3A_64 = vector.shape_cast %broadcast_in_dim3A_58 : vector<16xf32> to vector<1x16xf32>
    tpu.vector_store %arg10[%swap3A_60, %swap3A_61], %swap3A_64 {strides = array<i32>} : memref<16x128xf32, #tpu.memory_space<vmem>>, vector<1x16xf32>,
    %broadcast_in_dim3A_65 = arith.constant 0.000000e+00 : f32
    %broadcast_in_dim3A_66 = vector.broadcast %broadcast_in_dim3A_65 : f32 to vector<16xf32>
    %swap3A_67 = arith.constant 1 : i32
    %swap3A_68 = arith.index_cast %swap3A_67 : i32 to index
    %swap3A_69 = arith.constant 0 : index
    %swap3A_70 = tpu.vector_load %arg10[%swap3A_68, %swap3A_69] {strides = array<i32>} : memref<16x128xf32, #tpu.memory_space<vmem>>, vector<1x16xf32>,
    %swap3A_71 = vector.shape_cast %swap3A_70 : vector<1x16xf32> to vector<16xf32>
    %swap3A_72 = vector.shape_cast %broadcast_in_dim3A_66 : vector<16xf32> to vector<1x16xf32>
    tpu.vector_store %arg10[%swap3A_68, %swap3A_69], %swap3A_72 {strides = array<i32>} : memref<16x128xf32, #tpu.memory_space<vmem>>, vector<1x16xf32>,
    %broadcast_in_dim3A_73 = arith.constant 0.000000e+00 : f32
    %broadcast_in_dim3A_74 = vector.broadcast %broadcast_in_dim3A_73 : f32 to vector<16xf32>
    %swap3A_75 = arith.constant 1 : i32
    %swap3A_76 = arith.index_cast %swap3A_75 : i32 to index
    %swap3A_77 = arith.constant 16 : index
    %swap3A_78 = tpu.vector_load %arg10[%swap3A_76, %swap3A_77] {strides = array<i32>} : memref<16x128xf32, #tpu.memory_space<vmem>>, vector<1x16xf32>,
    %swap3A_79 = vector.shape_cast %swap3A_78 : vector<1x16xf32> to vector<16xf32>
    %swap3A_80 = vector.shape_cast %broadcast_in_dim3A_74 : vector<16xf32> to vector<1x16xf32>
    tpu.vector_store %arg10[%swap3A_76, %swap3A_77], %swap3A_80 {strides = array<i32>} : memref<16x128xf32, #tpu.memory_space<vmem>>, vector<1x16xf32>,
    %broadcast_in_dim3A_81 = arith.constant 0.000000e+00 : f32
    %broadcast_in_dim3A_82 = vector.broadcast %broadcast_in_dim3A_81 : f32 to vector<16xf32>
    %swap3A_83 = arith.constant 1 : i32
    %swap3A_84 = arith.index_cast %swap3A_83 : i32 to index
    %swap3A_85 = arith.constant 32 : index
    %swap3A_86 = tpu.vector_load %arg10[%swap3A_84, %swap3A_85] {strides = array<i32>} : memref<16x128xf32, #tpu.memory_space<vmem>>, vector<1x16xf32>,
    %swap3A_87 = vector.shape_cast %swap3A_86 : vector<1x16xf32> to vector<16xf32>
    %swap3A_88 = vector.shape_cast %broadcast_in_dim3A_82 : vector<16xf32> to vector<1x16xf32>
    tpu.vector_store %arg10[%swap3A_84, %swap3A_85], %swap3A_88 {strides = array<i32>} : memref<16x128xf32, #tpu.memory_space<vmem>>, vector<1x16xf32>,
    %broadcast_in_dim3A_89 = arith.constant 0.000000e+00 : f32
    %broadcast_in_dim3A_90 = vector.broadcast %broadcast_in_dim3A_89 : f32 to vector<16xf32>
    %swap3A_91 = arith.constant 1 : i32
    %swap3A_92 = arith.index_cast %swap3A_91 : i32 to index
    %swap3A_93 = arith.constant 48 : index
    %swap3A_94 = tpu.vector_load %arg10[%swap3A_92, %swap3A_93] {strides = array<i32>} : memref<16x128xf32, #tpu.memory_space<vmem>>, vector<1x16xf32>,
    %swap3A_95 = vector.shape_cast %swap3A_94 : vector<1x16xf32> to vector<16xf32>
    %swap3A_96 = vector.shape_cast %broadcast_in_dim3A_90 : vector<16xf32> to vector<1x16xf32>
    tpu.vector_store %arg10[%swap3A_92, %swap3A_93], %swap3A_96 {strides = array<i32>} : memref<16x128xf32, #tpu.memory_space<vmem>>, vector<1x16xf32>,
    %broadcast_in_dim3A_97 = arith.constant 0.000000e+00 : f32
    %broadcast_in_dim3A_98 = vector.broadcast %broadcast_in_dim3A_97 : f32 to vector<16xf32>
    %swap3A_99 = arith.constant 1 : i32
    %swap3A_100 = arith.index_cast %swap3A_99 : i32 to index
    %swap3A_101 = arith.constant 64 : index
    %swap3A_102 = tpu.vector_load %arg10[%swap3A_100, %swap3A_101] {strides = array<i32>} : memref<16x128xf32, #tpu.memory_space<vmem>>, vector<1x16xf32>,
    %swap3A_103 = vector.shape_cast %swap3A_102 : vector<1x16xf32> to vector<16xf32>
    %swap3A_104 = vector.shape_cast %broadcast_in_dim3A_98 : vector<16xf32> to vector<1x16xf32>
    tpu.vector_store %arg10[%swap3A_100, %swap3A_101], %swap3A_104 {strides = array<i32>} : memref<16x128xf32, #tpu.memory_space<vmem>>, vector<1x16xf32>,
    %broadcast_in_dim3A_105 = arith.constant 0.000000e+00 : f32
    %broadcast_in_dim3A_106 = vector.broadcast %broadcast_in_dim3A_105 : f32 to vector<16xf32>
    %swap3A_107 = arith.constant 1 : i32
    %swap3A_108 = arith.index_cast %swap3A_107 : i32 to index
    %swap3A_109 = arith.constant 80 : index
    %swap3A_110 = tpu.vector_load %arg10[%swap3A_108, %swap3A_109] {strides = array<i32>} : memref<16x128xf32, #tpu.memory_space<vmem>>, vector<1x16xf32>,
    %swap3A_111 = vector.shape_cast %swap3A_110 : vector<1x16xf32> to vector<16xf32>
    %swap3A_112 = vector.shape_cast %broadcast_in_dim3A_106 : vector<16xf32> to vector<1x16xf32>
    tpu.vector_store %arg10[%swap3A_108, %swap3A_109], %swap3A_112 {strides = array<i32>} : memref<16x128xf32, #tpu.memory_space<vmem>>, vector<1x16xf32>,
    %broadcast_in_dim3A_113 = arith.constant 0.000000e+00 : f32
    %broadcast_in_dim3A_114 = vector.broadcast %broadcast_in_dim3A_113 : f32 to vector<16xf32>
    %swap3A_115 = arith.constant 1 : i32
    %swap3A_116 = arith.index_cast %swap3A_115 : i32 to index
    %swap3A_117 = arith.constant 96 : index
    %swap3A_118 = tpu.vector_load %arg10[%swap3A_116, %swap3A_117] {strides = array<i32>} : memref<16x128xf32, #tpu.memory_space<vmem>>, vector<1x16xf32>,
    %swap3A_119 = vector.shape_cast %swap3A_118 : vector<1x16xf32> to vector<16xf32>
    %swap3A_120 = vector.shape_cast %broadcast_in_dim3A_114 : vector<16xf32> to vector<1x16xf32>
    tpu.vector_store %arg10[%swap3A_116, %swap3A_117], %swap3A_120 {strides = array<i32>} : memref<16x128xf32, #tpu.memory_space<vmem>>, vector<1x16xf32>,
    %broadcast_in_dim3A_121 = arith.constant 0.000000e+00 : f32
    %broadcast_in_dim3A_122 = vector.broadcast %broadcast_in_dim3A_121 : f32 to vector<16xf32>
    %swap3A_123 = arith.constant 1 : i32
    %swap3A_124 = arith.index_cast %swap3A_123 : i32 to index
    %swap3A_125 = arith.constant 112 : index
    %swap3A_126 = tpu.vector_load %arg10[%swap3A_124, %swap3A_125] {strides = array<i32>} : memref<16x128xf32, #tpu.memory_space<vmem>>, vector<1x16xf32>,
    %swap3A_127 = vector.shape_cast %swap3A_126 : vector<1x16xf32> to vector<16xf32>
    %swap3A_128 = vector.shape_cast %broadcast_in_dim3A_122 : vector<16xf32> to vector<1x16xf32>
    tpu.vector_store %arg10[%swap3A_124, %swap3A_125], %swap3A_128 {strides = array<i32>} : memref<16x128xf32, #tpu.memory_space<vmem>>, vector<1x16xf32>,
    %broadcast_in_dim3A_129 = arith.constant 0.000000e+00 : f32
    %broadcast_in_dim3A_130 = vector.broadcast %broadcast_in_dim3A_129 : f32 to vector<16xf32>
    %swap3A_131 = arith.constant 2 : i32
    %swap3A_132 = arith.index_cast %swap3A_131 : i32 to index
    %swap3A_133 = arith.constant 0 : index
    %swap3A_134 = tpu.vector_load %arg10[%swap3A_132, %swap3A_133] {strides = array<i32>} : memref<16x128xf32, #tpu.memory_space<vmem>>, vector<1x16xf32>,
    %swap3A_135 = vector.shape_cast %swap3A_134 : vector<1x16xf32> to vector<16xf32>
    %swap3A_136 = vector.shape_cast %broadcast_in_dim3A_130 : vector<16xf32> to vector<1x16xf32>
    tpu.vector_store %arg10[%swap3A_132, %swap3A_133], %swap3A_136 {strides = array<i32>} : memref<16x128xf32, #tpu.memory_space<vmem>>, vector<1x16xf32>,
    %broadcast_in_dim3A_137 = arith.constant 0.000000e+00 : f32
    %broadcast_in_dim3A_138 = vector.broadcast %broadcast_in_dim3A_137 : f32 to vector<16xf32>
    %swap3A_139 = arith.constant 2 : i32
    %swap3A_140 = arith.index_cast %swap3A_139 : i32 to index
    %swap3A_141 = arith.constant 16 : index
    %swap3A_142 = tpu.vector_load %arg10[%swap3A_140, %swap3A_141] {strides = array<i32>} : memref<16x128xf32, #tpu.memory_space<vmem>>, vector<1x16xf32>,
    %swap3A_143 = vector.shape_cast %swap3A_142 : vector<1x16xf32> to vector<16xf32>
    %swap3A_144 = vector.shape_cast %broadcast_in_dim3A_138 : vector<16xf32> to vector<1x16xf32>
    tpu.vector_store %arg10[%swap3A_140, %swap3A_141], %swap3A_144 {strides = array<i32>} : memref<16x128xf32, #tpu.memory_space<vmem>>, vector<1x16xf32>,
    %broadcast_in_dim3A_145 = arith.constant 0.000000e+00 : f32
    %broadcast_in_dim3A_146 = vector.broadcast %broadcast_in_dim3A_145 : f32 to vector<16xf32>
    %swap3A_147 = arith.constant 2 : i32
    %swap3A_148 = arith.index_cast %swap3A_147 : i32 to index
    %swap3A_149 = arith.constant 32 : index
    %swap3A_150 = tpu.vector_load %arg10[%swap3A_148, %swap3A_149] {strides = array<i32>} : memref<16x128xf32, #tpu.memory_space<vmem>>, vector<1x16xf32>,
    %swap3A_151 = vector.shape_cast %swap3A_150 : vector<1x16xf32> to vector<16xf32>
    %swap3A_152 = vector.shape_cast %broadcast_in_dim3A_146 : vector<16xf32> to vector<1x16xf32>
    tpu.vector_store %arg10[%swap3A_148, %swap3A_149], %swap3A_152 {strides = array<i32>} : memref<16x128xf32, #tpu.memory_space<vmem>>, vector<1x16xf32>,
    %broadcast_in_dim3A_153 = arith.constant 0.000000e+00 : f32
    %broadcast_in_dim3A_154 = vector.broadcast %broadcast_in_dim3A_153 : f32 to vector<16xf32>
    %swap3A_155 = arith.constant 2 : i32
    %swap3A_156 = arith.index_cast %swap3A_155 : i32 to index
    %swap3A_157 = arith.constant 48 : index
    %swap3A_158 = tpu.vector_load %arg10[%swap3A_156, %swap3A_157] {strides = array<i32>} : memref<16x128xf32, #tpu.memory_space<vmem>>, vector<1x16xf32>,
    %swap3A_159 = vector.shape_cast %swap3A_158 : vector<1x16xf32> to vector<16xf32>
    %swap3A_160 = vector.shape_cast %broadcast_in_dim3A_154 : vector<16xf32> to vector<1x16xf32>
    tpu.vector_store %arg10[%swap3A_156, %swap3A_157], %swap3A_160 {strides = array<i32>} : memref<16x128xf32, #tpu.memory_space<vmem>>, vector<1x16xf32>,
    %broadcast_in_dim3A_161 = arith.constant 0.000000e+00 : f32
    %broadcast_in_dim3A_162 = vector.broadcast %broadcast_in_dim3A_161 : f32 to vector<16xf32>
    %swap3A_163 = arith.constant 2 : i32
    %swap3A_164 = arith.index_cast %swap3A_163 : i32 to index
    %swap3A_165 = arith.constant 64 : index
    %swap3A_166 = tpu.vector_load %arg10[%swap3A_164, %swap3A_165] {strides = array<i32>} : memref<16x128xf32, #tpu.memory_space<vmem>>, vector<1x16xf32>,
    %swap3A_167 = vector.shape_cast %swap3A_166 : vector<1x16xf32> to vector<16xf32>
    %swap3A_168 = vector.shape_cast %broadcast_in_dim3A_162 : vector<16xf32> to vector<1x16xf32>
    tpu.vector_store %arg10[%swap3A_164, %swap3A_165], %swap3A_168 {strides = array<i32>} : memref<16x128xf32, #tpu.memory_space<vmem>>, vector<1x16xf32>,
    %broadcast_in_dim3A_169 = arith.constant 0.000000e+00 : f32
    %broadcast_in_dim3A_170 = vector.broadcast %broadcast_in_dim3A_169 : f32 to vector<16xf32>
    %swap3A_171 = arith.constant 2 : i32
    %swap3A_172 = arith.index_cast %swap3A_171 : i32 to index
    %swap3A_173 = arith.constant 80 : index
    %swap3A_174 = tpu.vector_load %arg10[%swap3A_172, %swap3A_173] {strides = array<i32>} : memref<16x128xf32, #tpu.memory_space<vmem>>, vector<1x16xf32>,
    %swap3A_175 = vector.shape_cast %swap3A_174 : vector<1x16xf32> to vector<16xf32>
    %swap3A_176 = vector.shape_cast %broadcast_in_dim3A_170 : vector<16xf32> to vector<1x16xf32>
    tpu.vector_store %arg10[%swap3A_172, %swap3A_173], %swap3A_176 {strides = array<i32>} : memref<16x128xf32, #tpu.memory_space<vmem>>, vector<1x16xf32>,
    %broadcast_in_dim3A_177 = arith.constant 0.000000e+00 : f32
    %broadcast_in_dim3A_178 = vector.broadcast %broadcast_in_dim3A_177 : f32 to vector<16xf32>
    %swap3A_179 = arith.constant 2 : i32
    %swap3A_180 = arith.index_cast %swap3A_179 : i32 to index
    %swap3A_181 = arith.constant 96 : index
    %swap3A_182 = tpu.vector_load %arg10[%swap3A_180, %swap3A_181] {strides = array<i32>} : memref<16x128xf32, #tpu.memory_space<vmem>>, vector<1x16xf32>,
    %swap3A_183 = vector.shape_cast %swap3A_182 : vector<1x16xf32> to vector<16xf32>
    %swap3A_184 = vector.shape_cast %broadcast_in_dim3A_178 : vector<16xf32> to vector<1x16xf32>
    tpu.vector_store %arg10[%swap3A_180, %swap3A_181], %swap3A_184 {strides = array<i32>} : memref<16x128xf32, #tpu.memory_space<vmem>>, vector<1x16xf32>,
    %broadcast_in_dim3A_185 = arith.constant 0.000000e+00 : f32
    %broadcast_in_dim3A_186 = vector.broadcast %broadcast_in_dim3A_185 : f32 to vector<16xf32>
    %swap3A_187 = arith.constant 2 : i32
    %swap3A_188 = arith.index_cast %swap3A_187 : i32 to index
    %swap3A_189 = arith.constant 112 : index
    %swap3A_190 = tpu.vector_load %arg10[%swap3A_188, %swap3A_189] {strides = array<i32>} : memref<16x128xf32, #tpu.memory_space<vmem>>, vector<1x16xf32>,
    %swap3A_191 = vector.shape_cast %swap3A_190 : vector<1x16xf32> to vector<16xf32>
    %swap3A_192 = vector.shape_cast %broadcast_in_dim3A_186 : vector<16xf32> to vector<1x16xf32>
    tpu.vector_store %arg10[%swap3A_188, %swap3A_189], %swap3A_192 {strides = array<i32>} : memref<16x128xf32, #tpu.memory_space<vmem>>, vector<1x16xf32>,
    %broadcast_in_dim3A_193 = arith.constant 0.000000e+00 : f32
    %broadcast_in_dim3A_194 = vector.broadcast %broadcast_in_dim3A_193 : f32 to vector<16xf32>
    %swap3A_195 = arith.constant 3 : i32
    %swap3A_196 = arith.index_cast %swap3A_195 : i32 to index
    %swap3A_197 = arith.constant 0 : index
    %swap3A_198 = tpu.vector_load %arg10[%swap3A_196, %swap3A_197] {strides = array<i32>} : memref<16x128xf32, #tpu.memory_space<vmem>>, vector<1x16xf32>,
    %swap3A_199 = vector.shape_cast %swap3A_198 : vector<1x16xf32> to vector<16xf32>
    %swap3A_200 = vector.shape_cast %broadcast_in_dim3A_194 : vector<16xf32> to vector<1x16xf32>
    tpu.vector_store %arg10[%swap3A_196, %swap3A_197], %swap3A_200 {strides = array<i32>} : memref<16x128xf32, #tpu.memory_space<vmem>>, vector<1x16xf32>,
    %broadcast_in_dim3A_201 = arith.constant 0.000000e+00 : f32
    %broadcast_in_dim3A_202 = vector.broadcast %broadcast_in_dim3A_201 : f32 to vector<16xf32>
    %swap3A_203 = arith.constant 3 : i32
    %swap3A_204 = arith.index_cast %swap3A_203 : i32 to index
    %swap3A_205 = arith.constant 16 : index
    %swap3A_206 = tpu.vector_load %arg10[%swap3A_204, %swap3A_205] {strides = array<i32>} : memref<16x128xf32, #tpu.memory_space<vmem>>, vector<1x16xf32>,
    %swap3A_207 = vector.shape_cast %swap3A_206 : vector<1x16xf32> to vector<16xf32>
    %swap3A_208 = vector.shape_cast %broadcast_in_dim3A_202 : vector<16xf32> to vector<1x16xf32>
    tpu.vector_store %arg10[%swap3A_204, %swap3A_205], %swap3A_208 {strides = array<i32>} : memref<16x128xf32, #tpu.memory_space<vmem>>, vector<1x16xf32>,
    %broadcast_in_dim3A_209 = arith.constant 0.000000e+00 : f32
    %broadcast_in_dim3A_210 = vector.broadcast %broadcast_in_dim3A_209 : f32 to vector<16xf32>
    %swap3A_211 = arith.constant 3 : i32
    %swap3A_212 = arith.index_cast %swap3A_211 : i32 to index
    %swap3A_213 = arith.constant 32 : index
    %swap3A_214 = tpu.vector_load %arg10[%swap3A_212, %swap3A_213] {strides = array<i32>} : memref<16x128xf32, #tpu.memory_space<vmem>>, vector<1x16xf32>,
    %swap3A_215 = vector.shape_cast %swap3A_214 : vector<1x16xf32> to vector<16xf32>
    %swap3A_216 = vector.shape_cast %broadcast_in_dim3A_210 : vector<16xf32> to vector<1x16xf32>
    tpu.vector_store %arg10[%swap3A_212, %swap3A_213], %swap3A_216 {strides = array<i32>} : memref<16x128xf32, #tpu.memory_space<vmem>>, vector<1x16xf32>,
    %broadcast_in_dim3A_217 = arith.constant 0.000000e+00 : f32
    %broadcast_in_dim3A_218 = vector.broadcast %broadcast_in_dim3A_217 : f32 to vector<16xf32>
    %swap3A_219 = arith.constant 3 : i32
    %swap3A_220 = arith.index_cast %swap3A_219 : i32 to index
    %swap3A_221 = arith.constant 48 : index
    %swap3A_222 = tpu.vector_load %arg10[%swap3A_220, %swap3A_221] {strides = array<i32>} : memref<16x128xf32, #tpu.memory_space<vmem>>, vector<1x16xf32>,
    %swap3A_223 = vector.shape_cast %swap3A_222 : vector<1x16xf32> to vector<16xf32>
    %swap3A_224 = vector.shape_cast %broadcast_in_dim3A_218 : vector<16xf32> to vector<1x16xf32>
    tpu.vector_store %arg10[%swap3A_220, %swap3A_221], %swap3A_224 {strides = array<i32>} : memref<16x128xf32, #tpu.memory_space<vmem>>, vector<1x16xf32>,
    %broadcast_in_dim3A_225 = arith.constant 0.000000e+00 : f32
    %broadcast_in_dim3A_226 = vector.broadcast %broadcast_in_dim3A_225 : f32 to vector<16xf32>
    %swap3A_227 = arith.constant 3 : i32
    %swap3A_228 = arith.index_cast %swap3A_227 : i32 to index
    %swap3A_229 = arith.constant 64 : index
    %swap3A_230 = tpu.vector_load %arg10[%swap3A_228, %swap3A_229] {strides = array<i32>} : memref<16x128xf32, #tpu.memory_space<vmem>>, vector<1x16xf32>,
    %swap3A_231 = vector.shape_cast %swap3A_230 : vector<1x16xf32> to vector<16xf32>
    %swap3A_232 = vector.shape_cast %broadcast_in_dim3A_226 : vector<16xf32> to vector<1x16xf32>
    tpu.vector_store %arg10[%swap3A_228, %swap3A_229], %swap3A_232 {strides = array<i32>} : memref<16x128xf32, #tpu.memory_space<vmem>>, vector<1x16xf32>,
    %broadcast_in_dim3A_233 = arith.constant 0.000000e+00 : f32
    %broadcast_in_dim3A_234 = vector.broadcast %broadcast_in_dim3A_233 : f32 to vector<16xf32>
    %swap3A_235 = arith.constant 3 : i32
    %swap3A_236 = arith.index_cast %swap3A_235 : i32 to index
    %swap3A_237 = arith.constant 80 : index
    %swap3A_238 = tpu.vector_load %arg10[%swap3A_236, %swap3A_237] {strides = array<i32>} : memref<16x128xf32, #tpu.memory_space<vmem>>, vector<1x16xf32>,
    %swap3A_239 = vector.shape_cast %swap3A_238 : vector<1x16xf32> to vector<16xf32>
    %swap3A_240 = vector.shape_cast %broadcast_in_dim3A_234 : vector<16xf32> to vector<1x16xf32>
    tpu.vector_store %arg10[%swap3A_236, %swap3A_237], %swap3A_240 {strides = array<i32>} : memref<16x128xf32, #tpu.memory_space<vmem>>, vector<1x16xf32>,
    %broadcast_in_dim3A_241 = arith.constant 0.000000e+00 : f32
    %broadcast_in_dim3A_242 = vector.broadcast %broadcast_in_dim3A_241 : f32 to vector<16xf32>
    %swap3A_243 = arith.constant 3 : i32
    %swap3A_244 = arith.index_cast %swap3A_243 : i32 to index
    %swap3A_245 = arith.constant 96 : index
    %swap3A_246 = tpu.vector_load %arg10[%swap3A_244, %swap3A_245] {strides = array<i32>} : memref<16x128xf32, #tpu.memory_space<vmem>>, vector<1x16xf32>,
    %swap3A_247 = vector.shape_cast %swap3A_246 : vector<1x16xf32> to vector<16xf32>
    %swap3A_248 = vector.shape_cast %broadcast_in_dim3A_242 : vector<16xf32> to vector<1x16xf32>
    tpu.vector_store %arg10[%swap3A_244, %swap3A_245], %swap3A_248 {strides = array<i32>} : memref<16x128xf32, #tpu.memory_space<vmem>>, vector<1x16xf32>,
    %broadcast_in_dim3A_249 = arith.constant 0.000000e+00 : f32
    %broadcast_in_dim3A_250 = vector.broadcast %broadcast_in_dim3A_249 : f32 to vector<16xf32>
    %swap3A_251 = arith.constant 3 : i32
    %swap3A_252 = arith.index_cast %swap3A_251 : i32 to index
    %swap3A_253 = arith.constant 112 : index
    %swap3A_254 = tpu.vector_load %arg10[%swap3A_252, %swap3A_253] {strides = array<i32>} : memref<16x128xf32, #tpu.memory_space<vmem>>, vector<1x16xf32>,
    %swap3A_255 = vector.shape_cast %swap3A_254 : vector<1x16xf32> to vector<16xf32>
    %swap3A_256 = vector.shape_cast %broadcast_in_dim3A_250 : vector<16xf32> to vector<1x16xf32>
    tpu.vector_store %arg10[%swap3A_252, %swap3A_253], %swap3A_256 {strides = array<i32>} : memref<16x128xf32, #tpu.memory_space<vmem>>, vector<1x16xf32>,
    %broadcast_in_dim3A_257 = arith.constant 0.000000e+00 : f32
    %broadcast_in_dim3A_258 = vector.broadcast %broadcast_in_dim3A_257 : f32 to vector<16xf32>
    %swap3A_259 = arith.constant 4 : i32
    %swap3A_260 = arith.index_cast %swap3A_259 : i32 to index
    %swap3A_261 = arith.constant 0 : index
    %swap3A_262 = tpu.vector_load %arg10[%swap3A_260, %swap3A_261] {strides = array<i32>} : memref<16x128xf32, #tpu.memory_space<vmem>>, vector<1x16xf32>,
    %swap3A_263 = vector.shape_cast %swap3A_262 : vector<1x16xf32> to vector<16xf32>
    %swap3A_264 = vector.shape_cast %broadcast_in_dim3A_258 : vector<16xf32> to vector<1x16xf32>
    tpu.vector_store %arg10[%swap3A_260, %swap3A_261], %swap3A_264 {strides = array<i32>} : memref<16x128xf32, #tpu.memory_space<vmem>>, vector<1x16xf32>,
    %broadcast_in_dim3A_265 = arith.constant 0.000000e+00 : f32
    %broadcast_in_dim3A_266 = vector.broadcast %broadcast_in_dim3A_265 : f32 to vector<16xf32>
    %swap3A_267 = arith.constant 4 : i32
    %swap3A_268 = arith.index_cast %swap3A_267 : i32 to index
    %swap3A_269 = arith.constant 16 : index
    %swap3A_270 = tpu.vector_load %arg10[%swap3A_268, %swap3A_269] {strides = array<i32>} : memref<16x128xf32, #tpu.memory_space<vmem>>, vector<1x16xf32>,
    %swap3A_271 = vector.shape_cast %swap3A_270 : vector<1x16xf32> to vector<16xf32>
    %swap3A_272 = vector.shape_cast %broadcast_in_dim3A_266 : vector<16xf32> to vector<1x16xf32>
    tpu.vector_store %arg10[%swap3A_268, %swap3A_269], %swap3A_272 {strides = array<i32>} : memref<16x128xf32, #tpu.memory_space<vmem>>, vector<1x16xf32>,
    %broadcast_in_dim3A_273 = arith.constant 0.000000e+00 : f32
    %broadcast_in_dim3A_274 = vector.broadcast %broadcast_in_dim3A_273 : f32 to vector<16xf32>
    %swap3A_275 = arith.constant 4 : i32
    %swap3A_276 = arith.index_cast %swap3A_275 : i32 to index
    %swap3A_277 = arith.constant 32 : index
    %swap3A_278 = tpu.vector_load %arg10[%swap3A_276, %swap3A_277] {strides = array<i32>} : memref<16x128xf32, #tpu.memory_space<vmem>>, vector<1x16xf32>,
    %swap3A_279 = vector.shape_cast %swap3A_278 : vector<1x16xf32> to vector<16xf32>
    %swap3A_280 = vector.shape_cast %broadcast_in_dim3A_274 : vector<16xf32> to vector<1x16xf32>
    tpu.vector_store %arg10[%swap3A_276, %swap3A_277], %swap3A_280 {strides = array<i32>} : memref<16x128xf32, #tpu.memory_space<vmem>>, vector<1x16xf32>,
    %broadcast_in_dim3A_281 = arith.constant 0.000000e+00 : f32
    %broadcast_in_dim3A_282 = vector.broadcast %broadcast_in_dim3A_281 : f32 to vector<16xf32>
    %swap3A_283 = arith.constant 4 : i32
    %swap3A_284 = arith.index_cast %swap3A_283 : i32 to index
    %swap3A_285 = arith.constant 48 : index
    %swap3A_286 = tpu.vector_load %arg10[%swap3A_284, %swap3A_285] {strides = array<i32>} : memref<16x128xf32, #tpu.memory_space<vmem>>, vector<1x16xf32>,
    %swap3A_287 = vector.shape_cast %swap3A_286 : vector<1x16xf32> to vector<16xf32>
    %swap3A_288 = vector.shape_cast %broadcast_in_dim3A_282 : vector<16xf32> to vector<1x16xf32>
    tpu.vector_store %arg10[%swap3A_284, %swap3A_285], %swap3A_288 {strides = array<i32>} : memref<16x128xf32, #tpu.memory_space<vmem>>, vector<1x16xf32>,
    %broadcast_in_dim3A_289 = arith.constant 0.000000e+00 : f32
    %broadcast_in_dim3A_290 = vector.broadcast %broadcast_in_dim3A_289 : f32 to vector<16xf32>
    %swap3A_291 = arith.constant 4 : i32
    %swap3A_292 = arith.index_cast %swap3A_291 : i32 to index
    %swap3A_293 = arith.constant 64 : index
    %swap3A_294 = tpu.vector_load %arg10[%swap3A_292, %swap3A_293] {strides = array<i32>} : memref<16x128xf32, #tpu.memory_space<vmem>>, vector<1x16xf32>,
    %swap3A_295 = vector.shape_cast %swap3A_294 : vector<1x16xf32> to vector<16xf32>
    %swap3A_296 = vector.shape_cast %broadcast_in_dim3A_290 : vector<16xf32> to vector<1x16xf32>
    tpu.vector_store %arg10[%swap3A_292, %swap3A_293], %swap3A_296 {strides = array<i32>} : memref<16x128xf32, #tpu.memory_space<vmem>>, vector<1x16xf32>,
    %broadcast_in_dim3A_297 = arith.constant 0.000000e+00 : f32
    %broadcast_in_dim3A_298 = vector.broadcast %broadcast_in_dim3A_297 : f32 to vector<16xf32>
    %swap3A_299 = arith.constant 4 : i32
    %swap3A_300 = arith.index_cast %swap3A_299 : i32 to index
    %swap3A_301 = arith.constant 80 : index
    %swap3A_302 = tpu.vector_load %arg10[%swap3A_300, %swap3A_301] {strides = array<i32>} : memref<16x128xf32, #tpu.memory_space<vmem>>, vector<1x16xf32>,
    %swap3A_303 = vector.shape_cast %swap3A_302 : vector<1x16xf32> to vector<16xf32>
    %swap3A_304 = vector.shape_cast %broadcast_in_dim3A_298 : vector<16xf32> to vector<1x16xf32>
    tpu.vector_store %arg10[%swap3A_300, %swap3A_301], %swap3A_304 {strides = array<i32>} : memref<16x128xf32, #tpu.memory_space<vmem>>, vector<1x16xf32>,
    %broadcast_in_dim3A_305 = arith.constant 0.000000e+00 : f32
    %broadcast_in_dim3A_306 = vector.broadcast %broadcast_in_dim3A_305 : f32 to vector<16xf32>
    %swap3A_307 = arith.constant 4 : i32
    %swap3A_308 = arith.index_cast %swap3A_307 : i32 to index
    %swap3A_309 = arith.constant 96 : index
    %swap3A_310 = tpu.vector_load %arg10[%swap3A_308, %swap3A_309] {strides = array<i32>} : memref<16x128xf32, #tpu.memory_space<vmem>>, vector<1x16xf32>,
    %swap3A_311 = vector.shape_cast %swap3A_310 : vector<1x16xf32> to vector<16xf32>
    %swap3A_312 = vector.shape_cast %broadcast_in_dim3A_306 : vector<16xf32> to vector<1x16xf32>
    tpu.vector_store %arg10[%swap3A_308, %swap3A_309], %swap3A_312 {strides = array<i32>} : memref<16x128xf32, #tpu.memory_space<vmem>>, vector<1x16xf32>,
    %broadcast_in_dim3A_313 = arith.constant 0.000000e+00 : f32
    %broadcast_in_dim3A_314 = vector.broadcast %broadcast_in_dim3A_313 : f32 to vector<16xf32>
    %swap3A_315 = arith.constant 4 : i32
    %swap3A_316 = arith.index_cast %swap3A_315 : i32 to index
    %swap3A_317 = arith.constant 112 : index
    %swap3A_318 = tpu.vector_load %arg10[%swap3A_316, %swap3A_317] {strides = array<i32>} : memref<16x128xf32, #tpu.memory_space<vmem>>, vector<1x16xf32>,
    %swap3A_319 = vector.shape_cast %swap3A_318 : vector<1x16xf32> to vector<16xf32>
    %swap3A_320 = vector.shape_cast %broadcast_in_dim3A_314 : vector<16xf32> to vector<1x16xf32>
    tpu.vector_store %arg10[%swap3A_316, %swap3A_317], %swap3A_320 {strides = array<i32>} : memref<16x128xf32, #tpu.memory_space<vmem>>, vector<1x16xf32>,
    %broadcast_in_dim3A_321 = arith.constant 0.000000e+00 : f32
    %broadcast_in_dim3A_322 = vector.broadcast %broadcast_in_dim3A_321 : f32 to vector<16xf32>
    %swap3A_323 = arith.constant 5 : i32
    %swap3A_324 = arith.index_cast %swap3A_323 : i32 to index
    %swap3A_325 = arith.constant 0 : index
    %swap3A_326 = tpu.vector_load %arg10[%swap3A_324, %swap3A_325] {strides = array<i32>} : memref<16x128xf32, #tpu.memory_space<vmem>>, vector<1x16xf32>,
    %swap3A_327 = vector.shape_cast %swap3A_326 : vector<1x16xf32> to vector<16xf32>
    %swap3A_328 = vector.shape_cast %broadcast_in_dim3A_322 : vector<16xf32> to vector<1x16xf32>
    tpu.vector_store %arg10[%swap3A_324, %swap3A_325], %swap3A_328 {strides = array<i32>} : memref<16x128xf32, #tpu.memory_space<vmem>>, vector<1x16xf32>,
    %broadcast_in_dim3A_329 = arith.constant 0.000000e+00 : f32
    %broadcast_in_dim3A_330 = vector.broadcast %broadcast_in_dim3A_329 : f32 to vector<16xf32>
    %swap3A_331 = arith.constant 5 : i32
    %swap3A_332 = arith.index_cast %swap3A_331 : i32 to index
    %swap3A_333 = arith.constant 16 : index
    %swap3A_334 = tpu.vector_load %arg10[%swap3A_332, %swap3A_333] {strides = array<i32>} : memref<16x128xf32, #tpu.memory_space<vmem>>, vector<1x16xf32>,
    %swap3A_335 = vector.shape_cast %swap3A_334 : vector<1x16xf32> to vector<16xf32>
    %swap3A_336 = vector.shape_cast %broadcast_in_dim3A_330 : vector<16xf32> to vector<1x16xf32>
    tpu.vector_store %arg10[%swap3A_332, %swap3A_333], %swap3A_336 {strides = array<i32>} : memref<16x128xf32, #tpu.memory_space<vmem>>, vector<1x16xf32>,
    %broadcast_in_dim3A_337 = arith.constant 0.000000e+00 : f32
    %broadcast_in_dim3A_338 = vector.broadcast %broadcast_in_dim3A_337 : f32 to vector<16xf32>
    %swap3A_339 = arith.constant 5 : i32
    %swap3A_340 = arith.index_cast %swap3A_339 : i32 to index
    %swap3A_341 = arith.constant 32 : index
    %swap3A_342 = tpu.vector_load %arg10[%swap3A_340, %swap3A_341] {strides = array<i32>} : memref<16x128xf32, #tpu.memory_space<vmem>>, vector<1x16xf32>,
    %swap3A_343 = vector.shape_cast %swap3A_342 : vector<1x16xf32> to vector<16xf32>
    %swap3A_344 = vector.shape_cast %broadcast_in_dim3A_338 : vector<16xf32> to vector<1x16xf32>
    tpu.vector_store %arg10[%swap3A_340, %swap3A_341], %swap3A_344 {strides = array<i32>} : memref<16x128xf32, #tpu.memory_space<vmem>>, vector<1x16xf32>,
    %broadcast_in_dim3A_345 = arith.constant 0.000000e+00 : f32
    %broadcast_in_dim3A_346 = vector.broadcast %broadcast_in_dim3A_345 : f32 to vector<16xf32>
    %swap3A_347 = arith.constant 5 : i32
    %swap3A_348 = arith.index_cast %swap3A_347 : i32 to index
    %swap3A_349 = arith.constant 48 : index
    %swap3A_350 = tpu.vector_load %arg10[%swap3A_348, %swap3A_349] {strides = array<i32>} : memref<16x128xf32, #tpu.memory_space<vmem>>, vector<1x16xf32>,
    %swap3A_351 = vector.shape_cast %swap3A_350 : vector<1x16xf32> to vector<16xf32>
    %swap3A_352 = vector.shape_cast %broadcast_in_dim3A_346 : vector<16xf32> to vector<1x16xf32>
    tpu.vector_store %arg10[%swap3A_348, %swap3A_349], %swap3A_352 {strides = array<i32>} : memref<16x128xf32, #tpu.memory_space<vmem>>, vector<1x16xf32>,
    %broadcast_in_dim3A_353 = arith.constant 0.000000e+00 : f32
    %broadcast_in_dim3A_354 = vector.broadcast %broadcast_in_dim3A_353 : f32 to vector<16xf32>
    %swap3A_355 = arith.constant 5 : i32
    %swap3A_356 = arith.index_cast %swap3A_355 : i32 to index
    %swap3A_357 = arith.constant 64 : index
    %swap3A_358 = tpu.vector_load %arg10[%swap3A_356, %swap3A_357] {strides = array<i32>} : memref<16x128xf32, #tpu.memory_space<vmem>>, vector<1x16xf32>,
    %swap3A_359 = vector.shape_cast %swap3A_358 : vector<1x16xf32> to vector<16xf32>
    %swap3A_360 = vector.shape_cast %broadcast_in_dim3A_354 : vector<16xf32> to vector<1x16xf32>
    tpu.vector_store %arg10[%swap3A_356, %swap3A_357], %swap3A_360 {strides = array<i32>} : memref<16x128xf32, #tpu.memory_space<vmem>>, vector<1x16xf32>,
    %broadcast_in_dim3A_361 = arith.constant 0.000000e+00 : f32
    %broadcast_in_dim3A_362 = vector.broadcast %broadcast_in_dim3A_361 : f32 to vector<16xf32>
    %swap3A_363 = arith.constant 5 : i32
    %swap3A_364 = arith.index_cast %swap3A_363 : i32 to index
    %swap3A_365 = arith.constant 80 : index
    %swap3A_366 = tpu.vector_load %arg10[%swap3A_364, %swap3A_365] {strides = array<i32>} : memref<16x128xf32, #tpu.memory_space<vmem>>, vector<1x16xf32>,
    %swap3A_367 = vector.shape_cast %swap3A_366 : vector<1x16xf32> to vector<16xf32>
    %swap3A_368 = vector.shape_cast %broadcast_in_dim3A_362 : vector<16xf32> to vector<1x16xf32>
    tpu.vector_store %arg10[%swap3A_364, %swap3A_365], %swap3A_368 {strides = array<i32>} : memref<16x128xf32, #tpu.memory_space<vmem>>, vector<1x16xf32>,
    %broadcast_in_dim3A_369 = arith.constant 0.000000e+00 : f32
    %broadcast_in_dim3A_370 = vector.broadcast %broadcast_in_dim3A_369 : f32 to vector<16xf32>
    %swap3A_371 = arith.constant 5 : i32
    %swap3A_372 = arith.index_cast %swap3A_371 : i32 to index
    %swap3A_373 = arith.constant 96 : index
    %swap3A_374 = tpu.vector_load %arg10[%swap3A_372, %swap3A_373] {strides = array<i32>} : memref<16x128xf32, #tpu.memory_space<vmem>>, vector<1x16xf32>,
    %swap3A_375 = vector.shape_cast %swap3A_374 : vector<1x16xf32> to vector<16xf32>
    %swap3A_376 = vector.shape_cast %broadcast_in_dim3A_370 : vector<16xf32> to vector<1x16xf32>
    tpu.vector_store %arg10[%swap3A_372, %swap3A_373], %swap3A_376 {strides = array<i32>} : memref<16x128xf32, #tpu.memory_space<vmem>>, vector<1x16xf32>,
    %broadcast_in_dim3A_377 = arith.constant 0.000000e+00 : f32
    %broadcast_in_dim3A_378 = vector.broadcast %broadcast_in_dim3A_377 : f32 to vector<16xf32>
    %swap3A_379 = arith.constant 5 : i32
    %swap3A_380 = arith.index_cast %swap3A_379 : i32 to index
    %swap3A_381 = arith.constant 112 : index
    %swap3A_382 = tpu.vector_load %arg10[%swap3A_380, %swap3A_381] {strides = array<i32>} : memref<16x128xf32, #tpu.memory_space<vmem>>, vector<1x16xf32>,
    %swap3A_383 = vector.shape_cast %swap3A_382 : vector<1x16xf32> to vector<16xf32>
    %swap3A_384 = vector.shape_cast %broadcast_in_dim3A_378 : vector<16xf32> to vector<1x16xf32>
    tpu.vector_store %arg10[%swap3A_380, %swap3A_381], %swap3A_384 {strides = array<i32>} : memref<16x128xf32, #tpu.memory_space<vmem>>, vector<1x16xf32>,
    %broadcast_in_dim3A_385 = arith.constant 0.000000e+00 : f32
    %broadcast_in_dim3A_386 = vector.broadcast %broadcast_in_dim3A_385 : f32 to vector<16xf32>
    %swap3A_387 = arith.constant 6 : i32
    %swap3A_388 = arith.index_cast %swap3A_387 : i32 to index
    %swap3A_389 = arith.constant 0 : index
    %swap3A_390 = tpu.vector_load %arg10[%swap3A_388, %swap3A_389] {strides = array<i32>} : memref<16x128xf32, #tpu.memory_space<vmem>>, vector<1x16xf32>,
    %swap3A_391 = vector.shape_cast %swap3A_390 : vector<1x16xf32> to vector<16xf32>
    %swap3A_392 = vector.shape_cast %broadcast_in_dim3A_386 : vector<16xf32> to vector<1x16xf32>
    tpu.vector_store %arg10[%swap3A_388, %swap3A_389], %swap3A_392 {strides = array<i32>} : memref<16x128xf32, #tpu.memory_space<vmem>>, vector<1x16xf32>,
    %broadcast_in_dim3A_393 = arith.constant 0.000000e+00 : f32
    %broadcast_in_dim3A_394 = vector.broadcast %broadcast_in_dim3A_393 : f32 to vector<16xf32>
    %swap3A_395 = arith.constant 6 : i32
    %swap3A_396 = arith.index_cast %swap3A_395 : i32 to index
    %swap3A_397 = arith.constant 16 : index
    %swap3A_398 = tpu.vector_load %arg10[%swap3A_396, %swap3A_397] {strides = array<i32>} : memref<16x128xf32, #tpu.memory_space<vmem>>, vector<1x16xf32>,
    %swap3A_399 = vector.shape_cast %swap3A_398 : vector<1x16xf32> to vector<16xf32>
    %swap3A_400 = vector.shape_cast %broadcast_in_dim3A_394 : vector<16xf32> to vector<1x16xf32>
    tpu.vector_store %arg10[%swap3A_396, %swap3A_397], %swap3A_400 {strides = array<i32>} : memref<16x128xf32, #tpu.memory_space<vmem>>, vector<1x16xf32>,
    %broadcast_in_dim3A_401 = arith.constant 0.000000e+00 : f32
    %broadcast_in_dim3A_402 = vector.broadcast %broadcast_in_dim3A_401 : f32 to vector<16xf32>
    %swap3A_403 = arith.constant 6 : i32
    %swap3A_404 = arith.index_cast %swap3A_403 : i32 to index
    %swap3A_405 = arith.constant 32 : index
    %swap3A_406 = tpu.vector_load %arg10[%swap3A_404, %swap3A_405] {strides = array<i32>} : memref<16x128xf32, #tpu.memory_space<vmem>>, vector<1x16xf32>,
    %swap3A_407 = vector.shape_cast %swap3A_406 : vector<1x16xf32> to vector<16xf32>
    %swap3A_408 = vector.shape_cast %broadcast_in_dim3A_402 : vector<16xf32> to vector<1x16xf32>
    tpu.vector_store %arg10[%swap3A_404, %swap3A_405], %swap3A_408 {strides = array<i32>} : memref<16x128xf32, #tpu.memory_space<vmem>>, vector<1x16xf32>,
    %broadcast_in_dim3A_409 = arith.constant 0.000000e+00 : f32
    %broadcast_in_dim3A_410 = vector.broadcast %broadcast_in_dim3A_409 : f32 to vector<16xf32>
    %swap3A_411 = arith.constant 6 : i32
    %swap3A_412 = arith.index_cast %swap3A_411 : i32 to index
    %swap3A_413 = arith.constant 48 : index
    %swap3A_414 = tpu.vector_load %arg10[%swap3A_412, %swap3A_413] {strides = array<i32>} : memref<16x128xf32, #tpu.memory_space<vmem>>, vector<1x16xf32>,
    %swap3A_415 = vector.shape_cast %swap3A_414 : vector<1x16xf32> to vector<16xf32>
    %swap3A_416 = vector.shape_cast %broadcast_in_dim3A_410 : vector<16xf32> to vector<1x16xf32>
    tpu.vector_store %arg10[%swap3A_412, %swap3A_413], %swap3A_416 {strides = array<i32>} : memref<16x128xf32, #tpu.memory_space<vmem>>, vector<1x16xf32>,
    %broadcast_in_dim3A_417 = arith.constant 0.000000e+00 : f32
    %broadcast_in_dim3A_418 = vector.broadcast %broadcast_in_dim3A_417 : f32 to vector<16xf32>
    %swap3A_419 = arith.constant 6 : i32
    %swap3A_420 = arith.index_cast %swap3A_419 : i32 to index
    %swap3A_421 = arith.constant 64 : index
    %swap3A_422 = tpu.vector_load %arg10[%swap3A_420, %swap3A_421] {strides = array<i32>} : memref<16x128xf32, #tpu.memory_space<vmem>>, vector<1x16xf32>,
    %swap3A_423 = vector.shape_cast %swap3A_422 : vector<1x16xf32> to vector<16xf32>
    %swap3A_424 = vector.shape_cast %broadcast_in_dim3A_418 : vector<16xf32> to vector<1x16xf32>
    tpu.vector_store %arg10[%swap3A_420, %swap3A_421], %swap3A_424 {strides = array<i32>} : memref<16x128xf32, #tpu.memory_space<vmem>>, vector<1x16xf32>,
    %broadcast_in_dim3A_425 = arith.constant 0.000000e+00 : f32
    %broadcast_in_dim3A_426 = vector.broadcast %broadcast_in_dim3A_425 : f32 to vector<16xf32>
    %swap3A_427 = arith.constant 6 : i32
    %swap3A_428 = arith.index_cast %swap3A_427 : i32 to index
    %swap3A_429 = arith.constant 80 : index
    %swap3A_430 = tpu.vector_load %arg10[%swap3A_428, %swap3A_429] {strides = array<i32>} : memref<16x128xf32, #tpu.memory_space<vmem>>, vector<1x16xf32>,
    %swap3A_431 = vector.shape_cast %swap3A_430 : vector<1x16xf32> to vector<16xf32>
    %swap3A_432 = vector.shape_cast %broadcast_in_dim3A_426 : vector<16xf32> to vector<1x16xf32>
    tpu.vector_store %arg10[%swap3A_428, %swap3A_429], %swap3A_432 {strides = array<i32>} : memref<16x128xf32, #tpu.memory_space<vmem>>, vector<1x16xf32>,
    %broadcast_in_dim3A_433 = arith.constant 0.000000e+00 : f32
    %broadcast_in_dim3A_434 = vector.broadcast %broadcast_in_dim3A_433 : f32 to vector<16xf32>
    %swap3A_435 = arith.constant 6 : i32
    %swap3A_436 = arith.index_cast %swap3A_435 : i32 to index
    %swap3A_437 = arith.constant 96 : index
    %swap3A_438 = tpu.vector_load %arg10[%swap3A_436, %swap3A_437] {strides = array<i32>} : memref<16x128xf32, #tpu.memory_space<vmem>>, vector<1x16xf32>,
    %swap3A_439 = vector.shape_cast %swap3A_438 : vector<1x16xf32> to vector<16xf32>
    %swap3A_440 = vector.shape_cast %broadcast_in_dim3A_434 : vector<16xf32> to vector<1x16xf32>
    tpu.vector_store %arg10[%swap3A_436, %swap3A_437], %swap3A_440 {strides = array<i32>} : memref<16x128xf32, #tpu.memory_space<vmem>>, vector<1x16xf32>,
    %broadcast_in_dim3A_441 = arith.constant 0.000000e+00 : f32
    %broadcast_in_dim3A_442 = vector.broadcast %broadcast_in_dim3A_441 : f32 to vector<16xf32>
    %swap3A_443 = arith.constant 6 : i32
    %swap3A_444 = arith.index_cast %swap3A_443 : i32 to index
    %swap3A_445 = arith.constant 112 : index
    %swap3A_446 = tpu.vector_load %arg10[%swap3A_444, %swap3A_445] {strides = array<i32>} : memref<16x128xf32, #tpu.memory_space<vmem>>, vector<1x16xf32>,
    %swap3A_447 = vector.shape_cast %swap3A_446 : vector<1x16xf32> to vector<16xf32>
    %swap3A_448 = vector.shape_cast %broadcast_in_dim3A_442 : vector<16xf32> to vector<1x16xf32>
    tpu.vector_store %arg10[%swap3A_444, %swap3A_445], %swap3A_448 {strides = array<i32>} : memref<16x128xf32, #tpu.memory_space<vmem>>, vector<1x16xf32>,
    %broadcast_in_dim3A_449 = arith.constant 0.000000e+00 : f32
    %broadcast_in_dim3A_450 = vector.broadcast %broadcast_in_dim3A_449 : f32 to vector<16xf32>
    %swap3A_451 = arith.constant 7 : i32
    %swap3A_452 = arith.index_cast %swap3A_451 : i32 to index
    %swap3A_453 = arith.constant 0 : index
    %swap3A_454 = tpu.vector_load %arg10[%swap3A_452, %swap3A_453] {strides = array<i32>} : memref<16x128xf32, #tpu.memory_space<vmem>>, vector<1x16xf32>,
    %swap3A_455 = vector.shape_cast %swap3A_454 : vector<1x16xf32> to vector<16xf32>
    %swap3A_456 = vector.shape_cast %broadcast_in_dim3A_450 : vector<16xf32> to vector<1x16xf32>
    tpu.vector_store %arg10[%swap3A_452, %swap3A_453], %swap3A_456 {strides = array<i32>} : memref<16x128xf32, #tpu.memory_space<vmem>>, vector<1x16xf32>,
    %broadcast_in_dim3A_457 = arith.constant 0.000000e+00 : f32
    %broadcast_in_dim3A_458 = vector.broadcast %broadcast_in_dim3A_457 : f32 to vector<16xf32>
    %swap3A_459 = arith.constant 7 : i32
    %swap3A_460 = arith.index_cast %swap3A_459 : i32 to index
    %swap3A_461 = arith.constant 16 : index
    %swap3A_462 = tpu.vector_load %arg10[%swap3A_460, %swap3A_461] {strides = array<i32>} : memref<16x128xf32, #tpu.memory_space<vmem>>, vector<1x16xf32>,
    %swap3A_463 = vector.shape_cast %swap3A_462 : vector<1x16xf32> to vector<16xf32>
    %swap3A_464 = vector.shape_cast %broadcast_in_dim3A_458 : vector<16xf32> to vector<1x16xf32>
    tpu.vector_store %arg10[%swap3A_460, %swap3A_461], %swap3A_464 {strides = array<i32>} : memref<16x128xf32, #tpu.memory_space<vmem>>, vector<1x16xf32>,
    %broadcast_in_dim3A_465 = arith.constant 0.000000e+00 : f32
    %broadcast_in_dim3A_466 = vector.broadcast %broadcast_in_dim3A_465 : f32 to vector<16xf32>
    %swap3A_467 = arith.constant 7 : i32
    %swap3A_468 = arith.index_cast %swap3A_467 : i32 to index
    %swap3A_469 = arith.constant 32 : index
    %swap3A_470 = tpu.vector_load %arg10[%swap3A_468, %swap3A_469] {strides = array<i32>} : memref<16x128xf32, #tpu.memory_space<vmem>>, vector<1x16xf32>,
    %swap3A_471 = vector.shape_cast %swap3A_470 : vector<1x16xf32> to vector<16xf32>
    %swap3A_472 = vector.shape_cast %broadcast_in_dim3A_466 : vector<16xf32> to vector<1x16xf32>
    tpu.vector_store %arg10[%swap3A_468, %swap3A_469], %swap3A_472 {strides = array<i32>} : memref<16x128xf32, #tpu.memory_space<vmem>>, vector<1x16xf32>,
    %broadcast_in_dim3A_473 = arith.constant 0.000000e+00 : f32
    %broadcast_in_dim3A_474 = vector.broadcast %broadcast_in_dim3A_473 : f32 to vector<16xf32>
    %swap3A_475 = arith.constant 7 : i32
    %swap3A_476 = arith.index_cast %swap3A_475 : i32 to index
    %swap3A_477 = arith.constant 48 : index
    %swap3A_478 = tpu.vector_load %arg10[%swap3A_476, %swap3A_477] {strides = array<i32>} : memref<16x128xf32, #tpu.memory_space<vmem>>, vector<1x16xf32>,
    %swap3A_479 = vector.shape_cast %swap3A_478 : vector<1x16xf32> to vector<16xf32>
    %swap3A_480 = vector.shape_cast %broadcast_in_dim3A_474 : vector<16xf32> to vector<1x16xf32>
    tpu.vector_store %arg10[%swap3A_476, %swap3A_477], %swap3A_480 {strides = array<i32>} : memref<16x128xf32, #tpu.memory_space<vmem>>, vector<1x16xf32>,
    %broadcast_in_dim3A_481 = arith.constant 0.000000e+00 : f32
    %broadcast_in_dim3A_482 = vector.broadcast %broadcast_in_dim3A_481 : f32 to vector<16xf32>
    %swap3A_483 = arith.constant 7 : i32
    %swap3A_484 = arith.index_cast %swap3A_483 : i32 to index
    %swap3A_485 = arith.constant 64 : index
    %swap3A_486 = tpu.vector_load %arg10[%swap3A_484, %swap3A_485] {strides = array<i32>} : memref<16x128xf32, #tpu.memory_space<vmem>>, vector<1x16xf32>,
    %swap3A_487 = vector.shape_cast %swap3A_486 : vector<1x16xf32> to vector<16xf32>
    %swap3A_488 = vector.shape_cast %broadcast_in_dim3A_482 : vector<16xf32> to vector<1x16xf32>
    tpu.vector_store %arg10[%swap3A_484, %swap3A_485], %swap3A_488 {strides = array<i32>} : memref<16x128xf32, #tpu.memory_space<vmem>>, vector<1x16xf32>,
    %broadcast_in_dim3A_489 = arith.constant 0.000000e+00 : f32
    %broadcast_in_dim3A_490 = vector.broadcast %broadcast_in_dim3A_489 : f32 to vector<16xf32>
    %swap3A_491 = arith.constant 7 : i32
    %swap3A_492 = arith.index_cast %swap3A_491 : i32 to index
    %swap3A_493 = arith.constant 80 : index
    %swap3A_494 = tpu.vector_load %arg10[%swap3A_492, %swap3A_493] {strides = array<i32>} : memref<16x128xf32, #tpu.memory_space<vmem>>, vector<1x16xf32>,
    %swap3A_495 = vector.shape_cast %swap3A_494 : vector<1x16xf32> to vector<16xf32>
    %swap3A_496 = vector.shape_cast %broadcast_in_dim3A_490 : vector<16xf32> to vector<1x16xf32>
    tpu.vector_store %arg10[%swap3A_492, %swap3A_493], %swap3A_496 {strides = array<i32>} : memref<16x128xf32, #tpu.memory_space<vmem>>, vector<1x16xf32>,
    %broadcast_in_dim3A_497 = arith.constant 0.000000e+00 : f32
    %broadcast_in_dim3A_498 = vector.broadcast %broadcast_in_dim3A_497 : f32 to vector<16xf32>
    %swap3A_499 = arith.constant 7 : i32
    %swap3A_500 = arith.index_cast %swap3A_499 : i32 to index
    %swap3A_501 = arith.constant 96 : index
    %swap3A_502 = tpu.vector_load %arg10[%swap3A_500, %swap3A_501] {strides = array<i32>} : memref<16x128xf32, #tpu.memory_space<vmem>>, vector<1x16xf32>,
    %swap3A_503 = vector.shape_cast %swap3A_502 : vector<1x16xf32> to vector<16xf32>
    %swap3A_504 = vector.shape_cast %broadcast_in_dim3A_498 : vector<16xf32> to vector<1x16xf32>
    tpu.vector_store %arg10[%swap3A_500, %swap3A_501], %swap3A_504 {strides = array<i32>} : memref<16x128xf32, #tpu.memory_space<vmem>>, vector<1x16xf32>,
    %broadcast_in_dim3A_505 = arith.constant 0.000000e+00 : f32
    %broadcast_in_dim3A_506 = vector.broadcast %broadcast_in_dim3A_505 : f32 to vector<16xf32>
    %swap3A_507 = arith.constant 7 : i32
    %swap3A_508 = arith.index_cast %swap3A_507 : i32 to index
    %swap3A_509 = arith.constant 112 : index
    %swap3A_510 = tpu.vector_load %arg10[%swap3A_508, %swap3A_509] {strides = array<i32>} : memref<16x128xf32, #tpu.memory_space<vmem>>, vector<1x16xf32>,
    %swap3A_511 = vector.shape_cast %swap3A_510 : vector<1x16xf32> to vector<16xf32>
    %swap3A_512 = vector.shape_cast %broadcast_in_dim3A_506 : vector<16xf32> to vector<1x16xf32>
    tpu.vector_store %arg10[%swap3A_508, %swap3A_509], %swap3A_512 {strides = array<i32>} : memref<16x128xf32, #tpu.memory_space<vmem>>, vector<1x16xf32>,
    %broadcast_in_dim3A_513 = arith.constant 0.000000e+00 : f32
    %broadcast_in_dim3A_514 = vector.broadcast %broadcast_in_dim3A_513 : f32 to vector<16xf32>
    %swap3A_515 = arith.constant 8 : i32
    %swap3A_516 = arith.index_cast %swap3A_515 : i32 to index
    %swap3A_517 = arith.constant 0 : index
    %swap3A_518 = tpu.vector_load %arg10[%swap3A_516, %swap3A_517] {strides = array<i32>} : memref<16x128xf32, #tpu.memory_space<vmem>>, vector<1x16xf32>,
    %swap3A_519 = vector.shape_cast %swap3A_518 : vector<1x16xf32> to vector<16xf32>
    %swap3A_520 = vector.shape_cast %broadcast_in_dim3A_514 : vector<16xf32> to vector<1x16xf32>
    tpu.vector_store %arg10[%swap3A_516, %swap3A_517], %swap3A_520 {strides = array<i32>} : memref<16x128xf32, #tpu.memory_space<vmem>>, vector<1x16xf32>,
    %broadcast_in_dim3A_521 = arith.constant 0.000000e+00 : f32
    %broadcast_in_dim3A_522 = vector.broadcast %broadcast_in_dim3A_521 : f32 to vector<16xf32>
    %swap3A_523 = arith.constant 8 : i32
    %swap3A_524 = arith.index_cast %swap3A_523 : i32 to index
    %swap3A_525 = arith.constant 16 : index
    %swap3A_526 = tpu.vector_load %arg10[%swap3A_524, %swap3A_525] {strides = array<i32>} : memref<16x128xf32, #tpu.memory_space<vmem>>, vector<1x16xf32>,
    %swap3A_527 = vector.shape_cast %swap3A_526 : vector<1x16xf32> to vector<16xf32>
    %swap3A_528 = vector.shape_cast %broadcast_in_dim3A_522 : vector<16xf32> to vector<1x16xf32>
    tpu.vector_store %arg10[%swap3A_524, %swap3A_525], %swap3A_528 {strides = array<i32>} : memref<16x128xf32, #tpu.memory_space<vmem>>, vector<1x16xf32>,
    %broadcast_in_dim3A_529 = arith.constant 0.000000e+00 : f32
    %broadcast_in_dim3A_530 = vector.broadcast %broadcast_in_dim3A_529 : f32 to vector<16xf32>
    %swap3A_531 = arith.constant 8 : i32
    %swap3A_532 = arith.index_cast %swap3A_531 : i32 to index
    %swap3A_533 = arith.constant 32 : index
    %swap3A_534 = tpu.vector_load %arg10[%swap3A_532, %swap3A_533] {strides = array<i32>} : memref<16x128xf32, #tpu.memory_space<vmem>>, vector<1x16xf32>,
    %swap3A_535 = vector.shape_cast %swap3A_534 : vector<1x16xf32> to vector<16xf32>
    %swap3A_536 = vector.shape_cast %broadcast_in_dim3A_530 : vector<16xf32> to vector<1x16xf32>
    tpu.vector_store %arg10[%swap3A_532, %swap3A_533], %swap3A_536 {strides = array<i32>} : memref<16x128xf32, #tpu.memory_space<vmem>>, vector<1x16xf32>,
    %broadcast_in_dim3A_537 = arith.constant 0.000000e+00 : f32
    %broadcast_in_dim3A_538 = vector.broadcast %broadcast_in_dim3A_537 : f32 to vector<16xf32>
    %swap3A_539 = arith.constant 8 : i32
    %swap3A_540 = arith.index_cast %swap3A_539 : i32 to index
    %swap3A_541 = arith.constant 48 : index
    %swap3A_542 = tpu.vector_load %arg10[%swap3A_540, %swap3A_541] {strides = array<i32>} : memref<16x128xf32, #tpu.memory_space<vmem>>, vector<1x16xf32>,
    %swap3A_543 = vector.shape_cast %swap3A_542 : vector<1x16xf32> to vector<16xf32>
    %swap3A_544 = vector.shape_cast %broadcast_in_dim3A_538 : vector<16xf32> to vector<1x16xf32>
    tpu.vector_store %arg10[%swap3A_540, %swap3A_541], %swap3A_544 {strides = array<i32>} : memref<16x128xf32, #tpu.memory_space<vmem>>, vector<1x16xf32>,
    %broadcast_in_dim3A_545 = arith.constant 0.000000e+00 : f32
    %broadcast_in_dim3A_546 = vector.broadcast %broadcast_in_dim3A_545 : f32 to vector<16xf32>
    %swap3A_547 = arith.constant 8 : i32
    %swap3A_548 = arith.index_cast %swap3A_547 : i32 to index
    %swap3A_549 = arith.constant 64 : index
    %swap3A_550 = tpu.vector_load %arg10[%swap3A_548, %swap3A_549] {strides = array<i32>} : memref<16x128xf32, #tpu.memory_space<vmem>>, vector<1x16xf32>,
    %swap3A_551 = vector.shape_cast %swap3A_550 : vector<1x16xf32> to vector<16xf32>
    %swap3A_552 = vector.shape_cast %broadcast_in_dim3A_546 : vector<16xf32> to vector<1x16xf32>
    tpu.vector_store %arg10[%swap3A_548, %swap3A_549], %swap3A_552 {strides = array<i32>} : memref<16x128xf32, #tpu.memory_space<vmem>>, vector<1x16xf32>,
    %broadcast_in_dim3A_553 = arith.constant 0.000000e+00 : f32
    %broadcast_in_dim3A_554 = vector.broadcast %broadcast_in_dim3A_553 : f32 to vector<16xf32>
    %swap3A_555 = arith.constant 8 : i32
    %swap3A_556 = arith.index_cast %swap3A_555 : i32 to index
    %swap3A_557 = arith.constant 80 : index
    %swap3A_558 = tpu.vector_load %arg10[%swap3A_556, %swap3A_557] {strides = array<i32>} : memref<16x128xf32, #tpu.memory_space<vmem>>, vector<1x16xf32>,
    %swap3A_559 = vector.shape_cast %swap3A_558 : vector<1x16xf32> to vector<16xf32>
    %swap3A_560 = vector.shape_cast %broadcast_in_dim3A_554 : vector<16xf32> to vector<1x16xf32>
    tpu.vector_store %arg10[%swap3A_556, %swap3A_557], %swap3A_560 {strides = array<i32>} : memref<16x128xf32, #tpu.memory_space<vmem>>, vector<1x16xf32>,
    %broadcast_in_dim3A_561 = arith.constant 0.000000e+00 : f32
    %broadcast_in_dim3A_562 = vector.broadcast %broadcast_in_dim3A_561 : f32 to vector<16xf32>
    %swap3A_563 = arith.constant 8 : i32
    %swap3A_564 = arith.index_cast %swap3A_563 : i32 to index
    %swap3A_565 = arith.constant 96 : index
    %swap3A_566 = tpu.vector_load %arg10[%swap3A_564, %swap3A_565] {strides = array<i32>} : memref<16x128xf32, #tpu.memory_space<vmem>>, vector<1x16xf32>,
    %swap3A_567 = vector.shape_cast %swap3A_566 : vector<1x16xf32> to vector<16xf32>
    %swap3A_568 = vector.shape_cast %broadcast_in_dim3A_562 : vector<16xf32> to vector<1x16xf32>
    tpu.vector_store %arg10[%swap3A_564, %swap3A_565], %swap3A_568 {strides = array<i32>} : memref<16x128xf32, #tpu.memory_space<vmem>>, vector<1x16xf32>,
    %broadcast_in_dim3A_569 = arith.constant 0.000000e+00 : f32
    %broadcast_in_dim3A_570 = vector.broadcast %broadcast_in_dim3A_569 : f32 to vector<16xf32>
    %swap3A_571 = arith.constant 8 : i32
    %swap3A_572 = arith.index_cast %swap3A_571 : i32 to index
    %swap3A_573 = arith.constant 112 : index
    %swap3A_574 = tpu.vector_load %arg10[%swap3A_572, %swap3A_573] {strides = array<i32>} : memref<16x128xf32, #tpu.memory_space<vmem>>, vector<1x16xf32>,
    %swap3A_575 = vector.shape_cast %swap3A_574 : vector<1x16xf32> to vector<16xf32>
    %swap3A_576 = vector.shape_cast %broadcast_in_dim3A_570 : vector<16xf32> to vector<1x16xf32>
    tpu.vector_store %arg10[%swap3A_572, %swap3A_573], %swap3A_576 {strides = array<i32>} : memref<16x128xf32, #tpu.memory_space<vmem>>, vector<1x16xf32>,
    %broadcast_in_dim3A_577 = arith.constant 0.000000e+00 : f32
    %broadcast_in_dim3A_578 = vector.broadcast %broadcast_in_dim3A_577 : f32 to vector<16xf32>
    %swap3A_579 = arith.constant 9 : i32
    %swap3A_580 = arith.index_cast %swap3A_579 : i32 to index
    %swap3A_581 = arith.constant 0 : index
    %swap3A_582 = tpu.vector_load %arg10[%swap3A_580, %swap3A_581] {strides = array<i32>} : memref<16x128xf32, #tpu.memory_space<vmem>>, vector<1x16xf32>,
    %swap3A_583 = vector.shape_cast %swap3A_582 : vector<1x16xf32> to vector<16xf32>
    %swap3A_584 = vector.shape_cast %broadcast_in_dim3A_578 : vector<16xf32> to vector<1x16xf32>
    tpu.vector_store %arg10[%swap3A_580, %swap3A_581], %swap3A_584 {strides = array<i32>} : memref<16x128xf32, #tpu.memory_space<vmem>>, vector<1x16xf32>,
    %broadcast_in_dim3A_585 = arith.constant 0.000000e+00 : f32
    %broadcast_in_dim3A_586 = vector.broadcast %broadcast_in_dim3A_585 : f32 to vector<16xf32>
    %swap3A_587 = arith.constant 9 : i32
    %swap3A_588 = arith.index_cast %swap3A_587 : i32 to index
    %swap3A_589 = arith.constant 16 : index
    %swap3A_590 = tpu.vector_load %arg10[%swap3A_588, %swap3A_589] {strides = array<i32>} : memref<16x128xf32, #tpu.memory_space<vmem>>, vector<1x16xf32>,
    %swap3A_591 = vector.shape_cast %swap3A_590 : vector<1x16xf32> to vector<16xf32>
    %swap3A_592 = vector.shape_cast %broadcast_in_dim3A_586 : vector<16xf32> to vector<1x16xf32>
    tpu.vector_store %arg10[%swap3A_588, %swap3A_589], %swap3A_592 {strides = array<i32>} : memref<16x128xf32, #tpu.memory_space<vmem>>, vector<1x16xf32>,
    %broadcast_in_dim3A_593 = arith.constant 0.000000e+00 : f32
    %broadcast_in_dim3A_594 = vector.broadcast %broadcast_in_dim3A_593 : f32 to vector<16xf32>
    %swap3A_595 = arith.constant 9 : i32
    %swap3A_596 = arith.index_cast %swap3A_595 : i32 to index
    %swap3A_597 = arith.constant 32 : index
    %swap3A_598 = tpu.vector_load %arg10[%swap3A_596, %swap3A_597] {strides = array<i32>} : memref<16x128xf32, #tpu.memory_space<vmem>>, vector<1x16xf32>,
    %swap3A_599 = vector.shape_cast %swap3A_598 : vector<1x16xf32> to vector<16xf32>
    %swap3A_600 = vector.shape_cast %broadcast_in_dim3A_594 : vector<16xf32> to vector<1x16xf32>
    tpu.vector_store %arg10[%swap3A_596, %swap3A_597], %swap3A_600 {strides = array<i32>} : memref<16x128xf32, #tpu.memory_space<vmem>>, vector<1x16xf32>,
    %broadcast_in_dim3A_601 = arith.constant 0.000000e+00 : f32
    %broadcast_in_dim3A_602 = vector.broadcast %broadcast_in_dim3A_601 : f32 to vector<16xf32>
    %swap3A_603 = arith.constant 9 : i32
    %swap3A_604 = arith.index_cast %swap3A_603 : i32 to index
    %swap3A_605 = arith.constant 48 : index
    %swap3A_606 = tpu.vector_load %arg10[%swap3A_604, %swap3A_605] {strides = array<i32>} : memref<16x128xf32, #tpu.memory_space<vmem>>, vector<1x16xf32>,
    %swap3A_607 = vector.shape_cast %swap3A_606 : vector<1x16xf32> to vector<16xf32>
    %swap3A_608 = vector.shape_cast %broadcast_in_dim3A_602 : vector<16xf32> to vector<1x16xf32>
    tpu.vector_store %arg10[%swap3A_604, %swap3A_605], %swap3A_608 {strides = array<i32>} : memref<16x128xf32, #tpu.memory_space<vmem>>, vector<1x16xf32>,
    %broadcast_in_dim3A_609 = arith.constant 0.000000e+00 : f32
    %broadcast_in_dim3A_610 = vector.broadcast %broadcast_in_dim3A_609 : f32 to vector<16xf32>
    %swap3A_611 = arith.constant 9 : i32
    %swap3A_612 = arith.index_cast %swap3A_611 : i32 to index
    %swap3A_613 = arith.constant 64 : index
    %swap3A_614 = tpu.vector_load %arg10[%swap3A_612, %swap3A_613] {strides = array<i32>} : memref<16x128xf32, #tpu.memory_space<vmem>>, vector<1x16xf32>,
    %swap3A_615 = vector.shape_cast %swap3A_614 : vector<1x16xf32> to vector<16xf32>
    %swap3A_616 = vector.shape_cast %broadcast_in_dim3A_610 : vector<16xf32> to vector<1x16xf32>
    tpu.vector_store %arg10[%swap3A_612, %swap3A_613], %swap3A_616 {strides = array<i32>} : memref<16x128xf32, #tpu.memory_space<vmem>>, vector<1x16xf32>,
    %broadcast_in_dim3A_617 = arith.constant 0.000000e+00 : f32
    %broadcast_in_dim3A_618 = vector.broadcast %broadcast_in_dim3A_617 : f32 to vector<16xf32>
    %swap3A_619 = arith.constant 9 : i32
    %swap3A_620 = arith.index_cast %swap3A_619 : i32 to index
    %swap3A_621 = arith.constant 80 : index
    %swap3A_622 = tpu.vector_load %arg10[%swap3A_620, %swap3A_621] {strides = array<i32>} : memref<16x128xf32, #tpu.memory_space<vmem>>, vector<1x16xf32>,
    %swap3A_623 = vector.shape_cast %swap3A_622 : vector<1x16xf32> to vector<16xf32>
    %swap3A_624 = vector.shape_cast %broadcast_in_dim3A_618 : vector<16xf32> to vector<1x16xf32>
    tpu.vector_store %arg10[%swap3A_620, %swap3A_621], %swap3A_624 {strides = array<i32>} : memref<16x128xf32, #tpu.memory_space<vmem>>, vector<1x16xf32>,
    %broadcast_in_dim3A_625 = arith.constant 0.000000e+00 : f32
    %broadcast_in_dim3A_626 = vector.broadcast %broadcast_in_dim3A_625 : f32 to vector<16xf32>
    %swap3A_627 = arith.constant 9 : i32
    %swap3A_628 = arith.index_cast %swap3A_627 : i32 to index
    %swap3A_629 = arith.constant 96 : index
    %swap3A_630 = tpu.vector_load %arg10[%swap3A_628, %swap3A_629] {strides = array<i32>} : memref<16x128xf32, #tpu.memory_space<vmem>>, vector<1x16xf32>,
    %swap3A_631 = vector.shape_cast %swap3A_630 : vector<1x16xf32> to vector<16xf32>
    %swap3A_632 = vector.shape_cast %broadcast_in_dim3A_626 : vector<16xf32> to vector<1x16xf32>
    tpu.vector_store %arg10[%swap3A_628, %swap3A_629], %swap3A_632 {strides = array<i32>} : memref<16x128xf32, #tpu.memory_space<vmem>>, vector<1x16xf32>,
    %broadcast_in_dim3A_633 = arith.constant 0.000000e+00 : f32
    %broadcast_in_dim3A_634 = vector.broadcast %broadcast_in_dim3A_633 : f32 to vector<16xf32>
    %swap3A_635 = arith.constant 9 : i32
    %swap3A_636 = arith.index_cast %swap3A_635 : i32 to index
    %swap3A_637 = arith.constant 112 : index
    %swap3A_638 = tpu.vector_load %arg10[%swap3A_636, %swap3A_637] {strides = array<i32>} : memref<16x128xf32, #tpu.memory_space<vmem>>, vector<1x16xf32>,
    %swap3A_639 = vector.shape_cast %swap3A_638 : vector<1x16xf32> to vector<16xf32>
    %swap3A_640 = vector.shape_cast %broadcast_in_dim3A_634 : vector<16xf32> to vector<1x16xf32>
    tpu.vector_store %arg10[%swap3A_636, %swap3A_637], %swap3A_640 {strides = array<i32>} : memref<16x128xf32, #tpu.memory_space<vmem>>, vector<1x16xf32>,
    %broadcast_in_dim3A_641 = arith.constant 0.000000e+00 : f32
    %broadcast_in_dim3A_642 = vector.broadcast %broadcast_in_dim3A_641 : f32 to vector<16xf32>
    %swap3A_643 = arith.constant 10 : i32
    %swap3A_644 = arith.index_cast %swap3A_643 : i32 to index
    %swap3A_645 = arith.constant 0 : index
    %swap3A_646 = tpu.vector_load %arg10[%swap3A_644, %swap3A_645] {strides = array<i32>} : memref<16x128xf32, #tpu.memory_space<vmem>>, vector<1x16xf32>,
    %swap3A_647 = vector.shape_cast %swap3A_646 : vector<1x16xf32> to vector<16xf32>
    %swap3A_648 = vector.shape_cast %broadcast_in_dim3A_642 : vector<16xf32> to vector<1x16xf32>
    tpu.vector_store %arg10[%swap3A_644, %swap3A_645], %swap3A_648 {strides = array<i32>} : memref<16x128xf32, #tpu.memory_space<vmem>>, vector<1x16xf32>,
    %broadcast_in_dim3A_649 = arith.constant 0.000000e+00 : f32
    %broadcast_in_dim3A_650 = vector.broadcast %broadcast_in_dim3A_649 : f32 to vector<16xf32>
    %swap3A_651 = arith.constant 10 : i32
    %swap3A_652 = arith.index_cast %swap3A_651 : i32 to index
    %swap3A_653 = arith.constant 16 : index
    %swap3A_654 = tpu.vector_load %arg10[%swap3A_652, %swap3A_653] {strides = array<i32>} : memref<16x128xf32, #tpu.memory_space<vmem>>, vector<1x16xf32>,
    %swap3A_655 = vector.shape_cast %swap3A_654 : vector<1x16xf32> to vector<16xf32>
    %swap3A_656 = vector.shape_cast %broadcast_in_dim3A_650 : vector<16xf32> to vector<1x16xf32>
    tpu.vector_store %arg10[%swap3A_652, %swap3A_653], %swap3A_656 {strides = array<i32>} : memref<16x128xf32, #tpu.memory_space<vmem>>, vector<1x16xf32>,
    %broadcast_in_dim3A_657 = arith.constant 0.000000e+00 : f32
    %broadcast_in_dim3A_658 = vector.broadcast %broadcast_in_dim3A_657 : f32 to vector<16xf32>
    %swap3A_659 = arith.constant 10 : i32
    %swap3A_660 = arith.index_cast %swap3A_659 : i32 to index
    %swap3A_661 = arith.constant 32 : index
    %swap3A_662 = tpu.vector_load %arg10[%swap3A_660, %swap3A_661] {strides = array<i32>} : memref<16x128xf32, #tpu.memory_space<vmem>>, vector<1x16xf32>,
    %swap3A_663 = vector.shape_cast %swap3A_662 : vector<1x16xf32> to vector<16xf32>
    %swap3A_664 = vector.shape_cast %broadcast_in_dim3A_658 : vector<16xf32> to vector<1x16xf32>
    tpu.vector_store %arg10[%swap3A_660, %swap3A_661], %swap3A_664 {strides = array<i32>} : memref<16x128xf32, #tpu.memory_space<vmem>>, vector<1x16xf32>,
    %broadcast_in_dim3A_665 = arith.constant 0.000000e+00 : f32
    %broadcast_in_dim3A_666 = vector.broadcast %broadcast_in_dim3A_665 : f32 to vector<16xf32>
    %swap3A_667 = arith.constant 10 : i32
    %swap3A_668 = arith.index_cast %swap3A_667 : i32 to index
    %swap3A_669 = arith.constant 48 : index
    %swap3A_670 = tpu.vector_load %arg10[%swap3A_668, %swap3A_669] {strides = array<i32>} : memref<16x128xf32, #tpu.memory_space<vmem>>, vector<1x16xf32>,
    %swap3A_671 = vector.shape_cast %swap3A_670 : vector<1x16xf32> to vector<16xf32>
    %swap3A_672 = vector.shape_cast %broadcast_in_dim3A_666 : vector<16xf32> to vector<1x16xf32>
    tpu.vector_store %arg10[%swap3A_668, %swap3A_669], %swap3A_672 {strides = array<i32>} : memref<16x128xf32, #tpu.memory_space<vmem>>, vector<1x16xf32>,
    %broadcast_in_dim3A_673 = arith.constant 0.000000e+00 : f32
    %broadcast_in_dim3A_674 = vector.broadcast %broadcast_in_dim3A_673 : f32 to vector<16xf32>
    %swap3A_675 = arith.constant 10 : i32
    %swap3A_676 = arith.index_cast %swap3A_675 : i32 to index
    %swap3A_677 = arith.constant 64 : index
    %swap3A_678 = tpu.vector_load %arg10[%swap3A_676, %swap3A_677] {strides = array<i32>} : memref<16x128xf32, #tpu.memory_space<vmem>>, vector<1x16xf32>,
    %swap3A_679 = vector.shape_cast %swap3A_678 : vector<1x16xf32> to vector<16xf32>
    %swap3A_680 = vector.shape_cast %broadcast_in_dim3A_674 : vector<16xf32> to vector<1x16xf32>
    tpu.vector_store %arg10[%swap3A_676, %swap3A_677], %swap3A_680 {strides = array<i32>} : memref<16x128xf32, #tpu.memory_space<vmem>>, vector<1x16xf32>,
    %broadcast_in_dim3A_681 = arith.constant 0.000000e+00 : f32
    %broadcast_in_dim3A_682 = vector.broadcast %broadcast_in_dim3A_681 : f32 to vector<16xf32>
    %swap3A_683 = arith.constant 10 : i32
    %swap3A_684 = arith.index_cast %swap3A_683 : i32 to index
    %swap3A_685 = arith.constant 80 : index
    %swap3A_686 = tpu.vector_load %arg10[%swap3A_684, %swap3A_685] {strides = array<i32>} : memref<16x128xf32, #tpu.memory_space<vmem>>, vector<1x16xf32>,
    %swap3A_687 = vector.shape_cast %swap3A_686 : vector<1x16xf32> to vector<16xf32>
    %swap3A_688 = vector.shape_cast %broadcast_in_dim3A_682 : vector<16xf32> to vector<1x16xf32>
    tpu.vector_store %arg10[%swap3A_684, %swap3A_685], %swap3A_688 {strides = array<i32>} : memref<16x128xf32, #tpu.memory_space<vmem>>, vector<1x16xf32>,
    %broadcast_in_dim3A_689 = arith.constant 0.000000e+00 : f32
    %broadcast_in_dim3A_690 = vector.broadcast %broadcast_in_dim3A_689 : f32 to vector<16xf32>
    %swap3A_691 = arith.constant 10 : i32
    %swap3A_692 = arith.index_cast %swap3A_691 : i32 to index
    %swap3A_693 = arith.constant 96 : index
    %swap3A_694 = tpu.vector_load %arg10[%swap3A_692, %swap3A_693] {strides = array<i32>} : memref<16x128xf32, #tpu.memory_space<vmem>>, vector<1x16xf32>,
    %swap3A_695 = vector.shape_cast %swap3A_694 : vector<1x16xf32> to vector<16xf32>
    %swap3A_696 = vector.shape_cast %broadcast_in_dim3A_690 : vector<16xf32> to vector<1x16xf32>
    tpu.vector_store %arg10[%swap3A_692, %swap3A_693], %swap3A_696 {strides = array<i32>} : memref<16x128xf32, #tpu.memory_space<vmem>>, vector<1x16xf32>,
    %broadcast_in_dim3A_697 = arith.constant 0.000000e+00 : f32
    %broadcast_in_dim3A_698 = vector.broadcast %broadcast_in_dim3A_697 : f32 to vector<16xf32>
    %swap3A_699 = arith.constant 10 : i32
    %swap3A_700 = arith.index_cast %swap3A_699 : i32 to index
    %swap3A_701 = arith.constant 112 : index
    %swap3A_702 = tpu.vector_load %arg10[%swap3A_700, %swap3A_701] {strides = array<i32>} : memref<16x128xf32, #tpu.memory_space<vmem>>, vector<1x16xf32>,
    %swap3A_703 = vector.shape_cast %swap3A_702 : vector<1x16xf32> to vector<16xf32>
    %swap3A_704 = vector.shape_cast %broadcast_in_dim3A_698 : vector<16xf32> to vector<1x16xf32>
    tpu.vector_store %arg10[%swap3A_700, %swap3A_701], %swap3A_704 {strides = array<i32>} : memref<16x128xf32, #tpu.memory_space<vmem>>, vector<1x16xf32>,
    %broadcast_in_dim3A_705 = arith.constant 0.000000e+00 : f32
    %broadcast_in_dim3A_706 = vector.broadcast %broadcast_in_dim3A_705 : f32 to vector<16xf32>
    %swap3A_707 = arith.constant 11 : i32
    %swap3A_708 = arith.index_cast %swap3A_707 : i32 to index
    %swap3A_709 = arith.constant 0 : index
    %swap3A_710 = tpu.vector_load %arg10[%swap3A_708, %swap3A_709] {strides = array<i32>} : memref<16x128xf32, #tpu.memory_space<vmem>>, vector<1x16xf32>,
    %swap3A_711 = vector.shape_cast %swap3A_710 : vector<1x16xf32> to vector<16xf32>
    %swap3A_712 = vector.shape_cast %broadcast_in_dim3A_706 : vector<16xf32> to vector<1x16xf32>
    tpu.vector_store %arg10[%swap3A_708, %swap3A_709], %swap3A_712 {strides = array<i32>} : memref<16x128xf32, #tpu.memory_space<vmem>>, vector<1x16xf32>,
    %broadcast_in_dim3A_713 = arith.constant 0.000000e+00 : f32
    %broadcast_in_dim3A_714 = vector.broadcast %broadcast_in_dim3A_713 : f32 to vector<16xf32>
    %swap3A_715 = arith.constant 11 : i32
    %swap3A_716 = arith.index_cast %swap3A_715 : i32 to index
    %swap3A_717 = arith.constant 16 : index
    %swap3A_718 = tpu.vector_load %arg10[%swap3A_716, %swap3A_717] {strides = array<i32>} : memref<16x128xf32, #tpu.memory_space<vmem>>, vector<1x16xf32>,
    %swap3A_719 = vector.shape_cast %swap3A_718 : vector<1x16xf32> to vector<16xf32>
    %swap3A_720 = vector.shape_cast %broadcast_in_dim3A_714 : vector<16xf32> to vector<1x16xf32>
    tpu.vector_store %arg10[%swap3A_716, %swap3A_717], %swap3A_720 {strides = array<i32>} : memref<16x128xf32, #tpu.memory_space<vmem>>, vector<1x16xf32>,
    %broadcast_in_dim3A_721 = arith.constant 0.000000e+00 : f32
    %broadcast_in_dim3A_722 = vector.broadcast %broadcast_in_dim3A_721 : f32 to vector<16xf32>
    %swap3A_723 = arith.constant 11 : i32
    %swap3A_724 = arith.index_cast %swap3A_723 : i32 to index
    %swap3A_725 = arith.constant 32 : index
    %swap3A_726 = tpu.vector_load %arg10[%swap3A_724, %swap3A_725] {strides = array<i32>} : memref<16x128xf32, #tpu.memory_space<vmem>>, vector<1x16xf32>,
    %swap3A_727 = vector.shape_cast %swap3A_726 : vector<1x16xf32> to vector<16xf32>
    %swap3A_728 = vector.shape_cast %broadcast_in_dim3A_722 : vector<16xf32> to vector<1x16xf32>
    tpu.vector_store %arg10[%swap3A_724, %swap3A_725], %swap3A_728 {strides = array<i32>} : memref<16x128xf32, #tpu.memory_space<vmem>>, vector<1x16xf32>,
    %broadcast_in_dim3A_729 = arith.constant 0.000000e+00 : f32
    %broadcast_in_dim3A_730 = vector.broadcast %broadcast_in_dim3A_729 : f32 to vector<16xf32>
    %swap3A_731 = arith.constant 11 : i32
    %swap3A_732 = arith.index_cast %swap3A_731 : i32 to index
    %swap3A_733 = arith.constant 48 : index
    %swap3A_734 = tpu.vector_load %arg10[%swap3A_732, %swap3A_733] {strides = array<i32>} : memref<16x128xf32, #tpu.memory_space<vmem>>, vector<1x16xf32>,
    %swap3A_735 = vector.shape_cast %swap3A_734 : vector<1x16xf32> to vector<16xf32>
    %swap3A_736 = vector.shape_cast %broadcast_in_dim3A_730 : vector<16xf32> to vector<1x16xf32>
    tpu.vector_store %arg10[%swap3A_732, %swap3A_733], %swap3A_736 {strides = array<i32>} : memref<16x128xf32, #tpu.memory_space<vmem>>, vector<1x16xf32>,
    %broadcast_in_dim3A_737 = arith.constant 0.000000e+00 : f32
    %broadcast_in_dim3A_738 = vector.broadcast %broadcast_in_dim3A_737 : f32 to vector<16xf32>
    %swap3A_739 = arith.constant 11 : i32
    %swap3A_740 = arith.index_cast %swap3A_739 : i32 to index
    %swap3A_741 = arith.constant 64 : index
    %swap3A_742 = tpu.vector_load %arg10[%swap3A_740, %swap3A_741] {strides = array<i32>} : memref<16x128xf32, #tpu.memory_space<vmem>>, vector<1x16xf32>,
    %swap3A_743 = vector.shape_cast %swap3A_742 : vector<1x16xf32> to vector<16xf32>
    %swap3A_744 = vector.shape_cast %broadcast_in_dim3A_738 : vector<16xf32> to vector<1x16xf32>
    tpu.vector_store %arg10[%swap3A_740, %swap3A_741], %swap3A_744 {strides = array<i32>} : memref<16x128xf32, #tpu.memory_space<vmem>>, vector<1x16xf32>,
    %broadcast_in_dim3A_745 = arith.constant 0.000000e+00 : f32
    %broadcast_in_dim3A_746 = vector.broadcast %broadcast_in_dim3A_745 : f32 to vector<16xf32>
    %swap3A_747 = arith.constant 11 : i32
    %swap3A_748 = arith.index_cast %swap3A_747 : i32 to index
    %swap3A_749 = arith.constant 80 : index
    %swap3A_750 = tpu.vector_load %arg10[%swap3A_748, %swap3A_749] {strides = array<i32>} : memref<16x128xf32, #tpu.memory_space<vmem>>, vector<1x16xf32>,
    %swap3A_751 = vector.shape_cast %swap3A_750 : vector<1x16xf32> to vector<16xf32>
    %swap3A_752 = vector.shape_cast %broadcast_in_dim3A_746 : vector<16xf32> to vector<1x16xf32>
    tpu.vector_store %arg10[%swap3A_748, %swap3A_749], %swap3A_752 {strides = array<i32>} : memref<16x128xf32, #tpu.memory_space<vmem>>, vector<1x16xf32>,
    %broadcast_in_dim3A_753 = arith.constant 0.000000e+00 : f32
    %broadcast_in_dim3A_754 = vector.broadcast %broadcast_in_dim3A_753 : f32 to vector<16xf32>
    %swap3A_755 = arith.constant 11 : i32
    %swap3A_756 = arith.index_cast %swap3A_755 : i32 to index
    %swap3A_757 = arith.constant 96 : index
    %swap3A_758 = tpu.vector_load %arg10[%swap3A_756, %swap3A_757] {strides = array<i32>} : memref<16x128xf32, #tpu.memory_space<vmem>>, vector<1x16xf32>,
    %swap3A_759 = vector.shape_cast %swap3A_758 : vector<1x16xf32> to vector<16xf32>
    %swap3A_760 = vector.shape_cast %broadcast_in_dim3A_754 : vector<16xf32> to vector<1x16xf32>
    tpu.vector_store %arg10[%swap3A_756, %swap3A_757], %swap3A_760 {strides = array<i32>} : memref<16x128xf32, #tpu.memory_space<vmem>>, vector<1x16xf32>,
    %broadcast_in_dim3A_761 = arith.constant 0.000000e+00 : f32
    %broadcast_in_dim3A_762 = vector.broadcast %broadcast_in_dim3A_761 : f32 to vector<16xf32>
    %swap3A_763 = arith.constant 11 : i32
    %swap3A_764 = arith.index_cast %swap3A_763 : i32 to index
    %swap3A_765 = arith.constant 112 : index
    %swap3A_766 = tpu.vector_load %arg10[%swap3A_764, %swap3A_765] {strides = array<i32>} : memref<16x128xf32, #tpu.memory_space<vmem>>, vector<1x16xf32>,
    %swap3A_767 = vector.shape_cast %swap3A_766 : vector<1x16xf32> to vector<16xf32>
    %swap3A_768 = vector.shape_cast %broadcast_in_dim3A_762 : vector<16xf32> to vector<1x16xf32>
    tpu.vector_store %arg10[%swap3A_764, %swap3A_765], %swap3A_768 {strides = array<i32>} : memref<16x128xf32, #tpu.memory_space<vmem>>, vector<1x16xf32>,
    %broadcast_in_dim3A_769 = arith.constant 0.000000e+00 : f32
    %broadcast_in_dim3A_770 = vector.broadcast %broadcast_in_dim3A_769 : f32 to vector<16xf32>
    %swap3A_771 = arith.constant 12 : i32
    %swap3A_772 = arith.index_cast %swap3A_771 : i32 to index
    %swap3A_773 = arith.constant 0 : index
    %swap3A_774 = tpu.vector_load %arg10[%swap3A_772, %swap3A_773] {strides = array<i32>} : memref<16x128xf32, #tpu.memory_space<vmem>>, vector<1x16xf32>,
    %swap3A_775 = vector.shape_cast %swap3A_774 : vector<1x16xf32> to vector<16xf32>
    %swap3A_776 = vector.shape_cast %broadcast_in_dim3A_770 : vector<16xf32> to vector<1x16xf32>
    tpu.vector_store %arg10[%swap3A_772, %swap3A_773], %swap3A_776 {strides = array<i32>} : memref<16x128xf32, #tpu.memory_space<vmem>>, vector<1x16xf32>,
    %broadcast_in_dim3A_777 = arith.constant 0.000000e+00 : f32
    %broadcast_in_dim3A_778 = vector.broadcast %broadcast_in_dim3A_777 : f32 to vector<16xf32>
    %swap3A_779 = arith.constant 12 : i32
    %swap3A_780 = arith.index_cast %swap3A_779 : i32 to index
    %swap3A_781 = arith.constant 16 : index
    %swap3A_782 = tpu.vector_load %arg10[%swap3A_780, %swap3A_781] {strides = array<i32>} : memref<16x128xf32, #tpu.memory_space<vmem>>, vector<1x16xf32>,
    %swap3A_783 = vector.shape_cast %swap3A_782 : vector<1x16xf32> to vector<16xf32>
    %swap3A_784 = vector.shape_cast %broadcast_in_dim3A_778 : vector<16xf32> to vector<1x16xf32>
    tpu.vector_store %arg10[%swap3A_780, %swap3A_781], %swap3A_784 {strides = array<i32>} : memref<16x128xf32, #tpu.memory_space<vmem>>, vector<1x16xf32>,
    %broadcast_in_dim3A_785 = arith.constant 0.000000e+00 : f32
    %broadcast_in_dim3A_786 = vector.broadcast %broadcast_in_dim3A_785 : f32 to vector<16xf32>
    %swap3A_787 = arith.constant 12 : i32
    %swap3A_788 = arith.index_cast %swap3A_787 : i32 to index
    %swap3A_789 = arith.constant 32 : index
    %swap3A_790 = tpu.vector_load %arg10[%swap3A_788, %swap3A_789] {strides = array<i32>} : memref<16x128xf32, #tpu.memory_space<vmem>>, vector<1x16xf32>,
    %swap3A_791 = vector.shape_cast %swap3A_790 : vector<1x16xf32> to vector<16xf32>
    %swap3A_792 = vector.shape_cast %broadcast_in_dim3A_786 : vector<16xf32> to vector<1x16xf32>
    tpu.vector_store %arg10[%swap3A_788, %swap3A_789], %swap3A_792 {strides = array<i32>} : memref<16x128xf32, #tpu.memory_space<vmem>>, vector<1x16xf32>,
    %broadcast_in_dim3A_793 = arith.constant 0.000000e+00 : f32
    %broadcast_in_dim3A_794 = vector.broadcast %broadcast_in_dim3A_793 : f32 to vector<16xf32>
    %swap3A_795 = arith.constant 12 : i32
    %swap3A_796 = arith.index_cast %swap3A_795 : i32 to index
    %swap3A_797 = arith.constant 48 : index
    %swap3A_798 = tpu.vector_load %arg10[%swap3A_796, %swap3A_797] {strides = array<i32>} : memref<16x128xf32, #tpu.memory_space<vmem>>, vector<1x16xf32>,
    %swap3A_799 = vector.shape_cast %swap3A_798 : vector<1x16xf32> to vector<16xf32>
    %swap3A_800 = vector.shape_cast %broadcast_in_dim3A_794 : vector<16xf32> to vector<1x16xf32>
    tpu.vector_store %arg10[%swap3A_796, %swap3A_797], %swap3A_800 {strides = array<i32>} : memref<16x128xf32, #tpu.memory_space<vmem>>, vector<1x16xf32>,
    %broadcast_in_dim3A_801 = arith.constant 0.000000e+00 : f32
    %broadcast_in_dim3A_802 = vector.broadcast %broadcast_in_dim3A_801 : f32 to vector<16xf32>
    %swap3A_803 = arith.constant 12 : i32
    %swap3A_804 = arith.index_cast %swap3A_803 : i32 to index
    %swap3A_805 = arith.constant 64 : index
    %swap3A_806 = tpu.vector_load %arg10[%swap3A_804, %swap3A_805] {strides = array<i32>} : memref<16x128xf32, #tpu.memory_space<vmem>>, vector<1x16xf32>,
    %swap3A_807 = vector.shape_cast %swap3A_806 : vector<1x16xf32> to vector<16xf32>
    %swap3A_808 = vector.shape_cast %broadcast_in_dim3A_802 : vector<16xf32> to vector<1x16xf32>
    tpu.vector_store %arg10[%swap3A_804, %swap3A_805], %swap3A_808 {strides = array<i32>} : memref<16x128xf32, #tpu.memory_space<vmem>>, vector<1x16xf32>,
    %broadcast_in_dim3A_809 = arith.constant 0.000000e+00 : f32
    %broadcast_in_dim3A_810 = vector.broadcast %broadcast_in_dim3A_809 : f32 to vector<16xf32>
    %swap3A_811 = arith.constant 12 : i32
    %swap3A_812 = arith.index_cast %swap3A_811 : i32 to index
    %swap3A_813 = arith.constant 80 : index
    %swap3A_814 = tpu.vector_load %arg10[%swap3A_812, %swap3A_813] {strides = array<i32>} : memref<16x128xf32, #tpu.memory_space<vmem>>, vector<1x16xf32>,
    %swap3A_815 = vector.shape_cast %swap3A_814 : vector<1x16xf32> to vector<16xf32>
    %swap3A_816 = vector.shape_cast %broadcast_in_dim3A_810 : vector<16xf32> to vector<1x16xf32>
    tpu.vector_store %arg10[%swap3A_812, %swap3A_813], %swap3A_816 {strides = array<i32>} : memref<16x128xf32, #tpu.memory_space<vmem>>, vector<1x16xf32>,
    %broadcast_in_dim3A_817 = arith.constant 0.000000e+00 : f32
    %broadcast_in_dim3A_818 = vector.broadcast %broadcast_in_dim3A_817 : f32 to vector<16xf32>
    %swap3A_819 = arith.constant 12 : i32
    %swap3A_820 = arith.index_cast %swap3A_819 : i32 to index
    %swap3A_821 = arith.constant 96 : index
    %swap3A_822 = tpu.vector_load %arg10[%swap3A_820, %swap3A_821] {strides = array<i32>} : memref<16x128xf32, #tpu.memory_space<vmem>>, vector<1x16xf32>,
    %swap3A_823 = vector.shape_cast %swap3A_822 : vector<1x16xf32> to vector<16xf32>
    %swap3A_824 = vector.shape_cast %broadcast_in_dim3A_818 : vector<16xf32> to vector<1x16xf32>
    tpu.vector_store %arg10[%swap3A_820, %swap3A_821], %swap3A_824 {strides = array<i32>} : memref<16x128xf32, #tpu.memory_space<vmem>>, vector<1x16xf32>,
    %broadcast_in_dim3A_825 = arith.constant 0.000000e+00 : f32
    %broadcast_in_dim3A_826 = vector.broadcast %broadcast_in_dim3A_825 : f32 to vector<16xf32>
    %swap3A_827 = arith.constant 12 : i32
    %swap3A_828 = arith.index_cast %swap3A_827 : i32 to index
    %swap3A_829 = arith.constant 112 : index
    %swap3A_830 = tpu.vector_load %arg10[%swap3A_828, %swap3A_829] {strides = array<i32>} : memref<16x128xf32, #tpu.memory_space<vmem>>, vector<1x16xf32>,
    %swap3A_831 = vector.shape_cast %swap3A_830 : vector<1x16xf32> to vector<16xf32>
    %swap3A_832 = vector.shape_cast %broadcast_in_dim3A_826 : vector<16xf32> to vector<1x16xf32>
    tpu.vector_store %arg10[%swap3A_828, %swap3A_829], %swap3A_832 {strides = array<i32>} : memref<16x128xf32, #tpu.memory_space<vmem>>, vector<1x16xf32>,
    %broadcast_in_dim3A_833 = arith.constant 0.000000e+00 : f32
    %broadcast_in_dim3A_834 = vector.broadcast %broadcast_in_dim3A_833 : f32 to vector<16xf32>
    %swap3A_835 = arith.constant 13 : i32
    %swap3A_836 = arith.index_cast %swap3A_835 : i32 to index
    %swap3A_837 = arith.constant 0 : index
    %swap3A_838 = tpu.vector_load %arg10[%swap3A_836, %swap3A_837] {strides = array<i32>} : memref<16x128xf32, #tpu.memory_space<vmem>>, vector<1x16xf32>,
    %swap3A_839 = vector.shape_cast %swap3A_838 : vector<1x16xf32> to vector<16xf32>
    %swap3A_840 = vector.shape_cast %broadcast_in_dim3A_834 : vector<16xf32> to vector<1x16xf32>
    tpu.vector_store %arg10[%swap3A_836, %swap3A_837], %swap3A_840 {strides = array<i32>} : memref<16x128xf32, #tpu.memory_space<vmem>>, vector<1x16xf32>,
    %broadcast_in_dim3A_841 = arith.constant 0.000000e+00 : f32
    %broadcast_in_dim3A_842 = vector.broadcast %broadcast_in_dim3A_841 : f32 to vector<16xf32>
    %swap3A_843 = arith.constant 13 : i32
    %swap3A_844 = arith.index_cast %swap3A_843 : i32 to index
    %swap3A_845 = arith.constant 16 : index
    %swap3A_846 = tpu.vector_load %arg10[%swap3A_844, %swap3A_845] {strides = array<i32>} : memref<16x128xf32, #tpu.memory_space<vmem>>, vector<1x16xf32>,
    %swap3A_847 = vector.shape_cast %swap3A_846 : vector<1x16xf32> to vector<16xf32>
    %swap3A_848 = vector.shape_cast %broadcast_in_dim3A_842 : vector<16xf32> to vector<1x16xf32>
    tpu.vector_store %arg10[%swap3A_844, %swap3A_845], %swap3A_848 {strides = array<i32>} : memref<16x128xf32, #tpu.memory_space<vmem>>, vector<1x16xf32>,
    %broadcast_in_dim3A_849 = arith.constant 0.000000e+00 : f32
    %broadcast_in_dim3A_850 = vector.broadcast %broadcast_in_dim3A_849 : f32 to vector<16xf32>
    %swap3A_851 = arith.constant 13 : i32
    %swap3A_852 = arith.index_cast %swap3A_851 : i32 to index
    %swap3A_853 = arith.constant 32 : index
    %swap3A_854 = tpu.vector_load %arg10[%swap3A_852, %swap3A_853] {strides = array<i32>} : memref<16x128xf32, #tpu.memory_space<vmem>>, vector<1x16xf32>,
    %swap3A_855 = vector.shape_cast %swap3A_854 : vector<1x16xf32> to vector<16xf32>
    %swap3A_856 = vector.shape_cast %broadcast_in_dim3A_850 : vector<16xf32> to vector<1x16xf32>
    tpu.vector_store %arg10[%swap3A_852, %swap3A_853], %swap3A_856 {strides = array<i32>} : memref<16x128xf32, #tpu.memory_space<vmem>>, vector<1x16xf32>,
    %broadcast_in_dim3A_857 = arith.constant 0.000000e+00 : f32
    %broadcast_in_dim3A_858 = vector.broadcast %broadcast_in_dim3A_857 : f32 to vector<16xf32>
    %swap3A_859 = arith.constant 13 : i32
    %swap3A_860 = arith.index_cast %swap3A_859 : i32 to index
    %swap3A_861 = arith.constant 48 : index
    %swap3A_862 = tpu.vector_load %arg10[%swap3A_860, %swap3A_861] {strides = array<i32>} : memref<16x128xf32, #tpu.memory_space<vmem>>, vector<1x16xf32>,
    %swap3A_863 = vector.shape_cast %swap3A_862 : vector<1x16xf32> to vector<16xf32>
    %swap3A_864 = vector.shape_cast %broadcast_in_dim3A_858 : vector<16xf32> to vector<1x16xf32>
    tpu.vector_store %arg10[%swap3A_860, %swap3A_861], %swap3A_864 {strides = array<i32>} : memref<16x128xf32, #tpu.memory_space<vmem>>, vector<1x16xf32>,
    %broadcast_in_dim3A_865 = arith.constant 0.000000e+00 : f32
    %broadcast_in_dim3A_866 = vector.broadcast %broadcast_in_dim3A_865 : f32 to vector<16xf32>
    %swap3A_867 = arith.constant 13 : i32
    %swap3A_868 = arith.index_cast %swap3A_867 : i32 to index
    %swap3A_869 = arith.constant 64 : index
    %swap3A_870 = tpu.vector_load %arg10[%swap3A_868, %swap3A_869] {strides = array<i32>} : memref<16x128xf32, #tpu.memory_space<vmem>>, vector<1x16xf32>,
    %swap3A_871 = vector.shape_cast %swap3A_870 : vector<1x16xf32> to vector<16xf32>
    %swap3A_872 = vector.shape_cast %broadcast_in_dim3A_866 : vector<16xf32> to vector<1x16xf32>
    tpu.vector_store %arg10[%swap3A_868, %swap3A_869], %swap3A_872 {strides = array<i32>} : memref<16x128xf32, #tpu.memory_space<vmem>>, vector<1x16xf32>,
    %broadcast_in_dim3A_873 = arith.constant 0.000000e+00 : f32
    %broadcast_in_dim3A_874 = vector.broadcast %broadcast_in_dim3A_873 : f32 to vector<16xf32>
    %swap3A_875 = arith.constant 13 : i32
    %swap3A_876 = arith.index_cast %swap3A_875 : i32 to index
    %swap3A_877 = arith.constant 80 : index
    %swap3A_878 = tpu.vector_load %arg10[%swap3A_876, %swap3A_877] {strides = array<i32>} : memref<16x128xf32, #tpu.memory_space<vmem>>, vector<1x16xf32>,
    %swap3A_879 = vector.shape_cast %swap3A_878 : vector<1x16xf32> to vector<16xf32>
    %swap3A_880 = vector.shape_cast %broadcast_in_dim3A_874 : vector<16xf32> to vector<1x16xf32>
    tpu.vector_store %arg10[%swap3A_876, %swap3A_877], %swap3A_880 {strides = array<i32>} : memref<16x128xf32, #tpu.memory_space<vmem>>, vector<1x16xf32>,
    %broadcast_in_dim3A_881 = arith.constant 0.000000e+00 : f32
    %broadcast_in_dim3A_882 = vector.broadcast %broadcast_in_dim3A_881 : f32 to vector<16xf32>
    %swap3A_883 = arith.constant 13 : i32
    %swap3A_884 = arith.index_cast %swap3A_883 : i32 to index
    %swap3A_885 = arith.constant 96 : index
    %swap3A_886 = tpu.vector_load %arg10[%swap3A_884, %swap3A_885] {strides = array<i32>} : memref<16x128xf32, #tpu.memory_space<vmem>>, vector<1x16xf32>,
    %swap3A_887 = vector.shape_cast %swap3A_886 : vector<1x16xf32> to vector<16xf32>
    %swap3A_888 = vector.shape_cast %broadcast_in_dim3A_882 : vector<16xf32> to vector<1x16xf32>
    tpu.vector_store %arg10[%swap3A_884, %swap3A_885], %swap3A_888 {strides = array<i32>} : memref<16x128xf32, #tpu.memory_space<vmem>>, vector<1x16xf32>,
    %broadcast_in_dim3A_889 = arith.constant 0.000000e+00 : f32
    %broadcast_in_dim3A_890 = vector.broadcast %broadcast_in_dim3A_889 : f32 to vector<16xf32>
    %swap3A_891 = arith.constant 13 : i32
    %swap3A_892 = arith.index_cast %swap3A_891 : i32 to index
    %swap3A_893 = arith.constant 112 : index
    %swap3A_894 = tpu.vector_load %arg10[%swap3A_892, %swap3A_893] {strides = array<i32>} : memref<16x128xf32, #tpu.memory_space<vmem>>, vector<1x16xf32>,
    %swap3A_895 = vector.shape_cast %swap3A_894 : vector<1x16xf32> to vector<16xf32>
    %swap3A_896 = vector.shape_cast %broadcast_in_dim3A_890 : vector<16xf32> to vector<1x16xf32>
    tpu.vector_store %arg10[%swap3A_892, %swap3A_893], %swap3A_896 {strides = array<i32>} : memref<16x128xf32, #tpu.memory_space<vmem>>, vector<1x16xf32>,
    %broadcast_in_dim3A_897 = arith.constant 0.000000e+00 : f32
    %broadcast_in_dim3A_898 = vector.broadcast %broadcast_in_dim3A_897 : f32 to vector<16xf32>
    %swap3A_899 = arith.constant 14 : i32
    %swap3A_900 = arith.index_cast %swap3A_899 : i32 to index
    %swap3A_901 = arith.constant 0 : index
    %swap3A_902 = tpu.vector_load %arg10[%swap3A_900, %swap3A_901] {strides = array<i32>} : memref<16x128xf32, #tpu.memory_space<vmem>>, vector<1x16xf32>,
    %swap3A_903 = vector.shape_cast %swap3A_902 : vector<1x16xf32> to vector<16xf32>
    %swap3A_904 = vector.shape_cast %broadcast_in_dim3A_898 : vector<16xf32> to vector<1x16xf32>
    tpu.vector_store %arg10[%swap3A_900, %swap3A_901], %swap3A_904 {strides = array<i32>} : memref<16x128xf32, #tpu.memory_space<vmem>>, vector<1x16xf32>,
    %broadcast_in_dim3A_905 = arith.constant 0.000000e+00 : f32
    %broadcast_in_dim3A_906 = vector.broadcast %broadcast_in_dim3A_905 : f32 to vector<16xf32>
    %swap3A_907 = arith.constant 14 : i32
    %swap3A_908 = arith.index_cast %swap3A_907 : i32 to index
    %swap3A_909 = arith.constant 16 : index
    %swap3A_910 = tpu.vector_load %arg10[%swap3A_908, %swap3A_909] {strides = array<i32>} : memref<16x128xf32, #tpu.memory_space<vmem>>, vector<1x16xf32>,
    %swap3A_911 = vector.shape_cast %swap3A_910 : vector<1x16xf32> to vector<16xf32>
    %swap3A_912 = vector.shape_cast %broadcast_in_dim3A_906 : vector<16xf32> to vector<1x16xf32>
    tpu.vector_store %arg10[%swap3A_908, %swap3A_909], %swap3A_912 {strides = array<i32>} : memref<16x128xf32, #tpu.memory_space<vmem>>, vector<1x16xf32>,
    %broadcast_in_dim3A_913 = arith.constant 0.000000e+00 : f32
    %broadcast_in_dim3A_914 = vector.broadcast %broadcast_in_dim3A_913 : f32 to vector<16xf32>
    %swap3A_915 = arith.constant 14 : i32
    %swap3A_916 = arith.index_cast %swap3A_915 : i32 to index
    %swap3A_917 = arith.constant 32 : index
    %swap3A_918 = tpu.vector_load %arg10[%swap3A_916, %swap3A_917] {strides = array<i32>} : memref<16x128xf32, #tpu.memory_space<vmem>>, vector<1x16xf32>,
    %swap3A_919 = vector.shape_cast %swap3A_918 : vector<1x16xf32> to vector<16xf32>
    %swap3A_920 = vector.shape_cast %broadcast_in_dim3A_914 : vector<16xf32> to vector<1x16xf32>
    tpu.vector_store %arg10[%swap3A_916, %swap3A_917], %swap3A_920 {strides = array<i32>} : memref<16x128xf32, #tpu.memory_space<vmem>>, vector<1x16xf32>,
    %broadcast_in_dim3A_921 = arith.constant 0.000000e+00 : f32
    %broadcast_in_dim3A_922 = vector.broadcast %broadcast_in_dim3A_921 : f32 to vector<16xf32>
    %swap3A_923 = arith.constant 14 : i32
    %swap3A_924 = arith.index_cast %swap3A_923 : i32 to index
    %swap3A_925 = arith.constant 48 : index
    %swap3A_926 = tpu.vector_load %arg10[%swap3A_924, %swap3A_925] {strides = array<i32>} : memref<16x128xf32, #tpu.memory_space<vmem>>, vector<1x16xf32>,
    %swap3A_927 = vector.shape_cast %swap3A_926 : vector<1x16xf32> to vector<16xf32>
    %swap3A_928 = vector.shape_cast %broadcast_in_dim3A_922 : vector<16xf32> to vector<1x16xf32>
    tpu.vector_store %arg10[%swap3A_924, %swap3A_925], %swap3A_928 {strides = array<i32>} : memref<16x128xf32, #tpu.memory_space<vmem>>, vector<1x16xf32>,
    %broadcast_in_dim3A_929 = arith.constant 0.000000e+00 : f32
    %broadcast_in_dim3A_930 = vector.broadcast %broadcast_in_dim3A_929 : f32 to vector<16xf32>
    %swap3A_931 = arith.constant 14 : i32
    %swap3A_932 = arith.index_cast %swap3A_931 : i32 to index
    %swap3A_933 = arith.constant 64 : index
    %swap3A_934 = tpu.vector_load %arg10[%swap3A_932, %swap3A_933] {strides = array<i32>} : memref<16x128xf32, #tpu.memory_space<vmem>>, vector<1x16xf32>,
    %swap3A_935 = vector.shape_cast %swap3A_934 : vector<1x16xf32> to vector<16xf32>
    %swap3A_936 = vector.shape_cast %broadcast_in_dim3A_930 : vector<16xf32> to vector<1x16xf32>
    tpu.vector_store %arg10[%swap3A_932, %swap3A_933], %swap3A_936 {strides = array<i32>} : memref<16x128xf32, #tpu.memory_space<vmem>>, vector<1x16xf32>,
    %broadcast_in_dim3A_937 = arith.constant 0.000000e+00 : f32
    %broadcast_in_dim3A_938 = vector.broadcast %broadcast_in_dim3A_937 : f32 to vector<16xf32>
    %swap3A_939 = arith.constant 14 : i32
    %swap3A_940 = arith.index_cast %swap3A_939 : i32 to index
    %swap3A_941 = arith.constant 80 : index
    %swap3A_942 = tpu.vector_load %arg10[%swap3A_940, %swap3A_941] {strides = array<i32>} : memref<16x128xf32, #tpu.memory_space<vmem>>, vector<1x16xf32>,
    %swap3A_943 = vector.shape_cast %swap3A_942 : vector<1x16xf32> to vector<16xf32>
    %swap3A_944 = vector.shape_cast %broadcast_in_dim3A_938 : vector<16xf32> to vector<1x16xf32>
    tpu.vector_store %arg10[%swap3A_940, %swap3A_941], %swap3A_944 {strides = array<i32>} : memref<16x128xf32, #tpu.memory_space<vmem>>, vector<1x16xf32>,
    %broadcast_in_dim3A_945 = arith.constant 0.000000e+00 : f32
    %broadcast_in_dim3A_946 = vector.broadcast %broadcast_in_dim3A_945 : f32 to vector<16xf32>
    %swap3A_947 = arith.constant 14 : i32
    %swap3A_948 = arith.index_cast %swap3A_947 : i32 to index
    %swap3A_949 = arith.constant 96 : index
    %swap3A_950 = tpu.vector_load %arg10[%swap3A_948, %swap3A_949] {strides = array<i32>} : memref<16x128xf32, #tpu.memory_space<vmem>>, vector<1x16xf32>,
    %swap3A_951 = vector.shape_cast %swap3A_950 : vector<1x16xf32> to vector<16xf32>
    %swap3A_952 = vector.shape_cast %broadcast_in_dim3A_946 : vector<16xf32> to vector<1x16xf32>
    tpu.vector_store %arg10[%swap3A_948, %swap3A_949], %swap3A_952 {strides = array<i32>} : memref<16x128xf32, #tpu.memory_space<vmem>>, vector<1x16xf32>,
    %broadcast_in_dim3A_953 = arith.constant 0.000000e+00 : f32
    %broadcast_in_dim3A_954 = vector.broadcast %broadcast_in_dim3A_953 : f32 to vector<16xf32>
    %swap3A_955 = arith.constant 14 : i32
    %swap3A_956 = arith.index_cast %swap3A_955 : i32 to index
    %swap3A_957 = arith.constant 112 : index
    %swap3A_958 = tpu.vector_load %arg10[%swap3A_956, %swap3A_957] {strides = array<i32>} : memref<16x128xf32, #tpu.memory_space<vmem>>, vector<1x16xf32>,
    %swap3A_959 = vector.shape_cast %swap3A_958 : vector<1x16xf32> to vector<16xf32>
    %swap3A_960 = vector.shape_cast %broadcast_in_dim3A_954 : vector<16xf32> to vector<1x16xf32>
    tpu.vector_store %arg10[%swap3A_956, %swap3A_957], %swap3A_960 {strides = array<i32>} : memref<16x128xf32, #tpu.memory_space<vmem>>, vector<1x16xf32>,
    %broadcast_in_dim3A_961 = arith.constant 0.000000e+00 : f32
    %broadcast_in_dim3A_962 = vector.broadcast %broadcast_in_dim3A_961 : f32 to vector<16xf32>
    %swap3A_963 = arith.constant 15 : i32
    %swap3A_964 = arith.index_cast %swap3A_963 : i32 to index
    %swap3A_965 = arith.constant 0 : index
    %swap3A_966 = tpu.vector_load %arg10[%swap3A_964, %swap3A_965] {strides = array<i32>} : memref<16x128xf32, #tpu.memory_space<vmem>>, vector<1x16xf32>,
    %swap3A_967 = vector.shape_cast %swap3A_966 : vector<1x16xf32> to vector<16xf32>
    %swap3A_968 = vector.shape_cast %broadcast_in_dim3A_962 : vector<16xf32> to vector<1x16xf32>
    tpu.vector_store %arg10[%swap3A_964, %swap3A_965], %swap3A_968 {strides = array<i32>} : memref<16x128xf32, #tpu.memory_space<vmem>>, vector<1x16xf32>,
    %broadcast_in_dim3A_969 = arith.constant 0.000000e+00 : f32
    %broadcast_in_dim3A_970 = vector.broadcast %broadcast_in_dim3A_969 : f32 to vector<16xf32>
    %swap3A_971 = arith.constant 15 : i32
    %swap3A_972 = arith.index_cast %swap3A_971 : i32 to index
    %swap3A_973 = arith.constant 16 : index
    %swap3A_974 = tpu.vector_load %arg10[%swap3A_972, %swap3A_973] {strides = array<i32>} : memref<16x128xf32, #tpu.memory_space<vmem>>, vector<1x16xf32>,
    %swap3A_975 = vector.shape_cast %swap3A_974 : vector<1x16xf32> to vector<16xf32>
    %swap3A_976 = vector.shape_cast %broadcast_in_dim3A_970 : vector<16xf32> to vector<1x16xf32>
    tpu.vector_store %arg10[%swap3A_972, %swap3A_973], %swap3A_976 {strides = array<i32>} : memref<16x128xf32, #tpu.memory_space<vmem>>, vector<1x16xf32>,
    %broadcast_in_dim3A_977 = arith.constant 0.000000e+00 : f32
    %broadcast_in_dim3A_978 = vector.broadcast %broadcast_in_dim3A_977 : f32 to vector<16xf32>
    %swap3A_979 = arith.constant 15 : i32
    %swap3A_980 = arith.index_cast %swap3A_979 : i32 to index
    %swap3A_981 = arith.constant 32 : index
    %swap3A_982 = tpu.vector_load %arg10[%swap3A_980, %swap3A_981] {strides = array<i32>} : memref<16x128xf32, #tpu.memory_space<vmem>>, vector<1x16xf32>,
    %swap3A_983 = vector.shape_cast %swap3A_982 : vector<1x16xf32> to vector<16xf32>
    %swap3A_984 = vector.shape_cast %broadcast_in_dim3A_978 : vector<16xf32> to vector<1x16xf32>
    tpu.vector_store %arg10[%swap3A_980, %swap3A_981], %swap3A_984 {strides = array<i32>} : memref<16x128xf32, #tpu.memory_space<vmem>>, vector<1x16xf32>,
    %broadcast_in_dim3A_985 = arith.constant 0.000000e+00 : f32
    %broadcast_in_dim3A_986 = vector.broadcast %broadcast_in_dim3A_985 : f32 to vector<16xf32>
    %swap3A_987 = arith.constant 15 : i32
    %swap3A_988 = arith.index_cast %swap3A_987 : i32 to index
    %swap3A_989 = arith.constant 48 : index
    %swap3A_990 = tpu.vector_load %arg10[%swap3A_988, %swap3A_989] {strides = array<i32>} : memref<16x128xf32, #tpu.memory_space<vmem>>, vector<1x16xf32>,
    %swap3A_991 = vector.shape_cast %swap3A_990 : vector<1x16xf32> to vector<16xf32>
    %swap3A_992 = vector.shape_cast %broadcast_in_dim3A_986 : vector<16xf32> to vector<1x16xf32>
    tpu.vector_store %arg10[%swap3A_988, %swap3A_989], %swap3A_992 {strides = array<i32>} : memref<16x128xf32, #tpu.memory_space<vmem>>, vector<1x16xf32>,
    %broadcast_in_dim3A_993 = arith.constant 0.000000e+00 : f32
    %broadcast_in_dim3A_994 = vector.broadcast %broadcast_in_dim3A_993 : f32 to vector<16xf32>
    %swap3A_995 = arith.constant 15 : i32
    %swap3A_996 = arith.index_cast %swap3A_995 : i32 to index
    %swap3A_997 = arith.constant 64 : index
    %swap3A_998 = tpu.vector_load %arg10[%swap3A_996, %swap3A_997] {strides = array<i32>} : memref<16x128xf32, #tpu.memory_space<vmem>>, vector<1x16xf32>,
    %swap3A_999 = vector.shape_cast %swap3A_998 : vector<1x16xf32> to vector<16xf32>
    %swap3A_1000 = vector.shape_cast %broadcast_in_dim3A_994 : vector<16xf32> to vector<1x16xf32>
    tpu.vector_store %arg10[%swap3A_996, %swap3A_997], %swap3A_1000 {strides = array<i32>} : memref<16x128xf32, #tpu.memory_space<vmem>>, vector<1x16xf32>,
    %broadcast_in_dim3A_1001 = arith.constant 0.000000e+00 : f32
    %broadcast_in_dim3A_1002 = vector.broadcast %broadcast_in_dim3A_1001 : f32 to vector<16xf32>
    %swap3A_1003 = arith.constant 15 : i32
    %swap3A_1004 = arith.index_cast %swap3A_1003 : i32 to index
    %swap3A_1005 = arith.constant 80 : index
    %swap3A_1006 = tpu.vector_load %arg10[%swap3A_1004, %swap3A_1005] {strides = array<i32>} : memref<16x128xf32, #tpu.memory_space<vmem>>, vector<1x16xf32>,
    %swap3A_1007 = vector.shape_cast %swap3A_1006 : vector<1x16xf32> to vector<16xf32>
    %swap3A_1008 = vector.shape_cast %broadcast_in_dim3A_1002 : vector<16xf32> to vector<1x16xf32>
    tpu.vector_store %arg10[%swap3A_1004, %swap3A_1005], %swap3A_1008 {strides = array<i32>} : memref<16x128xf32, #tpu.memory_space<vmem>>, vector<1x16xf32>,
    %broadcast_in_dim3A_1009 = arith.constant 0.000000e+00 : f32
    %broadcast_in_dim3A_1010 = vector.broadcast %broadcast_in_dim3A_1009 : f32 to vector<16xf32>
    %swap3A_1011 = arith.constant 15 : i32
    %swap3A_1012 = arith.index_cast %swap3A_1011 : i32 to index
    %swap3A_1013 = arith.constant 96 : index
    %swap3A_1014 = tpu.vector_load %arg10[%swap3A_1012, %swap3A_1013] {strides = array<i32>} : memref<16x128xf32, #tpu.memory_space<vmem>>, vector<1x16xf32>,
    %swap3A_1015 = vector.shape_cast %swap3A_1014 : vector<1x16xf32> to vector<16xf32>
    %swap3A_1016 = vector.shape_cast %broadcast_in_dim3A_1010 : vector<16xf32> to vector<1x16xf32>
    tpu.vector_store %arg10[%swap3A_1012, %swap3A_1013], %swap3A_1016 {strides = array<i32>} : memref<16x128xf32, #tpu.memory_space<vmem>>, vector<1x16xf32>,
    %broadcast_in_dim3A_1017 = arith.constant 0.000000e+00 : f32
    %broadcast_in_dim3A_1018 = vector.broadcast %broadcast_in_dim3A_1017 : f32 to vector<16xf32>
    %swap3A_1019 = arith.constant 15 : i32
    %swap3A_1020 = arith.index_cast %swap3A_1019 : i32 to index
    %swap3A_1021 = arith.constant 112 : index
    %swap3A_1022 = tpu.vector_load %arg10[%swap3A_1020, %swap3A_1021] {strides = array<i32>} : memref<16x128xf32, #tpu.memory_space<vmem>>, vector<1x16xf32>,
    %swap3A_1023 = vector.shape_cast %swap3A_1022 : vector<1x16xf32> to vector<16xf32>
    %swap3A_1024 = vector.shape_cast %broadcast_in_dim3A_1018 : vector<16xf32> to vector<1x16xf32>
    tpu.vector_store %arg10[%swap3A_1020, %swap3A_1021], %swap3A_1024 {strides = array<i32>} : memref<16x128xf32, #tpu.memory_space<vmem>>, vector<1x16xf32>,
    %mul3A_1025 = arith.constant 624 : i32
    %mul3A_1026 = arith.muli %arg1, %mul3A_1025 : i32
    %multiple_of3A = tpu.assume_multiple %mul3A_1026, 8 : i32
    %add3A_1027 = arith.constant 0 : i32
    %add3A_1028 = arith.addi %multiple_of3A, %add3A_1027 : i32
    "tpu.region"() ({
      %run_scoped3A = tpu.sem_alloc : memref<!tpu.dma_semaphore, #tpu.memory_space<semaphore_mem>>
      %dma_start3A_1365 = arith.constant 0 : i32
      %dma_start3A_1366 = tpu.memref_slice %arg11[%add3A_1028, %dma_start3A_1365] : memref<10000x128xf32, #tpu.memory_space<vmem_shared>> -> memref<16x128xf32, #tpu.memory_space<vmem_shared>>
      %dma_start3A_1367 = arith.constant 0 : i32
      %dma_start3A_1368 = tpu.memref_slice %arg11[%add3A_1028, %dma_start3A_1367] : memref<10000x128xf32, #tpu.memory_space<vmem_shared>> -> memref<16x128xf32, #tpu.memory_space<vmem_shared>>
      tpu.enqueue_dma source(%arg10 : memref<16x128xf32, #tpu.memory_space<vmem>>) target(%dma_start3A_1368 : memref<16x128xf32, #tpu.memory_space<vmem_shared>>) target_semaphore(%run_scoped3A : memref<!tpu.dma_semaphore, #tpu.memory_space<semaphore_mem>>)
      %dma_wait3A_1369 = arith.constant 0 : i32
      %dma_wait3A_1370 = tpu.memref_slice %arg11[%add3A_1028, %dma_wait3A_1369] : memref<10000x128xf32, #tpu.memory_space<vmem_shared>> -> memref<16x128xf32, #tpu.memory_space<vmem_shared>>
      %dma_wait3A_1371 = arith.constant 0 : i32
      %dma_wait3A_1372 = tpu.memref_slice %arg11[%add3A_1028, %dma_wait3A_1371] : memref<10000x128xf32, #tpu.memory_space<vmem_shared>> -> memref<16x128xf32, #tpu.memory_space<vmem_shared>>
      tpu.wait_dma2 semaphore(%run_scoped3A : memref<!tpu.dma_semaphore, #tpu.memory_space<semaphore_mem>>) src(%arg10 : memref<16x128xf32, #tpu.memory_space<vmem>>) dst(%dma_wait3A_1372 : memref<16x128xf32, #tpu.memory_space<vmem_shared>>)
      tpu.yield
    }) : () -> ()
    %add3A_1029 = arith.constant 16 : i32
    %add3A_1030 = arith.addi %multiple_of3A, %add3A_1029 : i32
    "tpu.region"() ({
      %run_scoped3A = tpu.sem_alloc : memref<!tpu.dma_semaphore, #tpu.memory_space<semaphore_mem>>
      %dma_start3A_1365 = arith.constant 0 : i32
      %dma_start3A_1366 = tpu.memref_slice %arg11[%add3A_1030, %dma_start3A_1365] : memref<10000x128xf32, #tpu.memory_space<vmem_shared>> -> memref<16x128xf32, #tpu.memory_space<vmem_shared>>
      %dma_start3A_1367 = arith.constant 0 : i32
      %dma_start3A_1368 = tpu.memref_slice %arg11[%add3A_1030, %dma_start3A_1367] : memref<10000x128xf32, #tpu.memory_space<vmem_shared>> -> memref<16x128xf32, #tpu.memory_space<vmem_shared>>
      tpu.enqueue_dma source(%arg10 : memref<16x128xf32, #tpu.memory_space<vmem>>) target(%dma_start3A_1368 : memref<16x128xf32, #tpu.memory_space<vmem_shared>>) target_semaphore(%run_scoped3A : memref<!tpu.dma_semaphore, #tpu.memory_space<semaphore_mem>>)
      %dma_wait3A_1369 = arith.constant 0 : i32
      %dma_wait3A_1370 = tpu.memref_slice %arg11[%add3A_1030, %dma_wait3A_1369] : memref<10000x128xf32, #tpu.memory_space<vmem_shared>> -> memref<16x128xf32, #tpu.memory_space<vmem_shared>>
      %dma_wait3A_1371 = arith.constant 0 : i32
      %dma_wait3A_1372 = tpu.memref_slice %arg11[%add3A_1030, %dma_wait3A_1371] : memref<10000x128xf32, #tpu.memory_space<vmem_shared>> -> memref<16x128xf32, #tpu.memory_space<vmem_shared>>
      tpu.wait_dma2 semaphore(%run_scoped3A : memref<!tpu.dma_semaphore, #tpu.memory_space<semaphore_mem>>) src(%arg10 : memref<16x128xf32, #tpu.memory_space<vmem>>) dst(%dma_wait3A_1372 : memref<16x128xf32, #tpu.memory_space<vmem_shared>>)
      tpu.yield
    }) : () -> ()
    %add3A_1031 = arith.constant 32 : i32
    %add3A_1032 = arith.addi %multiple_of3A, %add3A_1031 : i32
    "tpu.region"() ({
      %run_scoped3A = tpu.sem_alloc : memref<!tpu.dma_semaphore, #tpu.memory_space<semaphore_mem>>
      %dma_start3A_1365 = arith.constant 0 : i32
      %dma_start3A_1366 = tpu.memref_slice %arg11[%add3A_1032, %dma_start3A_1365] : memref<10000x128xf32, #tpu.memory_space<vmem_shared>> -> memref<16x128xf32, #tpu.memory_space<vmem_shared>>
      %dma_start3A_1367 = arith.constant 0 : i32
      %dma_start3A_1368 = tpu.memref_slice %arg11[%add3A_1032, %dma_start3A_1367] : memref<10000x128xf32, #tpu.memory_space<vmem_shared>> -> memref<16x128xf32, #tpu.memory_space<vmem_shared>>
      tpu.enqueue_dma source(%arg10 : memref<16x128xf32, #tpu.memory_space<vmem>>) target(%dma_start3A_1368 : memref<16x128xf32, #tpu.memory_space<vmem_shared>>) target_semaphore(%run_scoped3A : memref<!tpu.dma_semaphore, #tpu.memory_space<semaphore_mem>>)
      %dma_wait3A_1369 = arith.constant 0 : i32
      %dma_wait3A_1370 = tpu.memref_slice %arg11[%add3A_1032, %dma_wait3A_1369] : memref<10000x128xf32, #tpu.memory_space<vmem_shared>> -> memref<16x128xf32, #tpu.memory_space<vmem_shared>>
      %dma_wait3A_1371 = arith.constant 0 : i32
      %dma_wait3A_1372 = tpu.memref_slice %arg11[%add3A_1032, %dma_wait3A_1371] : memref<10000x128xf32, #tpu.memory_space<vmem_shared>> -> memref<16x128xf32, #tpu.memory_space<vmem_shared>>
      tpu.wait_dma2 semaphore(%run_scoped3A : memref<!tpu.dma_semaphore, #tpu.memory_space<semaphore_mem>>) src(%arg10 : memref<16x128xf32, #tpu.memory_space<vmem>>) dst(%dma_wait3A_1372 : memref<16x128xf32, #tpu.memory_space<vmem_shared>>)
      tpu.yield
    }) : () -> ()
    %add3A_1033 = arith.constant 48 : i32
    %add3A_1034 = arith.addi %multiple_of3A, %add3A_1033 : i32
    "tpu.region"() ({
      %run_scoped3A = tpu.sem_alloc : memref<!tpu.dma_semaphore, #tpu.memory_space<semaphore_mem>>
      %dma_start3A_1365 = arith.constant 0 : i32
      %dma_start3A_1366 = tpu.memref_slice %arg11[%add3A_1034, %dma_start3A_1365] : memref<10000x128xf32, #tpu.memory_space<vmem_shared>> -> memref<16x128xf32, #tpu.memory_space<vmem_shared>>
      %dma_start3A_1367 = arith.constant 0 : i32
      %dma_start3A_1368 = tpu.memref_slice %arg11[%add3A_1034, %dma_start3A_1367] : memref<10000x128xf32, #tpu.memory_space<vmem_shared>> -> memref<16x128xf32, #tpu.memory_space<vmem_shared>>
      tpu.enqueue_dma source(%arg10 : memref<16x128xf32, #tpu.memory_space<vmem>>) target(%dma_start3A_1368 : memref<16x128xf32, #tpu.memory_space<vmem_shared>>) target_semaphore(%run_scoped3A : memref<!tpu.dma_semaphore, #tpu.memory_space<semaphore_mem>>)
      %dma_wait3A_1369 = arith.constant 0 : i32
      %dma_wait3A_1370 = tpu.memref_slice %arg11[%add3A_1034, %dma_wait3A_1369] : memref<10000x128xf32, #tpu.memory_space<vmem_shared>> -> memref<16x128xf32, #tpu.memory_space<vmem_shared>>
      %dma_wait3A_1371 = arith.constant 0 : i32
      %dma_wait3A_1372 = tpu.memref_slice %arg11[%add3A_1034, %dma_wait3A_1371] : memref<10000x128xf32, #tpu.memory_space<vmem_shared>> -> memref<16x128xf32, #tpu.memory_space<vmem_shared>>
      tpu.wait_dma2 semaphore(%run_scoped3A : memref<!tpu.dma_semaphore, #tpu.memory_space<semaphore_mem>>) src(%arg10 : memref<16x128xf32, #tpu.memory_space<vmem>>) dst(%dma_wait3A_1372 : memref<16x128xf32, #tpu.memory_space<vmem_shared>>)
      tpu.yield
    }) : () -> ()
    %add3A_1035 = arith.constant 64 : i32
    %add3A_1036 = arith.addi %multiple_of3A, %add3A_1035 : i32
    "tpu.region"() ({
      %run_scoped3A = tpu.sem_alloc : memref<!tpu.dma_semaphore, #tpu.memory_space<semaphore_mem>>
      %dma_start3A_1365 = arith.constant 0 : i32
      %dma_start3A_1366 = tpu.memref_slice %arg11[%add3A_1036, %dma_start3A_1365] : memref<10000x128xf32, #tpu.memory_space<vmem_shared>> -> memref<16x128xf32, #tpu.memory_space<vmem_shared>>
      %dma_start3A_1367 = arith.constant 0 : i32
      %dma_start3A_1368 = tpu.memref_slice %arg11[%add3A_1036, %dma_start3A_1367] : memref<10000x128xf32, #tpu.memory_space<vmem_shared>> -> memref<16x128xf32, #tpu.memory_space<vmem_shared>>
      tpu.enqueue_dma source(%arg10 : memref<16x128xf32, #tpu.memory_space<vmem>>) target(%dma_start3A_1368 : memref<16x128xf32, #tpu.memory_space<vmem_shared>>) target_semaphore(%run_scoped3A : memref<!tpu.dma_semaphore, #tpu.memory_space<semaphore_mem>>)
      %dma_wait3A_1369 = arith.constant 0 : i32
      %dma_wait3A_1370 = tpu.memref_slice %arg11[%add3A_1036, %dma_wait3A_1369] : memref<10000x128xf32, #tpu.memory_space<vmem_shared>> -> memref<16x128xf32, #tpu.memory_space<vmem_shared>>
      %dma_wait3A_1371 = arith.constant 0 : i32
      %dma_wait3A_1372 = tpu.memref_slice %arg11[%add3A_1036, %dma_wait3A_1371] : memref<10000x128xf32, #tpu.memory_space<vmem_shared>> -> memref<16x128xf32, #tpu.memory_space<vmem_shared>>
      tpu.wait_dma2 semaphore(%run_scoped3A : memref<!tpu.dma_semaphore, #tpu.memory_space<semaphore_mem>>) src(%arg10 : memref<16x128xf32, #tpu.memory_space<vmem>>) dst(%dma_wait3A_1372 : memref<16x128xf32, #tpu.memory_space<vmem_shared>>)
      tpu.yield
    }) : () -> ()
    %add3A_1037 = arith.constant 80 : i32
    %add3A_1038 = arith.addi %multiple_of3A, %add3A_1037 : i32
    "tpu.region"() ({
      %run_scoped3A = tpu.sem_alloc : memref<!tpu.dma_semaphore, #tpu.memory_space<semaphore_mem>>
      %dma_start3A_1365 = arith.constant 0 : i32
      %dma_start3A_1366 = tpu.memref_slice %arg11[%add3A_1038, %dma_start3A_1365] : memref<10000x128xf32, #tpu.memory_space<vmem_shared>> -> memref<16x128xf32, #tpu.memory_space<vmem_shared>>
      %dma_start3A_1367 = arith.constant 0 : i32
      %dma_start3A_1368 = tpu.memref_slice %arg11[%add3A_1038, %dma_start3A_1367] : memref<10000x128xf32, #tpu.memory_space<vmem_shared>> -> memref<16x128xf32, #tpu.memory_space<vmem_shared>>
      tpu.enqueue_dma source(%arg10 : memref<16x128xf32, #tpu.memory_space<vmem>>) target(%dma_start3A_1368 : memref<16x128xf32, #tpu.memory_space<vmem_shared>>) target_semaphore(%run_scoped3A : memref<!tpu.dma_semaphore, #tpu.memory_space<semaphore_mem>>)
      %dma_wait3A_1369 = arith.constant 0 : i32
      %dma_wait3A_1370 = tpu.memref_slice %arg11[%add3A_1038, %dma_wait3A_1369] : memref<10000x128xf32, #tpu.memory_space<vmem_shared>> -> memref<16x128xf32, #tpu.memory_space<vmem_shared>>
      %dma_wait3A_1371 = arith.constant 0 : i32
      %dma_wait3A_1372 = tpu.memref_slice %arg11[%add3A_1038, %dma_wait3A_1371] : memref<10000x128xf32, #tpu.memory_space<vmem_shared>> -> memref<16x128xf32, #tpu.memory_space<vmem_shared>>
      tpu.wait_dma2 semaphore(%run_scoped3A : memref<!tpu.dma_semaphore, #tpu.memory_space<semaphore_mem>>) src(%arg10 : memref<16x128xf32, #tpu.memory_space<vmem>>) dst(%dma_wait3A_1372 : memref<16x128xf32, #tpu.memory_space<vmem_shared>>)
      tpu.yield
    }) : () -> ()
    %add3A_1039 = arith.constant 96 : i32
    %add3A_1040 = arith.addi %multiple_of3A, %add3A_1039 : i32
    "tpu.region"() ({
      %run_scoped3A = tpu.sem_alloc : memref<!tpu.dma_semaphore, #tpu.memory_space<semaphore_mem>>
      %dma_start3A_1365 = arith.constant 0 : i32
      %dma_start3A_1366 = tpu.memref_slice %arg11[%add3A_1040, %dma_start3A_1365] : memref<10000x128xf32, #tpu.memory_space<vmem_shared>> -> memref<16x128xf32, #tpu.memory_space<vmem_shared>>
      %dma_start3A_1367 = arith.constant 0 : i32
      %dma_start3A_1368 = tpu.memref_slice %arg11[%add3A_1040, %dma_start3A_1367] : memref<10000x128xf32, #tpu.memory_space<vmem_shared>> -> memref<16x128xf32, #tpu.memory_space<vmem_shared>>
      tpu.enqueue_dma source(%arg10 : memref<16x128xf32, #tpu.memory_space<vmem>>) target(%dma_start3A_1368 : memref<16x128xf32, #tpu.memory_space<vmem_shared>>) target_semaphore(%run_scoped3A : memref<!tpu.dma_semaphore, #tpu.memory_space<semaphore_mem>>)
      %dma_wait3A_1369 = arith.constant 0 : i32
      %dma_wait3A_1370 = tpu.memref_slice %arg11[%add3A_1040, %dma_wait3A_1369] : memref<10000x128xf32, #tpu.memory_space<vmem_shared>> -> memref<16x128xf32, #tpu.memory_space<vmem_shared>>
      %dma_wait3A_1371 = arith.constant 0 : i32
      %dma_wait3A_1372 = tpu.memref_slice %arg11[%add3A_1040, %dma_wait3A_1371] : memref<10000x128xf32, #tpu.memory_space<vmem_shared>> -> memref<16x128xf32, #tpu.memory_space<vmem_shared>>
      tpu.wait_dma2 semaphore(%run_scoped3A : memref<!tpu.dma_semaphore, #tpu.memory_space<semaphore_mem>>) src(%arg10 : memref<16x128xf32, #tpu.memory_space<vmem>>) dst(%dma_wait3A_1372 : memref<16x128xf32, #tpu.memory_space<vmem_shared>>)
      tpu.yield
    }) : () -> ()
    %add3A_1041 = arith.constant 112 : i32
    %add3A_1042 = arith.addi %multiple_of3A, %add3A_1041 : i32
    "tpu.region"() ({
      %run_scoped3A = tpu.sem_alloc : memref<!tpu.dma_semaphore, #tpu.memory_space<semaphore_mem>>
      %dma_start3A_1365 = arith.constant 0 : i32
      %dma_start3A_1366 = tpu.memref_slice %arg11[%add3A_1042, %dma_start3A_1365] : memref<10000x128xf32, #tpu.memory_space<vmem_shared>> -> memref<16x128xf32, #tpu.memory_space<vmem_shared>>
      %dma_start3A_1367 = arith.constant 0 : i32
      %dma_start3A_1368 = tpu.memref_slice %arg11[%add3A_1042, %dma_start3A_1367] : memref<10000x128xf32, #tpu.memory_space<vmem_shared>> -> memref<16x128xf32, #tpu.memory_space<vmem_shared>>
      tpu.enqueue_dma source(%arg10 : memref<16x128xf32, #tpu.memory_space<vmem>>) target(%dma_start3A_1368 : memref<16x128xf32, #tpu.memory_space<vmem_shared>>) target_semaphore(%run_scoped3A : memref<!tpu.dma_semaphore, #tpu.memory_space<semaphore_mem>>)
      %dma_wait3A_1369 = arith.constant 0 : i32
      %dma_wait3A_1370 = tpu.memref_slice %arg11[%add3A_1042, %dma_wait3A_1369] : memref<10000x128xf32, #tpu.memory_space<vmem_shared>> -> memref<16x128xf32, #tpu.memory_space<vmem_shared>>
      %dma_wait3A_1371 = arith.constant 0 : i32
      %dma_wait3A_1372 = tpu.memref_slice %arg11[%add3A_1042, %dma_wait3A_1371] : memref<10000x128xf32, #tpu.memory_space<vmem_shared>> -> memref<16x128xf32, #tpu.memory_space<vmem_shared>>
      tpu.wait_dma2 semaphore(%run_scoped3A : memref<!tpu.dma_semaphore, #tpu.memory_space<semaphore_mem>>) src(%arg10 : memref<16x128xf32, #tpu.memory_space<vmem>>) dst(%dma_wait3A_1372 : memref<16x128xf32, #tpu.memory_space<vmem_shared>>)
      tpu.yield
    }) : () -> ()
    %add3A_1043 = arith.constant 128 : i32
    %add3A_1044 = arith.addi %multiple_of3A, %add3A_1043 : i32
    "tpu.region"() ({
      %run_scoped3A = tpu.sem_alloc : memref<!tpu.dma_semaphore, #tpu.memory_space<semaphore_mem>>
      %dma_start3A_1365 = arith.constant 0 : i32
      %dma_start3A_1366 = tpu.memref_slice %arg11[%add3A_1044, %dma_start3A_1365] : memref<10000x128xf32, #tpu.memory_space<vmem_shared>> -> memref<16x128xf32, #tpu.memory_space<vmem_shared>>
      %dma_start3A_1367 = arith.constant 0 : i32
      %dma_start3A_1368 = tpu.memref_slice %arg11[%add3A_1044, %dma_start3A_1367] : memref<10000x128xf32, #tpu.memory_space<vmem_shared>> -> memref<16x128xf32, #tpu.memory_space<vmem_shared>>
      tpu.enqueue_dma source(%arg10 : memref<16x128xf32, #tpu.memory_space<vmem>>) target(%dma_start3A_1368 : memref<16x128xf32, #tpu.memory_space<vmem_shared>>) target_semaphore(%run_scoped3A : memref<!tpu.dma_semaphore, #tpu.memory_space<semaphore_mem>>)
      %dma_wait3A_1369 = arith.constant 0 : i32
      %dma_wait3A_1370 = tpu.memref_slice %arg11[%add3A_1044, %dma_wait3A_1369] : memref<10000x128xf32, #tpu.memory_space<vmem_shared>> -> memref<16x128xf32, #tpu.memory_space<vmem_shared>>
      %dma_wait3A_1371 = arith.constant 0 : i32
      %dma_wait3A_1372 = tpu.memref_slice %arg11[%add3A_1044, %dma_wait3A_1371] : memref<10000x128xf32, #tpu.memory_space<vmem_shared>> -> memref<16x128xf32, #tpu.memory_space<vmem_shared>>
      tpu.wait_dma2 semaphore(%run_scoped3A : memref<!tpu.dma_semaphore, #tpu.memory_space<semaphore_mem>>) src(%arg10 : memref<16x128xf32, #tpu.memory_space<vmem>>) dst(%dma_wait3A_1372 : memref<16x128xf32, #tpu.memory_space<vmem_shared>>)
      tpu.yield
    }) : () -> ()
    %add3A_1045 = arith.constant 144 : i32
    %add3A_1046 = arith.addi %multiple_of3A, %add3A_1045 : i32
    "tpu.region"() ({
      %run_scoped3A = tpu.sem_alloc : memref<!tpu.dma_semaphore, #tpu.memory_space<semaphore_mem>>
      %dma_start3A_1365 = arith.constant 0 : i32
      %dma_start3A_1366 = tpu.memref_slice %arg11[%add3A_1046, %dma_start3A_1365] : memref<10000x128xf32, #tpu.memory_space<vmem_shared>> -> memref<16x128xf32, #tpu.memory_space<vmem_shared>>
      %dma_start3A_1367 = arith.constant 0 : i32
      %dma_start3A_1368 = tpu.memref_slice %arg11[%add3A_1046, %dma_start3A_1367] : memref<10000x128xf32, #tpu.memory_space<vmem_shared>> -> memref<16x128xf32, #tpu.memory_space<vmem_shared>>
      tpu.enqueue_dma source(%arg10 : memref<16x128xf32, #tpu.memory_space<vmem>>) target(%dma_start3A_1368 : memref<16x128xf32, #tpu.memory_space<vmem_shared>>) target_semaphore(%run_scoped3A : memref<!tpu.dma_semaphore, #tpu.memory_space<semaphore_mem>>)
      %dma_wait3A_1369 = arith.constant 0 : i32
      %dma_wait3A_1370 = tpu.memref_slice %arg11[%add3A_1046, %dma_wait3A_1369] : memref<10000x128xf32, #tpu.memory_space<vmem_shared>> -> memref<16x128xf32, #tpu.memory_space<vmem_shared>>
      %dma_wait3A_1371 = arith.constant 0 : i32
      %dma_wait3A_1372 = tpu.memref_slice %arg11[%add3A_1046, %dma_wait3A_1371] : memref<10000x128xf32, #tpu.memory_space<vmem_shared>> -> memref<16x128xf32, #tpu.memory_space<vmem_shared>>
      tpu.wait_dma2 semaphore(%run_scoped3A : memref<!tpu.dma_semaphore, #tpu.memory_space<semaphore_mem>>) src(%arg10 : memref<16x128xf32, #tpu.memory_space<vmem>>) dst(%dma_wait3A_1372 : memref<16x128xf32, #tpu.memory_space<vmem_shared>>)
      tpu.yield
    }) : () -> ()
    %add3A_1047 = arith.constant 160 : i32
    %add3A_1048 = arith.addi %multiple_of3A, %add3A_1047 : i32
    "tpu.region"() ({
      %run_scoped3A = tpu.sem_alloc : memref<!tpu.dma_semaphore, #tpu.memory_space<semaphore_mem>>
      %dma_start3A_1365 = arith.constant 0 : i32
      %dma_start3A_1366 = tpu.memref_slice %arg11[%add3A_1048, %dma_start3A_1365] : memref<10000x128xf32, #tpu.memory_space<vmem_shared>> -> memref<16x128xf32, #tpu.memory_space<vmem_shared>>
      %dma_start3A_1367 = arith.constant 0 : i32
      %dma_start3A_1368 = tpu.memref_slice %arg11[%add3A_1048, %dma_start3A_1367] : memref<10000x128xf32, #tpu.memory_space<vmem_shared>> -> memref<16x128xf32, #tpu.memory_space<vmem_shared>>
      tpu.enqueue_dma source(%arg10 : memref<16x128xf32, #tpu.memory_space<vmem>>) target(%dma_start3A_1368 : memref<16x128xf32, #tpu.memory_space<vmem_shared>>) target_semaphore(%run_scoped3A : memref<!tpu.dma_semaphore, #tpu.memory_space<semaphore_mem>>)
      %dma_wait3A_1369 = arith.constant 0 : i32
      %dma_wait3A_1370 = tpu.memref_slice %arg11[%add3A_1048, %dma_wait3A_1369] : memref<10000x128xf32, #tpu.memory_space<vmem_shared>> -> memref<16x128xf32, #tpu.memory_space<vmem_shared>>
      %dma_wait3A_1371 = arith.constant 0 : i32
      %dma_wait3A_1372 = tpu.memref_slice %arg11[%add3A_1048, %dma_wait3A_1371] : memref<10000x128xf32, #tpu.memory_space<vmem_shared>> -> memref<16x128xf32, #tpu.memory_space<vmem_shared>>
      tpu.wait_dma2 semaphore(%run_scoped3A : memref<!tpu.dma_semaphore, #tpu.memory_space<semaphore_mem>>) src(%arg10 : memref<16x128xf32, #tpu.memory_space<vmem>>) dst(%dma_wait3A_1372 : memref<16x128xf32, #tpu.memory_space<vmem_shared>>)
      tpu.yield
    }) : () -> ()
    %add3A_1049 = arith.constant 176 : i32
    %add3A_1050 = arith.addi %multiple_of3A, %add3A_1049 : i32
    "tpu.region"() ({
      %run_scoped3A = tpu.sem_alloc : memref<!tpu.dma_semaphore, #tpu.memory_space<semaphore_mem>>
      %dma_start3A_1365 = arith.constant 0 : i32
      %dma_start3A_1366 = tpu.memref_slice %arg11[%add3A_1050, %dma_start3A_1365] : memref<10000x128xf32, #tpu.memory_space<vmem_shared>> -> memref<16x128xf32, #tpu.memory_space<vmem_shared>>
      %dma_start3A_1367 = arith.constant 0 : i32
      %dma_start3A_1368 = tpu.memref_slice %arg11[%add3A_1050, %dma_start3A_1367] : memref<10000x128xf32, #tpu.memory_space<vmem_shared>> -> memref<16x128xf32, #tpu.memory_space<vmem_shared>>
      tpu.enqueue_dma source(%arg10 : memref<16x128xf32, #tpu.memory_space<vmem>>) target(%dma_start3A_1368 : memref<16x128xf32, #tpu.memory_space<vmem_shared>>) target_semaphore(%run_scoped3A : memref<!tpu.dma_semaphore, #tpu.memory_space<semaphore_mem>>)
      %dma_wait3A_1369 = arith.constant 0 : i32
      %dma_wait3A_1370 = tpu.memref_slice %arg11[%add3A_1050, %dma_wait3A_1369] : memref<10000x128xf32, #tpu.memory_space<vmem_shared>> -> memref<16x128xf32, #tpu.memory_space<vmem_shared>>
      %dma_wait3A_1371 = arith.constant 0 : i32
      %dma_wait3A_1372 = tpu.memref_slice %arg11[%add3A_1050, %dma_wait3A_1371] : memref<10000x128xf32, #tpu.memory_space<vmem_shared>> -> memref<16x128xf32, #tpu.memory_space<vmem_shared>>
      tpu.wait_dma2 semaphore(%run_scoped3A : memref<!tpu.dma_semaphore, #tpu.memory_space<semaphore_mem>>) src(%arg10 : memref<16x128xf32, #tpu.memory_space<vmem>>) dst(%dma_wait3A_1372 : memref<16x128xf32, #tpu.memory_space<vmem_shared>>)
      tpu.yield
    }) : () -> ()
    %add3A_1051 = arith.constant 192 : i32
    %add3A_1052 = arith.addi %multiple_of3A, %add3A_1051 : i32
    "tpu.region"() ({
      %run_scoped3A = tpu.sem_alloc : memref<!tpu.dma_semaphore, #tpu.memory_space<semaphore_mem>>
      %dma_start3A_1365 = arith.constant 0 : i32
      %dma_start3A_1366 = tpu.memref_slice %arg11[%add3A_1052, %dma_start3A_1365] : memref<10000x128xf32, #tpu.memory_space<vmem_shared>> -> memref<16x128xf32, #tpu.memory_space<vmem_shared>>
      %dma_start3A_1367 = arith.constant 0 : i32
      %dma_start3A_1368 = tpu.memref_slice %arg11[%add3A_1052, %dma_start3A_1367] : memref<10000x128xf32, #tpu.memory_space<vmem_shared>> -> memref<16x128xf32, #tpu.memory_space<vmem_shared>>
      tpu.enqueue_dma source(%arg10 : memref<16x128xf32, #tpu.memory_space<vmem>>) target(%dma_start3A_1368 : memref<16x128xf32, #tpu.memory_space<vmem_shared>>) target_semaphore(%run_scoped3A : memref<!tpu.dma_semaphore, #tpu.memory_space<semaphore_mem>>)
      %dma_wait3A_1369 = arith.constant 0 : i32
      %dma_wait3A_1370 = tpu.memref_slice %arg11[%add3A_1052, %dma_wait3A_1369] : memref<10000x128xf32, #tpu.memory_space<vmem_shared>> -> memref<16x128xf32, #tpu.memory_space<vmem_shared>>
      %dma_wait3A_1371 = arith.constant 0 : i32
      %dma_wait3A_1372 = tpu.memref_slice %arg11[%add3A_1052, %dma_wait3A_1371] : memref<10000x128xf32, #tpu.memory_space<vmem_shared>> -> memref<16x128xf32, #tpu.memory_space<vmem_shared>>
      tpu.wait_dma2 semaphore(%run_scoped3A : memref<!tpu.dma_semaphore, #tpu.memory_space<semaphore_mem>>) src(%arg10 : memref<16x128xf32, #tpu.memory_space<vmem>>) dst(%dma_wait3A_1372 : memref<16x128xf32, #tpu.memory_space<vmem_shared>>)
      tpu.yield
    }) : () -> ()
    %add3A_1053 = arith.constant 208 : i32
    %add3A_1054 = arith.addi %multiple_of3A, %add3A_1053 : i32
    "tpu.region"() ({
      %run_scoped3A = tpu.sem_alloc : memref<!tpu.dma_semaphore, #tpu.memory_space<semaphore_mem>>
      %dma_start3A_1365 = arith.constant 0 : i32
      %dma_start3A_1366 = tpu.memref_slice %arg11[%add3A_1054, %dma_start3A_1365] : memref<10000x128xf32, #tpu.memory_space<vmem_shared>> -> memref<16x128xf32, #tpu.memory_space<vmem_shared>>
      %dma_start3A_1367 = arith.constant 0 : i32
      %dma_start3A_1368 = tpu.memref_slice %arg11[%add3A_1054, %dma_start3A_1367] : memref<10000x128xf32, #tpu.memory_space<vmem_shared>> -> memref<16x128xf32, #tpu.memory_space<vmem_shared>>
      tpu.enqueue_dma source(%arg10 : memref<16x128xf32, #tpu.memory_space<vmem>>) target(%dma_start3A_1368 : memref<16x128xf32, #tpu.memory_space<vmem_shared>>) target_semaphore(%run_scoped3A : memref<!tpu.dma_semaphore, #tpu.memory_space<semaphore_mem>>)
      %dma_wait3A_1369 = arith.constant 0 : i32
      %dma_wait3A_1370 = tpu.memref_slice %arg11[%add3A_1054, %dma_wait3A_1369] : memref<10000x128xf32, #tpu.memory_space<vmem_shared>> -> memref<16x128xf32, #tpu.memory_space<vmem_shared>>
      %dma_wait3A_1371 = arith.constant 0 : i32
      %dma_wait3A_1372 = tpu.memref_slice %arg11[%add3A_1054, %dma_wait3A_1371] : memref<10000x128xf32, #tpu.memory_space<vmem_shared>> -> memref<16x128xf32, #tpu.memory_space<vmem_shared>>
      tpu.wait_dma2 semaphore(%run_scoped3A : memref<!tpu.dma_semaphore, #tpu.memory_space<semaphore_mem>>) src(%arg10 : memref<16x128xf32, #tpu.memory_space<vmem>>) dst(%dma_wait3A_1372 : memref<16x128xf32, #tpu.memory_space<vmem_shared>>)
      tpu.yield
    }) : () -> ()
    %add3A_1055 = arith.constant 224 : i32
    %add3A_1056 = arith.addi %multiple_of3A, %add3A_1055 : i32
    "tpu.region"() ({
      %run_scoped3A = tpu.sem_alloc : memref<!tpu.dma_semaphore, #tpu.memory_space<semaphore_mem>>
      %dma_start3A_1365 = arith.constant 0 : i32
      %dma_start3A_1366 = tpu.memref_slice %arg11[%add3A_1056, %dma_start3A_1365] : memref<10000x128xf32, #tpu.memory_space<vmem_shared>> -> memref<16x128xf32, #tpu.memory_space<vmem_shared>>
      %dma_start3A_1367 = arith.constant 0 : i32
      %dma_start3A_1368 = tpu.memref_slice %arg11[%add3A_1056, %dma_start3A_1367] : memref<10000x128xf32, #tpu.memory_space<vmem_shared>> -> memref<16x128xf32, #tpu.memory_space<vmem_shared>>
      tpu.enqueue_dma source(%arg10 : memref<16x128xf32, #tpu.memory_space<vmem>>) target(%dma_start3A_1368 : memref<16x128xf32, #tpu.memory_space<vmem_shared>>) target_semaphore(%run_scoped3A : memref<!tpu.dma_semaphore, #tpu.memory_space<semaphore_mem>>)
      %dma_wait3A_1369 = arith.constant 0 : i32
      %dma_wait3A_1370 = tpu.memref_slice %arg11[%add3A_1056, %dma_wait3A_1369] : memref<10000x128xf32, #tpu.memory_space<vmem_shared>> -> memref<16x128xf32, #tpu.memory_space<vmem_shared>>
      %dma_wait3A_1371 = arith.constant 0 : i32
      %dma_wait3A_1372 = tpu.memref_slice %arg11[%add3A_1056, %dma_wait3A_1371] : memref<10000x128xf32, #tpu.memory_space<vmem_shared>> -> memref<16x128xf32, #tpu.memory_space<vmem_shared>>
      tpu.wait_dma2 semaphore(%run_scoped3A : memref<!tpu.dma_semaphore, #tpu.memory_space<semaphore_mem>>) src(%arg10 : memref<16x128xf32, #tpu.memory_space<vmem>>) dst(%dma_wait3A_1372 : memref<16x128xf32, #tpu.memory_space<vmem_shared>>)
      tpu.yield
    }) : () -> ()
    %add3A_1057 = arith.constant 240 : i32
    %add3A_1058 = arith.addi %multiple_of3A, %add3A_1057 : i32
    "tpu.region"() ({
      %run_scoped3A = tpu.sem_alloc : memref<!tpu.dma_semaphore, #tpu.memory_space<semaphore_mem>>
      %dma_start3A_1365 = arith.constant 0 : i32
      %dma_start3A_1366 = tpu.memref_slice %arg11[%add3A_1058, %dma_start3A_1365] : memref<10000x128xf32, #tpu.memory_space<vmem_shared>> -> memref<16x128xf32, #tpu.memory_space<vmem_shared>>
      %dma_start3A_1367 = arith.constant 0 : i32
      %dma_start3A_1368 = tpu.memref_slice %arg11[%add3A_1058, %dma_start3A_1367] : memref<10000x128xf32, #tpu.memory_space<vmem_shared>> -> memref<16x128xf32, #tpu.memory_space<vmem_shared>>
      tpu.enqueue_dma source(%arg10 : memref<16x128xf32, #tpu.memory_space<vmem>>) target(%dma_start3A_1368 : memref<16x128xf32, #tpu.memory_space<vmem_shared>>) target_semaphore(%run_scoped3A : memref<!tpu.dma_semaphore, #tpu.memory_space<semaphore_mem>>)
      %dma_wait3A_1369 = arith.constant 0 : i32
      %dma_wait3A_1370 = tpu.memref_slice %arg11[%add3A_1058, %dma_wait3A_1369] : memref<10000x128xf32, #tpu.memory_space<vmem_shared>> -> memref<16x128xf32, #tpu.memory_space<vmem_shared>>
      %dma_wait3A_1371 = arith.constant 0 : i32
      %dma_wait3A_1372 = tpu.memref_slice %arg11[%add3A_1058, %dma_wait3A_1371] : memref<10000x128xf32, #tpu.memory_space<vmem_shared>> -> memref<16x128xf32, #tpu.memory_space<vmem_shared>>
      tpu.wait_dma2 semaphore(%run_scoped3A : memref<!tpu.dma_semaphore, #tpu.memory_space<semaphore_mem>>) src(%arg10 : memref<16x128xf32, #tpu.memory_space<vmem>>) dst(%dma_wait3A_1372 : memref<16x128xf32, #tpu.memory_space<vmem_shared>>)
      tpu.yield
    }) : () -> ()
    %add3A_1059 = arith.constant 256 : i32
    %add3A_1060 = arith.addi %multiple_of3A, %add3A_1059 : i32
    "tpu.region"() ({
      %run_scoped3A = tpu.sem_alloc : memref<!tpu.dma_semaphore, #tpu.memory_space<semaphore_mem>>
      %dma_start3A_1365 = arith.constant 0 : i32
      %dma_start3A_1366 = tpu.memref_slice %arg11[%add3A_1060, %dma_start3A_1365] : memref<10000x128xf32, #tpu.memory_space<vmem_shared>> -> memref<16x128xf32, #tpu.memory_space<vmem_shared>>
      %dma_start3A_1367 = arith.constant 0 : i32
      %dma_start3A_1368 = tpu.memref_slice %arg11[%add3A_1060, %dma_start3A_1367] : memref<10000x128xf32, #tpu.memory_space<vmem_shared>> -> memref<16x128xf32, #tpu.memory_space<vmem_shared>>
      tpu.enqueue_dma source(%arg10 : memref<16x128xf32, #tpu.memory_space<vmem>>) target(%dma_start3A_1368 : memref<16x128xf32, #tpu.memory_space<vmem_shared>>) target_semaphore(%run_scoped3A : memref<!tpu.dma_semaphore, #tpu.memory_space<semaphore_mem>>)
      %dma_wait3A_1369 = arith.constant 0 : i32
      %dma_wait3A_1370 = tpu.memref_slice %arg11[%add3A_1060, %dma_wait3A_1369] : memref<10000x128xf32, #tpu.memory_space<vmem_shared>> -> memref<16x128xf32, #tpu.memory_space<vmem_shared>>
      %dma_wait3A_1371 = arith.constant 0 : i32
      %dma_wait3A_1372 = tpu.memref_slice %arg11[%add3A_1060, %dma_wait3A_1371] : memref<10000x128xf32, #tpu.memory_space<vmem_shared>> -> memref<16x128xf32, #tpu.memory_space<vmem_shared>>
      tpu.wait_dma2 semaphore(%run_scoped3A : memref<!tpu.dma_semaphore, #tpu.memory_space<semaphore_mem>>) src(%arg10 : memref<16x128xf32, #tpu.memory_space<vmem>>) dst(%dma_wait3A_1372 : memref<16x128xf32, #tpu.memory_space<vmem_shared>>)
      tpu.yield
    }) : () -> ()
    %add3A_1061 = arith.constant 272 : i32
    %add3A_1062 = arith.addi %multiple_of3A, %add3A_1061 : i32
    "tpu.region"() ({
      %run_scoped3A = tpu.sem_alloc : memref<!tpu.dma_semaphore, #tpu.memory_space<semaphore_mem>>
      %dma_start3A_1365 = arith.constant 0 : i32
      %dma_start3A_1366 = tpu.memref_slice %arg11[%add3A_1062, %dma_start3A_1365] : memref<10000x128xf32, #tpu.memory_space<vmem_shared>> -> memref<16x128xf32, #tpu.memory_space<vmem_shared>>
      %dma_start3A_1367 = arith.constant 0 : i32
      %dma_start3A_1368 = tpu.memref_slice %arg11[%add3A_1062, %dma_start3A_1367] : memref<10000x128xf32, #tpu.memory_space<vmem_shared>> -> memref<16x128xf32, #tpu.memory_space<vmem_shared>>
      tpu.enqueue_dma source(%arg10 : memref<16x128xf32, #tpu.memory_space<vmem>>) target(%dma_start3A_1368 : memref<16x128xf32, #tpu.memory_space<vmem_shared>>) target_semaphore(%run_scoped3A : memref<!tpu.dma_semaphore, #tpu.memory_space<semaphore_mem>>)
      %dma_wait3A_1369 = arith.constant 0 : i32
      %dma_wait3A_1370 = tpu.memref_slice %arg11[%add3A_1062, %dma_wait3A_1369] : memref<10000x128xf32, #tpu.memory_space<vmem_shared>> -> memref<16x128xf32, #tpu.memory_space<vmem_shared>>
      %dma_wait3A_1371 = arith.constant 0 : i32
      %dma_wait3A_1372 = tpu.memref_slice %arg11[%add3A_1062, %dma_wait3A_1371] : memref<10000x128xf32, #tpu.memory_space<vmem_shared>> -> memref<16x128xf32, #tpu.memory_space<vmem_shared>>
      tpu.wait_dma2 semaphore(%run_scoped3A : memref<!tpu.dma_semaphore, #tpu.memory_space<semaphore_mem>>) src(%arg10 : memref<16x128xf32, #tpu.memory_space<vmem>>) dst(%dma_wait3A_1372 : memref<16x128xf32, #tpu.memory_space<vmem_shared>>)
      tpu.yield
    }) : () -> ()
    %add3A_1063 = arith.constant 288 : i32
    %add3A_1064 = arith.addi %multiple_of3A, %add3A_1063 : i32
    "tpu.region"() ({
      %run_scoped3A = tpu.sem_alloc : memref<!tpu.dma_semaphore, #tpu.memory_space<semaphore_mem>>
      %dma_start3A_1365 = arith.constant 0 : i32
      %dma_start3A_1366 = tpu.memref_slice %arg11[%add3A_1064, %dma_start3A_1365] : memref<10000x128xf32, #tpu.memory_space<vmem_shared>> -> memref<16x128xf32, #tpu.memory_space<vmem_shared>>
      %dma_start3A_1367 = arith.constant 0 : i32
      %dma_start3A_1368 = tpu.memref_slice %arg11[%add3A_1064, %dma_start3A_1367] : memref<10000x128xf32, #tpu.memory_space<vmem_shared>> -> memref<16x128xf32, #tpu.memory_space<vmem_shared>>
      tpu.enqueue_dma source(%arg10 : memref<16x128xf32, #tpu.memory_space<vmem>>) target(%dma_start3A_1368 : memref<16x128xf32, #tpu.memory_space<vmem_shared>>) target_semaphore(%run_scoped3A : memref<!tpu.dma_semaphore, #tpu.memory_space<semaphore_mem>>)
      %dma_wait3A_1369 = arith.constant 0 : i32
      %dma_wait3A_1370 = tpu.memref_slice %arg11[%add3A_1064, %dma_wait3A_1369] : memref<10000x128xf32, #tpu.memory_space<vmem_shared>> -> memref<16x128xf32, #tpu.memory_space<vmem_shared>>
      %dma_wait3A_1371 = arith.constant 0 : i32
      %dma_wait3A_1372 = tpu.memref_slice %arg11[%add3A_1064, %dma_wait3A_1371] : memref<10000x128xf32, #tpu.memory_space<vmem_shared>> -> memref<16x128xf32, #tpu.memory_space<vmem_shared>>
      tpu.wait_dma2 semaphore(%run_scoped3A : memref<!tpu.dma_semaphore, #tpu.memory_space<semaphore_mem>>) src(%arg10 : memref<16x128xf32, #tpu.memory_space<vmem>>) dst(%dma_wait3A_1372 : memref<16x128xf32, #tpu.memory_space<vmem_shared>>)
      tpu.yield
    }) : () -> ()
    %add3A_1065 = arith.constant 304 : i32
    %add3A_1066 = arith.addi %multiple_of3A, %add3A_1065 : i32
    "tpu.region"() ({
      %run_scoped3A = tpu.sem_alloc : memref<!tpu.dma_semaphore, #tpu.memory_space<semaphore_mem>>
      %dma_start3A_1365 = arith.constant 0 : i32
      %dma_start3A_1366 = tpu.memref_slice %arg11[%add3A_1066, %dma_start3A_1365] : memref<10000x128xf32, #tpu.memory_space<vmem_shared>> -> memref<16x128xf32, #tpu.memory_space<vmem_shared>>
      %dma_start3A_1367 = arith.constant 0 : i32
      %dma_start3A_1368 = tpu.memref_slice %arg11[%add3A_1066, %dma_start3A_1367] : memref<10000x128xf32, #tpu.memory_space<vmem_shared>> -> memref<16x128xf32, #tpu.memory_space<vmem_shared>>
      tpu.enqueue_dma source(%arg10 : memref<16x128xf32, #tpu.memory_space<vmem>>) target(%dma_start3A_1368 : memref<16x128xf32, #tpu.memory_space<vmem_shared>>) target_semaphore(%run_scoped3A : memref<!tpu.dma_semaphore, #tpu.memory_space<semaphore_mem>>)
      %dma_wait3A_1369 = arith.constant 0 : i32
      %dma_wait3A_1370 = tpu.memref_slice %arg11[%add3A_1066, %dma_wait3A_1369] : memref<10000x128xf32, #tpu.memory_space<vmem_shared>> -> memref<16x128xf32, #tpu.memory_space<vmem_shared>>
      %dma_wait3A_1371 = arith.constant 0 : i32
      %dma_wait3A_1372 = tpu.memref_slice %arg11[%add3A_1066, %dma_wait3A_1371] : memref<10000x128xf32, #tpu.memory_space<vmem_shared>> -> memref<16x128xf32, #tpu.memory_space<vmem_shared>>
      tpu.wait_dma2 semaphore(%run_scoped3A : memref<!tpu.dma_semaphore, #tpu.memory_space<semaphore_mem>>) src(%arg10 : memref<16x128xf32, #tpu.memory_space<vmem>>) dst(%dma_wait3A_1372 : memref<16x128xf32, #tpu.memory_space<vmem_shared>>)
      tpu.yield
    }) : () -> ()
    %add3A_1067 = arith.constant 320 : i32
    %add3A_1068 = arith.addi %multiple_of3A, %add3A_1067 : i32
    "tpu.region"() ({
      %run_scoped3A = tpu.sem_alloc : memref<!tpu.dma_semaphore, #tpu.memory_space<semaphore_mem>>
      %dma_start3A_1365 = arith.constant 0 : i32
      %dma_start3A_1366 = tpu.memref_slice %arg11[%add3A_1068, %dma_start3A_1365] : memref<10000x128xf32, #tpu.memory_space<vmem_shared>> -> memref<16x128xf32, #tpu.memory_space<vmem_shared>>
      %dma_start3A_1367 = arith.constant 0 : i32
      %dma_start3A_1368 = tpu.memref_slice %arg11[%add3A_1068, %dma_start3A_1367] : memref<10000x128xf32, #tpu.memory_space<vmem_shared>> -> memref<16x128xf32, #tpu.memory_space<vmem_shared>>
      tpu.enqueue_dma source(%arg10 : memref<16x128xf32, #tpu.memory_space<vmem>>) target(%dma_start3A_1368 : memref<16x128xf32, #tpu.memory_space<vmem_shared>>) target_semaphore(%run_scoped3A : memref<!tpu.dma_semaphore, #tpu.memory_space<semaphore_mem>>)
      %dma_wait3A_1369 = arith.constant 0 : i32
      %dma_wait3A_1370 = tpu.memref_slice %arg11[%add3A_1068, %dma_wait3A_1369] : memref<10000x128xf32, #tpu.memory_space<vmem_shared>> -> memref<16x128xf32, #tpu.memory_space<vmem_shared>>
      %dma_wait3A_1371 = arith.constant 0 : i32
      %dma_wait3A_1372 = tpu.memref_slice %arg11[%add3A_1068, %dma_wait3A_1371] : memref<10000x128xf32, #tpu.memory_space<vmem_shared>> -> memref<16x128xf32, #tpu.memory_space<vmem_shared>>
      tpu.wait_dma2 semaphore(%run_scoped3A : memref<!tpu.dma_semaphore, #tpu.memory_space<semaphore_mem>>) src(%arg10 : memref<16x128xf32, #tpu.memory_space<vmem>>) dst(%dma_wait3A_1372 : memref<16x128xf32, #tpu.memory_space<vmem_shared>>)
      tpu.yield
    }) : () -> ()
    %add3A_1069 = arith.constant 336 : i32
    %add3A_1070 = arith.addi %multiple_of3A, %add3A_1069 : i32
    "tpu.region"() ({
      %run_scoped3A = tpu.sem_alloc : memref<!tpu.dma_semaphore, #tpu.memory_space<semaphore_mem>>
      %dma_start3A_1365 = arith.constant 0 : i32
      %dma_start3A_1366 = tpu.memref_slice %arg11[%add3A_1070, %dma_start3A_1365] : memref<10000x128xf32, #tpu.memory_space<vmem_shared>> -> memref<16x128xf32, #tpu.memory_space<vmem_shared>>
      %dma_start3A_1367 = arith.constant 0 : i32
      %dma_start3A_1368 = tpu.memref_slice %arg11[%add3A_1070, %dma_start3A_1367] : memref<10000x128xf32, #tpu.memory_space<vmem_shared>> -> memref<16x128xf32, #tpu.memory_space<vmem_shared>>
      tpu.enqueue_dma source(%arg10 : memref<16x128xf32, #tpu.memory_space<vmem>>) target(%dma_start3A_1368 : memref<16x128xf32, #tpu.memory_space<vmem_shared>>) target_semaphore(%run_scoped3A : memref<!tpu.dma_semaphore, #tpu.memory_space<semaphore_mem>>)
      %dma_wait3A_1369 = arith.constant 0 : i32
      %dma_wait3A_1370 = tpu.memref_slice %arg11[%add3A_1070, %dma_wait3A_1369] : memref<10000x128xf32, #tpu.memory_space<vmem_shared>> -> memref<16x128xf32, #tpu.memory_space<vmem_shared>>
      %dma_wait3A_1371 = arith.constant 0 : i32
      %dma_wait3A_1372 = tpu.memref_slice %arg11[%add3A_1070, %dma_wait3A_1371] : memref<10000x128xf32, #tpu.memory_space<vmem_shared>> -> memref<16x128xf32, #tpu.memory_space<vmem_shared>>
      tpu.wait_dma2 semaphore(%run_scoped3A : memref<!tpu.dma_semaphore, #tpu.memory_space<semaphore_mem>>) src(%arg10 : memref<16x128xf32, #tpu.memory_space<vmem>>) dst(%dma_wait3A_1372 : memref<16x128xf32, #tpu.memory_space<vmem_shared>>)
      tpu.yield
    }) : () -> ()
    %add3A_1071 = arith.constant 352 : i32
    %add3A_1072 = arith.addi %multiple_of3A, %add3A_1071 : i32
    "tpu.region"() ({
      %run_scoped3A = tpu.sem_alloc : memref<!tpu.dma_semaphore, #tpu.memory_space<semaphore_mem>>
      %dma_start3A_1365 = arith.constant 0 : i32
      %dma_start3A_1366 = tpu.memref_slice %arg11[%add3A_1072, %dma_start3A_1365] : memref<10000x128xf32, #tpu.memory_space<vmem_shared>> -> memref<16x128xf32, #tpu.memory_space<vmem_shared>>
      %dma_start3A_1367 = arith.constant 0 : i32
      %dma_start3A_1368 = tpu.memref_slice %arg11[%add3A_1072, %dma_start3A_1367] : memref<10000x128xf32, #tpu.memory_space<vmem_shared>> -> memref<16x128xf32, #tpu.memory_space<vmem_shared>>
      tpu.enqueue_dma source(%arg10 : memref<16x128xf32, #tpu.memory_space<vmem>>) target(%dma_start3A_1368 : memref<16x128xf32, #tpu.memory_space<vmem_shared>>) target_semaphore(%run_scoped3A : memref<!tpu.dma_semaphore, #tpu.memory_space<semaphore_mem>>)
      %dma_wait3A_1369 = arith.constant 0 : i32
      %dma_wait3A_1370 = tpu.memref_slice %arg11[%add3A_1072, %dma_wait3A_1369] : memref<10000x128xf32, #tpu.memory_space<vmem_shared>> -> memref<16x128xf32, #tpu.memory_space<vmem_shared>>
      %dma_wait3A_1371 = arith.constant 0 : i32
      %dma_wait3A_1372 = tpu.memref_slice %arg11[%add3A_1072, %dma_wait3A_1371] : memref<10000x128xf32, #tpu.memory_space<vmem_shared>> -> memref<16x128xf32, #tpu.memory_space<vmem_shared>>
      tpu.wait_dma2 semaphore(%run_scoped3A : memref<!tpu.dma_semaphore, #tpu.memory_space<semaphore_mem>>) src(%arg10 : memref<16x128xf32, #tpu.memory_space<vmem>>) dst(%dma_wait3A_1372 : memref<16x128xf32, #tpu.memory_space<vmem_shared>>)
      tpu.yield
    }) : () -> ()
    %add3A_1073 = arith.constant 368 : i32
    %add3A_1074 = arith.addi %multiple_of3A, %add3A_1073 : i32
    "tpu.region"() ({
      %run_scoped3A = tpu.sem_alloc : memref<!tpu.dma_semaphore, #tpu.memory_space<semaphore_mem>>
      %dma_start3A_1365 = arith.constant 0 : i32
      %dma_start3A_1366 = tpu.memref_slice %arg11[%add3A_1074, %dma_start3A_1365] : memref<10000x128xf32, #tpu.memory_space<vmem_shared>> -> memref<16x128xf32, #tpu.memory_space<vmem_shared>>
      %dma_start3A_1367 = arith.constant 0 : i32
      %dma_start3A_1368 = tpu.memref_slice %arg11[%add3A_1074, %dma_start3A_1367] : memref<10000x128xf32, #tpu.memory_space<vmem_shared>> -> memref<16x128xf32, #tpu.memory_space<vmem_shared>>
      tpu.enqueue_dma source(%arg10 : memref<16x128xf32, #tpu.memory_space<vmem>>) target(%dma_start3A_1368 : memref<16x128xf32, #tpu.memory_space<vmem_shared>>) target_semaphore(%run_scoped3A : memref<!tpu.dma_semaphore, #tpu.memory_space<semaphore_mem>>)
      %dma_wait3A_1369 = arith.constant 0 : i32
      %dma_wait3A_1370 = tpu.memref_slice %arg11[%add3A_1074, %dma_wait3A_1369] : memref<10000x128xf32, #tpu.memory_space<vmem_shared>> -> memref<16x128xf32, #tpu.memory_space<vmem_shared>>
      %dma_wait3A_1371 = arith.constant 0 : i32
      %dma_wait3A_1372 = tpu.memref_slice %arg11[%add3A_1074, %dma_wait3A_1371] : memref<10000x128xf32, #tpu.memory_space<vmem_shared>> -> memref<16x128xf32, #tpu.memory_space<vmem_shared>>
      tpu.wait_dma2 semaphore(%run_scoped3A : memref<!tpu.dma_semaphore, #tpu.memory_space<semaphore_mem>>) src(%arg10 : memref<16x128xf32, #tpu.memory_space<vmem>>) dst(%dma_wait3A_1372 : memref<16x128xf32, #tpu.memory_space<vmem_shared>>)
      tpu.yield
    }) : () -> ()
    %add3A_1075 = arith.constant 384 : i32
    %add3A_1076 = arith.addi %multiple_of3A, %add3A_1075 : i32
    "tpu.region"() ({
      %run_scoped3A = tpu.sem_alloc : memref<!tpu.dma_semaphore, #tpu.memory_space<semaphore_mem>>
      %dma_start3A_1365 = arith.constant 0 : i32
      %dma_start3A_1366 = tpu.memref_slice %arg11[%add3A_1076, %dma_start3A_1365] : memref<10000x128xf32, #tpu.memory_space<vmem_shared>> -> memref<16x128xf32, #tpu.memory_space<vmem_shared>>
      %dma_start3A_1367 = arith.constant 0 : i32
      %dma_start3A_1368 = tpu.memref_slice %arg11[%add3A_1076, %dma_start3A_1367] : memref<10000x128xf32, #tpu.memory_space<vmem_shared>> -> memref<16x128xf32, #tpu.memory_space<vmem_shared>>
      tpu.enqueue_dma source(%arg10 : memref<16x128xf32, #tpu.memory_space<vmem>>) target(%dma_start3A_1368 : memref<16x128xf32, #tpu.memory_space<vmem_shared>>) target_semaphore(%run_scoped3A : memref<!tpu.dma_semaphore, #tpu.memory_space<semaphore_mem>>)
      %dma_wait3A_1369 = arith.constant 0 : i32
      %dma_wait3A_1370 = tpu.memref_slice %arg11[%add3A_1076, %dma_wait3A_1369] : memref<10000x128xf32, #tpu.memory_space<vmem_shared>> -> memref<16x128xf32, #tpu.memory_space<vmem_shared>>
      %dma_wait3A_1371 = arith.constant 0 : i32
      %dma_wait3A_1372 = tpu.memref_slice %arg11[%add3A_1076, %dma_wait3A_1371] : memref<10000x128xf32, #tpu.memory_space<vmem_shared>> -> memref<16x128xf32, #tpu.memory_space<vmem_shared>>
      tpu.wait_dma2 semaphore(%run_scoped3A : memref<!tpu.dma_semaphore, #tpu.memory_space<semaphore_mem>>) src(%arg10 : memref<16x128xf32, #tpu.memory_space<vmem>>) dst(%dma_wait3A_1372 : memref<16x128xf32, #tpu.memory_space<vmem_shared>>)
      tpu.yield
    }) : () -> ()
    %add3A_1077 = arith.constant 400 : i32
    %add3A_1078 = arith.addi %multiple_of3A, %add3A_1077 : i32
    "tpu.region"() ({
      %run_scoped3A = tpu.sem_alloc : memref<!tpu.dma_semaphore, #tpu.memory_space<semaphore_mem>>
      %dma_start3A_1365 = arith.constant 0 : i32
      %dma_start3A_1366 = tpu.memref_slice %arg11[%add3A_1078, %dma_start3A_1365] : memref<10000x128xf32, #tpu.memory_space<vmem_shared>> -> memref<16x128xf32, #tpu.memory_space<vmem_shared>>
      %dma_start3A_1367 = arith.constant 0 : i32
      %dma_start3A_1368 = tpu.memref_slice %arg11[%add3A_1078, %dma_start3A_1367] : memref<10000x128xf32, #tpu.memory_space<vmem_shared>> -> memref<16x128xf32, #tpu.memory_space<vmem_shared>>
      tpu.enqueue_dma source(%arg10 : memref<16x128xf32, #tpu.memory_space<vmem>>) target(%dma_start3A_1368 : memref<16x128xf32, #tpu.memory_space<vmem_shared>>) target_semaphore(%run_scoped3A : memref<!tpu.dma_semaphore, #tpu.memory_space<semaphore_mem>>)
      %dma_wait3A_1369 = arith.constant 0 : i32
      %dma_wait3A_1370 = tpu.memref_slice %arg11[%add3A_1078, %dma_wait3A_1369] : memref<10000x128xf32, #tpu.memory_space<vmem_shared>> -> memref<16x128xf32, #tpu.memory_space<vmem_shared>>
      %dma_wait3A_1371 = arith.constant 0 : i32
      %dma_wait3A_1372 = tpu.memref_slice %arg11[%add3A_1078, %dma_wait3A_1371] : memref<10000x128xf32, #tpu.memory_space<vmem_shared>> -> memref<16x128xf32, #tpu.memory_space<vmem_shared>>
      tpu.wait_dma2 semaphore(%run_scoped3A : memref<!tpu.dma_semaphore, #tpu.memory_space<semaphore_mem>>) src(%arg10 : memref<16x128xf32, #tpu.memory_space<vmem>>) dst(%dma_wait3A_1372 : memref<16x128xf32, #tpu.memory_space<vmem_shared>>)
      tpu.yield
    }) : () -> ()
    %add3A_1079 = arith.constant 416 : i32
    %add3A_1080 = arith.addi %multiple_of3A, %add3A_1079 : i32
    "tpu.region"() ({
      %run_scoped3A = tpu.sem_alloc : memref<!tpu.dma_semaphore, #tpu.memory_space<semaphore_mem>>
      %dma_start3A_1365 = arith.constant 0 : i32
      %dma_start3A_1366 = tpu.memref_slice %arg11[%add3A_1080, %dma_start3A_1365] : memref<10000x128xf32, #tpu.memory_space<vmem_shared>> -> memref<16x128xf32, #tpu.memory_space<vmem_shared>>
      %dma_start3A_1367 = arith.constant 0 : i32
      %dma_start3A_1368 = tpu.memref_slice %arg11[%add3A_1080, %dma_start3A_1367] : memref<10000x128xf32, #tpu.memory_space<vmem_shared>> -> memref<16x128xf32, #tpu.memory_space<vmem_shared>>
      tpu.enqueue_dma source(%arg10 : memref<16x128xf32, #tpu.memory_space<vmem>>) target(%dma_start3A_1368 : memref<16x128xf32, #tpu.memory_space<vmem_shared>>) target_semaphore(%run_scoped3A : memref<!tpu.dma_semaphore, #tpu.memory_space<semaphore_mem>>)
      %dma_wait3A_1369 = arith.constant 0 : i32
      %dma_wait3A_1370 = tpu.memref_slice %arg11[%add3A_1080, %dma_wait3A_1369] : memref<10000x128xf32, #tpu.memory_space<vmem_shared>> -> memref<16x128xf32, #tpu.memory_space<vmem_shared>>
      %dma_wait3A_1371 = arith.constant 0 : i32
      %dma_wait3A_1372 = tpu.memref_slice %arg11[%add3A_1080, %dma_wait3A_1371] : memref<10000x128xf32, #tpu.memory_space<vmem_shared>> -> memref<16x128xf32, #tpu.memory_space<vmem_shared>>
      tpu.wait_dma2 semaphore(%run_scoped3A : memref<!tpu.dma_semaphore, #tpu.memory_space<semaphore_mem>>) src(%arg10 : memref<16x128xf32, #tpu.memory_space<vmem>>) dst(%dma_wait3A_1372 : memref<16x128xf32, #tpu.memory_space<vmem_shared>>)
      tpu.yield
    }) : () -> ()
    %add3A_1081 = arith.constant 432 : i32
    %add3A_1082 = arith.addi %multiple_of3A, %add3A_1081 : i32
    "tpu.region"() ({
      %run_scoped3A = tpu.sem_alloc : memref<!tpu.dma_semaphore, #tpu.memory_space<semaphore_mem>>
      %dma_start3A_1365 = arith.constant 0 : i32
      %dma_start3A_1366 = tpu.memref_slice %arg11[%add3A_1082, %dma_start3A_1365] : memref<10000x128xf32, #tpu.memory_space<vmem_shared>> -> memref<16x128xf32, #tpu.memory_space<vmem_shared>>
      %dma_start3A_1367 = arith.constant 0 : i32
      %dma_start3A_1368 = tpu.memref_slice %arg11[%add3A_1082, %dma_start3A_1367] : memref<10000x128xf32, #tpu.memory_space<vmem_shared>> -> memref<16x128xf32, #tpu.memory_space<vmem_shared>>
      tpu.enqueue_dma source(%arg10 : memref<16x128xf32, #tpu.memory_space<vmem>>) target(%dma_start3A_1368 : memref<16x128xf32, #tpu.memory_space<vmem_shared>>) target_semaphore(%run_scoped3A : memref<!tpu.dma_semaphore, #tpu.memory_space<semaphore_mem>>)
      %dma_wait3A_1369 = arith.constant 0 : i32
      %dma_wait3A_1370 = tpu.memref_slice %arg11[%add3A_1082, %dma_wait3A_1369] : memref<10000x128xf32, #tpu.memory_space<vmem_shared>> -> memref<16x128xf32, #tpu.memory_space<vmem_shared>>
      %dma_wait3A_1371 = arith.constant 0 : i32
      %dma_wait3A_1372 = tpu.memref_slice %arg11[%add3A_1082, %dma_wait3A_1371] : memref<10000x128xf32, #tpu.memory_space<vmem_shared>> -> memref<16x128xf32, #tpu.memory_space<vmem_shared>>
      tpu.wait_dma2 semaphore(%run_scoped3A : memref<!tpu.dma_semaphore, #tpu.memory_space<semaphore_mem>>) src(%arg10 : memref<16x128xf32, #tpu.memory_space<vmem>>) dst(%dma_wait3A_1372 : memref<16x128xf32, #tpu.memory_space<vmem_shared>>)
      tpu.yield
    }) : () -> ()
    %add3A_1083 = arith.constant 448 : i32
    %add3A_1084 = arith.addi %multiple_of3A, %add3A_1083 : i32
    "tpu.region"() ({
      %run_scoped3A = tpu.sem_alloc : memref<!tpu.dma_semaphore, #tpu.memory_space<semaphore_mem>>
      %dma_start3A_1365 = arith.constant 0 : i32
      %dma_start3A_1366 = tpu.memref_slice %arg11[%add3A_1084, %dma_start3A_1365] : memref<10000x128xf32, #tpu.memory_space<vmem_shared>> -> memref<16x128xf32, #tpu.memory_space<vmem_shared>>
      %dma_start3A_1367 = arith.constant 0 : i32
      %dma_start3A_1368 = tpu.memref_slice %arg11[%add3A_1084, %dma_start3A_1367] : memref<10000x128xf32, #tpu.memory_space<vmem_shared>> -> memref<16x128xf32, #tpu.memory_space<vmem_shared>>
      tpu.enqueue_dma source(%arg10 : memref<16x128xf32, #tpu.memory_space<vmem>>) target(%dma_start3A_1368 : memref<16x128xf32, #tpu.memory_space<vmem_shared>>) target_semaphore(%run_scoped3A : memref<!tpu.dma_semaphore, #tpu.memory_space<semaphore_mem>>)
      %dma_wait3A_1369 = arith.constant 0 : i32
      %dma_wait3A_1370 = tpu.memref_slice %arg11[%add3A_1084, %dma_wait3A_1369] : memref<10000x128xf32, #tpu.memory_space<vmem_shared>> -> memref<16x128xf32, #tpu.memory_space<vmem_shared>>
      %dma_wait3A_1371 = arith.constant 0 : i32
      %dma_wait3A_1372 = tpu.memref_slice %arg11[%add3A_1084, %dma_wait3A_1371] : memref<10000x128xf32, #tpu.memory_space<vmem_shared>> -> memref<16x128xf32, #tpu.memory_space<vmem_shared>>
      tpu.wait_dma2 semaphore(%run_scoped3A : memref<!tpu.dma_semaphore, #tpu.memory_space<semaphore_mem>>) src(%arg10 : memref<16x128xf32, #tpu.memory_space<vmem>>) dst(%dma_wait3A_1372 : memref<16x128xf32, #tpu.memory_space<vmem_shared>>)
      tpu.yield
    }) : () -> ()
    %add3A_1085 = arith.constant 464 : i32
    %add3A_1086 = arith.addi %multiple_of3A, %add3A_1085 : i32
    "tpu.region"() ({
      %run_scoped3A = tpu.sem_alloc : memref<!tpu.dma_semaphore, #tpu.memory_space<semaphore_mem>>
      %dma_start3A_1365 = arith.constant 0 : i32
      %dma_start3A_1366 = tpu.memref_slice %arg11[%add3A_1086, %dma_start3A_1365] : memref<10000x128xf32, #tpu.memory_space<vmem_shared>> -> memref<16x128xf32, #tpu.memory_space<vmem_shared>>
      %dma_start3A_1367 = arith.constant 0 : i32
      %dma_start3A_1368 = tpu.memref_slice %arg11[%add3A_1086, %dma_start3A_1367] : memref<10000x128xf32, #tpu.memory_space<vmem_shared>> -> memref<16x128xf32, #tpu.memory_space<vmem_shared>>
      tpu.enqueue_dma source(%arg10 : memref<16x128xf32, #tpu.memory_space<vmem>>) target(%dma_start3A_1368 : memref<16x128xf32, #tpu.memory_space<vmem_shared>>) target_semaphore(%run_scoped3A : memref<!tpu.dma_semaphore, #tpu.memory_space<semaphore_mem>>)
      %dma_wait3A_1369 = arith.constant 0 : i32
      %dma_wait3A_1370 = tpu.memref_slice %arg11[%add3A_1086, %dma_wait3A_1369] : memref<10000x128xf32, #tpu.memory_space<vmem_shared>> -> memref<16x128xf32, #tpu.memory_space<vmem_shared>>
      %dma_wait3A_1371 = arith.constant 0 : i32
      %dma_wait3A_1372 = tpu.memref_slice %arg11[%add3A_1086, %dma_wait3A_1371] : memref<10000x128xf32, #tpu.memory_space<vmem_shared>> -> memref<16x128xf32, #tpu.memory_space<vmem_shared>>
      tpu.wait_dma2 semaphore(%run_scoped3A : memref<!tpu.dma_semaphore, #tpu.memory_space<semaphore_mem>>) src(%arg10 : memref<16x128xf32, #tpu.memory_space<vmem>>) dst(%dma_wait3A_1372 : memref<16x128xf32, #tpu.memory_space<vmem_shared>>)
      tpu.yield
    }) : () -> ()
    %add3A_1087 = arith.constant 480 : i32
    %add3A_1088 = arith.addi %multiple_of3A, %add3A_1087 : i32
    "tpu.region"() ({
      %run_scoped3A = tpu.sem_alloc : memref<!tpu.dma_semaphore, #tpu.memory_space<semaphore_mem>>
      %dma_start3A_1365 = arith.constant 0 : i32
      %dma_start3A_1366 = tpu.memref_slice %arg11[%add3A_1088, %dma_start3A_1365] : memref<10000x128xf32, #tpu.memory_space<vmem_shared>> -> memref<16x128xf32, #tpu.memory_space<vmem_shared>>
      %dma_start3A_1367 = arith.constant 0 : i32
      %dma_start3A_1368 = tpu.memref_slice %arg11[%add3A_1088, %dma_start3A_1367] : memref<10000x128xf32, #tpu.memory_space<vmem_shared>> -> memref<16x128xf32, #tpu.memory_space<vmem_shared>>
      tpu.enqueue_dma source(%arg10 : memref<16x128xf32, #tpu.memory_space<vmem>>) target(%dma_start3A_1368 : memref<16x128xf32, #tpu.memory_space<vmem_shared>>) target_semaphore(%run_scoped3A : memref<!tpu.dma_semaphore, #tpu.memory_space<semaphore_mem>>)
      %dma_wait3A_1369 = arith.constant 0 : i32
      %dma_wait3A_1370 = tpu.memref_slice %arg11[%add3A_1088, %dma_wait3A_1369] : memref<10000x128xf32, #tpu.memory_space<vmem_shared>> -> memref<16x128xf32, #tpu.memory_space<vmem_shared>>
      %dma_wait3A_1371 = arith.constant 0 : i32
      %dma_wait3A_1372 = tpu.memref_slice %arg11[%add3A_1088, %dma_wait3A_1371] : memref<10000x128xf32, #tpu.memory_space<vmem_shared>> -> memref<16x128xf32, #tpu.memory_space<vmem_shared>>
      tpu.wait_dma2 semaphore(%run_scoped3A : memref<!tpu.dma_semaphore, #tpu.memory_space<semaphore_mem>>) src(%arg10 : memref<16x128xf32, #tpu.memory_space<vmem>>) dst(%dma_wait3A_1372 : memref<16x128xf32, #tpu.memory_space<vmem_shared>>)
      tpu.yield
    }) : () -> ()
    %add3A_1089 = arith.constant 496 : i32
    %add3A_1090 = arith.addi %multiple_of3A, %add3A_1089 : i32
    "tpu.region"() ({
      %run_scoped3A = tpu.sem_alloc : memref<!tpu.dma_semaphore, #tpu.memory_space<semaphore_mem>>
      %dma_start3A_1365 = arith.constant 0 : i32
      %dma_start3A_1366 = tpu.memref_slice %arg11[%add3A_1090, %dma_start3A_1365] : memref<10000x128xf32, #tpu.memory_space<vmem_shared>> -> memref<16x128xf32, #tpu.memory_space<vmem_shared>>
      %dma_start3A_1367 = arith.constant 0 : i32
      %dma_start3A_1368 = tpu.memref_slice %arg11[%add3A_1090, %dma_start3A_1367] : memref<10000x128xf32, #tpu.memory_space<vmem_shared>> -> memref<16x128xf32, #tpu.memory_space<vmem_shared>>
      tpu.enqueue_dma source(%arg10 : memref<16x128xf32, #tpu.memory_space<vmem>>) target(%dma_start3A_1368 : memref<16x128xf32, #tpu.memory_space<vmem_shared>>) target_semaphore(%run_scoped3A : memref<!tpu.dma_semaphore, #tpu.memory_space<semaphore_mem>>)
      %dma_wait3A_1369 = arith.constant 0 : i32
      %dma_wait3A_1370 = tpu.memref_slice %arg11[%add3A_1090, %dma_wait3A_1369] : memref<10000x128xf32, #tpu.memory_space<vmem_shared>> -> memref<16x128xf32, #tpu.memory_space<vmem_shared>>
      %dma_wait3A_1371 = arith.constant 0 : i32
      %dma_wait3A_1372 = tpu.memref_slice %arg11[%add3A_1090, %dma_wait3A_1371] : memref<10000x128xf32, #tpu.memory_space<vmem_shared>> -> memref<16x128xf32, #tpu.memory_space<vmem_shared>>
      tpu.wait_dma2 semaphore(%run_scoped3A : memref<!tpu.dma_semaphore, #tpu.memory_space<semaphore_mem>>) src(%arg10 : memref<16x128xf32, #tpu.memory_space<vmem>>) dst(%dma_wait3A_1372 : memref<16x128xf32, #tpu.memory_space<vmem_shared>>)
      tpu.yield
    }) : () -> ()
    %add3A_1091 = arith.constant 512 : i32
    %add3A_1092 = arith.addi %multiple_of3A, %add3A_1091 : i32
    "tpu.region"() ({
      %run_scoped3A = tpu.sem_alloc : memref<!tpu.dma_semaphore, #tpu.memory_space<semaphore_mem>>
      %dma_start3A_1365 = arith.constant 0 : i32
      %dma_start3A_1366 = tpu.memref_slice %arg11[%add3A_1092, %dma_start3A_1365] : memref<10000x128xf32, #tpu.memory_space<vmem_shared>> -> memref<16x128xf32, #tpu.memory_space<vmem_shared>>
      %dma_start3A_1367 = arith.constant 0 : i32
      %dma_start3A_1368 = tpu.memref_slice %arg11[%add3A_1092, %dma_start3A_1367] : memref<10000x128xf32, #tpu.memory_space<vmem_shared>> -> memref<16x128xf32, #tpu.memory_space<vmem_shared>>
      tpu.enqueue_dma source(%arg10 : memref<16x128xf32, #tpu.memory_space<vmem>>) target(%dma_start3A_1368 : memref<16x128xf32, #tpu.memory_space<vmem_shared>>) target_semaphore(%run_scoped3A : memref<!tpu.dma_semaphore, #tpu.memory_space<semaphore_mem>>)
      %dma_wait3A_1369 = arith.constant 0 : i32
      %dma_wait3A_1370 = tpu.memref_slice %arg11[%add3A_1092, %dma_wait3A_1369] : memref<10000x128xf32, #tpu.memory_space<vmem_shared>> -> memref<16x128xf32, #tpu.memory_space<vmem_shared>>
      %dma_wait3A_1371 = arith.constant 0 : i32
      %dma_wait3A_1372 = tpu.memref_slice %arg11[%add3A_1092, %dma_wait3A_1371] : memref<10000x128xf32, #tpu.memory_space<vmem_shared>> -> memref<16x128xf32, #tpu.memory_space<vmem_shared>>
      tpu.wait_dma2 semaphore(%run_scoped3A : memref<!tpu.dma_semaphore, #tpu.memory_space<semaphore_mem>>) src(%arg10 : memref<16x128xf32, #tpu.memory_space<vmem>>) dst(%dma_wait3A_1372 : memref<16x128xf32, #tpu.memory_space<vmem_shared>>)
      tpu.yield
    }) : () -> ()
    %add3A_1093 = arith.constant 528 : i32
    %add3A_1094 = arith.addi %multiple_of3A, %add3A_1093 : i32
    "tpu.region"() ({
      %run_scoped3A = tpu.sem_alloc : memref<!tpu.dma_semaphore, #tpu.memory_space<semaphore_mem>>
      %dma_start3A_1365 = arith.constant 0 : i32
      %dma_start3A_1366 = tpu.memref_slice %arg11[%add3A_1094, %dma_start3A_1365] : memref<10000x128xf32, #tpu.memory_space<vmem_shared>> -> memref<16x128xf32, #tpu.memory_space<vmem_shared>>
      %dma_start3A_1367 = arith.constant 0 : i32
      %dma_start3A_1368 = tpu.memref_slice %arg11[%add3A_1094, %dma_start3A_1367] : memref<10000x128xf32, #tpu.memory_space<vmem_shared>> -> memref<16x128xf32, #tpu.memory_space<vmem_shared>>
      tpu.enqueue_dma source(%arg10 : memref<16x128xf32, #tpu.memory_space<vmem>>) target(%dma_start3A_1368 : memref<16x128xf32, #tpu.memory_space<vmem_shared>>) target_semaphore(%run_scoped3A : memref<!tpu.dma_semaphore, #tpu.memory_space<semaphore_mem>>)
      %dma_wait3A_1369 = arith.constant 0 : i32
      %dma_wait3A_1370 = tpu.memref_slice %arg11[%add3A_1094, %dma_wait3A_1369] : memref<10000x128xf32, #tpu.memory_space<vmem_shared>> -> memref<16x128xf32, #tpu.memory_space<vmem_shared>>
      %dma_wait3A_1371 = arith.constant 0 : i32
      %dma_wait3A_1372 = tpu.memref_slice %arg11[%add3A_1094, %dma_wait3A_1371] : memref<10000x128xf32, #tpu.memory_space<vmem_shared>> -> memref<16x128xf32, #tpu.memory_space<vmem_shared>>
      tpu.wait_dma2 semaphore(%run_scoped3A : memref<!tpu.dma_semaphore, #tpu.memory_space<semaphore_mem>>) src(%arg10 : memref<16x128xf32, #tpu.memory_space<vmem>>) dst(%dma_wait3A_1372 : memref<16x128xf32, #tpu.memory_space<vmem_shared>>)
      tpu.yield
    }) : () -> ()
    %add3A_1095 = arith.constant 544 : i32
    %add3A_1096 = arith.addi %multiple_of3A, %add3A_1095 : i32
    "tpu.region"() ({
      %run_scoped3A = tpu.sem_alloc : memref<!tpu.dma_semaphore, #tpu.memory_space<semaphore_mem>>
      %dma_start3A_1365 = arith.constant 0 : i32
      %dma_start3A_1366 = tpu.memref_slice %arg11[%add3A_1096, %dma_start3A_1365] : memref<10000x128xf32, #tpu.memory_space<vmem_shared>> -> memref<16x128xf32, #tpu.memory_space<vmem_shared>>
      %dma_start3A_1367 = arith.constant 0 : i32
      %dma_start3A_1368 = tpu.memref_slice %arg11[%add3A_1096, %dma_start3A_1367] : memref<10000x128xf32, #tpu.memory_space<vmem_shared>> -> memref<16x128xf32, #tpu.memory_space<vmem_shared>>
      tpu.enqueue_dma source(%arg10 : memref<16x128xf32, #tpu.memory_space<vmem>>) target(%dma_start3A_1368 : memref<16x128xf32, #tpu.memory_space<vmem_shared>>) target_semaphore(%run_scoped3A : memref<!tpu.dma_semaphore, #tpu.memory_space<semaphore_mem>>)
      %dma_wait3A_1369 = arith.constant 0 : i32
      %dma_wait3A_1370 = tpu.memref_slice %arg11[%add3A_1096, %dma_wait3A_1369] : memref<10000x128xf32, #tpu.memory_space<vmem_shared>> -> memref<16x128xf32, #tpu.memory_space<vmem_shared>>
      %dma_wait3A_1371 = arith.constant 0 : i32
      %dma_wait3A_1372 = tpu.memref_slice %arg11[%add3A_1096, %dma_wait3A_1371] : memref<10000x128xf32, #tpu.memory_space<vmem_shared>> -> memref<16x128xf32, #tpu.memory_space<vmem_shared>>
      tpu.wait_dma2 semaphore(%run_scoped3A : memref<!tpu.dma_semaphore, #tpu.memory_space<semaphore_mem>>) src(%arg10 : memref<16x128xf32, #tpu.memory_space<vmem>>) dst(%dma_wait3A_1372 : memref<16x128xf32, #tpu.memory_space<vmem_shared>>)
      tpu.yield
    }) : () -> ()
    %add3A_1097 = arith.constant 560 : i32
    %add3A_1098 = arith.addi %multiple_of3A, %add3A_1097 : i32
    "tpu.region"() ({
      %run_scoped3A = tpu.sem_alloc : memref<!tpu.dma_semaphore, #tpu.memory_space<semaphore_mem>>
      %dma_start3A_1365 = arith.constant 0 : i32
      %dma_start3A_1366 = tpu.memref_slice %arg11[%add3A_1098, %dma_start3A_1365] : memref<10000x128xf32, #tpu.memory_space<vmem_shared>> -> memref<16x128xf32, #tpu.memory_space<vmem_shared>>
      %dma_start3A_1367 = arith.constant 0 : i32
      %dma_start3A_1368 = tpu.memref_slice %arg11[%add3A_1098, %dma_start3A_1367] : memref<10000x128xf32, #tpu.memory_space<vmem_shared>> -> memref<16x128xf32, #tpu.memory_space<vmem_shared>>
      tpu.enqueue_dma source(%arg10 : memref<16x128xf32, #tpu.memory_space<vmem>>) target(%dma_start3A_1368 : memref<16x128xf32, #tpu.memory_space<vmem_shared>>) target_semaphore(%run_scoped3A : memref<!tpu.dma_semaphore, #tpu.memory_space<semaphore_mem>>)
      %dma_wait3A_1369 = arith.constant 0 : i32
      %dma_wait3A_1370 = tpu.memref_slice %arg11[%add3A_1098, %dma_wait3A_1369] : memref<10000x128xf32, #tpu.memory_space<vmem_shared>> -> memref<16x128xf32, #tpu.memory_space<vmem_shared>>
      %dma_wait3A_1371 = arith.constant 0 : i32
      %dma_wait3A_1372 = tpu.memref_slice %arg11[%add3A_1098, %dma_wait3A_1371] : memref<10000x128xf32, #tpu.memory_space<vmem_shared>> -> memref<16x128xf32, #tpu.memory_space<vmem_shared>>
      tpu.wait_dma2 semaphore(%run_scoped3A : memref<!tpu.dma_semaphore, #tpu.memory_space<semaphore_mem>>) src(%arg10 : memref<16x128xf32, #tpu.memory_space<vmem>>) dst(%dma_wait3A_1372 : memref<16x128xf32, #tpu.memory_space<vmem_shared>>)
      tpu.yield
    }) : () -> ()
    %add3A_1099 = arith.constant 576 : i32
    %add3A_1100 = arith.addi %multiple_of3A, %add3A_1099 : i32
    "tpu.region"() ({
      %run_scoped3A = tpu.sem_alloc : memref<!tpu.dma_semaphore, #tpu.memory_space<semaphore_mem>>
      %dma_start3A_1365 = arith.constant 0 : i32
      %dma_start3A_1366 = tpu.memref_slice %arg11[%add3A_1100, %dma_start3A_1365] : memref<10000x128xf32, #tpu.memory_space<vmem_shared>> -> memref<16x128xf32, #tpu.memory_space<vmem_shared>>
      %dma_start3A_1367 = arith.constant 0 : i32
      %dma_start3A_1368 = tpu.memref_slice %arg11[%add3A_1100, %dma_start3A_1367] : memref<10000x128xf32, #tpu.memory_space<vmem_shared>> -> memref<16x128xf32, #tpu.memory_space<vmem_shared>>
      tpu.enqueue_dma source(%arg10 : memref<16x128xf32, #tpu.memory_space<vmem>>) target(%dma_start3A_1368 : memref<16x128xf32, #tpu.memory_space<vmem_shared>>) target_semaphore(%run_scoped3A : memref<!tpu.dma_semaphore, #tpu.memory_space<semaphore_mem>>)
      %dma_wait3A_1369 = arith.constant 0 : i32
      %dma_wait3A_1370 = tpu.memref_slice %arg11[%add3A_1100, %dma_wait3A_1369] : memref<10000x128xf32, #tpu.memory_space<vmem_shared>> -> memref<16x128xf32, #tpu.memory_space<vmem_shared>>
      %dma_wait3A_1371 = arith.constant 0 : i32
      %dma_wait3A_1372 = tpu.memref_slice %arg11[%add3A_1100, %dma_wait3A_1371] : memref<10000x128xf32, #tpu.memory_space<vmem_shared>> -> memref<16x128xf32, #tpu.memory_space<vmem_shared>>
      tpu.wait_dma2 semaphore(%run_scoped3A : memref<!tpu.dma_semaphore, #tpu.memory_space<semaphore_mem>>) src(%arg10 : memref<16x128xf32, #tpu.memory_space<vmem>>) dst(%dma_wait3A_1372 : memref<16x128xf32, #tpu.memory_space<vmem_shared>>)
      tpu.yield
    }) : () -> ()
    %add3A_1101 = arith.constant 592 : i32
    %add3A_1102 = arith.addi %multiple_of3A, %add3A_1101 : i32
    "tpu.region"() ({
      %run_scoped3A = tpu.sem_alloc : memref<!tpu.dma_semaphore, #tpu.memory_space<semaphore_mem>>
      %dma_start3A_1365 = arith.constant 0 : i32
      %dma_start3A_1366 = tpu.memref_slice %arg11[%add3A_1102, %dma_start3A_1365] : memref<10000x128xf32, #tpu.memory_space<vmem_shared>> -> memref<16x128xf32, #tpu.memory_space<vmem_shared>>
      %dma_start3A_1367 = arith.constant 0 : i32
      %dma_start3A_1368 = tpu.memref_slice %arg11[%add3A_1102, %dma_start3A_1367] : memref<10000x128xf32, #tpu.memory_space<vmem_shared>> -> memref<16x128xf32, #tpu.memory_space<vmem_shared>>
      tpu.enqueue_dma source(%arg10 : memref<16x128xf32, #tpu.memory_space<vmem>>) target(%dma_start3A_1368 : memref<16x128xf32, #tpu.memory_space<vmem_shared>>) target_semaphore(%run_scoped3A : memref<!tpu.dma_semaphore, #tpu.memory_space<semaphore_mem>>)
      %dma_wait3A_1369 = arith.constant 0 : i32
      %dma_wait3A_1370 = tpu.memref_slice %arg11[%add3A_1102, %dma_wait3A_1369] : memref<10000x128xf32, #tpu.memory_space<vmem_shared>> -> memref<16x128xf32, #tpu.memory_space<vmem_shared>>
      %dma_wait3A_1371 = arith.constant 0 : i32
      %dma_wait3A_1372 = tpu.memref_slice %arg11[%add3A_1102, %dma_wait3A_1371] : memref<10000x128xf32, #tpu.memory_space<vmem_shared>> -> memref<16x128xf32, #tpu.memory_space<vmem_shared>>
      tpu.wait_dma2 semaphore(%run_scoped3A : memref<!tpu.dma_semaphore, #tpu.memory_space<semaphore_mem>>) src(%arg10 : memref<16x128xf32, #tpu.memory_space<vmem>>) dst(%dma_wait3A_1372 : memref<16x128xf32, #tpu.memory_space<vmem_shared>>)
      tpu.yield
    }) : () -> ()
    %add3A_1103 = arith.constant 608 : i32
    %add3A_1104 = arith.addi %multiple_of3A, %add3A_1103 : i32
    "tpu.region"() ({
      %run_scoped3A = tpu.sem_alloc : memref<!tpu.dma_semaphore, #tpu.memory_space<semaphore_mem>>
      %dma_start3A_1365 = arith.constant 0 : i32
      %dma_start3A_1366 = tpu.memref_slice %arg11[%add3A_1104, %dma_start3A_1365] : memref<10000x128xf32, #tpu.memory_space<vmem_shared>> -> memref<16x128xf32, #tpu.memory_space<vmem_shared>>
      %dma_start3A_1367 = arith.constant 0 : i32
      %dma_start3A_1368 = tpu.memref_slice %arg11[%add3A_1104, %dma_start3A_1367] : memref<10000x128xf32, #tpu.memory_space<vmem_shared>> -> memref<16x128xf32, #tpu.memory_space<vmem_shared>>
      tpu.enqueue_dma source(%arg10 : memref<16x128xf32, #tpu.memory_space<vmem>>) target(%dma_start3A_1368 : memref<16x128xf32, #tpu.memory_space<vmem_shared>>) target_semaphore(%run_scoped3A : memref<!tpu.dma_semaphore, #tpu.memory_space<semaphore_mem>>)
      %dma_wait3A_1369 = arith.constant 0 : i32
      %dma_wait3A_1370 = tpu.memref_slice %arg11[%add3A_1104, %dma_wait3A_1369] : memref<10000x128xf32, #tpu.memory_space<vmem_shared>> -> memref<16x128xf32, #tpu.memory_space<vmem_shared>>
      %dma_wait3A_1371 = arith.constant 0 : i32
      %dma_wait3A_1372 = tpu.memref_slice %arg11[%add3A_1104, %dma_wait3A_1371] : memref<10000x128xf32, #tpu.memory_space<vmem_shared>> -> memref<16x128xf32, #tpu.memory_space<vmem_shared>>
      tpu.wait_dma2 semaphore(%run_scoped3A : memref<!tpu.dma_semaphore, #tpu.memory_space<semaphore_mem>>) src(%arg10 : memref<16x128xf32, #tpu.memory_space<vmem>>) dst(%dma_wait3A_1372 : memref<16x128xf32, #tpu.memory_space<vmem_shared>>)
      tpu.yield
    }) : () -> ()
    %eq3A = arith.constant 15 : i32
    %eq3A_1105 = arith.cmpi eq, %arg1, %eq3A : i32
    %convert_element_type3A = arith.extui %eq3A_1105 : i1 to i32
    %cond3A = arith.constant 0 : i32
    %cond3A_1106 = arith.cmpi ne, %convert_element_type3A, %cond3A : i32
    scf.if %cond3A_1106 {
      %add3A_1365 = arith.constant 624 : i32
      %add3A_1366 = arith.addi %multiple_of3A, %add3A_1365 : i32
      "tpu.region"() ({
        %run_scoped3A = tpu.sem_alloc : memref<!tpu.dma_semaphore, #tpu.memory_space<semaphore_mem>>
        %dma_start3A_1367 = arith.constant 0 : i32
        %dma_start3A_1368 = tpu.memref_slice %arg11[%add3A_1366, %dma_start3A_1367] : memref<10000x128xf32, #tpu.memory_space<vmem_shared>> -> memref<16x128xf32, #tpu.memory_space<vmem_shared>>
        %dma_start3A_1369 = arith.constant 0 : i32
        %dma_start3A_1370 = tpu.memref_slice %arg11[%add3A_1366, %dma_start3A_1369] : memref<10000x128xf32, #tpu.memory_space<vmem_shared>> -> memref<16x128xf32, #tpu.memory_space<vmem_shared>>
        tpu.enqueue_dma source(%arg10 : memref<16x128xf32, #tpu.memory_space<vmem>>) target(%dma_start3A_1370 : memref<16x128xf32, #tpu.memory_space<vmem_shared>>) target_semaphore(%run_scoped3A : memref<!tpu.dma_semaphore, #tpu.memory_space<semaphore_mem>>)
        %dma_wait3A_1371 = arith.constant 0 : i32
        %dma_wait3A_1372 = tpu.memref_slice %arg11[%add3A_1366, %dma_wait3A_1371] : memref<10000x128xf32, #tpu.memory_space<vmem_shared>> -> memref<16x128xf32, #tpu.memory_space<vmem_shared>>
        %dma_wait3A_1373 = arith.constant 0 : i32
        %dma_wait3A_1374 = tpu.memref_slice %arg11[%add3A_1366, %dma_wait3A_1373] : memref<10000x128xf32, #tpu.memory_space<vmem_shared>> -> memref<16x128xf32, #tpu.memory_space<vmem_shared>>
        tpu.wait_dma2 semaphore(%run_scoped3A : memref<!tpu.dma_semaphore, #tpu.memory_space<semaphore_mem>>) src(%arg10 : memref<16x128xf32, #tpu.memory_space<vmem>>) dst(%dma_wait3A_1374 : memref<16x128xf32, #tpu.memory_space<vmem_shared>>)
        tpu.yield
      }) : () -> ()
    } else {
    }
    %barrier3A = arith.constant 0 : index
    tpu.barrier barrier_id(%barrier3A)
    %add3A_1107 = arith.constant 0 : i32
    %add3A_1108 = arith.addi %mul3A_2, %add3A_1107 : i32
    %multiple_of3A_1109 = tpu.assume_multiple %add3A_1108, 8 : i32
    %dma_start3A = arith.constant 0 : i32
    %dma_start3A_1110 = arith.constant 0 : i32
    %dma_start3A_1111 = arith.constant 0 : i32
    %dma_start3A_1112 = tpu.memref_slice %arg6[%dma_start3A, %dma_start3A_1111] : memref<3x80xi32, #tpu.memory_space<vmem>> -> memref<1x80xi32, #tpu.memory_space<vmem>>
    %dma_start3A_1113 = tpu.memref_squeeze %dma_start3A_1112 : memref<1x80xi32, #tpu.memory_space<vmem>> -> memref<80xi32, #tpu.memory_space<vmem>>
    %dma_start3A_1114 = tpu.memref_slice %arg3[%multiple_of3A_1109] : memref<320000xi32, #tpu.memory_space<hbm>> -> memref<80xi32, #tpu.memory_space<hbm>>
    %dma_start3A_1115 = tpu.memref_slice %arg14[%dma_start3A_1110] : memref<3x!tpu.dma_semaphore, #tpu.memory_space<semaphore_mem>> -> memref<1x!tpu.dma_semaphore, #tpu.memory_space<semaphore_mem>>
    %dma_start3A_1116 = tpu.memref_squeeze %dma_start3A_1115 : memref<1x!tpu.dma_semaphore, #tpu.memory_space<semaphore_mem>> -> memref<!tpu.dma_semaphore, #tpu.memory_space<semaphore_mem>>
    %dma_start3A_1117 = arith.constant 0 : i32
    %dma_start3A_1118 = tpu.memref_slice %arg6[%dma_start3A, %dma_start3A_1117] : memref<3x80xi32, #tpu.memory_space<vmem>> -> memref<1x80xi32, #tpu.memory_space<vmem>>
    %dma_start3A_1119 = tpu.memref_squeeze %dma_start3A_1118 : memref<1x80xi32, #tpu.memory_space<vmem>> -> memref<80xi32, #tpu.memory_space<vmem>>
    %dma_start3A_1120 = tpu.memref_slice %arg3[%multiple_of3A_1109] : memref<320000xi32, #tpu.memory_space<hbm>> -> memref<80xi32, #tpu.memory_space<hbm>>
    tpu.enqueue_dma source(%dma_start3A_1120 : memref<80xi32, #tpu.memory_space<hbm>>) target(%dma_start3A_1119 : memref<80xi32, #tpu.memory_space<vmem>>) target_semaphore(%dma_start3A_1116 : memref<!tpu.dma_semaphore, #tpu.memory_space<semaphore_mem>>)
    %add3A_1121 = arith.constant 0 : i32
    %add3A_1122 = arith.addi %mul3A_2, %add3A_1121 : i32
    %multiple_of3A_1123 = tpu.assume_multiple %add3A_1122, 8 : i32
    %dma_start3A_1124 = arith.constant 0 : i32
    %dma_start3A_1125 = arith.constant 0 : i32
    %dma_start3A_1126 = arith.constant 0 : i32
    %dma_start3A_1127 = tpu.memref_slice %arg7[%dma_start3A_1124, %dma_start3A_1126] : memref<3x80xf32, #tpu.memory_space<vmem>> -> memref<1x80xf32, #tpu.memory_space<vmem>>
    %dma_start3A_1128 = tpu.memref_squeeze %dma_start3A_1127 : memref<1x80xf32, #tpu.memory_space<vmem>> -> memref<80xf32, #tpu.memory_space<vmem>>
    %dma_start3A_1129 = tpu.memref_slice %arg4[%multiple_of3A_1123] : memref<320000xf32, #tpu.memory_space<hbm>> -> memref<80xf32, #tpu.memory_space<hbm>>
    %dma_start3A_1130 = tpu.memref_slice %arg14[%dma_start3A_1125] : memref<3x!tpu.dma_semaphore, #tpu.memory_space<semaphore_mem>> -> memref<1x!tpu.dma_semaphore, #tpu.memory_space<semaphore_mem>>
    %dma_start3A_1131 = tpu.memref_squeeze %dma_start3A_1130 : memref<1x!tpu.dma_semaphore, #tpu.memory_space<semaphore_mem>> -> memref<!tpu.dma_semaphore, #tpu.memory_space<semaphore_mem>>
    %dma_start3A_1132 = arith.constant 0 : i32
    %dma_start3A_1133 = tpu.memref_slice %arg7[%dma_start3A_1124, %dma_start3A_1132] : memref<3x80xf32, #tpu.memory_space<vmem>> -> memref<1x80xf32, #tpu.memory_space<vmem>>
    %dma_start3A_1134 = tpu.memref_squeeze %dma_start3A_1133 : memref<1x80xf32, #tpu.memory_space<vmem>> -> memref<80xf32, #tpu.memory_space<vmem>>
    %dma_start3A_1135 = tpu.memref_slice %arg4[%multiple_of3A_1123] : memref<320000xf32, #tpu.memory_space<hbm>> -> memref<80xf32, #tpu.memory_space<hbm>>
    tpu.enqueue_dma source(%dma_start3A_1135 : memref<80xf32, #tpu.memory_space<hbm>>) target(%dma_start3A_1134 : memref<80xf32, #tpu.memory_space<vmem>>) target_semaphore(%dma_start3A_1131 : memref<!tpu.dma_semaphore, #tpu.memory_space<semaphore_mem>>)
    %add3A_1136 = arith.constant 0 : i32
    %add3A_1137 = arith.addi %mul3A_2, %add3A_1136 : i32
    %multiple_of3A_1138 = tpu.assume_multiple %add3A_1137, 8 : i32
    %dma_wait3A = arith.constant 0 : i32
    %dma_wait3A_1139 = arith.constant 0 : i32
    %dma_wait3A_1140 = arith.constant 0 : i32
    %dma_wait3A_1141 = tpu.memref_slice %arg6[%dma_wait3A, %dma_wait3A_1140] : memref<3x80xi32, #tpu.memory_space<vmem>> -> memref<1x80xi32, #tpu.memory_space<vmem>>
    %dma_wait3A_1142 = tpu.memref_squeeze %dma_wait3A_1141 : memref<1x80xi32, #tpu.memory_space<vmem>> -> memref<80xi32, #tpu.memory_space<vmem>>
    %dma_wait3A_1143 = tpu.memref_slice %arg3[%multiple_of3A_1138] : memref<320000xi32, #tpu.memory_space<hbm>> -> memref<80xi32, #tpu.memory_space<hbm>>
    %dma_wait3A_1144 = tpu.memref_slice %arg14[%dma_wait3A_1139] : memref<3x!tpu.dma_semaphore, #tpu.memory_space<semaphore_mem>> -> memref<1x!tpu.dma_semaphore, #tpu.memory_space<semaphore_mem>>
    %dma_wait3A_1145 = tpu.memref_squeeze %dma_wait3A_1144 : memref<1x!tpu.dma_semaphore, #tpu.memory_space<semaphore_mem>> -> memref<!tpu.dma_semaphore, #tpu.memory_space<semaphore_mem>>
    %dma_wait3A_1146 = arith.constant 0 : i32
    %dma_wait3A_1147 = tpu.memref_slice %arg6[%dma_wait3A, %dma_wait3A_1146] : memref<3x80xi32, #tpu.memory_space<vmem>> -> memref<1x80xi32, #tpu.memory_space<vmem>>
    %dma_wait3A_1148 = tpu.memref_squeeze %dma_wait3A_1147 : memref<1x80xi32, #tpu.memory_space<vmem>> -> memref<80xi32, #tpu.memory_space<vmem>>
    %dma_wait3A_1149 = tpu.memref_slice %arg3[%multiple_of3A_1138] : memref<320000xi32, #tpu.memory_space<hbm>> -> memref<80xi32, #tpu.memory_space<hbm>>
    tpu.wait_dma2 semaphore(%dma_wait3A_1145 : memref<!tpu.dma_semaphore, #tpu.memory_space<semaphore_mem>>) src(%dma_wait3A_1149 : memref<80xi32, #tpu.memory_space<hbm>>) dst(%dma_wait3A_1148 : memref<80xi32, #tpu.memory_space<vmem>>)
    %add3A_1150 = arith.constant 0 : i32
    %add3A_1151 = arith.addi %mul3A_2, %add3A_1150 : i32
    %multiple_of3A_1152 = tpu.assume_multiple %add3A_1151, 8 : i32
    %dma_wait3A_1153 = arith.constant 0 : i32
    %dma_wait3A_1154 = arith.constant 0 : i32
    %dma_wait3A_1155 = arith.constant 0 : i32
    %dma_wait3A_1156 = tpu.memref_slice %arg7[%dma_wait3A_1153, %dma_wait3A_1155] : memref<3x80xf32, #tpu.memory_space<vmem>> -> memref<1x80xf32, #tpu.memory_space<vmem>>
    %dma_wait3A_1157 = tpu.memref_squeeze %dma_wait3A_1156 : memref<1x80xf32, #tpu.memory_space<vmem>> -> memref<80xf32, #tpu.memory_space<vmem>>
    %dma_wait3A_1158 = tpu.memref_slice %arg4[%multiple_of3A_1152] : memref<320000xf32, #tpu.memory_space<hbm>> -> memref<80xf32, #tpu.memory_space<hbm>>
    %dma_wait3A_1159 = tpu.memref_slice %arg14[%dma_wait3A_1154] : memref<3x!tpu.dma_semaphore, #tpu.memory_space<semaphore_mem>> -> memref<1x!tpu.dma_semaphore, #tpu.memory_space<semaphore_mem>>
    %dma_wait3A_1160 = tpu.memref_squeeze %dma_wait3A_1159 : memref<1x!tpu.dma_semaphore, #tpu.memory_space<semaphore_mem>> -> memref<!tpu.dma_semaphore, #tpu.memory_space<semaphore_mem>>
    %dma_wait3A_1161 = arith.constant 0 : i32
    %dma_wait3A_1162 = tpu.memref_slice %arg7[%dma_wait3A_1153, %dma_wait3A_1161] : memref<3x80xf32, #tpu.memory_space<vmem>> -> memref<1x80xf32, #tpu.memory_space<vmem>>
    %dma_wait3A_1163 = tpu.memref_squeeze %dma_wait3A_1162 : memref<1x80xf32, #tpu.memory_space<vmem>> -> memref<80xf32, #tpu.memory_space<vmem>>
    %dma_wait3A_1164 = tpu.memref_slice %arg4[%multiple_of3A_1152] : memref<320000xf32, #tpu.memory_space<hbm>> -> memref<80xf32, #tpu.memory_space<hbm>>
    tpu.wait_dma2 semaphore(%dma_wait3A_1160 : memref<!tpu.dma_semaphore, #tpu.memory_space<semaphore_mem>>) src(%dma_wait3A_1164 : memref<80xf32, #tpu.memory_space<hbm>>) dst(%dma_wait3A_1163 : memref<80xf32, #tpu.memory_space<vmem>>)
    %get3A = arith.constant 0 : i32
    %get3A_1165 = arith.index_cast %get3A : i32 to index
    %get3A_1166 = arith.constant 0 : index
    %get3A_1167 = tpu.vector_load %arg6[%get3A_1165, %get3A_1166] {strides = array<i32>} : memref<3x80xi32, #tpu.memory_space<vmem>>, vector<1x16xi32>,
    %get3A_1168 = vector.shape_cast %get3A_1167 : vector<1x16xi32> to vector<16xi32>
    %and3A = arith.constant 65535 : i32
    %and3A_1169 = vector.broadcast %and3A : i32 to vector<16xi32>
    %and3A_1170 = arith.andi %get3A_1168, %and3A_1169 : vector<16xi32>
    %swap3A_1171 = arith.constant 0 : i32
    %swap3A_1172 = arith.index_cast %swap3A_1171 : i32 to index
    %swap3A_1173 = arith.constant 0 : index
    %swap3A_1174 = tpu.vector_load %arg8[%swap3A_1172, %swap3A_1173] {strides = array<i32>} : memref<3x80xi32, #tpu.memory_space<vmem>>, vector<1x16xi32>,
    %swap3A_1175 = vector.shape_cast %swap3A_1174 : vector<1x16xi32> to vector<16xi32>
    %swap3A_1176 = vector.shape_cast %and3A_1170 : vector<16xi32> to vector<1x16xi32>
    tpu.vector_store %arg8[%swap3A_1172, %swap3A_1173], %swap3A_1176 {strides = array<i32>} : memref<3x80xi32, #tpu.memory_space<vmem>>, vector<1x16xi32>,
    %shift_right_logical3A = arith.constant 16 : i32
    %shift_right_logical3A_1177 = vector.broadcast %shift_right_logical3A : i32 to vector<16xi32>
    %shift_right_logical3A_1178 = arith.shrui %get3A_1168, %shift_right_logical3A_1177 : vector<16xi32>
    %swap3A_1179 = arith.constant 0 : i32
    %swap3A_1180 = arith.index_cast %swap3A_1179 : i32 to index
    %swap3A_1181 = arith.constant 0 : index
    %swap3A_1182 = tpu.vector_load %arg6[%swap3A_1180, %swap3A_1181] {strides = array<i32>} : memref<3x80xi32, #tpu.memory_space<vmem>>, vector<1x16xi32>,
    %swap3A_1183 = vector.shape_cast %swap3A_1182 : vector<1x16xi32> to vector<16xi32>
    %swap3A_1184 = vector.shape_cast %shift_right_logical3A_1178 : vector<16xi32> to vector<1x16xi32>
    tpu.vector_store %arg6[%swap3A_1180, %swap3A_1181], %swap3A_1184 {strides = array<i32>} : memref<3x80xi32, #tpu.memory_space<vmem>>, vector<1x16xi32>,
    %get3A_1185 = arith.constant 0 : i32
    %get3A_1186 = arith.index_cast %get3A_1185 : i32 to index
    %get3A_1187 = arith.constant 16 : index
    %get3A_1188 = tpu.vector_load %arg6[%get3A_1186, %get3A_1187] {strides = array<i32>} : memref<3x80xi32, #tpu.memory_space<vmem>>, vector<1x16xi32>,
    %get3A_1189 = vector.shape_cast %get3A_1188 : vector<1x16xi32> to vector<16xi32>
    %and3A_1190 = arith.constant 65535 : i32
    %and3A_1191 = vector.broadcast %and3A_1190 : i32 to vector<16xi32>
    %and3A_1192 = arith.andi %get3A_1189, %and3A_1191 : vector<16xi32>
    %swap3A_1193 = arith.constant 0 : i32
    %swap3A_1194 = arith.index_cast %swap3A_1193 : i32 to index
    %swap3A_1195 = arith.constant 16 : index
    %swap3A_1196 = tpu.vector_load %arg8[%swap3A_1194, %swap3A_1195] {strides = array<i32>} : memref<3x80xi32, #tpu.memory_space<vmem>>, vector<1x16xi32>,
    %swap3A_1197 = vector.shape_cast %swap3A_1196 : vector<1x16xi32> to vector<16xi32>
    %swap3A_1198 = vector.shape_cast %and3A_1192 : vector<16xi32> to vector<1x16xi32>
    tpu.vector_store %arg8[%swap3A_1194, %swap3A_1195], %swap3A_1198 {strides = array<i32>} : memref<3x80xi32, #tpu.memory_space<vmem>>, vector<1x16xi32>,
    %shift_right_logical3A_1199 = arith.constant 16 : i32
    %shift_right_logical3A_1200 = vector.broadcast %shift_right_logical3A_1199 : i32 to vector<16xi32>
    %shift_right_logical3A_1201 = arith.shrui %get3A_1189, %shift_right_logical3A_1200 : vector<16xi32>
    %swap3A_1202 = arith.constant 0 : i32
    %swap3A_1203 = arith.index_cast %swap3A_1202 : i32 to index
    %swap3A_1204 = arith.constant 16 : index
    %swap3A_1205 = tpu.vector_load %arg6[%swap3A_1203, %swap3A_1204] {strides = array<i32>} : memref<3x80xi32, #tpu.memory_space<vmem>>, vector<1x16xi32>,
    %swap3A_1206 = vector.shape_cast %swap3A_1205 : vector<1x16xi32> to vector<16xi32>
    %swap3A_1207 = vector.shape_cast %shift_right_logical3A_1201 : vector<16xi32> to vector<1x16xi32>
    tpu.vector_store %arg6[%swap3A_1203, %swap3A_1204], %swap3A_1207 {strides = array<i32>} : memref<3x80xi32, #tpu.memory_space<vmem>>, vector<1x16xi32>,
    %get3A_1208 = arith.constant 0 : i32
    %get3A_1209 = arith.index_cast %get3A_1208 : i32 to index
    %get3A_1210 = arith.constant 32 : index
    %get3A_1211 = tpu.vector_load %arg6[%get3A_1209, %get3A_1210] {strides = array<i32>} : memref<3x80xi32, #tpu.memory_space<vmem>>, vector<1x16xi32>,
    %get3A_1212 = vector.shape_cast %get3A_1211 : vector<1x16xi32> to vector<16xi32>
    %and3A_1213 = arith.constant 65535 : i32
    %and3A_1214 = vector.broadcast %and3A_1213 : i32 to vector<16xi32>
    %and3A_1215 = arith.andi %get3A_1212, %and3A_1214 : vector<16xi32>
    %swap3A_1216 = arith.constant 0 : i32
    %swap3A_1217 = arith.index_cast %swap3A_1216 : i32 to index
    %swap3A_1218 = arith.constant 32 : index
    %swap3A_1219 = tpu.vector_load %arg8[%swap3A_1217, %swap3A_1218] {strides = array<i32>} : memref<3x80xi32, #tpu.memory_space<vmem>>, vector<1x16xi32>,
    %swap3A_1220 = vector.shape_cast %swap3A_1219 : vector<1x16xi32> to vector<16xi32>
    %swap3A_1221 = vector.shape_cast %and3A_1215 : vector<16xi32> to vector<1x16xi32>
    tpu.vector_store %arg8[%swap3A_1217, %swap3A_1218], %swap3A_1221 {strides = array<i32>} : memref<3x80xi32, #tpu.memory_space<vmem>>, vector<1x16xi32>,
    %shift_right_logical3A_1222 = arith.constant 16 : i32
    %shift_right_logical3A_1223 = vector.broadcast %shift_right_logical3A_1222 : i32 to vector<16xi32>
    %shift_right_logical3A_1224 = arith.shrui %get3A_1212, %shift_right_logical3A_1223 : vector<16xi32>
    %swap3A_1225 = arith.constant 0 : i32
    %swap3A_1226 = arith.index_cast %swap3A_1225 : i32 to index
    %swap3A_1227 = arith.constant 32 : index
    %swap3A_1228 = tpu.vector_load %arg6[%swap3A_1226, %swap3A_1227] {strides = array<i32>} : memref<3x80xi32, #tpu.memory_space<vmem>>, vector<1x16xi32>,
    %swap3A_1229 = vector.shape_cast %swap3A_1228 : vector<1x16xi32> to vector<16xi32>
    %swap3A_1230 = vector.shape_cast %shift_right_logical3A_1224 : vector<16xi32> to vector<1x16xi32>
    tpu.vector_store %arg6[%swap3A_1226, %swap3A_1227], %swap3A_1230 {strides = array<i32>} : memref<3x80xi32, #tpu.memory_space<vmem>>, vector<1x16xi32>,
    %get3A_1231 = arith.constant 0 : i32
    %get3A_1232 = arith.index_cast %get3A_1231 : i32 to index
    %get3A_1233 = arith.constant 48 : index
    %get3A_1234 = tpu.vector_load %arg6[%get3A_1232, %get3A_1233] {strides = array<i32>} : memref<3x80xi32, #tpu.memory_space<vmem>>, vector<1x16xi32>,
    %get3A_1235 = vector.shape_cast %get3A_1234 : vector<1x16xi32> to vector<16xi32>
    %and3A_1236 = arith.constant 65535 : i32
    %and3A_1237 = vector.broadcast %and3A_1236 : i32 to vector<16xi32>
    %and3A_1238 = arith.andi %get3A_1235, %and3A_1237 : vector<16xi32>
    %swap3A_1239 = arith.constant 0 : i32
    %swap3A_1240 = arith.index_cast %swap3A_1239 : i32 to index
    %swap3A_1241 = arith.constant 48 : index
    %swap3A_1242 = tpu.vector_load %arg8[%swap3A_1240, %swap3A_1241] {strides = array<i32>} : memref<3x80xi32, #tpu.memory_space<vmem>>, vector<1x16xi32>,
    %swap3A_1243 = vector.shape_cast %swap3A_1242 : vector<1x16xi32> to vector<16xi32>
    %swap3A_1244 = vector.shape_cast %and3A_1238 : vector<16xi32> to vector<1x16xi32>
    tpu.vector_store %arg8[%swap3A_1240, %swap3A_1241], %swap3A_1244 {strides = array<i32>} : memref<3x80xi32, #tpu.memory_space<vmem>>, vector<1x16xi32>,
    %shift_right_logical3A_1245 = arith.constant 16 : i32
    %shift_right_logical3A_1246 = vector.broadcast %shift_right_logical3A_1245 : i32 to vector<16xi32>
    %shift_right_logical3A_1247 = arith.shrui %get3A_1235, %shift_right_logical3A_1246 : vector<16xi32>
    %swap3A_1248 = arith.constant 0 : i32
    %swap3A_1249 = arith.index_cast %swap3A_1248 : i32 to index
    %swap3A_1250 = arith.constant 48 : index
    %swap3A_1251 = tpu.vector_load %arg6[%swap3A_1249, %swap3A_1250] {strides = array<i32>} : memref<3x80xi32, #tpu.memory_space<vmem>>, vector<1x16xi32>,
    %swap3A_1252 = vector.shape_cast %swap3A_1251 : vector<1x16xi32> to vector<16xi32>
    %swap3A_1253 = vector.shape_cast %shift_right_logical3A_1247 : vector<16xi32> to vector<1x16xi32>
    tpu.vector_store %arg6[%swap3A_1249, %swap3A_1250], %swap3A_1253 {strides = array<i32>} : memref<3x80xi32, #tpu.memory_space<vmem>>, vector<1x16xi32>,
    %get3A_1254 = arith.constant 0 : i32
    %get3A_1255 = arith.index_cast %get3A_1254 : i32 to index
    %get3A_1256 = arith.constant 64 : index
    %get3A_1257 = tpu.vector_load %arg6[%get3A_1255, %get3A_1256] {strides = array<i32>} : memref<3x80xi32, #tpu.memory_space<vmem>>, vector<1x16xi32>,
    %get3A_1258 = vector.shape_cast %get3A_1257 : vector<1x16xi32> to vector<16xi32>
    %and3A_1259 = arith.constant 65535 : i32
    %and3A_1260 = vector.broadcast %and3A_1259 : i32 to vector<16xi32>
    %and3A_1261 = arith.andi %get3A_1258, %and3A_1260 : vector<16xi32>
    %swap3A_1262 = arith.constant 0 : i32
    %swap3A_1263 = arith.index_cast %swap3A_1262 : i32 to index
    %swap3A_1264 = arith.constant 64 : index
    %swap3A_1265 = tpu.vector_load %arg8[%swap3A_1263, %swap3A_1264] {strides = array<i32>} : memref<3x80xi32, #tpu.memory_space<vmem>>, vector<1x16xi32>,
    %swap3A_1266 = vector.shape_cast %swap3A_1265 : vector<1x16xi32> to vector<16xi32>
    %swap3A_1267 = vector.shape_cast %and3A_1261 : vector<16xi32> to vector<1x16xi32>
    tpu.vector_store %arg8[%swap3A_1263, %swap3A_1264], %swap3A_1267 {strides = array<i32>} : memref<3x80xi32, #tpu.memory_space<vmem>>, vector<1x16xi32>,
    %shift_right_logical3A_1268 = arith.constant 16 : i32
    %shift_right_logical3A_1269 = vector.broadcast %shift_right_logical3A_1268 : i32 to vector<16xi32>
    %shift_right_logical3A_1270 = arith.shrui %get3A_1258, %shift_right_logical3A_1269 : vector<16xi32>
    %swap3A_1271 = arith.constant 0 : i32
    %swap3A_1272 = arith.index_cast %swap3A_1271 : i32 to index
    %swap3A_1273 = arith.constant 64 : index
    %swap3A_1274 = tpu.vector_load %arg6[%swap3A_1272, %swap3A_1273] {strides = array<i32>} : memref<3x80xi32, #tpu.memory_space<vmem>>, vector<1x16xi32>,
    %swap3A_1275 = vector.shape_cast %swap3A_1274 : vector<1x16xi32> to vector<16xi32>
    %swap3A_1276 = vector.shape_cast %shift_right_logical3A_1270 : vector<16xi32> to vector<1x16xi32>
    tpu.vector_store %arg6[%swap3A_1272, %swap3A_1273], %swap3A_1276 {strides = array<i32>} : memref<3x80xi32, #tpu.memory_space<vmem>>, vector<1x16xi32>,
    %dma_start3A_1277 = arith.constant 0 : i32
    %dma_start3A_1278 = arith.constant 0 : i32
    %dma_start3A_1279 = arith.constant 0 : i32
    %dma_start3A_1280 = arith.constant 0 : i32
    %dma_start3A_1281 = tpu.memref_slice %arg9[%dma_start3A_1278, %dma_start3A_1279, %dma_start3A_1280] : memref<3x80x128xf32, #tpu.memory_space<vmem>> -> memref<1x80x128xf32, #tpu.memory_space<vmem>>
    %dma_start3A_1282 = tpu.memref_squeeze %dma_start3A_1281 : memref<1x80x128xf32, #tpu.memory_space<vmem>> -> memref<80x128xf32, #tpu.memory_space<vmem>>
    %dma_start3A_1283 = arith.constant 0 : i32
    %dma_start3A_1284 = tpu.memref_slice %arg6[%dma_start3A_1277, %dma_start3A_1283] : memref<3x80xi32, #tpu.memory_space<vmem>> -> memref<1x80xi32, #tpu.memory_space<vmem>>
    %dma_start3A_1285 = tpu.memref_squeeze %dma_start3A_1284 : memref<1x80xi32, #tpu.memory_space<vmem>> -> memref<80xi32, #tpu.memory_space<vmem>>
    %dma_start3A_1286 = arith.constant 0 : i32
    %dma_start3A_1287 = arith.constant 0 : i32
    %dma_start3A_1288 = tpu.memref_slice %arg2[%dma_start3A_1286, %dma_start3A_1287] : memref<10000x128xf32, #tpu.memory_space<hbm>> -> memref<10000x128xf32, #tpu.memory_space<hbm>>
    tpu.enqueue_indirect_dma source(%dma_start3A_1288 : memref<10000x128xf32, #tpu.memory_space<hbm>>) target(%dma_start3A_1282 : memref<80x128xf32, #tpu.memory_space<vmem>>) offsets(%dma_start3A_1285 : memref<80xi32, #tpu.memory_space<vmem>>) semaphore(%arg12 : memref<!tpu.dma_semaphore, #tpu.memory_space<semaphore_mem>>)
    %add3A_1289 = arith.constant 80 : i32
    %add3A_1290 = arith.addi %mul3A_2, %add3A_1289 : i32
    %multiple_of3A_1291 = tpu.assume_multiple %add3A_1290, 8 : i32
    %dma_start3A_1292 = arith.constant 1 : i32
    %dma_start3A_1293 = arith.constant 1 : i32
    %dma_start3A_1294 = arith.constant 0 : i32
    %dma_start3A_1295 = tpu.memref_slice %arg6[%dma_start3A_1292, %dma_start3A_1294] : memref<3x80xi32, #tpu.memory_space<vmem>> -> memref<1x80xi32, #tpu.memory_space<vmem>>
    %dma_start3A_1296 = tpu.memref_squeeze %dma_start3A_1295 : memref<1x80xi32, #tpu.memory_space<vmem>> -> memref<80xi32, #tpu.memory_space<vmem>>
    %dma_start3A_1297 = tpu.memref_slice %arg3[%multiple_of3A_1291] : memref<320000xi32, #tpu.memory_space<hbm>> -> memref<80xi32, #tpu.memory_space<hbm>>
    %dma_start3A_1298 = tpu.memref_slice %arg14[%dma_start3A_1293] : memref<3x!tpu.dma_semaphore, #tpu.memory_space<semaphore_mem>> -> memref<1x!tpu.dma_semaphore, #tpu.memory_space<semaphore_mem>>
    %dma_start3A_1299 = tpu.memref_squeeze %dma_start3A_1298 : memref<1x!tpu.dma_semaphore, #tpu.memory_space<semaphore_mem>> -> memref<!tpu.dma_semaphore, #tpu.memory_space<semaphore_mem>>
    %dma_start3A_1300 = arith.constant 0 : i32
    %dma_start3A_1301 = tpu.memref_slice %arg6[%dma_start3A_1292, %dma_start3A_1300] : memref<3x80xi32, #tpu.memory_space<vmem>> -> memref<1x80xi32, #tpu.memory_space<vmem>>
    %dma_start3A_1302 = tpu.memref_squeeze %dma_start3A_1301 : memref<1x80xi32, #tpu.memory_space<vmem>> -> memref<80xi32, #tpu.memory_space<vmem>>
    %dma_start3A_1303 = tpu.memref_slice %arg3[%multiple_of3A_1291] : memref<320000xi32, #tpu.memory_space<hbm>> -> memref<80xi32, #tpu.memory_space<hbm>>
    tpu.enqueue_dma source(%dma_start3A_1303 : memref<80xi32, #tpu.memory_space<hbm>>) target(%dma_start3A_1302 : memref<80xi32, #tpu.memory_space<vmem>>) target_semaphore(%dma_start3A_1299 : memref<!tpu.dma_semaphore, #tpu.memory_space<semaphore_mem>>)
    %add3A_1304 = arith.constant 80 : i32
    %add3A_1305 = arith.addi %mul3A_2, %add3A_1304 : i32
    %multiple_of3A_1306 = tpu.assume_multiple %add3A_1305, 8 : i32
    %dma_start3A_1307 = arith.constant 1 : i32
    %dma_start3A_1308 = arith.constant 1 : i32
    %dma_start3A_1309 = arith.constant 0 : i32
    %dma_start3A_1310 = tpu.memref_slice %arg7[%dma_start3A_1307, %dma_start3A_1309] : memref<3x80xf32, #tpu.memory_space<vmem>> -> memref<1x80xf32, #tpu.memory_space<vmem>>
    %dma_start3A_1311 = tpu.memref_squeeze %dma_start3A_1310 : memref<1x80xf32, #tpu.memory_space<vmem>> -> memref<80xf32, #tpu.memory_space<vmem>>
    %dma_start3A_1312 = tpu.memref_slice %arg4[%multiple_of3A_1306] : memref<320000xf32, #tpu.memory_space<hbm>> -> memref<80xf32, #tpu.memory_space<hbm>>
    %dma_start3A_1313 = tpu.memref_slice %arg14[%dma_start3A_1308] : memref<3x!tpu.dma_semaphore, #tpu.memory_space<semaphore_mem>> -> memref<1x!tpu.dma_semaphore, #tpu.memory_space<semaphore_mem>>
    %dma_start3A_1314 = tpu.memref_squeeze %dma_start3A_1313 : memref<1x!tpu.dma_semaphore, #tpu.memory_space<semaphore_mem>> -> memref<!tpu.dma_semaphore, #tpu.memory_space<semaphore_mem>>
    %dma_start3A_1315 = arith.constant 0 : i32
    %dma_start3A_1316 = tpu.memref_slice %arg7[%dma_start3A_1307, %dma_start3A_1315] : memref<3x80xf32, #tpu.memory_space<vmem>> -> memref<1x80xf32, #tpu.memory_space<vmem>>
    %dma_start3A_1317 = tpu.memref_squeeze %dma_start3A_1316 : memref<1x80xf32, #tpu.memory_space<vmem>> -> memref<80xf32, #tpu.memory_space<vmem>>
    %dma_start3A_1318 = tpu.memref_slice %arg4[%multiple_of3A_1306] : memref<320000xf32, #tpu.memory_space<hbm>> -> memref<80xf32, #tpu.memory_space<hbm>>
    tpu.enqueue_dma source(%dma_start3A_1318 : memref<80xf32, #tpu.memory_space<hbm>>) target(%dma_start3A_1317 : memref<80xf32, #tpu.memory_space<vmem>>) target_semaphore(%dma_start3A_1314 : memref<!tpu.dma_semaphore, #tpu.memory_space<semaphore_mem>>)
    %scan3A = arith.constant 0 : i32
    %scan3A_1319 = arith.constant 0 : i32
    %scan3A_1320 = arith.constant 125 : i32
    %scan3A_1321 = arith.addi %scan3A_1319, %scan3A_1320 : i32
    %scan3A_1322 = arith.constant 1 : i32
    %scan3A_1323 = scf.for %scan3A_1365 = %scan3A_1319 to %scan3A_1321 step %scan3A_1322 iter_args(%scan3A_1366 = %scan3A) -> (i32)  : i32 {
      %rem3A = arith.constant 3 : i32
      %rem3A_1367 = arith.remsi %scan3A_1365, %rem3A : i32
      %add3A_1368 = arith.constant 1 : i32
      %add3A_1369 = arith.addi %scan3A_1365, %add3A_1368 : i32
      %rem3A_1370 = arith.constant 3 : i32
      %rem3A_1371 = arith.remsi %add3A_1369, %rem3A_1370 : i32
      %dma_wait3A_1372 = arith.constant 0 : i32
      %dma_wait3A_1373 = arith.constant 0 : i32
      %dma_wait3A_1374 = tpu.memref_slice %arg9[%rem3A_1367, %dma_wait3A_1372, %dma_wait3A_1373] : memref<3x80x128xf32, #tpu.memory_space<vmem>> -> memref<1x80x128xf32, #tpu.memory_space<vmem>>
      %dma_wait3A_1375 = tpu.memref_squeeze %dma_wait3A_1374 : memref<1x80x128xf32, #tpu.memory_space<vmem>> -> memref<80x128xf32, #tpu.memory_space<vmem>>
      %dma_wait3A_1376 = arith.constant 0 : i32
      %dma_wait3A_1377 = tpu.memref_slice %arg6[%rem3A_1367, %dma_wait3A_1376] : memref<3x80xi32, #tpu.memory_space<vmem>> -> memref<1x80xi32, #tpu.memory_space<vmem>>
      %dma_wait3A_1378 = tpu.memref_squeeze %dma_wait3A_1377 : memref<1x80xi32, #tpu.memory_space<vmem>> -> memref<80xi32, #tpu.memory_space<vmem>>
      %dma_wait3A_1379 = arith.constant 0 : i32
      %dma_wait3A_1380 = arith.constant 0 : i32
      %dma_wait3A_1381 = tpu.memref_slice %arg2[%dma_wait3A_1379, %dma_wait3A_1380] : memref<10000x128xf32, #tpu.memory_space<hbm>> -> memref<10000x128xf32, #tpu.memory_space<hbm>>
      tpu.wait_indirect_dma semaphore(%arg12 : memref<!tpu.dma_semaphore, #tpu.memory_space<semaphore_mem>>) src(%dma_wait3A_1381 : memref<10000x128xf32, #tpu.memory_space<hbm>>) dst(%dma_wait3A_1375 : memref<80x128xf32, #tpu.memory_space<vmem>>)
      %ge3A = arith.constant 2 : i32
      %ge3A_1382 = arith.cmpi sge, %scan3A_1365, %ge3A : i32
      %convert_element_type3A_1383 = arith.extui %ge3A_1382 : i1 to i32
      %cond3A_1384 = arith.constant 0 : i32
      %cond3A_1385 = arith.cmpi ne, %convert_element_type3A_1383, %cond3A_1384 : i32
      scf.if %cond3A_1385 {
        %dma_wait3A_1420 = arith.constant 0 : i32
        %dma_wait3A_1421 = arith.constant 0 : i32
        %dma_wait3A_1422 = tpu.memref_slice %arg9[%rem3A_1371, %dma_wait3A_1420, %dma_wait3A_1421] : memref<3x80x128xf32, #tpu.memory_space<vmem>> -> memref<1x80x128xf32, #tpu.memory_space<vmem>>
        %dma_wait3A_1423 = tpu.memref_squeeze %dma_wait3A_1422 : memref<1x80x128xf32, #tpu.memory_space<vmem>> -> memref<80x128xf32, #tpu.memory_space<vmem>>
        %dma_wait3A_1424 = arith.constant 0 : i32
        %dma_wait3A_1425 = tpu.memref_slice %arg8[%rem3A_1371, %dma_wait3A_1424] : memref<3x80xi32, #tpu.memory_space<vmem>> -> memref<1x80xi32, #tpu.memory_space<vmem>>
        %dma_wait3A_1426 = tpu.memref_squeeze %dma_wait3A_1425 : memref<1x80xi32, #tpu.memory_space<vmem>> -> memref<80xi32, #tpu.memory_space<vmem>>
        %dma_wait3A_1427 = arith.constant 0 : i32
        %dma_wait3A_1428 = arith.constant 0 : i32
        %dma_wait3A_1429 = tpu.memref_slice %arg11[%dma_wait3A_1427, %dma_wait3A_1428] : memref<10000x128xf32, #tpu.memory_space<vmem_shared>> -> memref<10000x128xf32, #tpu.memory_space<vmem_shared>>
        %dma_wait3A_1430 = tpu.memref_slice %arg13[%rem3A_1371] : memref<3x!tpu.dma_semaphore, #tpu.memory_space<semaphore_mem>> -> memref<1x!tpu.dma_semaphore, #tpu.memory_space<semaphore_mem>>
        %dma_wait3A_1431 = tpu.memref_squeeze %dma_wait3A_1430 : memref<1x!tpu.dma_semaphore, #tpu.memory_space<semaphore_mem>> -> memref<!tpu.dma_semaphore, #tpu.memory_space<semaphore_mem>>
        tpu.wait_indirect_dma semaphore(%dma_wait3A_1431 : memref<!tpu.dma_semaphore, #tpu.memory_space<semaphore_mem>>) src(%dma_wait3A_1423 : memref<80x128xf32, #tpu.memory_space<vmem>>) dst(%dma_wait3A_1429 : memref<10000x128xf32, #tpu.memory_space<vmem_shared>>)
      } else {
      }
      %add3A_1386 = arith.constant 1 : i32
      %add3A_1387 = arith.addi %scan3A_1365, %add3A_1386 : i32
      %lt3A_1388 = arith.constant 125 : i32
      %lt3A_1389 = arith.cmpi slt, %add3A_1387, %lt3A_1388 : i32
      %convert_element_type3A_1390 = arith.extui %lt3A_1389 : i1 to i32
      %cond3A_1391 = arith.constant 0 : i32
      %cond3A_1392 = arith.cmpi ne, %convert_element_type3A_1390, %cond3A_1391 : i32
      scf.if %cond3A_1392 {
        %add3A_1420 = arith.constant 1 : i32
        %add3A_1421 = arith.addi %scan3A_1365, %add3A_1420 : i32
        %mul3A_1422 = arith.constant 80 : i32
        %mul3A_1423 = arith.muli %add3A_1421, %mul3A_1422 : i32
        %add3A_1424 = arith.addi %mul3A_2, %mul3A_1423 : i32
        %multiple_of3A_1425 = tpu.assume_multiple %add3A_1424, 8 : i32
        %dma_wait3A_1426 = arith.constant 0 : i32
        %dma_wait3A_1427 = tpu.memref_slice %arg6[%rem3A_1371, %dma_wait3A_1426] : memref<3x80xi32, #tpu.memory_space<vmem>> -> memref<1x80xi32, #tpu.memory_space<vmem>>
        %dma_wait3A_1428 = tpu.memref_squeeze %dma_wait3A_1427 : memref<1x80xi32, #tpu.memory_space<vmem>> -> memref<80xi32, #tpu.memory_space<vmem>>
        %dma_wait3A_1429 = tpu.memref_slice %arg3[%multiple_of3A_1425] : memref<320000xi32, #tpu.memory_space<hbm>> -> memref<80xi32, #tpu.memory_space<hbm>>
        %dma_wait3A_1430 = tpu.memref_slice %arg14[%rem3A_1371] : memref<3x!tpu.dma_semaphore, #tpu.memory_space<semaphore_mem>> -> memref<1x!tpu.dma_semaphore, #tpu.memory_space<semaphore_mem>>
        %dma_wait3A_1431 = tpu.memref_squeeze %dma_wait3A_1430 : memref<1x!tpu.dma_semaphore, #tpu.memory_space<semaphore_mem>> -> memref<!tpu.dma_semaphore, #tpu.memory_space<semaphore_mem>>
        %dma_wait3A_1432 = arith.constant 0 : i32
        %dma_wait3A_1433 = tpu.memref_slice %arg6[%rem3A_1371, %dma_wait3A_1432] : memref<3x80xi32, #tpu.memory_space<vmem>> -> memref<1x80xi32, #tpu.memory_space<vmem>>
        %dma_wait3A_1434 = tpu.memref_squeeze %dma_wait3A_1433 : memref<1x80xi32, #tpu.memory_space<vmem>> -> memref<80xi32, #tpu.memory_space<vmem>>
        %dma_wait3A_1435 = tpu.memref_slice %arg3[%multiple_of3A_1425] : memref<320000xi32, #tpu.memory_space<hbm>> -> memref<80xi32, #tpu.memory_space<hbm>>
        tpu.wait_dma2 semaphore(%dma_wait3A_1431 : memref<!tpu.dma_semaphore, #tpu.memory_space<semaphore_mem>>) src(%dma_wait3A_1435 : memref<80xi32, #tpu.memory_space<hbm>>) dst(%dma_wait3A_1434 : memref<80xi32, #tpu.memory_space<vmem>>)
        %mul3A_1436 = arith.constant 80 : i32
        %mul3A_1437 = arith.muli %add3A_1421, %mul3A_1436 : i32
        %add3A_1438 = arith.addi %mul3A_2, %mul3A_1437 : i32
        %multiple_of3A_1439 = tpu.assume_multiple %add3A_1438, 8 : i32
        %dma_wait3A_1440 = arith.constant 0 : i32
        %dma_wait3A_1441 = tpu.memref_slice %arg7[%rem3A_1371, %dma_wait3A_1440] : memref<3x80xf32, #tpu.memory_space<vmem>> -> memref<1x80xf32, #tpu.memory_space<vmem>>
        %dma_wait3A_1442 = tpu.memref_squeeze %dma_wait3A_1441 : memref<1x80xf32, #tpu.memory_space<vmem>> -> memref<80xf32, #tpu.memory_space<vmem>>
        %dma_wait3A_1443 = tpu.memref_slice %arg4[%multiple_of3A_1439] : memref<320000xf32, #tpu.memory_space<hbm>> -> memref<80xf32, #tpu.memory_space<hbm>>
        %dma_wait3A_1444 = tpu.memref_slice %arg14[%rem3A_1371] : memref<3x!tpu.dma_semaphore, #tpu.memory_space<semaphore_mem>> -> memref<1x!tpu.dma_semaphore, #tpu.memory_space<semaphore_mem>>
        %dma_wait3A_1445 = tpu.memref_squeeze %dma_wait3A_1444 : memref<1x!tpu.dma_semaphore, #tpu.memory_space<semaphore_mem>> -> memref<!tpu.dma_semaphore, #tpu.memory_space<semaphore_mem>>
        %dma_wait3A_1446 = arith.constant 0 : i32
        %dma_wait3A_1447 = tpu.memref_slice %arg7[%rem3A_1371, %dma_wait3A_1446] : memref<3x80xf32, #tpu.memory_space<vmem>> -> memref<1x80xf32, #tpu.memory_space<vmem>>
        %dma_wait3A_1448 = tpu.memref_squeeze %dma_wait3A_1447 : memref<1x80xf32, #tpu.memory_space<vmem>> -> memref<80xf32, #tpu.memory_space<vmem>>
        %dma_wait3A_1449 = tpu.memref_slice %arg4[%multiple_of3A_1439] : memref<320000xf32, #tpu.memory_space<hbm>> -> memref<80xf32, #tpu.memory_space<hbm>>
        tpu.wait_dma2 semaphore(%dma_wait3A_1445 : memref<!tpu.dma_semaphore, #tpu.memory_space<semaphore_mem>>) src(%dma_wait3A_1449 : memref<80xf32, #tpu.memory_space<hbm>>) dst(%dma_wait3A_1448 : memref<80xf32, #tpu.memory_space<vmem>>)
        %get3A_1450 = arith.index_cast %rem3A_1371 : i32 to index
        %get3A_1451 = arith.constant 0 : index
        %get3A_1452 = tpu.vector_load %arg6[%get3A_1450, %get3A_1451] {strides = array<i32>} : memref<3x80xi32, #tpu.memory_space<vmem>>, vector<1x16xi32>,
        %get3A_1453 = vector.shape_cast %get3A_1452 : vector<1x16xi32> to vector<16xi32>
        %and3A_1454 = arith.constant 65535 : i32
        %and3A_1455 = vector.broadcast %and3A_1454 : i32 to vector<16xi32>
        %and3A_1456 = arith.andi %get3A_1453, %and3A_1455 : vector<16xi32>
        %swap3A_1457 = arith.index_cast %rem3A_1371 : i32 to index
        %swap3A_1458 = arith.constant 0 : index
        %swap3A_1459 = tpu.vector_load %arg8[%swap3A_1457, %swap3A_1458] {strides = array<i32>} : memref<3x80xi32, #tpu.memory_space<vmem>>, vector<1x16xi32>,
        %swap3A_1460 = vector.shape_cast %swap3A_1459 : vector<1x16xi32> to vector<16xi32>
        %swap3A_1461 = vector.shape_cast %and3A_1456 : vector<16xi32> to vector<1x16xi32>
        tpu.vector_store %arg8[%swap3A_1457, %swap3A_1458], %swap3A_1461 {strides = array<i32>} : memref<3x80xi32, #tpu.memory_space<vmem>>, vector<1x16xi32>,
        %shift_right_logical3A_1462 = arith.constant 16 : i32
        %shift_right_logical3A_1463 = vector.broadcast %shift_right_logical3A_1462 : i32 to vector<16xi32>
        %shift_right_logical3A_1464 = arith.shrui %get3A_1453, %shift_right_logical3A_1463 : vector<16xi32>
        %swap3A_1465 = arith.index_cast %rem3A_1371 : i32 to index
        %swap3A_1466 = arith.constant 0 : index
        %swap3A_1467 = tpu.vector_load %arg6[%swap3A_1465, %swap3A_1466] {strides = array<i32>} : memref<3x80xi32, #tpu.memory_space<vmem>>, vector<1x16xi32>,
        %swap3A_1468 = vector.shape_cast %swap3A_1467 : vector<1x16xi32> to vector<16xi32>
        %swap3A_1469 = vector.shape_cast %shift_right_logical3A_1464 : vector<16xi32> to vector<1x16xi32>
        tpu.vector_store %arg6[%swap3A_1465, %swap3A_1466], %swap3A_1469 {strides = array<i32>} : memref<3x80xi32, #tpu.memory_space<vmem>>, vector<1x16xi32>,
        %get3A_1470 = arith.index_cast %rem3A_1371 : i32 to index
        %get3A_1471 = arith.constant 16 : index
        %get3A_1472 = tpu.vector_load %arg6[%get3A_1470, %get3A_1471] {strides = array<i32>} : memref<3x80xi32, #tpu.memory_space<vmem>>, vector<1x16xi32>,
        %get3A_1473 = vector.shape_cast %get3A_1472 : vector<1x16xi32> to vector<16xi32>
        %and3A_1474 = arith.constant 65535 : i32
        %and3A_1475 = vector.broadcast %and3A_1474 : i32 to vector<16xi32>
        %and3A_1476 = arith.andi %get3A_1473, %and3A_1475 : vector<16xi32>
        %swap3A_1477 = arith.index_cast %rem3A_1371 : i32 to index
        %swap3A_1478 = arith.constant 16 : index
        %swap3A_1479 = tpu.vector_load %arg8[%swap3A_1477, %swap3A_1478] {strides = array<i32>} : memref<3x80xi32, #tpu.memory_space<vmem>>, vector<1x16xi32>,
        %swap3A_1480 = vector.shape_cast %swap3A_1479 : vector<1x16xi32> to vector<16xi32>
        %swap3A_1481 = vector.shape_cast %and3A_1476 : vector<16xi32> to vector<1x16xi32>
        tpu.vector_store %arg8[%swap3A_1477, %swap3A_1478], %swap3A_1481 {strides = array<i32>} : memref<3x80xi32, #tpu.memory_space<vmem>>, vector<1x16xi32>,
        %shift_right_logical3A_1482 = arith.constant 16 : i32
        %shift_right_logical3A_1483 = vector.broadcast %shift_right_logical3A_1482 : i32 to vector<16xi32>
        %shift_right_logical3A_1484 = arith.shrui %get3A_1473, %shift_right_logical3A_1483 : vector<16xi32>
        %swap3A_1485 = arith.index_cast %rem3A_1371 : i32 to index
        %swap3A_1486 = arith.constant 16 : index
        %swap3A_1487 = tpu.vector_load %arg6[%swap3A_1485, %swap3A_1486] {strides = array<i32>} : memref<3x80xi32, #tpu.memory_space<vmem>>, vector<1x16xi32>,
        %swap3A_1488 = vector.shape_cast %swap3A_1487 : vector<1x16xi32> to vector<16xi32>
        %swap3A_1489 = vector.shape_cast %shift_right_logical3A_1484 : vector<16xi32> to vector<1x16xi32>
        tpu.vector_store %arg6[%swap3A_1485, %swap3A_1486], %swap3A_1489 {strides = array<i32>} : memref<3x80xi32, #tpu.memory_space<vmem>>, vector<1x16xi32>,
        %get3A_1490 = arith.index_cast %rem3A_1371 : i32 to index
        %get3A_1491 = arith.constant 32 : index
        %get3A_1492 = tpu.vector_load %arg6[%get3A_1490, %get3A_1491] {strides = array<i32>} : memref<3x80xi32, #tpu.memory_space<vmem>>, vector<1x16xi32>,
        %get3A_1493 = vector.shape_cast %get3A_1492 : vector<1x16xi32> to vector<16xi32>
        %and3A_1494 = arith.constant 65535 : i32
        %and3A_1495 = vector.broadcast %and3A_1494 : i32 to vector<16xi32>
        %and3A_1496 = arith.andi %get3A_1493, %and3A_1495 : vector<16xi32>
        %swap3A_1497 = arith.index_cast %rem3A_1371 : i32 to index
        %swap3A_1498 = arith.constant 32 : index
        %swap3A_1499 = tpu.vector_load %arg8[%swap3A_1497, %swap3A_1498] {strides = array<i32>} : memref<3x80xi32, #tpu.memory_space<vmem>>, vector<1x16xi32>,
        %swap3A_1500 = vector.shape_cast %swap3A_1499 : vector<1x16xi32> to vector<16xi32>
        %swap3A_1501 = vector.shape_cast %and3A_1496 : vector<16xi32> to vector<1x16xi32>
        tpu.vector_store %arg8[%swap3A_1497, %swap3A_1498], %swap3A_1501 {strides = array<i32>} : memref<3x80xi32, #tpu.memory_space<vmem>>, vector<1x16xi32>,
        %shift_right_logical3A_1502 = arith.constant 16 : i32
        %shift_right_logical3A_1503 = vector.broadcast %shift_right_logical3A_1502 : i32 to vector<16xi32>
        %shift_right_logical3A_1504 = arith.shrui %get3A_1493, %shift_right_logical3A_1503 : vector<16xi32>
        %swap3A_1505 = arith.index_cast %rem3A_1371 : i32 to index
        %swap3A_1506 = arith.constant 32 : index
        %swap3A_1507 = tpu.vector_load %arg6[%swap3A_1505, %swap3A_1506] {strides = array<i32>} : memref<3x80xi32, #tpu.memory_space<vmem>>, vector<1x16xi32>,
        %swap3A_1508 = vector.shape_cast %swap3A_1507 : vector<1x16xi32> to vector<16xi32>
        %swap3A_1509 = vector.shape_cast %shift_right_logical3A_1504 : vector<16xi32> to vector<1x16xi32>
        tpu.vector_store %arg6[%swap3A_1505, %swap3A_1506], %swap3A_1509 {strides = array<i32>} : memref<3x80xi32, #tpu.memory_space<vmem>>, vector<1x16xi32>,
        %get3A_1510 = arith.index_cast %rem3A_1371 : i32 to index
        %get3A_1511 = arith.constant 48 : index
        %get3A_1512 = tpu.vector_load %arg6[%get3A_1510, %get3A_1511] {strides = array<i32>} : memref<3x80xi32, #tpu.memory_space<vmem>>, vector<1x16xi32>,
        %get3A_1513 = vector.shape_cast %get3A_1512 : vector<1x16xi32> to vector<16xi32>
        %and3A_1514 = arith.constant 65535 : i32
        %and3A_1515 = vector.broadcast %and3A_1514 : i32 to vector<16xi32>
        %and3A_1516 = arith.andi %get3A_1513, %and3A_1515 : vector<16xi32>
        %swap3A_1517 = arith.index_cast %rem3A_1371 : i32 to index
        %swap3A_1518 = arith.constant 48 : index
        %swap3A_1519 = tpu.vector_load %arg8[%swap3A_1517, %swap3A_1518] {strides = array<i32>} : memref<3x80xi32, #tpu.memory_space<vmem>>, vector<1x16xi32>,
        %swap3A_1520 = vector.shape_cast %swap3A_1519 : vector<1x16xi32> to vector<16xi32>
        %swap3A_1521 = vector.shape_cast %and3A_1516 : vector<16xi32> to vector<1x16xi32>
        tpu.vector_store %arg8[%swap3A_1517, %swap3A_1518], %swap3A_1521 {strides = array<i32>} : memref<3x80xi32, #tpu.memory_space<vmem>>, vector<1x16xi32>,
        %shift_right_logical3A_1522 = arith.constant 16 : i32
        %shift_right_logical3A_1523 = vector.broadcast %shift_right_logical3A_1522 : i32 to vector<16xi32>
        %shift_right_logical3A_1524 = arith.shrui %get3A_1513, %shift_right_logical3A_1523 : vector<16xi32>
        %swap3A_1525 = arith.index_cast %rem3A_1371 : i32 to index
        %swap3A_1526 = arith.constant 48 : index
        %swap3A_1527 = tpu.vector_load %arg6[%swap3A_1525, %swap3A_1526] {strides = array<i32>} : memref<3x80xi32, #tpu.memory_space<vmem>>, vector<1x16xi32>,
        %swap3A_1528 = vector.shape_cast %swap3A_1527 : vector<1x16xi32> to vector<16xi32>
        %swap3A_1529 = vector.shape_cast %shift_right_logical3A_1524 : vector<16xi32> to vector<1x16xi32>
        tpu.vector_store %arg6[%swap3A_1525, %swap3A_1526], %swap3A_1529 {strides = array<i32>} : memref<3x80xi32, #tpu.memory_space<vmem>>, vector<1x16xi32>,
        %get3A_1530 = arith.index_cast %rem3A_1371 : i32 to index
        %get3A_1531 = arith.constant 64 : index
        %get3A_1532 = tpu.vector_load %arg6[%get3A_1530, %get3A_1531] {strides = array<i32>} : memref<3x80xi32, #tpu.memory_space<vmem>>, vector<1x16xi32>,
        %get3A_1533 = vector.shape_cast %get3A_1532 : vector<1x16xi32> to vector<16xi32>
        %and3A_1534 = arith.constant 65535 : i32
        %and3A_1535 = vector.broadcast %and3A_1534 : i32 to vector<16xi32>
        %and3A_1536 = arith.andi %get3A_1533, %and3A_1535 : vector<16xi32>
        %swap3A_1537 = arith.index_cast %rem3A_1371 : i32 to index
        %swap3A_1538 = arith.constant 64 : index
        %swap3A_1539 = tpu.vector_load %arg8[%swap3A_1537, %swap3A_1538] {strides = array<i32>} : memref<3x80xi32, #tpu.memory_space<vmem>>, vector<1x16xi32>,
        %swap3A_1540 = vector.shape_cast %swap3A_1539 : vector<1x16xi32> to vector<16xi32>
        %swap3A_1541 = vector.shape_cast %and3A_1536 : vector<16xi32> to vector<1x16xi32>
        tpu.vector_store %arg8[%swap3A_1537, %swap3A_1538], %swap3A_1541 {strides = array<i32>} : memref<3x80xi32, #tpu.memory_space<vmem>>, vector<1x16xi32>,
        %shift_right_logical3A_1542 = arith.constant 16 : i32
        %shift_right_logical3A_1543 = vector.broadcast %shift_right_logical3A_1542 : i32 to vector<16xi32>
        %shift_right_logical3A_1544 = arith.shrui %get3A_1533, %shift_right_logical3A_1543 : vector<16xi32>
        %swap3A_1545 = arith.index_cast %rem3A_1371 : i32 to index
        %swap3A_1546 = arith.constant 64 : index
        %swap3A_1547 = tpu.vector_load %arg6[%swap3A_1545, %swap3A_1546] {strides = array<i32>} : memref<3x80xi32, #tpu.memory_space<vmem>>, vector<1x16xi32>,
        %swap3A_1548 = vector.shape_cast %swap3A_1547 : vector<1x16xi32> to vector<16xi32>
        %swap3A_1549 = vector.shape_cast %shift_right_logical3A_1544 : vector<16xi32> to vector<1x16xi32>
        tpu.vector_store %arg6[%swap3A_1545, %swap3A_1546], %swap3A_1549 {strides = array<i32>} : memref<3x80xi32, #tpu.memory_space<vmem>>, vector<1x16xi32>,
        %dma_start3A_1550 = arith.constant 0 : i32
        %dma_start3A_1551 = arith.constant 0 : i32
        %dma_start3A_1552 = tpu.memref_slice %arg9[%rem3A_1371, %dma_start3A_1550, %dma_start3A_1551] : memref<3x80x128xf32, #tpu.memory_space<vmem>> -> memref<1x80x128xf32, #tpu.memory_space<vmem>>
        %dma_start3A_1553 = tpu.memref_squeeze %dma_start3A_1552 : memref<1x80x128xf32, #tpu.memory_space<vmem>> -> memref<80x128xf32, #tpu.memory_space<vmem>>
        %dma_start3A_1554 = arith.constant 0 : i32
        %dma_start3A_1555 = tpu.memref_slice %arg6[%rem3A_1371, %dma_start3A_1554] : memref<3x80xi32, #tpu.memory_space<vmem>> -> memref<1x80xi32, #tpu.memory_space<vmem>>
        %dma_start3A_1556 = tpu.memref_squeeze %dma_start3A_1555 : memref<1x80xi32, #tpu.memory_space<vmem>> -> memref<80xi32, #tpu.memory_space<vmem>>
        %dma_start3A_1557 = arith.constant 0 : i32
        %dma_start3A_1558 = arith.constant 0 : i32
        %dma_start3A_1559 = tpu.memref_slice %arg2[%dma_start3A_1557, %dma_start3A_1558] : memref<10000x128xf32, #tpu.memory_space<hbm>> -> memref<10000x128xf32, #tpu.memory_space<hbm>>
        tpu.enqueue_indirect_dma source(%dma_start3A_1559 : memref<10000x128xf32, #tpu.memory_space<hbm>>) target(%dma_start3A_1553 : memref<80x128xf32, #tpu.memory_space<vmem>>) offsets(%dma_start3A_1556 : memref<80xi32, #tpu.memory_space<vmem>>) semaphore(%arg12 : memref<!tpu.dma_semaphore, #tpu.memory_space<semaphore_mem>>)
      } else {
      }
      %add3A_1393 = arith.constant 2 : i32
      %add3A_1394 = arith.addi %scan3A_1365, %add3A_1393 : i32
      %lt3A_1395 = arith.constant 125 : i32
      %lt3A_1396 = arith.cmpi slt, %add3A_1394, %lt3A_1395 : i32
      %convert_element_type3A_1397 = arith.extui %lt3A_1396 : i1 to i32
      %cond3A_1398 = arith.constant 0 : i32
      %cond3A_1399 = arith.cmpi ne, %convert_element_type3A_1397, %cond3A_1398 : i32
      scf.if %cond3A_1399 {
        %add3A_1420 = arith.constant 2 : i32
        %add3A_1421 = arith.addi %scan3A_1365, %add3A_1420 : i32
        %add3A_1422 = arith.constant 2 : i32
        %add3A_1423 = arith.addi %scan3A_1365, %add3A_1422 : i32
        %rem3A_1424 = arith.constant 3 : i32
        %rem3A_1425 = arith.remsi %add3A_1423, %rem3A_1424 : i32
        %mul3A_1426 = arith.constant 80 : i32
        %mul3A_1427 = arith.muli %add3A_1421, %mul3A_1426 : i32
        %add3A_1428 = arith.addi %mul3A_2, %mul3A_1427 : i32
        %multiple_of3A_1429 = tpu.assume_multiple %add3A_1428, 8 : i32
        %dma_start3A_1430 = arith.constant 0 : i32
        %dma_start3A_1431 = tpu.memref_slice %arg6[%rem3A_1425, %dma_start3A_1430] : memref<3x80xi32, #tpu.memory_space<vmem>> -> memref<1x80xi32, #tpu.memory_space<vmem>>
        %dma_start3A_1432 = tpu.memref_squeeze %dma_start3A_1431 : memref<1x80xi32, #tpu.memory_space<vmem>> -> memref<80xi32, #tpu.memory_space<vmem>>
        %dma_start3A_1433 = tpu.memref_slice %arg3[%multiple_of3A_1429] : memref<320000xi32, #tpu.memory_space<hbm>> -> memref<80xi32, #tpu.memory_space<hbm>>
        %dma_start3A_1434 = tpu.memref_slice %arg14[%rem3A_1425] : memref<3x!tpu.dma_semaphore, #tpu.memory_space<semaphore_mem>> -> memref<1x!tpu.dma_semaphore, #tpu.memory_space<semaphore_mem>>
        %dma_start3A_1435 = tpu.memref_squeeze %dma_start3A_1434 : memref<1x!tpu.dma_semaphore, #tpu.memory_space<semaphore_mem>> -> memref<!tpu.dma_semaphore, #tpu.memory_space<semaphore_mem>>
        %dma_start3A_1436 = arith.constant 0 : i32
        %dma_start3A_1437 = tpu.memref_slice %arg6[%rem3A_1425, %dma_start3A_1436] : memref<3x80xi32, #tpu.memory_space<vmem>> -> memref<1x80xi32, #tpu.memory_space<vmem>>
        %dma_start3A_1438 = tpu.memref_squeeze %dma_start3A_1437 : memref<1x80xi32, #tpu.memory_space<vmem>> -> memref<80xi32, #tpu.memory_space<vmem>>
        %dma_start3A_1439 = tpu.memref_slice %arg3[%multiple_of3A_1429] : memref<320000xi32, #tpu.memory_space<hbm>> -> memref<80xi32, #tpu.memory_space<hbm>>
        tpu.enqueue_dma source(%dma_start3A_1439 : memref<80xi32, #tpu.memory_space<hbm>>) target(%dma_start3A_1438 : memref<80xi32, #tpu.memory_space<vmem>>) target_semaphore(%dma_start3A_1435 : memref<!tpu.dma_semaphore, #tpu.memory_space<semaphore_mem>>)
        %mul3A_1440 = arith.constant 80 : i32
        %mul3A_1441 = arith.muli %add3A_1421, %mul3A_1440 : i32
        %add3A_1442 = arith.addi %mul3A_2, %mul3A_1441 : i32
        %multiple_of3A_1443 = tpu.assume_multiple %add3A_1442, 8 : i32
        %dma_start3A_1444 = arith.constant 0 : i32
        %dma_start3A_1445 = tpu.memref_slice %arg7[%rem3A_1425, %dma_start3A_1444] : memref<3x80xf32, #tpu.memory_space<vmem>> -> memref<1x80xf32, #tpu.memory_space<vmem>>
        %dma_start3A_1446 = tpu.memref_squeeze %dma_start3A_1445 : memref<1x80xf32, #tpu.memory_space<vmem>> -> memref<80xf32, #tpu.memory_space<vmem>>
        %dma_start3A_1447 = tpu.memref_slice %arg4[%multiple_of3A_1443] : memref<320000xf32, #tpu.memory_space<hbm>> -> memref<80xf32, #tpu.memory_space<hbm>>
        %dma_start3A_1448 = tpu.memref_slice %arg14[%rem3A_1425] : memref<3x!tpu.dma_semaphore, #tpu.memory_space<semaphore_mem>> -> memref<1x!tpu.dma_semaphore, #tpu.memory_space<semaphore_mem>>
        %dma_start3A_1449 = tpu.memref_squeeze %dma_start3A_1448 : memref<1x!tpu.dma_semaphore, #tpu.memory_space<semaphore_mem>> -> memref<!tpu.dma_semaphore, #tpu.memory_space<semaphore_mem>>
        %dma_start3A_1450 = arith.constant 0 : i32
        %dma_start3A_1451 = tpu.memref_slice %arg7[%rem3A_1425, %dma_start3A_1450] : memref<3x80xf32, #tpu.memory_space<vmem>> -> memref<1x80xf32, #tpu.memory_space<vmem>>
        %dma_start3A_1452 = tpu.memref_squeeze %dma_start3A_1451 : memref<1x80xf32, #tpu.memory_space<vmem>> -> memref<80xf32, #tpu.memory_space<vmem>>
        %dma_start3A_1453 = tpu.memref_slice %arg4[%multiple_of3A_1443] : memref<320000xf32, #tpu.memory_space<hbm>> -> memref<80xf32, #tpu.memory_space<hbm>>
        tpu.enqueue_dma source(%dma_start3A_1453 : memref<80xf32, #tpu.memory_space<hbm>>) target(%dma_start3A_1452 : memref<80xf32, #tpu.memory_space<vmem>>) target_semaphore(%dma_start3A_1449 : memref<!tpu.dma_semaphore, #tpu.memory_space<semaphore_mem>>)
      } else {
      }
      %scan3A_1400 = arith.constant 0 : i32
      %scan3A_1401 = arith.constant 0 : i32
      %scan3A_1402 = arith.constant 5 : i32
      %scan3A_1403 = arith.addi %scan3A_1401, %scan3A_1402 : i32
      %scan3A_1404 = arith.constant 1 : i32
      %scan3A_1405 = scf.for %scan3A_1420 = %scan3A_1401 to %scan3A_1403 step %scan3A_1404 iter_args(%scan3A_1421 = %scan3A_1400) -> (i32)  : i32 {
        %mul3A_1422 = arith.constant 16 : i32
        %mul3A_1423 = arith.muli %scan3A_1420, %mul3A_1422 : i32
        %get3A_1424 = arith.index_cast %rem3A_1367 : i32 to index
        %get3A_1425 = arith.index_cast %mul3A_1423 : i32 to index
        %get3A_1426 = tpu.vector_load %arg7[%get3A_1424, %get3A_1425] {strides = array<i32>} : memref<3x80xf32, #tpu.memory_space<vmem>>, vector<1x16xf32>,
        %get3A_1427 = vector.shape_cast %get3A_1426 : vector<1x16xf32> to vector<16xf32>
        %slice3A = vector.extract_strided_slice %get3A_1427 {offsets = [0], sizes = [1], strides = [1]} : vector<16xf32> to vector<1xf32>
        %squeeze3A = vector.extract %slice3A[0] : f32 from vector<1xf32>
        %mul3A_1428 = arith.constant 16 : i32
        %mul3A_1429 = arith.muli %scan3A_1420, %mul3A_1428 : i32
        %add3A_1430 = arith.constant 0 : i32
        %add3A_1431 = arith.addi %mul3A_1429, %add3A_1430 : i32
        %get3A_1432 = arith.index_cast %rem3A_1367 : i32 to index
        %get3A_1433 = arith.index_cast %add3A_1431 : i32 to index
        %get3A_1434 = arith.constant 0 : index
        %get3A_1435 = tpu.vector_load %arg9[%get3A_1432, %get3A_1433, %get3A_1434] {strides = array<i32>} : memref<3x80x128xf32, #tpu.memory_space<vmem>>, vector<1x1x16xf32>,
        %get3A_1436 = vector.shape_cast %get3A_1435 : vector<1x1x16xf32> to vector<16xf32>
        %mul3A_1437 = vector.broadcast %squeeze3A : f32 to vector<16xf32>
        %mul3A_1438 = arith.mulf %get3A_1436, %mul3A_1437 : vector<16xf32>
        %swap3A_1439 = arith.index_cast %rem3A_1367 : i32 to index
        %swap3A_1440 = arith.index_cast %add3A_1431 : i32 to index
        %swap3A_1441 = arith.constant 0 : index
        %swap3A_1442 = tpu.vector_load %arg9[%swap3A_1439, %swap3A_1440, %swap3A_1441] {strides = array<i32>} : memref<3x80x128xf32, #tpu.memory_space<vmem>>, vector<1x1x16xf32>,
        %swap3A_1443 = vector.shape_cast %swap3A_1442 : vector<1x1x16xf32> to vector<16xf32>
        %swap3A_1444 = vector.shape_cast %mul3A_1438 : vector<16xf32> to vector<1x1x16xf32>
        tpu.vector_store %arg9[%swap3A_1439, %swap3A_1440, %swap3A_1441], %swap3A_1444 {strides = array<i32>} : memref<3x80x128xf32, #tpu.memory_space<vmem>>, vector<1x1x16xf32>,
        %get3A_1445 = arith.index_cast %rem3A_1367 : i32 to index
        %get3A_1446 = arith.index_cast %add3A_1431 : i32 to index
        %get3A_1447 = arith.constant 16 : index
        %get3A_1448 = tpu.vector_load %arg9[%get3A_1445, %get3A_1446, %get3A_1447] {strides = array<i32>} : memref<3x80x128xf32, #tpu.memory_space<vmem>>, vector<1x1x16xf32>,
        %get3A_1449 = vector.shape_cast %get3A_1448 : vector<1x1x16xf32> to vector<16xf32>
        %mul3A_1450 = vector.broadcast %squeeze3A : f32 to vector<16xf32>
        %mul3A_1451 = arith.mulf %get3A_1449, %mul3A_1450 : vector<16xf32>
        %swap3A_1452 = arith.index_cast %rem3A_1367 : i32 to index
        %swap3A_1453 = arith.index_cast %add3A_1431 : i32 to index
        %swap3A_1454 = arith.constant 16 : index
        %swap3A_1455 = tpu.vector_load %arg9[%swap3A_1452, %swap3A_1453, %swap3A_1454] {strides = array<i32>} : memref<3x80x128xf32, #tpu.memory_space<vmem>>, vector<1x1x16xf32>,
        %swap3A_1456 = vector.shape_cast %swap3A_1455 : vector<1x1x16xf32> to vector<16xf32>
        %swap3A_1457 = vector.shape_cast %mul3A_1451 : vector<16xf32> to vector<1x1x16xf32>
        tpu.vector_store %arg9[%swap3A_1452, %swap3A_1453, %swap3A_1454], %swap3A_1457 {strides = array<i32>} : memref<3x80x128xf32, #tpu.memory_space<vmem>>, vector<1x1x16xf32>,
        %get3A_1458 = arith.index_cast %rem3A_1367 : i32 to index
        %get3A_1459 = arith.index_cast %add3A_1431 : i32 to index
        %get3A_1460 = arith.constant 32 : index
        %get3A_1461 = tpu.vector_load %arg9[%get3A_1458, %get3A_1459, %get3A_1460] {strides = array<i32>} : memref<3x80x128xf32, #tpu.memory_space<vmem>>, vector<1x1x16xf32>,
        %get3A_1462 = vector.shape_cast %get3A_1461 : vector<1x1x16xf32> to vector<16xf32>
        %mul3A_1463 = vector.broadcast %squeeze3A : f32 to vector<16xf32>
        %mul3A_1464 = arith.mulf %get3A_1462, %mul3A_1463 : vector<16xf32>
        %swap3A_1465 = arith.index_cast %rem3A_1367 : i32 to index
        %swap3A_1466 = arith.index_cast %add3A_1431 : i32 to index
        %swap3A_1467 = arith.constant 32 : index
        %swap3A_1468 = tpu.vector_load %arg9[%swap3A_1465, %swap3A_1466, %swap3A_1467] {strides = array<i32>} : memref<3x80x128xf32, #tpu.memory_space<vmem>>, vector<1x1x16xf32>,
        %swap3A_1469 = vector.shape_cast %swap3A_1468 : vector<1x1x16xf32> to vector<16xf32>
        %swap3A_1470 = vector.shape_cast %mul3A_1464 : vector<16xf32> to vector<1x1x16xf32>
        tpu.vector_store %arg9[%swap3A_1465, %swap3A_1466, %swap3A_1467], %swap3A_1470 {strides = array<i32>} : memref<3x80x128xf32, #tpu.memory_space<vmem>>, vector<1x1x16xf32>,
        %get3A_1471 = arith.index_cast %rem3A_1367 : i32 to index
        %get3A_1472 = arith.index_cast %add3A_1431 : i32 to index
        %get3A_1473 = arith.constant 48 : index
        %get3A_1474 = tpu.vector_load %arg9[%get3A_1471, %get3A_1472, %get3A_1473] {strides = array<i32>} : memref<3x80x128xf32, #tpu.memory_space<vmem>>, vector<1x1x16xf32>,
        %get3A_1475 = vector.shape_cast %get3A_1474 : vector<1x1x16xf32> to vector<16xf32>
        %mul3A_1476 = vector.broadcast %squeeze3A : f32 to vector<16xf32>
        %mul3A_1477 = arith.mulf %get3A_1475, %mul3A_1476 : vector<16xf32>
        %swap3A_1478 = arith.index_cast %rem3A_1367 : i32 to index
        %swap3A_1479 = arith.index_cast %add3A_1431 : i32 to index
        %swap3A_1480 = arith.constant 48 : index
        %swap3A_1481 = tpu.vector_load %arg9[%swap3A_1478, %swap3A_1479, %swap3A_1480] {strides = array<i32>} : memref<3x80x128xf32, #tpu.memory_space<vmem>>, vector<1x1x16xf32>,
        %swap3A_1482 = vector.shape_cast %swap3A_1481 : vector<1x1x16xf32> to vector<16xf32>
        %swap3A_1483 = vector.shape_cast %mul3A_1477 : vector<16xf32> to vector<1x1x16xf32>
        tpu.vector_store %arg9[%swap3A_1478, %swap3A_1479, %swap3A_1480], %swap3A_1483 {strides = array<i32>} : memref<3x80x128xf32, #tpu.memory_space<vmem>>, vector<1x1x16xf32>,
        %get3A_1484 = arith.index_cast %rem3A_1367 : i32 to index
        %get3A_1485 = arith.index_cast %add3A_1431 : i32 to index
        %get3A_1486 = arith.constant 64 : index
        %get3A_1487 = tpu.vector_load %arg9[%get3A_1484, %get3A_1485, %get3A_1486] {strides = array<i32>} : memref<3x80x128xf32, #tpu.memory_space<vmem>>, vector<1x1x16xf32>,
        %get3A_1488 = vector.shape_cast %get3A_1487 : vector<1x1x16xf32> to vector<16xf32>
        %mul3A_1489 = vector.broadcast %squeeze3A : f32 to vector<16xf32>
        %mul3A_1490 = arith.mulf %get3A_1488, %mul3A_1489 : vector<16xf32>
        %swap3A_1491 = arith.index_cast %rem3A_1367 : i32 to index
        %swap3A_1492 = arith.index_cast %add3A_1431 : i32 to index
        %swap3A_1493 = arith.constant 64 : index
        %swap3A_1494 = tpu.vector_load %arg9[%swap3A_1491, %swap3A_1492, %swap3A_1493] {strides = array<i32>} : memref<3x80x128xf32, #tpu.memory_space<vmem>>, vector<1x1x16xf32>,
        %swap3A_1495 = vector.shape_cast %swap3A_1494 : vector<1x1x16xf32> to vector<16xf32>
        %swap3A_1496 = vector.shape_cast %mul3A_1490 : vector<16xf32> to vector<1x1x16xf32>
        tpu.vector_store %arg9[%swap3A_1491, %swap3A_1492, %swap3A_1493], %swap3A_1496 {strides = array<i32>} : memref<3x80x128xf32, #tpu.memory_space<vmem>>, vector<1x1x16xf32>,
        %get3A_1497 = arith.index_cast %rem3A_1367 : i32 to index
        %get3A_1498 = arith.index_cast %add3A_1431 : i32 to index
        %get3A_1499 = arith.constant 80 : index
        %get3A_1500 = tpu.vector_load %arg9[%get3A_1497, %get3A_1498, %get3A_1499] {strides = array<i32>} : memref<3x80x128xf32, #tpu.memory_space<vmem>>, vector<1x1x16xf32>,
        %get3A_1501 = vector.shape_cast %get3A_1500 : vector<1x1x16xf32> to vector<16xf32>
        %mul3A_1502 = vector.broadcast %squeeze3A : f32 to vector<16xf32>
        %mul3A_1503 = arith.mulf %get3A_1501, %mul3A_1502 : vector<16xf32>
        %swap3A_1504 = arith.index_cast %rem3A_1367 : i32 to index
        %swap3A_1505 = arith.index_cast %add3A_1431 : i32 to index
        %swap3A_1506 = arith.constant 80 : index
        %swap3A_1507 = tpu.vector_load %arg9[%swap3A_1504, %swap3A_1505, %swap3A_1506] {strides = array<i32>} : memref<3x80x128xf32, #tpu.memory_space<vmem>>, vector<1x1x16xf32>,
        %swap3A_1508 = vector.shape_cast %swap3A_1507 : vector<1x1x16xf32> to vector<16xf32>
        %swap3A_1509 = vector.shape_cast %mul3A_1503 : vector<16xf32> to vector<1x1x16xf32>
        tpu.vector_store %arg9[%swap3A_1504, %swap3A_1505, %swap3A_1506], %swap3A_1509 {strides = array<i32>} : memref<3x80x128xf32, #tpu.memory_space<vmem>>, vector<1x1x16xf32>,
        %get3A_1510 = arith.index_cast %rem3A_1367 : i32 to index
        %get3A_1511 = arith.index_cast %add3A_1431 : i32 to index
        %get3A_1512 = arith.constant 96 : index
        %get3A_1513 = tpu.vector_load %arg9[%get3A_1510, %get3A_1511, %get3A_1512] {strides = array<i32>} : memref<3x80x128xf32, #tpu.memory_space<vmem>>, vector<1x1x16xf32>,
        %get3A_1514 = vector.shape_cast %get3A_1513 : vector<1x1x16xf32> to vector<16xf32>
        %mul3A_1515 = vector.broadcast %squeeze3A : f32 to vector<16xf32>
        %mul3A_1516 = arith.mulf %get3A_1514, %mul3A_1515 : vector<16xf32>
        %swap3A_1517 = arith.index_cast %rem3A_1367 : i32 to index
        %swap3A_1518 = arith.index_cast %add3A_1431 : i32 to index
        %swap3A_1519 = arith.constant 96 : index
        %swap3A_1520 = tpu.vector_load %arg9[%swap3A_1517, %swap3A_1518, %swap3A_1519] {strides = array<i32>} : memref<3x80x128xf32, #tpu.memory_space<vmem>>, vector<1x1x16xf32>,
        %swap3A_1521 = vector.shape_cast %swap3A_1520 : vector<1x1x16xf32> to vector<16xf32>
        %swap3A_1522 = vector.shape_cast %mul3A_1516 : vector<16xf32> to vector<1x1x16xf32>
        tpu.vector_store %arg9[%swap3A_1517, %swap3A_1518, %swap3A_1519], %swap3A_1522 {strides = array<i32>} : memref<3x80x128xf32, #tpu.memory_space<vmem>>, vector<1x1x16xf32>,
        %get3A_1523 = arith.index_cast %rem3A_1367 : i32 to index
        %get3A_1524 = arith.index_cast %add3A_1431 : i32 to index
        %get3A_1525 = arith.constant 112 : index
        %get3A_1526 = tpu.vector_load %arg9[%get3A_1523, %get3A_1524, %get3A_1525] {strides = array<i32>} : memref<3x80x128xf32, #tpu.memory_space<vmem>>, vector<1x1x16xf32>,
        %get3A_1527 = vector.shape_cast %get3A_1526 : vector<1x1x16xf32> to vector<16xf32>
        %mul3A_1528 = vector.broadcast %squeeze3A : f32 to vector<16xf32>
        %mul3A_1529 = arith.mulf %get3A_1527, %mul3A_1528 : vector<16xf32>
        %swap3A_1530 = arith.index_cast %rem3A_1367 : i32 to index
        %swap3A_1531 = arith.index_cast %add3A_1431 : i32 to index
        %swap3A_1532 = arith.constant 112 : index
        %swap3A_1533 = tpu.vector_load %arg9[%swap3A_1530, %swap3A_1531, %swap3A_1532] {strides = array<i32>} : memref<3x80x128xf32, #tpu.memory_space<vmem>>, vector<1x1x16xf32>,
        %swap3A_1534 = vector.shape_cast %swap3A_1533 : vector<1x1x16xf32> to vector<16xf32>
        %swap3A_1535 = vector.shape_cast %mul3A_1529 : vector<16xf32> to vector<1x1x16xf32>
        tpu.vector_store %arg9[%swap3A_1530, %swap3A_1531, %swap3A_1532], %swap3A_1535 {strides = array<i32>} : memref<3x80x128xf32, #tpu.memory_space<vmem>>, vector<1x1x16xf32>,
        %slice3A_1536 = vector.extract_strided_slice %get3A_1427 {offsets = [1], sizes = [1], strides = [1]} : vector<16xf32> to vector<1xf32>
        %squeeze3A_1537 = vector.extract %slice3A_1536[0] : f32 from vector<1xf32>
        %mul3A_1538 = arith.constant 16 : i32
        %mul3A_1539 = arith.muli %scan3A_1420, %mul3A_1538 : i32
        %add3A_1540 = arith.constant 1 : i32
        %add3A_1541 = arith.addi %mul3A_1539, %add3A_1540 : i32
        %get3A_1542 = arith.index_cast %rem3A_1367 : i32 to index
        %get3A_1543 = arith.index_cast %add3A_1541 : i32 to index
        %get3A_1544 = arith.constant 0 : index
        %get3A_1545 = tpu.vector_load %arg9[%get3A_1542, %get3A_1543, %get3A_1544] {strides = array<i32>} : memref<3x80x128xf32, #tpu.memory_space<vmem>>, vector<1x1x16xf32>,
        %get3A_1546 = vector.shape_cast %get3A_1545 : vector<1x1x16xf32> to vector<16xf32>
        %mul3A_1547 = vector.broadcast %squeeze3A_1537 : f32 to vector<16xf32>
        %mul3A_1548 = arith.mulf %get3A_1546, %mul3A_1547 : vector<16xf32>
        %swap3A_1549 = arith.index_cast %rem3A_1367 : i32 to index
        %swap3A_1550 = arith.index_cast %add3A_1541 : i32 to index
        %swap3A_1551 = arith.constant 0 : index
        %swap3A_1552 = tpu.vector_load %arg9[%swap3A_1549, %swap3A_1550, %swap3A_1551] {strides = array<i32>} : memref<3x80x128xf32, #tpu.memory_space<vmem>>, vector<1x1x16xf32>,
        %swap3A_1553 = vector.shape_cast %swap3A_1552 : vector<1x1x16xf32> to vector<16xf32>
        %swap3A_1554 = vector.shape_cast %mul3A_1548 : vector<16xf32> to vector<1x1x16xf32>
        tpu.vector_store %arg9[%swap3A_1549, %swap3A_1550, %swap3A_1551], %swap3A_1554 {strides = array<i32>} : memref<3x80x128xf32, #tpu.memory_space<vmem>>, vector<1x1x16xf32>,
        %get3A_1555 = arith.index_cast %rem3A_1367 : i32 to index
        %get3A_1556 = arith.index_cast %add3A_1541 : i32 to index
        %get3A_1557 = arith.constant 16 : index
        %get3A_1558 = tpu.vector_load %arg9[%get3A_1555, %get3A_1556, %get3A_1557] {strides = array<i32>} : memref<3x80x128xf32, #tpu.memory_space<vmem>>, vector<1x1x16xf32>,
        %get3A_1559 = vector.shape_cast %get3A_1558 : vector<1x1x16xf32> to vector<16xf32>
        %mul3A_1560 = vector.broadcast %squeeze3A_1537 : f32 to vector<16xf32>
        %mul3A_1561 = arith.mulf %get3A_1559, %mul3A_1560 : vector<16xf32>
        %swap3A_1562 = arith.index_cast %rem3A_1367 : i32 to index
        %swap3A_1563 = arith.index_cast %add3A_1541 : i32 to index
        %swap3A_1564 = arith.constant 16 : index
        %swap3A_1565 = tpu.vector_load %arg9[%swap3A_1562, %swap3A_1563, %swap3A_1564] {strides = array<i32>} : memref<3x80x128xf32, #tpu.memory_space<vmem>>, vector<1x1x16xf32>,
        %swap3A_1566 = vector.shape_cast %swap3A_1565 : vector<1x1x16xf32> to vector<16xf32>
        %swap3A_1567 = vector.shape_cast %mul3A_1561 : vector<16xf32> to vector<1x1x16xf32>
        tpu.vector_store %arg9[%swap3A_1562, %swap3A_1563, %swap3A_1564], %swap3A_1567 {strides = array<i32>} : memref<3x80x128xf32, #tpu.memory_space<vmem>>, vector<1x1x16xf32>,
        %get3A_1568 = arith.index_cast %rem3A_1367 : i32 to index
        %get3A_1569 = arith.index_cast %add3A_1541 : i32 to index
        %get3A_1570 = arith.constant 32 : index
        %get3A_1571 = tpu.vector_load %arg9[%get3A_1568, %get3A_1569, %get3A_1570] {strides = array<i32>} : memref<3x80x128xf32, #tpu.memory_space<vmem>>, vector<1x1x16xf32>,
        %get3A_1572 = vector.shape_cast %get3A_1571 : vector<1x1x16xf32> to vector<16xf32>
        %mul3A_1573 = vector.broadcast %squeeze3A_1537 : f32 to vector<16xf32>
        %mul3A_1574 = arith.mulf %get3A_1572, %mul3A_1573 : vector<16xf32>
        %swap3A_1575 = arith.index_cast %rem3A_1367 : i32 to index
        %swap3A_1576 = arith.index_cast %add3A_1541 : i32 to index
        %swap3A_1577 = arith.constant 32 : index
        %swap3A_1578 = tpu.vector_load %arg9[%swap3A_1575, %swap3A_1576, %swap3A_1577] {strides = array<i32>} : memref<3x80x128xf32, #tpu.memory_space<vmem>>, vector<1x1x16xf32>,
        %swap3A_1579 = vector.shape_cast %swap3A_1578 : vector<1x1x16xf32> to vector<16xf32>
        %swap3A_1580 = vector.shape_cast %mul3A_1574 : vector<16xf32> to vector<1x1x16xf32>
        tpu.vector_store %arg9[%swap3A_1575, %swap3A_1576, %swap3A_1577], %swap3A_1580 {strides = array<i32>} : memref<3x80x128xf32, #tpu.memory_space<vmem>>, vector<1x1x16xf32>,
        %get3A_1581 = arith.index_cast %rem3A_1367 : i32 to index
        %get3A_1582 = arith.index_cast %add3A_1541 : i32 to index
        %get3A_1583 = arith.constant 48 : index
        %get3A_1584 = tpu.vector_load %arg9[%get3A_1581, %get3A_1582, %get3A_1583] {strides = array<i32>} : memref<3x80x128xf32, #tpu.memory_space<vmem>>, vector<1x1x16xf32>,
        %get3A_1585 = vector.shape_cast %get3A_1584 : vector<1x1x16xf32> to vector<16xf32>
        %mul3A_1586 = vector.broadcast %squeeze3A_1537 : f32 to vector<16xf32>
        %mul3A_1587 = arith.mulf %get3A_1585, %mul3A_1586 : vector<16xf32>
        %swap3A_1588 = arith.index_cast %rem3A_1367 : i32 to index
        %swap3A_1589 = arith.index_cast %add3A_1541 : i32 to index
        %swap3A_1590 = arith.constant 48 : index
        %swap3A_1591 = tpu.vector_load %arg9[%swap3A_1588, %swap3A_1589, %swap3A_1590] {strides = array<i32>} : memref<3x80x128xf32, #tpu.memory_space<vmem>>, vector<1x1x16xf32>,
        %swap3A_1592 = vector.shape_cast %swap3A_1591 : vector<1x1x16xf32> to vector<16xf32>
        %swap3A_1593 = vector.shape_cast %mul3A_1587 : vector<16xf32> to vector<1x1x16xf32>
        tpu.vector_store %arg9[%swap3A_1588, %swap3A_1589, %swap3A_1590], %swap3A_1593 {strides = array<i32>} : memref<3x80x128xf32, #tpu.memory_space<vmem>>, vector<1x1x16xf32>,
        %get3A_1594 = arith.index_cast %rem3A_1367 : i32 to index
        %get3A_1595 = arith.index_cast %add3A_1541 : i32 to index
        %get3A_1596 = arith.constant 64 : index
        %get3A_1597 = tpu.vector_load %arg9[%get3A_1594, %get3A_1595, %get3A_1596] {strides = array<i32>} : memref<3x80x128xf32, #tpu.memory_space<vmem>>, vector<1x1x16xf32>,
        %get3A_1598 = vector.shape_cast %get3A_1597 : vector<1x1x16xf32> to vector<16xf32>
        %mul3A_1599 = vector.broadcast %squeeze3A_1537 : f32 to vector<16xf32>
        %mul3A_1600 = arith.mulf %get3A_1598, %mul3A_1599 : vector<16xf32>
        %swap3A_1601 = arith.index_cast %rem3A_1367 : i32 to index
        %swap3A_1602 = arith.index_cast %add3A_1541 : i32 to index
        %swap3A_1603 = arith.constant 64 : index
        %swap3A_1604 = tpu.vector_load %arg9[%swap3A_1601, %swap3A_1602, %swap3A_1603] {strides = array<i32>} : memref<3x80x128xf32, #tpu.memory_space<vmem>>, vector<1x1x16xf32>,
        %swap3A_1605 = vector.shape_cast %swap3A_1604 : vector<1x1x16xf32> to vector<16xf32>
        %swap3A_1606 = vector.shape_cast %mul3A_1600 : vector<16xf32> to vector<1x1x16xf32>
        tpu.vector_store %arg9[%swap3A_1601, %swap3A_1602, %swap3A_1603], %swap3A_1606 {strides = array<i32>} : memref<3x80x128xf32, #tpu.memory_space<vmem>>, vector<1x1x16xf32>,
        %get3A_1607 = arith.index_cast %rem3A_1367 : i32 to index
        %get3A_1608 = arith.index_cast %add3A_1541 : i32 to index
        %get3A_1609 = arith.constant 80 : index
        %get3A_1610 = tpu.vector_load %arg9[%get3A_1607, %get3A_1608, %get3A_1609] {strides = array<i32>} : memref<3x80x128xf32, #tpu.memory_space<vmem>>, vector<1x1x16xf32>,
        %get3A_1611 = vector.shape_cast %get3A_1610 : vector<1x1x16xf32> to vector<16xf32>
        %mul3A_1612 = vector.broadcast %squeeze3A_1537 : f32 to vector<16xf32>
        %mul3A_1613 = arith.mulf %get3A_1611, %mul3A_1612 : vector<16xf32>
        %swap3A_1614 = arith.index_cast %rem3A_1367 : i32 to index
        %swap3A_1615 = arith.index_cast %add3A_1541 : i32 to index
        %swap3A_1616 = arith.constant 80 : index
        %swap3A_1617 = tpu.vector_load %arg9[%swap3A_1614, %swap3A_1615, %swap3A_1616] {strides = array<i32>} : memref<3x80x128xf32, #tpu.memory_space<vmem>>, vector<1x1x16xf32>,
        %swap3A_1618 = vector.shape_cast %swap3A_1617 : vector<1x1x16xf32> to vector<16xf32>
        %swap3A_1619 = vector.shape_cast %mul3A_1613 : vector<16xf32> to vector<1x1x16xf32>
        tpu.vector_store %arg9[%swap3A_1614, %swap3A_1615, %swap3A_1616], %swap3A_1619 {strides = array<i32>} : memref<3x80x128xf32, #tpu.memory_space<vmem>>, vector<1x1x16xf32>,
        %get3A_1620 = arith.index_cast %rem3A_1367 : i32 to index
        %get3A_1621 = arith.index_cast %add3A_1541 : i32 to index
        %get3A_1622 = arith.constant 96 : index
        %get3A_1623 = tpu.vector_load %arg9[%get3A_1620, %get3A_1621, %get3A_1622] {strides = array<i32>} : memref<3x80x128xf32, #tpu.memory_space<vmem>>, vector<1x1x16xf32>,
        %get3A_1624 = vector.shape_cast %get3A_1623 : vector<1x1x16xf32> to vector<16xf32>
        %mul3A_1625 = vector.broadcast %squeeze3A_1537 : f32 to vector<16xf32>
        %mul3A_1626 = arith.mulf %get3A_1624, %mul3A_1625 : vector<16xf32>
        %swap3A_1627 = arith.index_cast %rem3A_1367 : i32 to index
        %swap3A_1628 = arith.index_cast %add3A_1541 : i32 to index
        %swap3A_1629 = arith.constant 96 : index
        %swap3A_1630 = tpu.vector_load %arg9[%swap3A_1627, %swap3A_1628, %swap3A_1629] {strides = array<i32>} : memref<3x80x128xf32, #tpu.memory_space<vmem>>, vector<1x1x16xf32>,
        %swap3A_1631 = vector.shape_cast %swap3A_1630 : vector<1x1x16xf32> to vector<16xf32>
        %swap3A_1632 = vector.shape_cast %mul3A_1626 : vector<16xf32> to vector<1x1x16xf32>
        tpu.vector_store %arg9[%swap3A_1627, %swap3A_1628, %swap3A_1629], %swap3A_1632 {strides = array<i32>} : memref<3x80x128xf32, #tpu.memory_space<vmem>>, vector<1x1x16xf32>,
        %get3A_1633 = arith.index_cast %rem3A_1367 : i32 to index
        %get3A_1634 = arith.index_cast %add3A_1541 : i32 to index
        %get3A_1635 = arith.constant 112 : index
        %get3A_1636 = tpu.vector_load %arg9[%get3A_1633, %get3A_1634, %get3A_1635] {strides = array<i32>} : memref<3x80x128xf32, #tpu.memory_space<vmem>>, vector<1x1x16xf32>,
        %get3A_1637 = vector.shape_cast %get3A_1636 : vector<1x1x16xf32> to vector<16xf32>
        %mul3A_1638 = vector.broadcast %squeeze3A_1537 : f32 to vector<16xf32>
        %mul3A_1639 = arith.mulf %get3A_1637, %mul3A_1638 : vector<16xf32>
        %swap3A_1640 = arith.index_cast %rem3A_1367 : i32 to index
        %swap3A_1641 = arith.index_cast %add3A_1541 : i32 to index
        %swap3A_1642 = arith.constant 112 : index
        %swap3A_1643 = tpu.vector_load %arg9[%swap3A_1640, %swap3A_1641, %swap3A_1642] {strides = array<i32>} : memref<3x80x128xf32, #tpu.memory_space<vmem>>, vector<1x1x16xf32>,
        %swap3A_1644 = vector.shape_cast %swap3A_1643 : vector<1x1x16xf32> to vector<16xf32>
        %swap3A_1645 = vector.shape_cast %mul3A_1639 : vector<16xf32> to vector<1x1x16xf32>
        tpu.vector_store %arg9[%swap3A_1640, %swap3A_1641, %swap3A_1642], %swap3A_1645 {strides = array<i32>} : memref<3x80x128xf32, #tpu.memory_space<vmem>>, vector<1x1x16xf32>,
        %slice3A_1646 = vector.extract_strided_slice %get3A_1427 {offsets = [2], sizes = [1], strides = [1]} : vector<16xf32> to vector<1xf32>
        %squeeze3A_1647 = vector.extract %slice3A_1646[0] : f32 from vector<1xf32>
        %mul3A_1648 = arith.constant 16 : i32
        %mul3A_1649 = arith.muli %scan3A_1420, %mul3A_1648 : i32
        %add3A_1650 = arith.constant 2 : i32
        %add3A_1651 = arith.addi %mul3A_1649, %add3A_1650 : i32
        %get3A_1652 = arith.index_cast %rem3A_1367 : i32 to index
        %get3A_1653 = arith.index_cast %add3A_1651 : i32 to index
        %get3A_1654 = arith.constant 0 : index
        %get3A_1655 = tpu.vector_load %arg9[%get3A_1652, %get3A_1653, %get3A_1654] {strides = array<i32>} : memref<3x80x128xf32, #tpu.memory_space<vmem>>, vector<1x1x16xf32>,
        %get3A_1656 = vector.shape_cast %get3A_1655 : vector<1x1x16xf32> to vector<16xf32>
        %mul3A_1657 = vector.broadcast %squeeze3A_1647 : f32 to vector<16xf32>
        %mul3A_1658 = arith.mulf %get3A_1656, %mul3A_1657 : vector<16xf32>
        %swap3A_1659 = arith.index_cast %rem3A_1367 : i32 to index
        %swap3A_1660 = arith.index_cast %add3A_1651 : i32 to index
        %swap3A_1661 = arith.constant 0 : index
        %swap3A_1662 = tpu.vector_load %arg9[%swap3A_1659, %swap3A_1660, %swap3A_1661] {strides = array<i32>} : memref<3x80x128xf32, #tpu.memory_space<vmem>>, vector<1x1x16xf32>,
        %swap3A_1663 = vector.shape_cast %swap3A_1662 : vector<1x1x16xf32> to vector<16xf32>
        %swap3A_1664 = vector.shape_cast %mul3A_1658 : vector<16xf32> to vector<1x1x16xf32>
        tpu.vector_store %arg9[%swap3A_1659, %swap3A_1660, %swap3A_1661], %swap3A_1664 {strides = array<i32>} : memref<3x80x128xf32, #tpu.memory_space<vmem>>, vector<1x1x16xf32>,
        %get3A_1665 = arith.index_cast %rem3A_1367 : i32 to index
        %get3A_1666 = arith.index_cast %add3A_1651 : i32 to index
        %get3A_1667 = arith.constant 16 : index
        %get3A_1668 = tpu.vector_load %arg9[%get3A_1665, %get3A_1666, %get3A_1667] {strides = array<i32>} : memref<3x80x128xf32, #tpu.memory_space<vmem>>, vector<1x1x16xf32>,
        %get3A_1669 = vector.shape_cast %get3A_1668 : vector<1x1x16xf32> to vector<16xf32>
        %mul3A_1670 = vector.broadcast %squeeze3A_1647 : f32 to vector<16xf32>
        %mul3A_1671 = arith.mulf %get3A_1669, %mul3A_1670 : vector<16xf32>
        %swap3A_1672 = arith.index_cast %rem3A_1367 : i32 to index
        %swap3A_1673 = arith.index_cast %add3A_1651 : i32 to index
        %swap3A_1674 = arith.constant 16 : index
        %swap3A_1675 = tpu.vector_load %arg9[%swap3A_1672, %swap3A_1673, %swap3A_1674] {strides = array<i32>} : memref<3x80x128xf32, #tpu.memory_space<vmem>>, vector<1x1x16xf32>,
        %swap3A_1676 = vector.shape_cast %swap3A_1675 : vector<1x1x16xf32> to vector<16xf32>
        %swap3A_1677 = vector.shape_cast %mul3A_1671 : vector<16xf32> to vector<1x1x16xf32>
        tpu.vector_store %arg9[%swap3A_1672, %swap3A_1673, %swap3A_1674], %swap3A_1677 {strides = array<i32>} : memref<3x80x128xf32, #tpu.memory_space<vmem>>, vector<1x1x16xf32>,
        %get3A_1678 = arith.index_cast %rem3A_1367 : i32 to index
        %get3A_1679 = arith.index_cast %add3A_1651 : i32 to index
        %get3A_1680 = arith.constant 32 : index
        %get3A_1681 = tpu.vector_load %arg9[%get3A_1678, %get3A_1679, %get3A_1680] {strides = array<i32>} : memref<3x80x128xf32, #tpu.memory_space<vmem>>, vector<1x1x16xf32>,
        %get3A_1682 = vector.shape_cast %get3A_1681 : vector<1x1x16xf32> to vector<16xf32>
        %mul3A_1683 = vector.broadcast %squeeze3A_1647 : f32 to vector<16xf32>
        %mul3A_1684 = arith.mulf %get3A_1682, %mul3A_1683 : vector<16xf32>
        %swap3A_1685 = arith.index_cast %rem3A_1367 : i32 to index
        %swap3A_1686 = arith.index_cast %add3A_1651 : i32 to index
        %swap3A_1687 = arith.constant 32 : index
        %swap3A_1688 = tpu.vector_load %arg9[%swap3A_1685, %swap3A_1686, %swap3A_1687] {strides = array<i32>} : memref<3x80x128xf32, #tpu.memory_space<vmem>>, vector<1x1x16xf32>,
        %swap3A_1689 = vector.shape_cast %swap3A_1688 : vector<1x1x16xf32> to vector<16xf32>
        %swap3A_1690 = vector.shape_cast %mul3A_1684 : vector<16xf32> to vector<1x1x16xf32>
        tpu.vector_store %arg9[%swap3A_1685, %swap3A_1686, %swap3A_1687], %swap3A_1690 {strides = array<i32>} : memref<3x80x128xf32, #tpu.memory_space<vmem>>, vector<1x1x16xf32>,
        %get3A_1691 = arith.index_cast %rem3A_1367 : i32 to index
        %get3A_1692 = arith.index_cast %add3A_1651 : i32 to index
        %get3A_1693 = arith.constant 48 : index
        %get3A_1694 = tpu.vector_load %arg9[%get3A_1691, %get3A_1692, %get3A_1693] {strides = array<i32>} : memref<3x80x128xf32, #tpu.memory_space<vmem>>, vector<1x1x16xf32>,
        %get3A_1695 = vector.shape_cast %get3A_1694 : vector<1x1x16xf32> to vector<16xf32>
        %mul3A_1696 = vector.broadcast %squeeze3A_1647 : f32 to vector<16xf32>
        %mul3A_1697 = arith.mulf %get3A_1695, %mul3A_1696 : vector<16xf32>
        %swap3A_1698 = arith.index_cast %rem3A_1367 : i32 to index
        %swap3A_1699 = arith.index_cast %add3A_1651 : i32 to index
        %swap3A_1700 = arith.constant 48 : index
        %swap3A_1701 = tpu.vector_load %arg9[%swap3A_1698, %swap3A_1699, %swap3A_1700] {strides = array<i32>} : memref<3x80x128xf32, #tpu.memory_space<vmem>>, vector<1x1x16xf32>,
        %swap3A_1702 = vector.shape_cast %swap3A_1701 : vector<1x1x16xf32> to vector<16xf32>
        %swap3A_1703 = vector.shape_cast %mul3A_1697 : vector<16xf32> to vector<1x1x16xf32>
        tpu.vector_store %arg9[%swap3A_1698, %swap3A_1699, %swap3A_1700], %swap3A_1703 {strides = array<i32>} : memref<3x80x128xf32, #tpu.memory_space<vmem>>, vector<1x1x16xf32>,
        %get3A_1704 = arith.index_cast %rem3A_1367 : i32 to index
        %get3A_1705 = arith.index_cast %add3A_1651 : i32 to index
        %get3A_1706 = arith.constant 64 : index
        %get3A_1707 = tpu.vector_load %arg9[%get3A_1704, %get3A_1705, %get3A_1706] {strides = array<i32>} : memref<3x80x128xf32, #tpu.memory_space<vmem>>, vector<1x1x16xf32>,
        %get3A_1708 = vector.shape_cast %get3A_1707 : vector<1x1x16xf32> to vector<16xf32>
        %mul3A_1709 = vector.broadcast %squeeze3A_1647 : f32 to vector<16xf32>
        %mul3A_1710 = arith.mulf %get3A_1708, %mul3A_1709 : vector<16xf32>
        %swap3A_1711 = arith.index_cast %rem3A_1367 : i32 to index
        %swap3A_1712 = arith.index_cast %add3A_1651 : i32 to index
        %swap3A_1713 = arith.constant 64 : index
        %swap3A_1714 = tpu.vector_load %arg9[%swap3A_1711, %swap3A_1712, %swap3A_1713] {strides = array<i32>} : memref<3x80x128xf32, #tpu.memory_space<vmem>>, vector<1x1x16xf32>,
        %swap3A_1715 = vector.shape_cast %swap3A_1714 : vector<1x1x16xf32> to vector<16xf32>
        %swap3A_1716 = vector.shape_cast %mul3A_1710 : vector<16xf32> to vector<1x1x16xf32>
        tpu.vector_store %arg9[%swap3A_1711, %swap3A_1712, %swap3A_1713], %swap3A_1716 {strides = array<i32>} : memref<3x80x128xf32, #tpu.memory_space<vmem>>, vector<1x1x16xf32>,
        %get3A_1717 = arith.index_cast %rem3A_1367 : i32 to index
        %get3A_1718 = arith.index_cast %add3A_1651 : i32 to index
        %get3A_1719 = arith.constant 80 : index
        %get3A_1720 = tpu.vector_load %arg9[%get3A_1717, %get3A_1718, %get3A_1719] {strides = array<i32>} : memref<3x80x128xf32, #tpu.memory_space<vmem>>, vector<1x1x16xf32>,
        %get3A_1721 = vector.shape_cast %get3A_1720 : vector<1x1x16xf32> to vector<16xf32>
        %mul3A_1722 = vector.broadcast %squeeze3A_1647 : f32 to vector<16xf32>
        %mul3A_1723 = arith.mulf %get3A_1721, %mul3A_1722 : vector<16xf32>
        %swap3A_1724 = arith.index_cast %rem3A_1367 : i32 to index
        %swap3A_1725 = arith.index_cast %add3A_1651 : i32 to index
        %swap3A_1726 = arith.constant 80 : index
        %swap3A_1727 = tpu.vector_load %arg9[%swap3A_1724, %swap3A_1725, %swap3A_1726] {strides = array<i32>} : memref<3x80x128xf32, #tpu.memory_space<vmem>>, vector<1x1x16xf32>,
        %swap3A_1728 = vector.shape_cast %swap3A_1727 : vector<1x1x16xf32> to vector<16xf32>
        %swap3A_1729 = vector.shape_cast %mul3A_1723 : vector<16xf32> to vector<1x1x16xf32>
        tpu.vector_store %arg9[%swap3A_1724, %swap3A_1725, %swap3A_1726], %swap3A_1729 {strides = array<i32>} : memref<3x80x128xf32, #tpu.memory_space<vmem>>, vector<1x1x16xf32>,
        %get3A_1730 = arith.index_cast %rem3A_1367 : i32 to index
        %get3A_1731 = arith.index_cast %add3A_1651 : i32 to index
        %get3A_1732 = arith.constant 96 : index
        %get3A_1733 = tpu.vector_load %arg9[%get3A_1730, %get3A_1731, %get3A_1732] {strides = array<i32>} : memref<3x80x128xf32, #tpu.memory_space<vmem>>, vector<1x1x16xf32>,
        %get3A_1734 = vector.shape_cast %get3A_1733 : vector<1x1x16xf32> to vector<16xf32>
        %mul3A_1735 = vector.broadcast %squeeze3A_1647 : f32 to vector<16xf32>
        %mul3A_1736 = arith.mulf %get3A_1734, %mul3A_1735 : vector<16xf32>
        %swap3A_1737 = arith.index_cast %rem3A_1367 : i32 to index
        %swap3A_1738 = arith.index_cast %add3A_1651 : i32 to index
        %swap3A_1739 = arith.constant 96 : index
        %swap3A_1740 = tpu.vector_load %arg9[%swap3A_1737, %swap3A_1738, %swap3A_1739] {strides = array<i32>} : memref<3x80x128xf32, #tpu.memory_space<vmem>>, vector<1x1x16xf32>,
        %swap3A_1741 = vector.shape_cast %swap3A_1740 : vector<1x1x16xf32> to vector<16xf32>
        %swap3A_1742 = vector.shape_cast %mul3A_1736 : vector<16xf32> to vector<1x1x16xf32>
        tpu.vector_store %arg9[%swap3A_1737, %swap3A_1738, %swap3A_1739], %swap3A_1742 {strides = array<i32>} : memref<3x80x128xf32, #tpu.memory_space<vmem>>, vector<1x1x16xf32>,
        %get3A_1743 = arith.index_cast %rem3A_1367 : i32 to index
        %get3A_1744 = arith.index_cast %add3A_1651 : i32 to index
        %get3A_1745 = arith.constant 112 : index
        %get3A_1746 = tpu.vector_load %arg9[%get3A_1743, %get3A_1744, %get3A_1745] {strides = array<i32>} : memref<3x80x128xf32, #tpu.memory_space<vmem>>, vector<1x1x16xf32>,
        %get3A_1747 = vector.shape_cast %get3A_1746 : vector<1x1x16xf32> to vector<16xf32>
        %mul3A_1748 = vector.broadcast %squeeze3A_1647 : f32 to vector<16xf32>
        %mul3A_1749 = arith.mulf %get3A_1747, %mul3A_1748 : vector<16xf32>
        %swap3A_1750 = arith.index_cast %rem3A_1367 : i32 to index
        %swap3A_1751 = arith.index_cast %add3A_1651 : i32 to index
        %swap3A_1752 = arith.constant 112 : index
        %swap3A_1753 = tpu.vector_load %arg9[%swap3A_1750, %swap3A_1751, %swap3A_1752] {strides = array<i32>} : memref<3x80x128xf32, #tpu.memory_space<vmem>>, vector<1x1x16xf32>,
        %swap3A_1754 = vector.shape_cast %swap3A_1753 : vector<1x1x16xf32> to vector<16xf32>
        %swap3A_1755 = vector.shape_cast %mul3A_1749 : vector<16xf32> to vector<1x1x16xf32>
        tpu.vector_store %arg9[%swap3A_1750, %swap3A_1751, %swap3A_1752], %swap3A_1755 {strides = array<i32>} : memref<3x80x128xf32, #tpu.memory_space<vmem>>, vector<1x1x16xf32>,
        %slice3A_1756 = vector.extract_strided_slice %get3A_1427 {offsets = [3], sizes = [1], strides = [1]} : vector<16xf32> to vector<1xf32>
        %squeeze3A_1757 = vector.extract %slice3A_1756[0] : f32 from vector<1xf32>
        %mul3A_1758 = arith.constant 16 : i32
        %mul3A_1759 = arith.muli %scan3A_1420, %mul3A_1758 : i32
        %add3A_1760 = arith.constant 3 : i32
        %add3A_1761 = arith.addi %mul3A_1759, %add3A_1760 : i32
        %get3A_1762 = arith.index_cast %rem3A_1367 : i32 to index
        %get3A_1763 = arith.index_cast %add3A_1761 : i32 to index
        %get3A_1764 = arith.constant 0 : index
        %get3A_1765 = tpu.vector_load %arg9[%get3A_1762, %get3A_1763, %get3A_1764] {strides = array<i32>} : memref<3x80x128xf32, #tpu.memory_space<vmem>>, vector<1x1x16xf32>,
        %get3A_1766 = vector.shape_cast %get3A_1765 : vector<1x1x16xf32> to vector<16xf32>
        %mul3A_1767 = vector.broadcast %squeeze3A_1757 : f32 to vector<16xf32>
        %mul3A_1768 = arith.mulf %get3A_1766, %mul3A_1767 : vector<16xf32>
        %swap3A_1769 = arith.index_cast %rem3A_1367 : i32 to index
        %swap3A_1770 = arith.index_cast %add3A_1761 : i32 to index
        %swap3A_1771 = arith.constant 0 : index
        %swap3A_1772 = tpu.vector_load %arg9[%swap3A_1769, %swap3A_1770, %swap3A_1771] {strides = array<i32>} : memref<3x80x128xf32, #tpu.memory_space<vmem>>, vector<1x1x16xf32>,
        %swap3A_1773 = vector.shape_cast %swap3A_1772 : vector<1x1x16xf32> to vector<16xf32>
        %swap3A_1774 = vector.shape_cast %mul3A_1768 : vector<16xf32> to vector<1x1x16xf32>
        tpu.vector_store %arg9[%swap3A_1769, %swap3A_1770, %swap3A_1771], %swap3A_1774 {strides = array<i32>} : memref<3x80x128xf32, #tpu.memory_space<vmem>>, vector<1x1x16xf32>,
        %get3A_1775 = arith.index_cast %rem3A_1367 : i32 to index
        %get3A_1776 = arith.index_cast %add3A_1761 : i32 to index
        %get3A_1777 = arith.constant 16 : index
        %get3A_1778 = tpu.vector_load %arg9[%get3A_1775, %get3A_1776, %get3A_1777] {strides = array<i32>} : memref<3x80x128xf32, #tpu.memory_space<vmem>>, vector<1x1x16xf32>,
        %get3A_1779 = vector.shape_cast %get3A_1778 : vector<1x1x16xf32> to vector<16xf32>
        %mul3A_1780 = vector.broadcast %squeeze3A_1757 : f32 to vector<16xf32>
        %mul3A_1781 = arith.mulf %get3A_1779, %mul3A_1780 : vector<16xf32>
        %swap3A_1782 = arith.index_cast %rem3A_1367 : i32 to index
        %swap3A_1783 = arith.index_cast %add3A_1761 : i32 to index
        %swap3A_1784 = arith.constant 16 : index
        %swap3A_1785 = tpu.vector_load %arg9[%swap3A_1782, %swap3A_1783, %swap3A_1784] {strides = array<i32>} : memref<3x80x128xf32, #tpu.memory_space<vmem>>, vector<1x1x16xf32>,
        %swap3A_1786 = vector.shape_cast %swap3A_1785 : vector<1x1x16xf32> to vector<16xf32>
        %swap3A_1787 = vector.shape_cast %mul3A_1781 : vector<16xf32> to vector<1x1x16xf32>
        tpu.vector_store %arg9[%swap3A_1782, %swap3A_1783, %swap3A_1784], %swap3A_1787 {strides = array<i32>} : memref<3x80x128xf32, #tpu.memory_space<vmem>>, vector<1x1x16xf32>,
        %get3A_1788 = arith.index_cast %rem3A_1367 : i32 to index
        %get3A_1789 = arith.index_cast %add3A_1761 : i32 to index
        %get3A_1790 = arith.constant 32 : index
        %get3A_1791 = tpu.vector_load %arg9[%get3A_1788, %get3A_1789, %get3A_1790] {strides = array<i32>} : memref<3x80x128xf32, #tpu.memory_space<vmem>>, vector<1x1x16xf32>,
        %get3A_1792 = vector.shape_cast %get3A_1791 : vector<1x1x16xf32> to vector<16xf32>
        %mul3A_1793 = vector.broadcast %squeeze3A_1757 : f32 to vector<16xf32>
        %mul3A_1794 = arith.mulf %get3A_1792, %mul3A_1793 : vector<16xf32>
        %swap3A_1795 = arith.index_cast %rem3A_1367 : i32 to index
        %swap3A_1796 = arith.index_cast %add3A_1761 : i32 to index
        %swap3A_1797 = arith.constant 32 : index
        %swap3A_1798 = tpu.vector_load %arg9[%swap3A_1795, %swap3A_1796, %swap3A_1797] {strides = array<i32>} : memref<3x80x128xf32, #tpu.memory_space<vmem>>, vector<1x1x16xf32>,
        %swap3A_1799 = vector.shape_cast %swap3A_1798 : vector<1x1x16xf32> to vector<16xf32>
        %swap3A_1800 = vector.shape_cast %mul3A_1794 : vector<16xf32> to vector<1x1x16xf32>
        tpu.vector_store %arg9[%swap3A_1795, %swap3A_1796, %swap3A_1797], %swap3A_1800 {strides = array<i32>} : memref<3x80x128xf32, #tpu.memory_space<vmem>>, vector<1x1x16xf32>,
        %get3A_1801 = arith.index_cast %rem3A_1367 : i32 to index
        %get3A_1802 = arith.index_cast %add3A_1761 : i32 to index
        %get3A_1803 = arith.constant 48 : index
        %get3A_1804 = tpu.vector_load %arg9[%get3A_1801, %get3A_1802, %get3A_1803] {strides = array<i32>} : memref<3x80x128xf32, #tpu.memory_space<vmem>>, vector<1x1x16xf32>,
        %get3A_1805 = vector.shape_cast %get3A_1804 : vector<1x1x16xf32> to vector<16xf32>
        %mul3A_1806 = vector.broadcast %squeeze3A_1757 : f32 to vector<16xf32>
        %mul3A_1807 = arith.mulf %get3A_1805, %mul3A_1806 : vector<16xf32>
        %swap3A_1808 = arith.index_cast %rem3A_1367 : i32 to index
        %swap3A_1809 = arith.index_cast %add3A_1761 : i32 to index
        %swap3A_1810 = arith.constant 48 : index
        %swap3A_1811 = tpu.vector_load %arg9[%swap3A_1808, %swap3A_1809, %swap3A_1810] {strides = array<i32>} : memref<3x80x128xf32, #tpu.memory_space<vmem>>, vector<1x1x16xf32>,
        %swap3A_1812 = vector.shape_cast %swap3A_1811 : vector<1x1x16xf32> to vector<16xf32>
        %swap3A_1813 = vector.shape_cast %mul3A_1807 : vector<16xf32> to vector<1x1x16xf32>
        tpu.vector_store %arg9[%swap3A_1808, %swap3A_1809, %swap3A_1810], %swap3A_1813 {strides = array<i32>} : memref<3x80x128xf32, #tpu.memory_space<vmem>>, vector<1x1x16xf32>,
        %get3A_1814 = arith.index_cast %rem3A_1367 : i32 to index
        %get3A_1815 = arith.index_cast %add3A_1761 : i32 to index
        %get3A_1816 = arith.constant 64 : index
        %get3A_1817 = tpu.vector_load %arg9[%get3A_1814, %get3A_1815, %get3A_1816] {strides = array<i32>} : memref<3x80x128xf32, #tpu.memory_space<vmem>>, vector<1x1x16xf32>,
        %get3A_1818 = vector.shape_cast %get3A_1817 : vector<1x1x16xf32> to vector<16xf32>
        %mul3A_1819 = vector.broadcast %squeeze3A_1757 : f32 to vector<16xf32>
        %mul3A_1820 = arith.mulf %get3A_1818, %mul3A_1819 : vector<16xf32>
        %swap3A_1821 = arith.index_cast %rem3A_1367 : i32 to index
        %swap3A_1822 = arith.index_cast %add3A_1761 : i32 to index
        %swap3A_1823 = arith.constant 64 : index
        %swap3A_1824 = tpu.vector_load %arg9[%swap3A_1821, %swap3A_1822, %swap3A_1823] {strides = array<i32>} : memref<3x80x128xf32, #tpu.memory_space<vmem>>, vector<1x1x16xf32>,
        %swap3A_1825 = vector.shape_cast %swap3A_1824 : vector<1x1x16xf32> to vector<16xf32>
        %swap3A_1826 = vector.shape_cast %mul3A_1820 : vector<16xf32> to vector<1x1x16xf32>
        tpu.vector_store %arg9[%swap3A_1821, %swap3A_1822, %swap3A_1823], %swap3A_1826 {strides = array<i32>} : memref<3x80x128xf32, #tpu.memory_space<vmem>>, vector<1x1x16xf32>,
        %get3A_1827 = arith.index_cast %rem3A_1367 : i32 to index
        %get3A_1828 = arith.index_cast %add3A_1761 : i32 to index
        %get3A_1829 = arith.constant 80 : index
        %get3A_1830 = tpu.vector_load %arg9[%get3A_1827, %get3A_1828, %get3A_1829] {strides = array<i32>} : memref<3x80x128xf32, #tpu.memory_space<vmem>>, vector<1x1x16xf32>,
        %get3A_1831 = vector.shape_cast %get3A_1830 : vector<1x1x16xf32> to vector<16xf32>
        %mul3A_1832 = vector.broadcast %squeeze3A_1757 : f32 to vector<16xf32>
        %mul3A_1833 = arith.mulf %get3A_1831, %mul3A_1832 : vector<16xf32>
        %swap3A_1834 = arith.index_cast %rem3A_1367 : i32 to index
        %swap3A_1835 = arith.index_cast %add3A_1761 : i32 to index
        %swap3A_1836 = arith.constant 80 : index
        %swap3A_1837 = tpu.vector_load %arg9[%swap3A_1834, %swap3A_1835, %swap3A_1836] {strides = array<i32>} : memref<3x80x128xf32, #tpu.memory_space<vmem>>, vector<1x1x16xf32>,
        %swap3A_1838 = vector.shape_cast %swap3A_1837 : vector<1x1x16xf32> to vector<16xf32>
        %swap3A_1839 = vector.shape_cast %mul3A_1833 : vector<16xf32> to vector<1x1x16xf32>
        tpu.vector_store %arg9[%swap3A_1834, %swap3A_1835, %swap3A_1836], %swap3A_1839 {strides = array<i32>} : memref<3x80x128xf32, #tpu.memory_space<vmem>>, vector<1x1x16xf32>,
        %get3A_1840 = arith.index_cast %rem3A_1367 : i32 to index
        %get3A_1841 = arith.index_cast %add3A_1761 : i32 to index
        %get3A_1842 = arith.constant 96 : index
        %get3A_1843 = tpu.vector_load %arg9[%get3A_1840, %get3A_1841, %get3A_1842] {strides = array<i32>} : memref<3x80x128xf32, #tpu.memory_space<vmem>>, vector<1x1x16xf32>,
        %get3A_1844 = vector.shape_cast %get3A_1843 : vector<1x1x16xf32> to vector<16xf32>
        %mul3A_1845 = vector.broadcast %squeeze3A_1757 : f32 to vector<16xf32>
        %mul3A_1846 = arith.mulf %get3A_1844, %mul3A_1845 : vector<16xf32>
        %swap3A_1847 = arith.index_cast %rem3A_1367 : i32 to index
        %swap3A_1848 = arith.index_cast %add3A_1761 : i32 to index
        %swap3A_1849 = arith.constant 96 : index
        %swap3A_1850 = tpu.vector_load %arg9[%swap3A_1847, %swap3A_1848, %swap3A_1849] {strides = array<i32>} : memref<3x80x128xf32, #tpu.memory_space<vmem>>, vector<1x1x16xf32>,
        %swap3A_1851 = vector.shape_cast %swap3A_1850 : vector<1x1x16xf32> to vector<16xf32>
        %swap3A_1852 = vector.shape_cast %mul3A_1846 : vector<16xf32> to vector<1x1x16xf32>
        tpu.vector_store %arg9[%swap3A_1847, %swap3A_1848, %swap3A_1849], %swap3A_1852 {strides = array<i32>} : memref<3x80x128xf32, #tpu.memory_space<vmem>>, vector<1x1x16xf32>,
        %get3A_1853 = arith.index_cast %rem3A_1367 : i32 to index
        %get3A_1854 = arith.index_cast %add3A_1761 : i32 to index
        %get3A_1855 = arith.constant 112 : index
        %get3A_1856 = tpu.vector_load %arg9[%get3A_1853, %get3A_1854, %get3A_1855] {strides = array<i32>} : memref<3x80x128xf32, #tpu.memory_space<vmem>>, vector<1x1x16xf32>,
        %get3A_1857 = vector.shape_cast %get3A_1856 : vector<1x1x16xf32> to vector<16xf32>
        %mul3A_1858 = vector.broadcast %squeeze3A_1757 : f32 to vector<16xf32>
        %mul3A_1859 = arith.mulf %get3A_1857, %mul3A_1858 : vector<16xf32>
        %swap3A_1860 = arith.index_cast %rem3A_1367 : i32 to index
        %swap3A_1861 = arith.index_cast %add3A_1761 : i32 to index
        %swap3A_1862 = arith.constant 112 : index
        %swap3A_1863 = tpu.vector_load %arg9[%swap3A_1860, %swap3A_1861, %swap3A_1862] {strides = array<i32>} : memref<3x80x128xf32, #tpu.memory_space<vmem>>, vector<1x1x16xf32>,
        %swap3A_1864 = vector.shape_cast %swap3A_1863 : vector<1x1x16xf32> to vector<16xf32>
        %swap3A_1865 = vector.shape_cast %mul3A_1859 : vector<16xf32> to vector<1x1x16xf32>
        tpu.vector_store %arg9[%swap3A_1860, %swap3A_1861, %swap3A_1862], %swap3A_1865 {strides = array<i32>} : memref<3x80x128xf32, #tpu.memory_space<vmem>>, vector<1x1x16xf32>,
        %slice3A_1866 = vector.extract_strided_slice %get3A_1427 {offsets = [4], sizes = [1], strides = [1]} : vector<16xf32> to vector<1xf32>
        %squeeze3A_1867 = vector.extract %slice3A_1866[0] : f32 from vector<1xf32>
        %mul3A_1868 = arith.constant 16 : i32
        %mul3A_1869 = arith.muli %scan3A_1420, %mul3A_1868 : i32
        %add3A_1870 = arith.constant 4 : i32
        %add3A_1871 = arith.addi %mul3A_1869, %add3A_1870 : i32
        %get3A_1872 = arith.index_cast %rem3A_1367 : i32 to index
        %get3A_1873 = arith.index_cast %add3A_1871 : i32 to index
        %get3A_1874 = arith.constant 0 : index
        %get3A_1875 = tpu.vector_load %arg9[%get3A_1872, %get3A_1873, %get3A_1874] {strides = array<i32>} : memref<3x80x128xf32, #tpu.memory_space<vmem>>, vector<1x1x16xf32>,
        %get3A_1876 = vector.shape_cast %get3A_1875 : vector<1x1x16xf32> to vector<16xf32>
        %mul3A_1877 = vector.broadcast %squeeze3A_1867 : f32 to vector<16xf32>
        %mul3A_1878 = arith.mulf %get3A_1876, %mul3A_1877 : vector<16xf32>
        %swap3A_1879 = arith.index_cast %rem3A_1367 : i32 to index
        %swap3A_1880 = arith.index_cast %add3A_1871 : i32 to index
        %swap3A_1881 = arith.constant 0 : index
        %swap3A_1882 = tpu.vector_load %arg9[%swap3A_1879, %swap3A_1880, %swap3A_1881] {strides = array<i32>} : memref<3x80x128xf32, #tpu.memory_space<vmem>>, vector<1x1x16xf32>,
        %swap3A_1883 = vector.shape_cast %swap3A_1882 : vector<1x1x16xf32> to vector<16xf32>
        %swap3A_1884 = vector.shape_cast %mul3A_1878 : vector<16xf32> to vector<1x1x16xf32>
        tpu.vector_store %arg9[%swap3A_1879, %swap3A_1880, %swap3A_1881], %swap3A_1884 {strides = array<i32>} : memref<3x80x128xf32, #tpu.memory_space<vmem>>, vector<1x1x16xf32>,
        %get3A_1885 = arith.index_cast %rem3A_1367 : i32 to index
        %get3A_1886 = arith.index_cast %add3A_1871 : i32 to index
        %get3A_1887 = arith.constant 16 : index
        %get3A_1888 = tpu.vector_load %arg9[%get3A_1885, %get3A_1886, %get3A_1887] {strides = array<i32>} : memref<3x80x128xf32, #tpu.memory_space<vmem>>, vector<1x1x16xf32>,
        %get3A_1889 = vector.shape_cast %get3A_1888 : vector<1x1x16xf32> to vector<16xf32>
        %mul3A_1890 = vector.broadcast %squeeze3A_1867 : f32 to vector<16xf32>
        %mul3A_1891 = arith.mulf %get3A_1889, %mul3A_1890 : vector<16xf32>
        %swap3A_1892 = arith.index_cast %rem3A_1367 : i32 to index
        %swap3A_1893 = arith.index_cast %add3A_1871 : i32 to index
        %swap3A_1894 = arith.constant 16 : index
        %swap3A_1895 = tpu.vector_load %arg9[%swap3A_1892, %swap3A_1893, %swap3A_1894] {strides = array<i32>} : memref<3x80x128xf32, #tpu.memory_space<vmem>>, vector<1x1x16xf32>,
        %swap3A_1896 = vector.shape_cast %swap3A_1895 : vector<1x1x16xf32> to vector<16xf32>
        %swap3A_1897 = vector.shape_cast %mul3A_1891 : vector<16xf32> to vector<1x1x16xf32>
        tpu.vector_store %arg9[%swap3A_1892, %swap3A_1893, %swap3A_1894], %swap3A_1897 {strides = array<i32>} : memref<3x80x128xf32, #tpu.memory_space<vmem>>, vector<1x1x16xf32>,
        %get3A_1898 = arith.index_cast %rem3A_1367 : i32 to index
        %get3A_1899 = arith.index_cast %add3A_1871 : i32 to index
        %get3A_1900 = arith.constant 32 : index
        %get3A_1901 = tpu.vector_load %arg9[%get3A_1898, %get3A_1899, %get3A_1900] {strides = array<i32>} : memref<3x80x128xf32, #tpu.memory_space<vmem>>, vector<1x1x16xf32>,
        %get3A_1902 = vector.shape_cast %get3A_1901 : vector<1x1x16xf32> to vector<16xf32>
        %mul3A_1903 = vector.broadcast %squeeze3A_1867 : f32 to vector<16xf32>
        %mul3A_1904 = arith.mulf %get3A_1902, %mul3A_1903 : vector<16xf32>
        %swap3A_1905 = arith.index_cast %rem3A_1367 : i32 to index
        %swap3A_1906 = arith.index_cast %add3A_1871 : i32 to index
        %swap3A_1907 = arith.constant 32 : index
        %swap3A_1908 = tpu.vector_load %arg9[%swap3A_1905, %swap3A_1906, %swap3A_1907] {strides = array<i32>} : memref<3x80x128xf32, #tpu.memory_space<vmem>>, vector<1x1x16xf32>,
        %swap3A_1909 = vector.shape_cast %swap3A_1908 : vector<1x1x16xf32> to vector<16xf32>
        %swap3A_1910 = vector.shape_cast %mul3A_1904 : vector<16xf32> to vector<1x1x16xf32>
        tpu.vector_store %arg9[%swap3A_1905, %swap3A_1906, %swap3A_1907], %swap3A_1910 {strides = array<i32>} : memref<3x80x128xf32, #tpu.memory_space<vmem>>, vector<1x1x16xf32>,
        %get3A_1911 = arith.index_cast %rem3A_1367 : i32 to index
        %get3A_1912 = arith.index_cast %add3A_1871 : i32 to index
        %get3A_1913 = arith.constant 48 : index
        %get3A_1914 = tpu.vector_load %arg9[%get3A_1911, %get3A_1912, %get3A_1913] {strides = array<i32>} : memref<3x80x128xf32, #tpu.memory_space<vmem>>, vector<1x1x16xf32>,
        %get3A_1915 = vector.shape_cast %get3A_1914 : vector<1x1x16xf32> to vector<16xf32>
        %mul3A_1916 = vector.broadcast %squeeze3A_1867 : f32 to vector<16xf32>
        %mul3A_1917 = arith.mulf %get3A_1915, %mul3A_1916 : vector<16xf32>
        %swap3A_1918 = arith.index_cast %rem3A_1367 : i32 to index
        %swap3A_1919 = arith.index_cast %add3A_1871 : i32 to index
        %swap3A_1920 = arith.constant 48 : index
        %swap3A_1921 = tpu.vector_load %arg9[%swap3A_1918, %swap3A_1919, %swap3A_1920] {strides = array<i32>} : memref<3x80x128xf32, #tpu.memory_space<vmem>>, vector<1x1x16xf32>,
        %swap3A_1922 = vector.shape_cast %swap3A_1921 : vector<1x1x16xf32> to vector<16xf32>
        %swap3A_1923 = vector.shape_cast %mul3A_1917 : vector<16xf32> to vector<1x1x16xf32>
        tpu.vector_store %arg9[%swap3A_1918, %swap3A_1919, %swap3A_1920], %swap3A_1923 {strides = array<i32>} : memref<3x80x128xf32, #tpu.memory_space<vmem>>, vector<1x1x16xf32>,
        %get3A_1924 = arith.index_cast %rem3A_1367 : i32 to index
        %get3A_1925 = arith.index_cast %add3A_1871 : i32 to index
        %get3A_1926 = arith.constant 64 : index
        %get3A_1927 = tpu.vector_load %arg9[%get3A_1924, %get3A_1925, %get3A_1926] {strides = array<i32>} : memref<3x80x128xf32, #tpu.memory_space<vmem>>, vector<1x1x16xf32>,
        %get3A_1928 = vector.shape_cast %get3A_1927 : vector<1x1x16xf32> to vector<16xf32>
        %mul3A_1929 = vector.broadcast %squeeze3A_1867 : f32 to vector<16xf32>
        %mul3A_1930 = arith.mulf %get3A_1928, %mul3A_1929 : vector<16xf32>
        %swap3A_1931 = arith.index_cast %rem3A_1367 : i32 to index
        %swap3A_1932 = arith.index_cast %add3A_1871 : i32 to index
        %swap3A_1933 = arith.constant 64 : index
        %swap3A_1934 = tpu.vector_load %arg9[%swap3A_1931, %swap3A_1932, %swap3A_1933] {strides = array<i32>} : memref<3x80x128xf32, #tpu.memory_space<vmem>>, vector<1x1x16xf32>,
        %swap3A_1935 = vector.shape_cast %swap3A_1934 : vector<1x1x16xf32> to vector<16xf32>
        %swap3A_1936 = vector.shape_cast %mul3A_1930 : vector<16xf32> to vector<1x1x16xf32>
        tpu.vector_store %arg9[%swap3A_1931, %swap3A_1932, %swap3A_1933], %swap3A_1936 {strides = array<i32>} : memref<3x80x128xf32, #tpu.memory_space<vmem>>, vector<1x1x16xf32>,
        %get3A_1937 = arith.index_cast %rem3A_1367 : i32 to index
        %get3A_1938 = arith.index_cast %add3A_1871 : i32 to index
        %get3A_1939 = arith.constant 80 : index
        %get3A_1940 = tpu.vector_load %arg9[%get3A_1937, %get3A_1938, %get3A_1939] {strides = array<i32>} : memref<3x80x128xf32, #tpu.memory_space<vmem>>, vector<1x1x16xf32>,
        %get3A_1941 = vector.shape_cast %get3A_1940 : vector<1x1x16xf32> to vector<16xf32>
        %mul3A_1942 = vector.broadcast %squeeze3A_1867 : f32 to vector<16xf32>
        %mul3A_1943 = arith.mulf %get3A_1941, %mul3A_1942 : vector<16xf32>
        %swap3A_1944 = arith.index_cast %rem3A_1367 : i32 to index
        %swap3A_1945 = arith.index_cast %add3A_1871 : i32 to index
        %swap3A_1946 = arith.constant 80 : index
        %swap3A_1947 = tpu.vector_load %arg9[%swap3A_1944, %swap3A_1945, %swap3A_1946] {strides = array<i32>} : memref<3x80x128xf32, #tpu.memory_space<vmem>>, vector<1x1x16xf32>,
        %swap3A_1948 = vector.shape_cast %swap3A_1947 : vector<1x1x16xf32> to vector<16xf32>
        %swap3A_1949 = vector.shape_cast %mul3A_1943 : vector<16xf32> to vector<1x1x16xf32>
        tpu.vector_store %arg9[%swap3A_1944, %swap3A_1945, %swap3A_1946], %swap3A_1949 {strides = array<i32>} : memref<3x80x128xf32, #tpu.memory_space<vmem>>, vector<1x1x16xf32>,
        %get3A_1950 = arith.index_cast %rem3A_1367 : i32 to index
        %get3A_1951 = arith.index_cast %add3A_1871 : i32 to index
        %get3A_1952 = arith.constant 96 : index
        %get3A_1953 = tpu.vector_load %arg9[%get3A_1950, %get3A_1951, %get3A_1952] {strides = array<i32>} : memref<3x80x128xf32, #tpu.memory_space<vmem>>, vector<1x1x16xf32>,
        %get3A_1954 = vector.shape_cast %get3A_1953 : vector<1x1x16xf32> to vector<16xf32>
        %mul3A_1955 = vector.broadcast %squeeze3A_1867 : f32 to vector<16xf32>
        %mul3A_1956 = arith.mulf %get3A_1954, %mul3A_1955 : vector<16xf32>
        %swap3A_1957 = arith.index_cast %rem3A_1367 : i32 to index
        %swap3A_1958 = arith.index_cast %add3A_1871 : i32 to index
        %swap3A_1959 = arith.constant 96 : index
        %swap3A_1960 = tpu.vector_load %arg9[%swap3A_1957, %swap3A_1958, %swap3A_1959] {strides = array<i32>} : memref<3x80x128xf32, #tpu.memory_space<vmem>>, vector<1x1x16xf32>,
        %swap3A_1961 = vector.shape_cast %swap3A_1960 : vector<1x1x16xf32> to vector<16xf32>
        %swap3A_1962 = vector.shape_cast %mul3A_1956 : vector<16xf32> to vector<1x1x16xf32>
        tpu.vector_store %arg9[%swap3A_1957, %swap3A_1958, %swap3A_1959], %swap3A_1962 {strides = array<i32>} : memref<3x80x128xf32, #tpu.memory_space<vmem>>, vector<1x1x16xf32>,
        %get3A_1963 = arith.index_cast %rem3A_1367 : i32 to index
        %get3A_1964 = arith.index_cast %add3A_1871 : i32 to index
        %get3A_1965 = arith.constant 112 : index
        %get3A_1966 = tpu.vector_load %arg9[%get3A_1963, %get3A_1964, %get3A_1965] {strides = array<i32>} : memref<3x80x128xf32, #tpu.memory_space<vmem>>, vector<1x1x16xf32>,
        %get3A_1967 = vector.shape_cast %get3A_1966 : vector<1x1x16xf32> to vector<16xf32>
        %mul3A_1968 = vector.broadcast %squeeze3A_1867 : f32 to vector<16xf32>
        %mul3A_1969 = arith.mulf %get3A_1967, %mul3A_1968 : vector<16xf32>
        %swap3A_1970 = arith.index_cast %rem3A_1367 : i32 to index
        %swap3A_1971 = arith.index_cast %add3A_1871 : i32 to index
        %swap3A_1972 = arith.constant 112 : index
        %swap3A_1973 = tpu.vector_load %arg9[%swap3A_1970, %swap3A_1971, %swap3A_1972] {strides = array<i32>} : memref<3x80x128xf32, #tpu.memory_space<vmem>>, vector<1x1x16xf32>,
        %swap3A_1974 = vector.shape_cast %swap3A_1973 : vector<1x1x16xf32> to vector<16xf32>
        %swap3A_1975 = vector.shape_cast %mul3A_1969 : vector<16xf32> to vector<1x1x16xf32>
        tpu.vector_store %arg9[%swap3A_1970, %swap3A_1971, %swap3A_1972], %swap3A_1975 {strides = array<i32>} : memref<3x80x128xf32, #tpu.memory_space<vmem>>, vector<1x1x16xf32>,
        %slice3A_1976 = vector.extract_strided_slice %get3A_1427 {offsets = [5], sizes = [1], strides = [1]} : vector<16xf32> to vector<1xf32>
        %squeeze3A_1977 = vector.extract %slice3A_1976[0] : f32 from vector<1xf32>
        %mul3A_1978 = arith.constant 16 : i32
        %mul3A_1979 = arith.muli %scan3A_1420, %mul3A_1978 : i32
        %add3A_1980 = arith.constant 5 : i32
        %add3A_1981 = arith.addi %mul3A_1979, %add3A_1980 : i32
        %get3A_1982 = arith.index_cast %rem3A_1367 : i32 to index
        %get3A_1983 = arith.index_cast %add3A_1981 : i32 to index
        %get3A_1984 = arith.constant 0 : index
        %get3A_1985 = tpu.vector_load %arg9[%get3A_1982, %get3A_1983, %get3A_1984] {strides = array<i32>} : memref<3x80x128xf32, #tpu.memory_space<vmem>>, vector<1x1x16xf32>,
        %get3A_1986 = vector.shape_cast %get3A_1985 : vector<1x1x16xf32> to vector<16xf32>
        %mul3A_1987 = vector.broadcast %squeeze3A_1977 : f32 to vector<16xf32>
        %mul3A_1988 = arith.mulf %get3A_1986, %mul3A_1987 : vector<16xf32>
        %swap3A_1989 = arith.index_cast %rem3A_1367 : i32 to index
        %swap3A_1990 = arith.index_cast %add3A_1981 : i32 to index
        %swap3A_1991 = arith.constant 0 : index
        %swap3A_1992 = tpu.vector_load %arg9[%swap3A_1989, %swap3A_1990, %swap3A_1991] {strides = array<i32>} : memref<3x80x128xf32, #tpu.memory_space<vmem>>, vector<1x1x16xf32>,
        %swap3A_1993 = vector.shape_cast %swap3A_1992 : vector<1x1x16xf32> to vector<16xf32>
        %swap3A_1994 = vector.shape_cast %mul3A_1988 : vector<16xf32> to vector<1x1x16xf32>
        tpu.vector_store %arg9[%swap3A_1989, %swap3A_1990, %swap3A_1991], %swap3A_1994 {strides = array<i32>} : memref<3x80x128xf32, #tpu.memory_space<vmem>>, vector<1x1x16xf32>,
        %get3A_1995 = arith.index_cast %rem3A_1367 : i32 to index
        %get3A_1996 = arith.index_cast %add3A_1981 : i32 to index
        %get3A_1997 = arith.constant 16 : index
        %get3A_1998 = tpu.vector_load %arg9[%get3A_1995, %get3A_1996, %get3A_1997] {strides = array<i32>} : memref<3x80x128xf32, #tpu.memory_space<vmem>>, vector<1x1x16xf32>,
        %get3A_1999 = vector.shape_cast %get3A_1998 : vector<1x1x16xf32> to vector<16xf32>
        %mul3A_2000 = vector.broadcast %squeeze3A_1977 : f32 to vector<16xf32>
        %mul3A_2001 = arith.mulf %get3A_1999, %mul3A_2000 : vector<16xf32>
        %swap3A_2002 = arith.index_cast %rem3A_1367 : i32 to index
        %swap3A_2003 = arith.index_cast %add3A_1981 : i32 to index
        %swap3A_2004 = arith.constant 16 : index
        %swap3A_2005 = tpu.vector_load %arg9[%swap3A_2002, %swap3A_2003, %swap3A_2004] {strides = array<i32>} : memref<3x80x128xf32, #tpu.memory_space<vmem>>, vector<1x1x16xf32>,
        %swap3A_2006 = vector.shape_cast %swap3A_2005 : vector<1x1x16xf32> to vector<16xf32>
        %swap3A_2007 = vector.shape_cast %mul3A_2001 : vector<16xf32> to vector<1x1x16xf32>
        tpu.vector_store %arg9[%swap3A_2002, %swap3A_2003, %swap3A_2004], %swap3A_2007 {strides = array<i32>} : memref<3x80x128xf32, #tpu.memory_space<vmem>>, vector<1x1x16xf32>,
        %get3A_2008 = arith.index_cast %rem3A_1367 : i32 to index
        %get3A_2009 = arith.index_cast %add3A_1981 : i32 to index
        %get3A_2010 = arith.constant 32 : index
        %get3A_2011 = tpu.vector_load %arg9[%get3A_2008, %get3A_2009, %get3A_2010] {strides = array<i32>} : memref<3x80x128xf32, #tpu.memory_space<vmem>>, vector<1x1x16xf32>,
        %get3A_2012 = vector.shape_cast %get3A_2011 : vector<1x1x16xf32> to vector<16xf32>
        %mul3A_2013 = vector.broadcast %squeeze3A_1977 : f32 to vector<16xf32>
        %mul3A_2014 = arith.mulf %get3A_2012, %mul3A_2013 : vector<16xf32>
        %swap3A_2015 = arith.index_cast %rem3A_1367 : i32 to index
        %swap3A_2016 = arith.index_cast %add3A_1981 : i32 to index
        %swap3A_2017 = arith.constant 32 : index
        %swap3A_2018 = tpu.vector_load %arg9[%swap3A_2015, %swap3A_2016, %swap3A_2017] {strides = array<i32>} : memref<3x80x128xf32, #tpu.memory_space<vmem>>, vector<1x1x16xf32>,
        %swap3A_2019 = vector.shape_cast %swap3A_2018 : vector<1x1x16xf32> to vector<16xf32>
        %swap3A_2020 = vector.shape_cast %mul3A_2014 : vector<16xf32> to vector<1x1x16xf32>
        tpu.vector_store %arg9[%swap3A_2015, %swap3A_2016, %swap3A_2017], %swap3A_2020 {strides = array<i32>} : memref<3x80x128xf32, #tpu.memory_space<vmem>>, vector<1x1x16xf32>,
        %get3A_2021 = arith.index_cast %rem3A_1367 : i32 to index
        %get3A_2022 = arith.index_cast %add3A_1981 : i32 to index
        %get3A_2023 = arith.constant 48 : index
        %get3A_2024 = tpu.vector_load %arg9[%get3A_2021, %get3A_2022, %get3A_2023] {strides = array<i32>} : memref<3x80x128xf32, #tpu.memory_space<vmem>>, vector<1x1x16xf32>,
        %get3A_2025 = vector.shape_cast %get3A_2024 : vector<1x1x16xf32> to vector<16xf32>
        %mul3A_2026 = vector.broadcast %squeeze3A_1977 : f32 to vector<16xf32>
        %mul3A_2027 = arith.mulf %get3A_2025, %mul3A_2026 : vector<16xf32>
        %swap3A_2028 = arith.index_cast %rem3A_1367 : i32 to index
        %swap3A_2029 = arith.index_cast %add3A_1981 : i32 to index
        %swap3A_2030 = arith.constant 48 : index
        %swap3A_2031 = tpu.vector_load %arg9[%swap3A_2028, %swap3A_2029, %swap3A_2030] {strides = array<i32>} : memref<3x80x128xf32, #tpu.memory_space<vmem>>, vector<1x1x16xf32>,
        %swap3A_2032 = vector.shape_cast %swap3A_2031 : vector<1x1x16xf32> to vector<16xf32>
        %swap3A_2033 = vector.shape_cast %mul3A_2027 : vector<16xf32> to vector<1x1x16xf32>
        tpu.vector_store %arg9[%swap3A_2028, %swap3A_2029, %swap3A_2030], %swap3A_2033 {strides = array<i32>} : memref<3x80x128xf32, #tpu.memory_space<vmem>>, vector<1x1x16xf32>,
        %get3A_2034 = arith.index_cast %rem3A_1367 : i32 to index
        %get3A_2035 = arith.index_cast %add3A_1981 : i32 to index
        %get3A_2036 = arith.constant 64 : index
        %get3A_2037 = tpu.vector_load %arg9[%get3A_2034, %get3A_2035, %get3A_2036] {strides = array<i32>} : memref<3x80x128xf32, #tpu.memory_space<vmem>>, vector<1x1x16xf32>,
        %get3A_2038 = vector.shape_cast %get3A_2037 : vector<1x1x16xf32> to vector<16xf32>
        %mul3A_2039 = vector.broadcast %squeeze3A_1977 : f32 to vector<16xf32>
        %mul3A_2040 = arith.mulf %get3A_2038, %mul3A_2039 : vector<16xf32>
        %swap3A_2041 = arith.index_cast %rem3A_1367 : i32 to index
        %swap3A_2042 = arith.index_cast %add3A_1981 : i32 to index
        %swap3A_2043 = arith.constant 64 : index
        %swap3A_2044 = tpu.vector_load %arg9[%swap3A_2041, %swap3A_2042, %swap3A_2043] {strides = array<i32>} : memref<3x80x128xf32, #tpu.memory_space<vmem>>, vector<1x1x16xf32>,
        %swap3A_2045 = vector.shape_cast %swap3A_2044 : vector<1x1x16xf32> to vector<16xf32>
        %swap3A_2046 = vector.shape_cast %mul3A_2040 : vector<16xf32> to vector<1x1x16xf32>
        tpu.vector_store %arg9[%swap3A_2041, %swap3A_2042, %swap3A_2043], %swap3A_2046 {strides = array<i32>} : memref<3x80x128xf32, #tpu.memory_space<vmem>>, vector<1x1x16xf32>,
        %get3A_2047 = arith.index_cast %rem3A_1367 : i32 to index
        %get3A_2048 = arith.index_cast %add3A_1981 : i32 to index
        %get3A_2049 = arith.constant 80 : index
        %get3A_2050 = tpu.vector_load %arg9[%get3A_2047, %get3A_2048, %get3A_2049] {strides = array<i32>} : memref<3x80x128xf32, #tpu.memory_space<vmem>>, vector<1x1x16xf32>,
        %get3A_2051 = vector.shape_cast %get3A_2050 : vector<1x1x16xf32> to vector<16xf32>
        %mul3A_2052 = vector.broadcast %squeeze3A_1977 : f32 to vector<16xf32>
        %mul3A_2053 = arith.mulf %get3A_2051, %mul3A_2052 : vector<16xf32>
        %swap3A_2054 = arith.index_cast %rem3A_1367 : i32 to index
        %swap3A_2055 = arith.index_cast %add3A_1981 : i32 to index
        %swap3A_2056 = arith.constant 80 : index
        %swap3A_2057 = tpu.vector_load %arg9[%swap3A_2054, %swap3A_2055, %swap3A_2056] {strides = array<i32>} : memref<3x80x128xf32, #tpu.memory_space<vmem>>, vector<1x1x16xf32>,
        %swap3A_2058 = vector.shape_cast %swap3A_2057 : vector<1x1x16xf32> to vector<16xf32>
        %swap3A_2059 = vector.shape_cast %mul3A_2053 : vector<16xf32> to vector<1x1x16xf32>
        tpu.vector_store %arg9[%swap3A_2054, %swap3A_2055, %swap3A_2056], %swap3A_2059 {strides = array<i32>} : memref<3x80x128xf32, #tpu.memory_space<vmem>>, vector<1x1x16xf32>,
        %get3A_2060 = arith.index_cast %rem3A_1367 : i32 to index
        %get3A_2061 = arith.index_cast %add3A_1981 : i32 to index
        %get3A_2062 = arith.constant 96 : index
        %get3A_2063 = tpu.vector_load %arg9[%get3A_2060, %get3A_2061, %get3A_2062] {strides = array<i32>} : memref<3x80x128xf32, #tpu.memory_space<vmem>>, vector<1x1x16xf32>,
        %get3A_2064 = vector.shape_cast %get3A_2063 : vector<1x1x16xf32> to vector<16xf32>
        %mul3A_2065 = vector.broadcast %squeeze3A_1977 : f32 to vector<16xf32>
        %mul3A_2066 = arith.mulf %get3A_2064, %mul3A_2065 : vector<16xf32>
        %swap3A_2067 = arith.index_cast %rem3A_1367 : i32 to index
        %swap3A_2068 = arith.index_cast %add3A_1981 : i32 to index
        %swap3A_2069 = arith.constant 96 : index
        %swap3A_2070 = tpu.vector_load %arg9[%swap3A_2067, %swap3A_2068, %swap3A_2069] {strides = array<i32>} : memref<3x80x128xf32, #tpu.memory_space<vmem>>, vector<1x1x16xf32>,
        %swap3A_2071 = vector.shape_cast %swap3A_2070 : vector<1x1x16xf32> to vector<16xf32>
        %swap3A_2072 = vector.shape_cast %mul3A_2066 : vector<16xf32> to vector<1x1x16xf32>
        tpu.vector_store %arg9[%swap3A_2067, %swap3A_2068, %swap3A_2069], %swap3A_2072 {strides = array<i32>} : memref<3x80x128xf32, #tpu.memory_space<vmem>>, vector<1x1x16xf32>,
        %get3A_2073 = arith.index_cast %rem3A_1367 : i32 to index
        %get3A_2074 = arith.index_cast %add3A_1981 : i32 to index
        %get3A_2075 = arith.constant 112 : index
        %get3A_2076 = tpu.vector_load %arg9[%get3A_2073, %get3A_2074, %get3A_2075] {strides = array<i32>} : memref<3x80x128xf32, #tpu.memory_space<vmem>>, vector<1x1x16xf32>,
        %get3A_2077 = vector.shape_cast %get3A_2076 : vector<1x1x16xf32> to vector<16xf32>
        %mul3A_2078 = vector.broadcast %squeeze3A_1977 : f32 to vector<16xf32>
        %mul3A_2079 = arith.mulf %get3A_2077, %mul3A_2078 : vector<16xf32>
        %swap3A_2080 = arith.index_cast %rem3A_1367 : i32 to index
        %swap3A_2081 = arith.index_cast %add3A_1981 : i32 to index
        %swap3A_2082 = arith.constant 112 : index
        %swap3A_2083 = tpu.vector_load %arg9[%swap3A_2080, %swap3A_2081, %swap3A_2082] {strides = array<i32>} : memref<3x80x128xf32, #tpu.memory_space<vmem>>, vector<1x1x16xf32>,
        %swap3A_2084 = vector.shape_cast %swap3A_2083 : vector<1x1x16xf32> to vector<16xf32>
        %swap3A_2085 = vector.shape_cast %mul3A_2079 : vector<16xf32> to vector<1x1x16xf32>
        tpu.vector_store %arg9[%swap3A_2080, %swap3A_2081, %swap3A_2082], %swap3A_2085 {strides = array<i32>} : memref<3x80x128xf32, #tpu.memory_space<vmem>>, vector<1x1x16xf32>,
        %slice3A_2086 = vector.extract_strided_slice %get3A_1427 {offsets = [6], sizes = [1], strides = [1]} : vector<16xf32> to vector<1xf32>
        %squeeze3A_2087 = vector.extract %slice3A_2086[0] : f32 from vector<1xf32>
        %mul3A_2088 = arith.constant 16 : i32
        %mul3A_2089 = arith.muli %scan3A_1420, %mul3A_2088 : i32
        %add3A_2090 = arith.constant 6 : i32
        %add3A_2091 = arith.addi %mul3A_2089, %add3A_2090 : i32
        %get3A_2092 = arith.index_cast %rem3A_1367 : i32 to index
        %get3A_2093 = arith.index_cast %add3A_2091 : i32 to index
        %get3A_2094 = arith.constant 0 : index
        %get3A_2095 = tpu.vector_load %arg9[%get3A_2092, %get3A_2093, %get3A_2094] {strides = array<i32>} : memref<3x80x128xf32, #tpu.memory_space<vmem>>, vector<1x1x16xf32>,
        %get3A_2096 = vector.shape_cast %get3A_2095 : vector<1x1x16xf32> to vector<16xf32>
        %mul3A_2097 = vector.broadcast %squeeze3A_2087 : f32 to vector<16xf32>
        %mul3A_2098 = arith.mulf %get3A_2096, %mul3A_2097 : vector<16xf32>
        %swap3A_2099 = arith.index_cast %rem3A_1367 : i32 to index
        %swap3A_2100 = arith.index_cast %add3A_2091 : i32 to index
        %swap3A_2101 = arith.constant 0 : index
        %swap3A_2102 = tpu.vector_load %arg9[%swap3A_2099, %swap3A_2100, %swap3A_2101] {strides = array<i32>} : memref<3x80x128xf32, #tpu.memory_space<vmem>>, vector<1x1x16xf32>,
        %swap3A_2103 = vector.shape_cast %swap3A_2102 : vector<1x1x16xf32> to vector<16xf32>
        %swap3A_2104 = vector.shape_cast %mul3A_2098 : vector<16xf32> to vector<1x1x16xf32>
        tpu.vector_store %arg9[%swap3A_2099, %swap3A_2100, %swap3A_2101], %swap3A_2104 {strides = array<i32>} : memref<3x80x128xf32, #tpu.memory_space<vmem>>, vector<1x1x16xf32>,
        %get3A_2105 = arith.index_cast %rem3A_1367 : i32 to index
        %get3A_2106 = arith.index_cast %add3A_2091 : i32 to index
        %get3A_2107 = arith.constant 16 : index
        %get3A_2108 = tpu.vector_load %arg9[%get3A_2105, %get3A_2106, %get3A_2107] {strides = array<i32>} : memref<3x80x128xf32, #tpu.memory_space<vmem>>, vector<1x1x16xf32>,
        %get3A_2109 = vector.shape_cast %get3A_2108 : vector<1x1x16xf32> to vector<16xf32>
        %mul3A_2110 = vector.broadcast %squeeze3A_2087 : f32 to vector<16xf32>
        %mul3A_2111 = arith.mulf %get3A_2109, %mul3A_2110 : vector<16xf32>
        %swap3A_2112 = arith.index_cast %rem3A_1367 : i32 to index
        %swap3A_2113 = arith.index_cast %add3A_2091 : i32 to index
        %swap3A_2114 = arith.constant 16 : index
        %swap3A_2115 = tpu.vector_load %arg9[%swap3A_2112, %swap3A_2113, %swap3A_2114] {strides = array<i32>} : memref<3x80x128xf32, #tpu.memory_space<vmem>>, vector<1x1x16xf32>,
        %swap3A_2116 = vector.shape_cast %swap3A_2115 : vector<1x1x16xf32> to vector<16xf32>
        %swap3A_2117 = vector.shape_cast %mul3A_2111 : vector<16xf32> to vector<1x1x16xf32>
        tpu.vector_store %arg9[%swap3A_2112, %swap3A_2113, %swap3A_2114], %swap3A_2117 {strides = array<i32>} : memref<3x80x128xf32, #tpu.memory_space<vmem>>, vector<1x1x16xf32>,
        %get3A_2118 = arith.index_cast %rem3A_1367 : i32 to index
        %get3A_2119 = arith.index_cast %add3A_2091 : i32 to index
        %get3A_2120 = arith.constant 32 : index
        %get3A_2121 = tpu.vector_load %arg9[%get3A_2118, %get3A_2119, %get3A_2120] {strides = array<i32>} : memref<3x80x128xf32, #tpu.memory_space<vmem>>, vector<1x1x16xf32>,
        %get3A_2122 = vector.shape_cast %get3A_2121 : vector<1x1x16xf32> to vector<16xf32>
        %mul3A_2123 = vector.broadcast %squeeze3A_2087 : f32 to vector<16xf32>
        %mul3A_2124 = arith.mulf %get3A_2122, %mul3A_2123 : vector<16xf32>
        %swap3A_2125 = arith.index_cast %rem3A_1367 : i32 to index
        %swap3A_2126 = arith.index_cast %add3A_2091 : i32 to index
        %swap3A_2127 = arith.constant 32 : index
        %swap3A_2128 = tpu.vector_load %arg9[%swap3A_2125, %swap3A_2126, %swap3A_2127] {strides = array<i32>} : memref<3x80x128xf32, #tpu.memory_space<vmem>>, vector<1x1x16xf32>,
        %swap3A_2129 = vector.shape_cast %swap3A_2128 : vector<1x1x16xf32> to vector<16xf32>
        %swap3A_2130 = vector.shape_cast %mul3A_2124 : vector<16xf32> to vector<1x1x16xf32>
        tpu.vector_store %arg9[%swap3A_2125, %swap3A_2126, %swap3A_2127], %swap3A_2130 {strides = array<i32>} : memref<3x80x128xf32, #tpu.memory_space<vmem>>, vector<1x1x16xf32>,
        %get3A_2131 = arith.index_cast %rem3A_1367 : i32 to index
        %get3A_2132 = arith.index_cast %add3A_2091 : i32 to index
        %get3A_2133 = arith.constant 48 : index
        %get3A_2134 = tpu.vector_load %arg9[%get3A_2131, %get3A_2132, %get3A_2133] {strides = array<i32>} : memref<3x80x128xf32, #tpu.memory_space<vmem>>, vector<1x1x16xf32>,
        %get3A_2135 = vector.shape_cast %get3A_2134 : vector<1x1x16xf32> to vector<16xf32>
        %mul3A_2136 = vector.broadcast %squeeze3A_2087 : f32 to vector<16xf32>
        %mul3A_2137 = arith.mulf %get3A_2135, %mul3A_2136 : vector<16xf32>
        %swap3A_2138 = arith.index_cast %rem3A_1367 : i32 to index
        %swap3A_2139 = arith.index_cast %add3A_2091 : i32 to index
        %swap3A_2140 = arith.constant 48 : index
        %swap3A_2141 = tpu.vector_load %arg9[%swap3A_2138, %swap3A_2139, %swap3A_2140] {strides = array<i32>} : memref<3x80x128xf32, #tpu.memory_space<vmem>>, vector<1x1x16xf32>,
        %swap3A_2142 = vector.shape_cast %swap3A_2141 : vector<1x1x16xf32> to vector<16xf32>
        %swap3A_2143 = vector.shape_cast %mul3A_2137 : vector<16xf32> to vector<1x1x16xf32>
        tpu.vector_store %arg9[%swap3A_2138, %swap3A_2139, %swap3A_2140], %swap3A_2143 {strides = array<i32>} : memref<3x80x128xf32, #tpu.memory_space<vmem>>, vector<1x1x16xf32>,
        %get3A_2144 = arith.index_cast %rem3A_1367 : i32 to index
        %get3A_2145 = arith.index_cast %add3A_2091 : i32 to index
        %get3A_2146 = arith.constant 64 : index
        %get3A_2147 = tpu.vector_load %arg9[%get3A_2144, %get3A_2145, %get3A_2146] {strides = array<i32>} : memref<3x80x128xf32, #tpu.memory_space<vmem>>, vector<1x1x16xf32>,
        %get3A_2148 = vector.shape_cast %get3A_2147 : vector<1x1x16xf32> to vector<16xf32>
        %mul3A_2149 = vector.broadcast %squeeze3A_2087 : f32 to vector<16xf32>
        %mul3A_2150 = arith.mulf %get3A_2148, %mul3A_2149 : vector<16xf32>
        %swap3A_2151 = arith.index_cast %rem3A_1367 : i32 to index
        %swap3A_2152 = arith.index_cast %add3A_2091 : i32 to index
        %swap3A_2153 = arith.constant 64 : index
        %swap3A_2154 = tpu.vector_load %arg9[%swap3A_2151, %swap3A_2152, %swap3A_2153] {strides = array<i32>} : memref<3x80x128xf32, #tpu.memory_space<vmem>>, vector<1x1x16xf32>,
        %swap3A_2155 = vector.shape_cast %swap3A_2154 : vector<1x1x16xf32> to vector<16xf32>
        %swap3A_2156 = vector.shape_cast %mul3A_2150 : vector<16xf32> to vector<1x1x16xf32>
        tpu.vector_store %arg9[%swap3A_2151, %swap3A_2152, %swap3A_2153], %swap3A_2156 {strides = array<i32>} : memref<3x80x128xf32, #tpu.memory_space<vmem>>, vector<1x1x16xf32>,
        %get3A_2157 = arith.index_cast %rem3A_1367 : i32 to index
        %get3A_2158 = arith.index_cast %add3A_2091 : i32 to index
        %get3A_2159 = arith.constant 80 : index
        %get3A_2160 = tpu.vector_load %arg9[%get3A_2157, %get3A_2158, %get3A_2159] {strides = array<i32>} : memref<3x80x128xf32, #tpu.memory_space<vmem>>, vector<1x1x16xf32>,
        %get3A_2161 = vector.shape_cast %get3A_2160 : vector<1x1x16xf32> to vector<16xf32>
        %mul3A_2162 = vector.broadcast %squeeze3A_2087 : f32 to vector<16xf32>
        %mul3A_2163 = arith.mulf %get3A_2161, %mul3A_2162 : vector<16xf32>
        %swap3A_2164 = arith.index_cast %rem3A_1367 : i32 to index
        %swap3A_2165 = arith.index_cast %add3A_2091 : i32 to index
        %swap3A_2166 = arith.constant 80 : index
        %swap3A_2167 = tpu.vector_load %arg9[%swap3A_2164, %swap3A_2165, %swap3A_2166] {strides = array<i32>} : memref<3x80x128xf32, #tpu.memory_space<vmem>>, vector<1x1x16xf32>,
        %swap3A_2168 = vector.shape_cast %swap3A_2167 : vector<1x1x16xf32> to vector<16xf32>
        %swap3A_2169 = vector.shape_cast %mul3A_2163 : vector<16xf32> to vector<1x1x16xf32>
        tpu.vector_store %arg9[%swap3A_2164, %swap3A_2165, %swap3A_2166], %swap3A_2169 {strides = array<i32>} : memref<3x80x128xf32, #tpu.memory_space<vmem>>, vector<1x1x16xf32>,
        %get3A_2170 = arith.index_cast %rem3A_1367 : i32 to index
        %get3A_2171 = arith.index_cast %add3A_2091 : i32 to index
        %get3A_2172 = arith.constant 96 : index
        %get3A_2173 = tpu.vector_load %arg9[%get3A_2170, %get3A_2171, %get3A_2172] {strides = array<i32>} : memref<3x80x128xf32, #tpu.memory_space<vmem>>, vector<1x1x16xf32>,
        %get3A_2174 = vector.shape_cast %get3A_2173 : vector<1x1x16xf32> to vector<16xf32>
        %mul3A_2175 = vector.broadcast %squeeze3A_2087 : f32 to vector<16xf32>
        %mul3A_2176 = arith.mulf %get3A_2174, %mul3A_2175 : vector<16xf32>
        %swap3A_2177 = arith.index_cast %rem3A_1367 : i32 to index
        %swap3A_2178 = arith.index_cast %add3A_2091 : i32 to index
        %swap3A_2179 = arith.constant 96 : index
        %swap3A_2180 = tpu.vector_load %arg9[%swap3A_2177, %swap3A_2178, %swap3A_2179] {strides = array<i32>} : memref<3x80x128xf32, #tpu.memory_space<vmem>>, vector<1x1x16xf32>,
        %swap3A_2181 = vector.shape_cast %swap3A_2180 : vector<1x1x16xf32> to vector<16xf32>
        %swap3A_2182 = vector.shape_cast %mul3A_2176 : vector<16xf32> to vector<1x1x16xf32>
        tpu.vector_store %arg9[%swap3A_2177, %swap3A_2178, %swap3A_2179], %swap3A_2182 {strides = array<i32>} : memref<3x80x128xf32, #tpu.memory_space<vmem>>, vector<1x1x16xf32>,
        %get3A_2183 = arith.index_cast %rem3A_1367 : i32 to index
        %get3A_2184 = arith.index_cast %add3A_2091 : i32 to index
        %get3A_2185 = arith.constant 112 : index
        %get3A_2186 = tpu.vector_load %arg9[%get3A_2183, %get3A_2184, %get3A_2185] {strides = array<i32>} : memref<3x80x128xf32, #tpu.memory_space<vmem>>, vector<1x1x16xf32>,
        %get3A_2187 = vector.shape_cast %get3A_2186 : vector<1x1x16xf32> to vector<16xf32>
        %mul3A_2188 = vector.broadcast %squeeze3A_2087 : f32 to vector<16xf32>
        %mul3A_2189 = arith.mulf %get3A_2187, %mul3A_2188 : vector<16xf32>
        %swap3A_2190 = arith.index_cast %rem3A_1367 : i32 to index
        %swap3A_2191 = arith.index_cast %add3A_2091 : i32 to index
        %swap3A_2192 = arith.constant 112 : index
        %swap3A_2193 = tpu.vector_load %arg9[%swap3A_2190, %swap3A_2191, %swap3A_2192] {strides = array<i32>} : memref<3x80x128xf32, #tpu.memory_space<vmem>>, vector<1x1x16xf32>,
        %swap3A_2194 = vector.shape_cast %swap3A_2193 : vector<1x1x16xf32> to vector<16xf32>
        %swap3A_2195 = vector.shape_cast %mul3A_2189 : vector<16xf32> to vector<1x1x16xf32>
        tpu.vector_store %arg9[%swap3A_2190, %swap3A_2191, %swap3A_2192], %swap3A_2195 {strides = array<i32>} : memref<3x80x128xf32, #tpu.memory_space<vmem>>, vector<1x1x16xf32>,
        %slice3A_2196 = vector.extract_strided_slice %get3A_1427 {offsets = [7], sizes = [1], strides = [1]} : vector<16xf32> to vector<1xf32>
        %squeeze3A_2197 = vector.extract %slice3A_2196[0] : f32 from vector<1xf32>
        %mul3A_2198 = arith.constant 16 : i32
        %mul3A_2199 = arith.muli %scan3A_1420, %mul3A_2198 : i32
        %add3A_2200 = arith.constant 7 : i32
        %add3A_2201 = arith.addi %mul3A_2199, %add3A_2200 : i32
        %get3A_2202 = arith.index_cast %rem3A_1367 : i32 to index
        %get3A_2203 = arith.index_cast %add3A_2201 : i32 to index
        %get3A_2204 = arith.constant 0 : index
        %get3A_2205 = tpu.vector_load %arg9[%get3A_2202, %get3A_2203, %get3A_2204] {strides = array<i32>} : memref<3x80x128xf32, #tpu.memory_space<vmem>>, vector<1x1x16xf32>,
        %get3A_2206 = vector.shape_cast %get3A_2205 : vector<1x1x16xf32> to vector<16xf32>
        %mul3A_2207 = vector.broadcast %squeeze3A_2197 : f32 to vector<16xf32>
        %mul3A_2208 = arith.mulf %get3A_2206, %mul3A_2207 : vector<16xf32>
        %swap3A_2209 = arith.index_cast %rem3A_1367 : i32 to index
        %swap3A_2210 = arith.index_cast %add3A_2201 : i32 to index
        %swap3A_2211 = arith.constant 0 : index
        %swap3A_2212 = tpu.vector_load %arg9[%swap3A_2209, %swap3A_2210, %swap3A_2211] {strides = array<i32>} : memref<3x80x128xf32, #tpu.memory_space<vmem>>, vector<1x1x16xf32>,
        %swap3A_2213 = vector.shape_cast %swap3A_2212 : vector<1x1x16xf32> to vector<16xf32>
        %swap3A_2214 = vector.shape_cast %mul3A_2208 : vector<16xf32> to vector<1x1x16xf32>
        tpu.vector_store %arg9[%swap3A_2209, %swap3A_2210, %swap3A_2211], %swap3A_2214 {strides = array<i32>} : memref<3x80x128xf32, #tpu.memory_space<vmem>>, vector<1x1x16xf32>,
        %get3A_2215 = arith.index_cast %rem3A_1367 : i32 to index
        %get3A_2216 = arith.index_cast %add3A_2201 : i32 to index
        %get3A_2217 = arith.constant 16 : index
        %get3A_2218 = tpu.vector_load %arg9[%get3A_2215, %get3A_2216, %get3A_2217] {strides = array<i32>} : memref<3x80x128xf32, #tpu.memory_space<vmem>>, vector<1x1x16xf32>,
        %get3A_2219 = vector.shape_cast %get3A_2218 : vector<1x1x16xf32> to vector<16xf32>
        %mul3A_2220 = vector.broadcast %squeeze3A_2197 : f32 to vector<16xf32>
        %mul3A_2221 = arith.mulf %get3A_2219, %mul3A_2220 : vector<16xf32>
        %swap3A_2222 = arith.index_cast %rem3A_1367 : i32 to index
        %swap3A_2223 = arith.index_cast %add3A_2201 : i32 to index
        %swap3A_2224 = arith.constant 16 : index
        %swap3A_2225 = tpu.vector_load %arg9[%swap3A_2222, %swap3A_2223, %swap3A_2224] {strides = array<i32>} : memref<3x80x128xf32, #tpu.memory_space<vmem>>, vector<1x1x16xf32>,
        %swap3A_2226 = vector.shape_cast %swap3A_2225 : vector<1x1x16xf32> to vector<16xf32>
        %swap3A_2227 = vector.shape_cast %mul3A_2221 : vector<16xf32> to vector<1x1x16xf32>
        tpu.vector_store %arg9[%swap3A_2222, %swap3A_2223, %swap3A_2224], %swap3A_2227 {strides = array<i32>} : memref<3x80x128xf32, #tpu.memory_space<vmem>>, vector<1x1x16xf32>,
        %get3A_2228 = arith.index_cast %rem3A_1367 : i32 to index
        %get3A_2229 = arith.index_cast %add3A_2201 : i32 to index
        %get3A_2230 = arith.constant 32 : index
        %get3A_2231 = tpu.vector_load %arg9[%get3A_2228, %get3A_2229, %get3A_2230] {strides = array<i32>} : memref<3x80x128xf32, #tpu.memory_space<vmem>>, vector<1x1x16xf32>,
        %get3A_2232 = vector.shape_cast %get3A_2231 : vector<1x1x16xf32> to vector<16xf32>
        %mul3A_2233 = vector.broadcast %squeeze3A_2197 : f32 to vector<16xf32>
        %mul3A_2234 = arith.mulf %get3A_2232, %mul3A_2233 : vector<16xf32>
        %swap3A_2235 = arith.index_cast %rem3A_1367 : i32 to index
        %swap3A_2236 = arith.index_cast %add3A_2201 : i32 to index
        %swap3A_2237 = arith.constant 32 : index
        %swap3A_2238 = tpu.vector_load %arg9[%swap3A_2235, %swap3A_2236, %swap3A_2237] {strides = array<i32>} : memref<3x80x128xf32, #tpu.memory_space<vmem>>, vector<1x1x16xf32>,
        %swap3A_2239 = vector.shape_cast %swap3A_2238 : vector<1x1x16xf32> to vector<16xf32>
        %swap3A_2240 = vector.shape_cast %mul3A_2234 : vector<16xf32> to vector<1x1x16xf32>
        tpu.vector_store %arg9[%swap3A_2235, %swap3A_2236, %swap3A_2237], %swap3A_2240 {strides = array<i32>} : memref<3x80x128xf32, #tpu.memory_space<vmem>>, vector<1x1x16xf32>,
        %get3A_2241 = arith.index_cast %rem3A_1367 : i32 to index
        %get3A_2242 = arith.index_cast %add3A_2201 : i32 to index
        %get3A_2243 = arith.constant 48 : index
        %get3A_2244 = tpu.vector_load %arg9[%get3A_2241, %get3A_2242, %get3A_2243] {strides = array<i32>} : memref<3x80x128xf32, #tpu.memory_space<vmem>>, vector<1x1x16xf32>,
        %get3A_2245 = vector.shape_cast %get3A_2244 : vector<1x1x16xf32> to vector<16xf32>
        %mul3A_2246 = vector.broadcast %squeeze3A_2197 : f32 to vector<16xf32>
        %mul3A_2247 = arith.mulf %get3A_2245, %mul3A_2246 : vector<16xf32>
        %swap3A_2248 = arith.index_cast %rem3A_1367 : i32 to index
        %swap3A_2249 = arith.index_cast %add3A_2201 : i32 to index
        %swap3A_2250 = arith.constant 48 : index
        %swap3A_2251 = tpu.vector_load %arg9[%swap3A_2248, %swap3A_2249, %swap3A_2250] {strides = array<i32>} : memref<3x80x128xf32, #tpu.memory_space<vmem>>, vector<1x1x16xf32>,
        %swap3A_2252 = vector.shape_cast %swap3A_2251 : vector<1x1x16xf32> to vector<16xf32>
        %swap3A_2253 = vector.shape_cast %mul3A_2247 : vector<16xf32> to vector<1x1x16xf32>
        tpu.vector_store %arg9[%swap3A_2248, %swap3A_2249, %swap3A_2250], %swap3A_2253 {strides = array<i32>} : memref<3x80x128xf32, #tpu.memory_space<vmem>>, vector<1x1x16xf32>,
        %get3A_2254 = arith.index_cast %rem3A_1367 : i32 to index
        %get3A_2255 = arith.index_cast %add3A_2201 : i32 to index
        %get3A_2256 = arith.constant 64 : index
        %get3A_2257 = tpu.vector_load %arg9[%get3A_2254, %get3A_2255, %get3A_2256] {strides = array<i32>} : memref<3x80x128xf32, #tpu.memory_space<vmem>>, vector<1x1x16xf32>,
        %get3A_2258 = vector.shape_cast %get3A_2257 : vector<1x1x16xf32> to vector<16xf32>
        %mul3A_2259 = vector.broadcast %squeeze3A_2197 : f32 to vector<16xf32>
        %mul3A_2260 = arith.mulf %get3A_2258, %mul3A_2259 : vector<16xf32>
        %swap3A_2261 = arith.index_cast %rem3A_1367 : i32 to index
        %swap3A_2262 = arith.index_cast %add3A_2201 : i32 to index
        %swap3A_2263 = arith.constant 64 : index
        %swap3A_2264 = tpu.vector_load %arg9[%swap3A_2261, %swap3A_2262, %swap3A_2263] {strides = array<i32>} : memref<3x80x128xf32, #tpu.memory_space<vmem>>, vector<1x1x16xf32>,
        %swap3A_2265 = vector.shape_cast %swap3A_2264 : vector<1x1x16xf32> to vector<16xf32>
        %swap3A_2266 = vector.shape_cast %mul3A_2260 : vector<16xf32> to vector<1x1x16xf32>
        tpu.vector_store %arg9[%swap3A_2261, %swap3A_2262, %swap3A_2263], %swap3A_2266 {strides = array<i32>} : memref<3x80x128xf32, #tpu.memory_space<vmem>>, vector<1x1x16xf32>,
        %get3A_2267 = arith.index_cast %rem3A_1367 : i32 to index
        %get3A_2268 = arith.index_cast %add3A_2201 : i32 to index
        %get3A_2269 = arith.constant 80 : index
        %get3A_2270 = tpu.vector_load %arg9[%get3A_2267, %get3A_2268, %get3A_2269] {strides = array<i32>} : memref<3x80x128xf32, #tpu.memory_space<vmem>>, vector<1x1x16xf32>,
        %get3A_2271 = vector.shape_cast %get3A_2270 : vector<1x1x16xf32> to vector<16xf32>
        %mul3A_2272 = vector.broadcast %squeeze3A_2197 : f32 to vector<16xf32>
        %mul3A_2273 = arith.mulf %get3A_2271, %mul3A_2272 : vector<16xf32>
        %swap3A_2274 = arith.index_cast %rem3A_1367 : i32 to index
        %swap3A_2275 = arith.index_cast %add3A_2201 : i32 to index
        %swap3A_2276 = arith.constant 80 : index
        %swap3A_2277 = tpu.vector_load %arg9[%swap3A_2274, %swap3A_2275, %swap3A_2276] {strides = array<i32>} : memref<3x80x128xf32, #tpu.memory_space<vmem>>, vector<1x1x16xf32>,
        %swap3A_2278 = vector.shape_cast %swap3A_2277 : vector<1x1x16xf32> to vector<16xf32>
        %swap3A_2279 = vector.shape_cast %mul3A_2273 : vector<16xf32> to vector<1x1x16xf32>
        tpu.vector_store %arg9[%swap3A_2274, %swap3A_2275, %swap3A_2276], %swap3A_2279 {strides = array<i32>} : memref<3x80x128xf32, #tpu.memory_space<vmem>>, vector<1x1x16xf32>,
        %get3A_2280 = arith.index_cast %rem3A_1367 : i32 to index
        %get3A_2281 = arith.index_cast %add3A_2201 : i32 to index
        %get3A_2282 = arith.constant 96 : index
        %get3A_2283 = tpu.vector_load %arg9[%get3A_2280, %get3A_2281, %get3A_2282] {strides = array<i32>} : memref<3x80x128xf32, #tpu.memory_space<vmem>>, vector<1x1x16xf32>,
        %get3A_2284 = vector.shape_cast %get3A_2283 : vector<1x1x16xf32> to vector<16xf32>
        %mul3A_2285 = vector.broadcast %squeeze3A_2197 : f32 to vector<16xf32>
        %mul3A_2286 = arith.mulf %get3A_2284, %mul3A_2285 : vector<16xf32>
        %swap3A_2287 = arith.index_cast %rem3A_1367 : i32 to index
        %swap3A_2288 = arith.index_cast %add3A_2201 : i32 to index
        %swap3A_2289 = arith.constant 96 : index
        %swap3A_2290 = tpu.vector_load %arg9[%swap3A_2287, %swap3A_2288, %swap3A_2289] {strides = array<i32>} : memref<3x80x128xf32, #tpu.memory_space<vmem>>, vector<1x1x16xf32>,
        %swap3A_2291 = vector.shape_cast %swap3A_2290 : vector<1x1x16xf32> to vector<16xf32>
        %swap3A_2292 = vector.shape_cast %mul3A_2286 : vector<16xf32> to vector<1x1x16xf32>
        tpu.vector_store %arg9[%swap3A_2287, %swap3A_2288, %swap3A_2289], %swap3A_2292 {strides = array<i32>} : memref<3x80x128xf32, #tpu.memory_space<vmem>>, vector<1x1x16xf32>,
        %get3A_2293 = arith.index_cast %rem3A_1367 : i32 to index
        %get3A_2294 = arith.index_cast %add3A_2201 : i32 to index
        %get3A_2295 = arith.constant 112 : index
        %get3A_2296 = tpu.vector_load %arg9[%get3A_2293, %get3A_2294, %get3A_2295] {strides = array<i32>} : memref<3x80x128xf32, #tpu.memory_space<vmem>>, vector<1x1x16xf32>,
        %get3A_2297 = vector.shape_cast %get3A_2296 : vector<1x1x16xf32> to vector<16xf32>
        %mul3A_2298 = vector.broadcast %squeeze3A_2197 : f32 to vector<16xf32>
        %mul3A_2299 = arith.mulf %get3A_2297, %mul3A_2298 : vector<16xf32>
        %swap3A_2300 = arith.index_cast %rem3A_1367 : i32 to index
        %swap3A_2301 = arith.index_cast %add3A_2201 : i32 to index
        %swap3A_2302 = arith.constant 112 : index
        %swap3A_2303 = tpu.vector_load %arg9[%swap3A_2300, %swap3A_2301, %swap3A_2302] {strides = array<i32>} : memref<3x80x128xf32, #tpu.memory_space<vmem>>, vector<1x1x16xf32>,
        %swap3A_2304 = vector.shape_cast %swap3A_2303 : vector<1x1x16xf32> to vector<16xf32>
        %swap3A_2305 = vector.shape_cast %mul3A_2299 : vector<16xf32> to vector<1x1x16xf32>
        tpu.vector_store %arg9[%swap3A_2300, %swap3A_2301, %swap3A_2302], %swap3A_2305 {strides = array<i32>} : memref<3x80x128xf32, #tpu.memory_space<vmem>>, vector<1x1x16xf32>,
        %slice3A_2306 = vector.extract_strided_slice %get3A_1427 {offsets = [8], sizes = [1], strides = [1]} : vector<16xf32> to vector<1xf32>
        %squeeze3A_2307 = vector.extract %slice3A_2306[0] : f32 from vector<1xf32>
        %mul3A_2308 = arith.constant 16 : i32
        %mul3A_2309 = arith.muli %scan3A_1420, %mul3A_2308 : i32
        %add3A_2310 = arith.constant 8 : i32
        %add3A_2311 = arith.addi %mul3A_2309, %add3A_2310 : i32
        %get3A_2312 = arith.index_cast %rem3A_1367 : i32 to index
        %get3A_2313 = arith.index_cast %add3A_2311 : i32 to index
        %get3A_2314 = arith.constant 0 : index
        %get3A_2315 = tpu.vector_load %arg9[%get3A_2312, %get3A_2313, %get3A_2314] {strides = array<i32>} : memref<3x80x128xf32, #tpu.memory_space<vmem>>, vector<1x1x16xf32>,
        %get3A_2316 = vector.shape_cast %get3A_2315 : vector<1x1x16xf32> to vector<16xf32>
        %mul3A_2317 = vector.broadcast %squeeze3A_2307 : f32 to vector<16xf32>
        %mul3A_2318 = arith.mulf %get3A_2316, %mul3A_2317 : vector<16xf32>
        %swap3A_2319 = arith.index_cast %rem3A_1367 : i32 to index
        %swap3A_2320 = arith.index_cast %add3A_2311 : i32 to index
        %swap3A_2321 = arith.constant 0 : index
        %swap3A_2322 = tpu.vector_load %arg9[%swap3A_2319, %swap3A_2320, %swap3A_2321] {strides = array<i32>} : memref<3x80x128xf32, #tpu.memory_space<vmem>>, vector<1x1x16xf32>,
        %swap3A_2323 = vector.shape_cast %swap3A_2322 : vector<1x1x16xf32> to vector<16xf32>
        %swap3A_2324 = vector.shape_cast %mul3A_2318 : vector<16xf32> to vector<1x1x16xf32>
        tpu.vector_store %arg9[%swap3A_2319, %swap3A_2320, %swap3A_2321], %swap3A_2324 {strides = array<i32>} : memref<3x80x128xf32, #tpu.memory_space<vmem>>, vector<1x1x16xf32>,
        %get3A_2325 = arith.index_cast %rem3A_1367 : i32 to index
        %get3A_2326 = arith.index_cast %add3A_2311 : i32 to index
        %get3A_2327 = arith.constant 16 : index
        %get3A_2328 = tpu.vector_load %arg9[%get3A_2325, %get3A_2326, %get3A_2327] {strides = array<i32>} : memref<3x80x128xf32, #tpu.memory_space<vmem>>, vector<1x1x16xf32>,
        %get3A_2329 = vector.shape_cast %get3A_2328 : vector<1x1x16xf32> to vector<16xf32>
        %mul3A_2330 = vector.broadcast %squeeze3A_2307 : f32 to vector<16xf32>
        %mul3A_2331 = arith.mulf %get3A_2329, %mul3A_2330 : vector<16xf32>
        %swap3A_2332 = arith.index_cast %rem3A_1367 : i32 to index
        %swap3A_2333 = arith.index_cast %add3A_2311 : i32 to index
        %swap3A_2334 = arith.constant 16 : index
        %swap3A_2335 = tpu.vector_load %arg9[%swap3A_2332, %swap3A_2333, %swap3A_2334] {strides = array<i32>} : memref<3x80x128xf32, #tpu.memory_space<vmem>>, vector<1x1x16xf32>,
        %swap3A_2336 = vector.shape_cast %swap3A_2335 : vector<1x1x16xf32> to vector<16xf32>
        %swap3A_2337 = vector.shape_cast %mul3A_2331 : vector<16xf32> to vector<1x1x16xf32>
        tpu.vector_store %arg9[%swap3A_2332, %swap3A_2333, %swap3A_2334], %swap3A_2337 {strides = array<i32>} : memref<3x80x128xf32, #tpu.memory_space<vmem>>, vector<1x1x16xf32>,
        %get3A_2338 = arith.index_cast %rem3A_1367 : i32 to index
        %get3A_2339 = arith.index_cast %add3A_2311 : i32 to index
        %get3A_2340 = arith.constant 32 : index
        %get3A_2341 = tpu.vector_load %arg9[%get3A_2338, %get3A_2339, %get3A_2340] {strides = array<i32>} : memref<3x80x128xf32, #tpu.memory_space<vmem>>, vector<1x1x16xf32>,
        %get3A_2342 = vector.shape_cast %get3A_2341 : vector<1x1x16xf32> to vector<16xf32>
        %mul3A_2343 = vector.broadcast %squeeze3A_2307 : f32 to vector<16xf32>
        %mul3A_2344 = arith.mulf %get3A_2342, %mul3A_2343 : vector<16xf32>
        %swap3A_2345 = arith.index_cast %rem3A_1367 : i32 to index
        %swap3A_2346 = arith.index_cast %add3A_2311 : i32 to index
        %swap3A_2347 = arith.constant 32 : index
        %swap3A_2348 = tpu.vector_load %arg9[%swap3A_2345, %swap3A_2346, %swap3A_2347] {strides = array<i32>} : memref<3x80x128xf32, #tpu.memory_space<vmem>>, vector<1x1x16xf32>,
        %swap3A_2349 = vector.shape_cast %swap3A_2348 : vector<1x1x16xf32> to vector<16xf32>
        %swap3A_2350 = vector.shape_cast %mul3A_2344 : vector<16xf32> to vector<1x1x16xf32>
        tpu.vector_store %arg9[%swap3A_2345, %swap3A_2346, %swap3A_2347], %swap3A_2350 {strides = array<i32>} : memref<3x80x128xf32, #tpu.memory_space<vmem>>, vector<1x1x16xf32>,
        %get3A_2351 = arith.index_cast %rem3A_1367 : i32 to index
        %get3A_2352 = arith.index_cast %add3A_2311 : i32 to index
        %get3A_2353 = arith.constant 48 : index
        %get3A_2354 = tpu.vector_load %arg9[%get3A_2351, %get3A_2352, %get3A_2353] {strides = array<i32>} : memref<3x80x128xf32, #tpu.memory_space<vmem>>, vector<1x1x16xf32>,
        %get3A_2355 = vector.shape_cast %get3A_2354 : vector<1x1x16xf32> to vector<16xf32>
        %mul3A_2356 = vector.broadcast %squeeze3A_2307 : f32 to vector<16xf32>
        %mul3A_2357 = arith.mulf %get3A_2355, %mul3A_2356 : vector<16xf32>
        %swap3A_2358 = arith.index_cast %rem3A_1367 : i32 to index
        %swap3A_2359 = arith.index_cast %add3A_2311 : i32 to index
        %swap3A_2360 = arith.constant 48 : index
        %swap3A_2361 = tpu.vector_load %arg9[%swap3A_2358, %swap3A_2359, %swap3A_2360] {strides = array<i32>} : memref<3x80x128xf32, #tpu.memory_space<vmem>>, vector<1x1x16xf32>,
        %swap3A_2362 = vector.shape_cast %swap3A_2361 : vector<1x1x16xf32> to vector<16xf32>
        %swap3A_2363 = vector.shape_cast %mul3A_2357 : vector<16xf32> to vector<1x1x16xf32>
        tpu.vector_store %arg9[%swap3A_2358, %swap3A_2359, %swap3A_2360], %swap3A_2363 {strides = array<i32>} : memref<3x80x128xf32, #tpu.memory_space<vmem>>, vector<1x1x16xf32>,
        %get3A_2364 = arith.index_cast %rem3A_1367 : i32 to index
        %get3A_2365 = arith.index_cast %add3A_2311 : i32 to index
        %get3A_2366 = arith.constant 64 : index
        %get3A_2367 = tpu.vector_load %arg9[%get3A_2364, %get3A_2365, %get3A_2366] {strides = array<i32>} : memref<3x80x128xf32, #tpu.memory_space<vmem>>, vector<1x1x16xf32>,
        %get3A_2368 = vector.shape_cast %get3A_2367 : vector<1x1x16xf32> to vector<16xf32>
        %mul3A_2369 = vector.broadcast %squeeze3A_2307 : f32 to vector<16xf32>
        %mul3A_2370 = arith.mulf %get3A_2368, %mul3A_2369 : vector<16xf32>
        %swap3A_2371 = arith.index_cast %rem3A_1367 : i32 to index
        %swap3A_2372 = arith.index_cast %add3A_2311 : i32 to index
        %swap3A_2373 = arith.constant 64 : index
        %swap3A_2374 = tpu.vector_load %arg9[%swap3A_2371, %swap3A_2372, %swap3A_2373] {strides = array<i32>} : memref<3x80x128xf32, #tpu.memory_space<vmem>>, vector<1x1x16xf32>,
        %swap3A_2375 = vector.shape_cast %swap3A_2374 : vector<1x1x16xf32> to vector<16xf32>
        %swap3A_2376 = vector.shape_cast %mul3A_2370 : vector<16xf32> to vector<1x1x16xf32>
        tpu.vector_store %arg9[%swap3A_2371, %swap3A_2372, %swap3A_2373], %swap3A_2376 {strides = array<i32>} : memref<3x80x128xf32, #tpu.memory_space<vmem>>, vector<1x1x16xf32>,
        %get3A_2377 = arith.index_cast %rem3A_1367 : i32 to index
        %get3A_2378 = arith.index_cast %add3A_2311 : i32 to index
        %get3A_2379 = arith.constant 80 : index
        %get3A_2380 = tpu.vector_load %arg9[%get3A_2377, %get3A_2378, %get3A_2379] {strides = array<i32>} : memref<3x80x128xf32, #tpu.memory_space<vmem>>, vector<1x1x16xf32>,
        %get3A_2381 = vector.shape_cast %get3A_2380 : vector<1x1x16xf32> to vector<16xf32>
        %mul3A_2382 = vector.broadcast %squeeze3A_2307 : f32 to vector<16xf32>
        %mul3A_2383 = arith.mulf %get3A_2381, %mul3A_2382 : vector<16xf32>
        %swap3A_2384 = arith.index_cast %rem3A_1367 : i32 to index
        %swap3A_2385 = arith.index_cast %add3A_2311 : i32 to index
        %swap3A_2386 = arith.constant 80 : index
        %swap3A_2387 = tpu.vector_load %arg9[%swap3A_2384, %swap3A_2385, %swap3A_2386] {strides = array<i32>} : memref<3x80x128xf32, #tpu.memory_space<vmem>>, vector<1x1x16xf32>,
        %swap3A_2388 = vector.shape_cast %swap3A_2387 : vector<1x1x16xf32> to vector<16xf32>
        %swap3A_2389 = vector.shape_cast %mul3A_2383 : vector<16xf32> to vector<1x1x16xf32>
        tpu.vector_store %arg9[%swap3A_2384, %swap3A_2385, %swap3A_2386], %swap3A_2389 {strides = array<i32>} : memref<3x80x128xf32, #tpu.memory_space<vmem>>, vector<1x1x16xf32>,
        %get3A_2390 = arith.index_cast %rem3A_1367 : i32 to index
        %get3A_2391 = arith.index_cast %add3A_2311 : i32 to index
        %get3A_2392 = arith.constant 96 : index
        %get3A_2393 = tpu.vector_load %arg9[%get3A_2390, %get3A_2391, %get3A_2392] {strides = array<i32>} : memref<3x80x128xf32, #tpu.memory_space<vmem>>, vector<1x1x16xf32>,
        %get3A_2394 = vector.shape_cast %get3A_2393 : vector<1x1x16xf32> to vector<16xf32>
        %mul3A_2395 = vector.broadcast %squeeze3A_2307 : f32 to vector<16xf32>
        %mul3A_2396 = arith.mulf %get3A_2394, %mul3A_2395 : vector<16xf32>
        %swap3A_2397 = arith.index_cast %rem3A_1367 : i32 to index
        %swap3A_2398 = arith.index_cast %add3A_2311 : i32 to index
        %swap3A_2399 = arith.constant 96 : index
        %swap3A_2400 = tpu.vector_load %arg9[%swap3A_2397, %swap3A_2398, %swap3A_2399] {strides = array<i32>} : memref<3x80x128xf32, #tpu.memory_space<vmem>>, vector<1x1x16xf32>,
        %swap3A_2401 = vector.shape_cast %swap3A_2400 : vector<1x1x16xf32> to vector<16xf32>
        %swap3A_2402 = vector.shape_cast %mul3A_2396 : vector<16xf32> to vector<1x1x16xf32>
        tpu.vector_store %arg9[%swap3A_2397, %swap3A_2398, %swap3A_2399], %swap3A_2402 {strides = array<i32>} : memref<3x80x128xf32, #tpu.memory_space<vmem>>, vector<1x1x16xf32>,
        %get3A_2403 = arith.index_cast %rem3A_1367 : i32 to index
        %get3A_2404 = arith.index_cast %add3A_2311 : i32 to index
        %get3A_2405 = arith.constant 112 : index
        %get3A_2406 = tpu.vector_load %arg9[%get3A_2403, %get3A_2404, %get3A_2405] {strides = array<i32>} : memref<3x80x128xf32, #tpu.memory_space<vmem>>, vector<1x1x16xf32>,
        %get3A_2407 = vector.shape_cast %get3A_2406 : vector<1x1x16xf32> to vector<16xf32>
        %mul3A_2408 = vector.broadcast %squeeze3A_2307 : f32 to vector<16xf32>
        %mul3A_2409 = arith.mulf %get3A_2407, %mul3A_2408 : vector<16xf32>
        %swap3A_2410 = arith.index_cast %rem3A_1367 : i32 to index
        %swap3A_2411 = arith.index_cast %add3A_2311 : i32 to index
        %swap3A_2412 = arith.constant 112 : index
        %swap3A_2413 = tpu.vector_load %arg9[%swap3A_2410, %swap3A_2411, %swap3A_2412] {strides = array<i32>} : memref<3x80x128xf32, #tpu.memory_space<vmem>>, vector<1x1x16xf32>,
        %swap3A_2414 = vector.shape_cast %swap3A_2413 : vector<1x1x16xf32> to vector<16xf32>
        %swap3A_2415 = vector.shape_cast %mul3A_2409 : vector<16xf32> to vector<1x1x16xf32>
        tpu.vector_store %arg9[%swap3A_2410, %swap3A_2411, %swap3A_2412], %swap3A_2415 {strides = array<i32>} : memref<3x80x128xf32, #tpu.memory_space<vmem>>, vector<1x1x16xf32>,
        %slice3A_2416 = vector.extract_strided_slice %get3A_1427 {offsets = [9], sizes = [1], strides = [1]} : vector<16xf32> to vector<1xf32>
        %squeeze3A_2417 = vector.extract %slice3A_2416[0] : f32 from vector<1xf32>
        %mul3A_2418 = arith.constant 16 : i32
        %mul3A_2419 = arith.muli %scan3A_1420, %mul3A_2418 : i32
        %add3A_2420 = arith.constant 9 : i32
        %add3A_2421 = arith.addi %mul3A_2419, %add3A_2420 : i32
        %get3A_2422 = arith.index_cast %rem3A_1367 : i32 to index
        %get3A_2423 = arith.index_cast %add3A_2421 : i32 to index
        %get3A_2424 = arith.constant 0 : index
        %get3A_2425 = tpu.vector_load %arg9[%get3A_2422, %get3A_2423, %get3A_2424] {strides = array<i32>} : memref<3x80x128xf32, #tpu.memory_space<vmem>>, vector<1x1x16xf32>,
        %get3A_2426 = vector.shape_cast %get3A_2425 : vector<1x1x16xf32> to vector<16xf32>
        %mul3A_2427 = vector.broadcast %squeeze3A_2417 : f32 to vector<16xf32>
        %mul3A_2428 = arith.mulf %get3A_2426, %mul3A_2427 : vector<16xf32>
        %swap3A_2429 = arith.index_cast %rem3A_1367 : i32 to index
        %swap3A_2430 = arith.index_cast %add3A_2421 : i32 to index
        %swap3A_2431 = arith.constant 0 : index
        %swap3A_2432 = tpu.vector_load %arg9[%swap3A_2429, %swap3A_2430, %swap3A_2431] {strides = array<i32>} : memref<3x80x128xf32, #tpu.memory_space<vmem>>, vector<1x1x16xf32>,
        %swap3A_2433 = vector.shape_cast %swap3A_2432 : vector<1x1x16xf32> to vector<16xf32>
        %swap3A_2434 = vector.shape_cast %mul3A_2428 : vector<16xf32> to vector<1x1x16xf32>
        tpu.vector_store %arg9[%swap3A_2429, %swap3A_2430, %swap3A_2431], %swap3A_2434 {strides = array<i32>} : memref<3x80x128xf32, #tpu.memory_space<vmem>>, vector<1x1x16xf32>,
        %get3A_2435 = arith.index_cast %rem3A_1367 : i32 to index
        %get3A_2436 = arith.index_cast %add3A_2421 : i32 to index
        %get3A_2437 = arith.constant 16 : index
        %get3A_2438 = tpu.vector_load %arg9[%get3A_2435, %get3A_2436, %get3A_2437] {strides = array<i32>} : memref<3x80x128xf32, #tpu.memory_space<vmem>>, vector<1x1x16xf32>,
        %get3A_2439 = vector.shape_cast %get3A_2438 : vector<1x1x16xf32> to vector<16xf32>
        %mul3A_2440 = vector.broadcast %squeeze3A_2417 : f32 to vector<16xf32>
        %mul3A_2441 = arith.mulf %get3A_2439, %mul3A_2440 : vector<16xf32>
        %swap3A_2442 = arith.index_cast %rem3A_1367 : i32 to index
        %swap3A_2443 = arith.index_cast %add3A_2421 : i32 to index
        %swap3A_2444 = arith.constant 16 : index
        %swap3A_2445 = tpu.vector_load %arg9[%swap3A_2442, %swap3A_2443, %swap3A_2444] {strides = array<i32>} : memref<3x80x128xf32, #tpu.memory_space<vmem>>, vector<1x1x16xf32>,
        %swap3A_2446 = vector.shape_cast %swap3A_2445 : vector<1x1x16xf32> to vector<16xf32>
        %swap3A_2447 = vector.shape_cast %mul3A_2441 : vector<16xf32> to vector<1x1x16xf32>
        tpu.vector_store %arg9[%swap3A_2442, %swap3A_2443, %swap3A_2444], %swap3A_2447 {strides = array<i32>} : memref<3x80x128xf32, #tpu.memory_space<vmem>>, vector<1x1x16xf32>,
        %get3A_2448 = arith.index_cast %rem3A_1367 : i32 to index
        %get3A_2449 = arith.index_cast %add3A_2421 : i32 to index
        %get3A_2450 = arith.constant 32 : index
        %get3A_2451 = tpu.vector_load %arg9[%get3A_2448, %get3A_2449, %get3A_2450] {strides = array<i32>} : memref<3x80x128xf32, #tpu.memory_space<vmem>>, vector<1x1x16xf32>,
        %get3A_2452 = vector.shape_cast %get3A_2451 : vector<1x1x16xf32> to vector<16xf32>
        %mul3A_2453 = vector.broadcast %squeeze3A_2417 : f32 to vector<16xf32>
        %mul3A_2454 = arith.mulf %get3A_2452, %mul3A_2453 : vector<16xf32>
        %swap3A_2455 = arith.index_cast %rem3A_1367 : i32 to index
        %swap3A_2456 = arith.index_cast %add3A_2421 : i32 to index
        %swap3A_2457 = arith.constant 32 : index
        %swap3A_2458 = tpu.vector_load %arg9[%swap3A_2455, %swap3A_2456, %swap3A_2457] {strides = array<i32>} : memref<3x80x128xf32, #tpu.memory_space<vmem>>, vector<1x1x16xf32>,
        %swap3A_2459 = vector.shape_cast %swap3A_2458 : vector<1x1x16xf32> to vector<16xf32>
        %swap3A_2460 = vector.shape_cast %mul3A_2454 : vector<16xf32> to vector<1x1x16xf32>
        tpu.vector_store %arg9[%swap3A_2455, %swap3A_2456, %swap3A_2457], %swap3A_2460 {strides = array<i32>} : memref<3x80x128xf32, #tpu.memory_space<vmem>>, vector<1x1x16xf32>,
        %get3A_2461 = arith.index_cast %rem3A_1367 : i32 to index
        %get3A_2462 = arith.index_cast %add3A_2421 : i32 to index
        %get3A_2463 = arith.constant 48 : index
        %get3A_2464 = tpu.vector_load %arg9[%get3A_2461, %get3A_2462, %get3A_2463] {strides = array<i32>} : memref<3x80x128xf32, #tpu.memory_space<vmem>>, vector<1x1x16xf32>,
        %get3A_2465 = vector.shape_cast %get3A_2464 : vector<1x1x16xf32> to vector<16xf32>
        %mul3A_2466 = vector.broadcast %squeeze3A_2417 : f32 to vector<16xf32>
        %mul3A_2467 = arith.mulf %get3A_2465, %mul3A_2466 : vector<16xf32>
        %swap3A_2468 = arith.index_cast %rem3A_1367 : i32 to index
        %swap3A_2469 = arith.index_cast %add3A_2421 : i32 to index
        %swap3A_2470 = arith.constant 48 : index
        %swap3A_2471 = tpu.vector_load %arg9[%swap3A_2468, %swap3A_2469, %swap3A_2470] {strides = array<i32>} : memref<3x80x128xf32, #tpu.memory_space<vmem>>, vector<1x1x16xf32>,
        %swap3A_2472 = vector.shape_cast %swap3A_2471 : vector<1x1x16xf32> to vector<16xf32>
        %swap3A_2473 = vector.shape_cast %mul3A_2467 : vector<16xf32> to vector<1x1x16xf32>
        tpu.vector_store %arg9[%swap3A_2468, %swap3A_2469, %swap3A_2470], %swap3A_2473 {strides = array<i32>} : memref<3x80x128xf32, #tpu.memory_space<vmem>>, vector<1x1x16xf32>,
        %get3A_2474 = arith.index_cast %rem3A_1367 : i32 to index
        %get3A_2475 = arith.index_cast %add3A_2421 : i32 to index
        %get3A_2476 = arith.constant 64 : index
        %get3A_2477 = tpu.vector_load %arg9[%get3A_2474, %get3A_2475, %get3A_2476] {strides = array<i32>} : memref<3x80x128xf32, #tpu.memory_space<vmem>>, vector<1x1x16xf32>,
        %get3A_2478 = vector.shape_cast %get3A_2477 : vector<1x1x16xf32> to vector<16xf32>
        %mul3A_2479 = vector.broadcast %squeeze3A_2417 : f32 to vector<16xf32>
        %mul3A_2480 = arith.mulf %get3A_2478, %mul3A_2479 : vector<16xf32>
        %swap3A_2481 = arith.index_cast %rem3A_1367 : i32 to index
        %swap3A_2482 = arith.index_cast %add3A_2421 : i32 to index
        %swap3A_2483 = arith.constant 64 : index
        %swap3A_2484 = tpu.vector_load %arg9[%swap3A_2481, %swap3A_2482, %swap3A_2483] {strides = array<i32>} : memref<3x80x128xf32, #tpu.memory_space<vmem>>, vector<1x1x16xf32>,
        %swap3A_2485 = vector.shape_cast %swap3A_2484 : vector<1x1x16xf32> to vector<16xf32>
        %swap3A_2486 = vector.shape_cast %mul3A_2480 : vector<16xf32> to vector<1x1x16xf32>
        tpu.vector_store %arg9[%swap3A_2481, %swap3A_2482, %swap3A_2483], %swap3A_2486 {strides = array<i32>} : memref<3x80x128xf32, #tpu.memory_space<vmem>>, vector<1x1x16xf32>,
        %get3A_2487 = arith.index_cast %rem3A_1367 : i32 to index
        %get3A_2488 = arith.index_cast %add3A_2421 : i32 to index
        %get3A_2489 = arith.constant 80 : index
        %get3A_2490 = tpu.vector_load %arg9[%get3A_2487, %get3A_2488, %get3A_2489] {strides = array<i32>} : memref<3x80x128xf32, #tpu.memory_space<vmem>>, vector<1x1x16xf32>,
        %get3A_2491 = vector.shape_cast %get3A_2490 : vector<1x1x16xf32> to vector<16xf32>
        %mul3A_2492 = vector.broadcast %squeeze3A_2417 : f32 to vector<16xf32>
        %mul3A_2493 = arith.mulf %get3A_2491, %mul3A_2492 : vector<16xf32>
        %swap3A_2494 = arith.index_cast %rem3A_1367 : i32 to index
        %swap3A_2495 = arith.index_cast %add3A_2421 : i32 to index
        %swap3A_2496 = arith.constant 80 : index
        %swap3A_2497 = tpu.vector_load %arg9[%swap3A_2494, %swap3A_2495, %swap3A_2496] {strides = array<i32>} : memref<3x80x128xf32, #tpu.memory_space<vmem>>, vector<1x1x16xf32>,
        %swap3A_2498 = vector.shape_cast %swap3A_2497 : vector<1x1x16xf32> to vector<16xf32>
        %swap3A_2499 = vector.shape_cast %mul3A_2493 : vector<16xf32> to vector<1x1x16xf32>
        tpu.vector_store %arg9[%swap3A_2494, %swap3A_2495, %swap3A_2496], %swap3A_2499 {strides = array<i32>} : memref<3x80x128xf32, #tpu.memory_space<vmem>>, vector<1x1x16xf32>,
        %get3A_2500 = arith.index_cast %rem3A_1367 : i32 to index
        %get3A_2501 = arith.index_cast %add3A_2421 : i32 to index
        %get3A_2502 = arith.constant 96 : index
        %get3A_2503 = tpu.vector_load %arg9[%get3A_2500, %get3A_2501, %get3A_2502] {strides = array<i32>} : memref<3x80x128xf32, #tpu.memory_space<vmem>>, vector<1x1x16xf32>,
        %get3A_2504 = vector.shape_cast %get3A_2503 : vector<1x1x16xf32> to vector<16xf32>
        %mul3A_2505 = vector.broadcast %squeeze3A_2417 : f32 to vector<16xf32>
        %mul3A_2506 = arith.mulf %get3A_2504, %mul3A_2505 : vector<16xf32>
        %swap3A_2507 = arith.index_cast %rem3A_1367 : i32 to index
        %swap3A_2508 = arith.index_cast %add3A_2421 : i32 to index
        %swap3A_2509 = arith.constant 96 : index
        %swap3A_2510 = tpu.vector_load %arg9[%swap3A_2507, %swap3A_2508, %swap3A_2509] {strides = array<i32>} : memref<3x80x128xf32, #tpu.memory_space<vmem>>, vector<1x1x16xf32>,
        %swap3A_2511 = vector.shape_cast %swap3A_2510 : vector<1x1x16xf32> to vector<16xf32>
        %swap3A_2512 = vector.shape_cast %mul3A_2506 : vector<16xf32> to vector<1x1x16xf32>
        tpu.vector_store %arg9[%swap3A_2507, %swap3A_2508, %swap3A_2509], %swap3A_2512 {strides = array<i32>} : memref<3x80x128xf32, #tpu.memory_space<vmem>>, vector<1x1x16xf32>,
        %get3A_2513 = arith.index_cast %rem3A_1367 : i32 to index
        %get3A_2514 = arith.index_cast %add3A_2421 : i32 to index
        %get3A_2515 = arith.constant 112 : index
        %get3A_2516 = tpu.vector_load %arg9[%get3A_2513, %get3A_2514, %get3A_2515] {strides = array<i32>} : memref<3x80x128xf32, #tpu.memory_space<vmem>>, vector<1x1x16xf32>,
        %get3A_2517 = vector.shape_cast %get3A_2516 : vector<1x1x16xf32> to vector<16xf32>
        %mul3A_2518 = vector.broadcast %squeeze3A_2417 : f32 to vector<16xf32>
        %mul3A_2519 = arith.mulf %get3A_2517, %mul3A_2518 : vector<16xf32>
        %swap3A_2520 = arith.index_cast %rem3A_1367 : i32 to index
        %swap3A_2521 = arith.index_cast %add3A_2421 : i32 to index
        %swap3A_2522 = arith.constant 112 : index
        %swap3A_2523 = tpu.vector_load %arg9[%swap3A_2520, %swap3A_2521, %swap3A_2522] {strides = array<i32>} : memref<3x80x128xf32, #tpu.memory_space<vmem>>, vector<1x1x16xf32>,
        %swap3A_2524 = vector.shape_cast %swap3A_2523 : vector<1x1x16xf32> to vector<16xf32>
        %swap3A_2525 = vector.shape_cast %mul3A_2519 : vector<16xf32> to vector<1x1x16xf32>
        tpu.vector_store %arg9[%swap3A_2520, %swap3A_2521, %swap3A_2522], %swap3A_2525 {strides = array<i32>} : memref<3x80x128xf32, #tpu.memory_space<vmem>>, vector<1x1x16xf32>,
        %slice3A_2526 = vector.extract_strided_slice %get3A_1427 {offsets = [10], sizes = [1], strides = [1]} : vector<16xf32> to vector<1xf32>
        %squeeze3A_2527 = vector.extract %slice3A_2526[0] : f32 from vector<1xf32>
        %mul3A_2528 = arith.constant 16 : i32
        %mul3A_2529 = arith.muli %scan3A_1420, %mul3A_2528 : i32
        %add3A_2530 = arith.constant 10 : i32
        %add3A_2531 = arith.addi %mul3A_2529, %add3A_2530 : i32
        %get3A_2532 = arith.index_cast %rem3A_1367 : i32 to index
        %get3A_2533 = arith.index_cast %add3A_2531 : i32 to index
        %get3A_2534 = arith.constant 0 : index
        %get3A_2535 = tpu.vector_load %arg9[%get3A_2532, %get3A_2533, %get3A_2534] {strides = array<i32>} : memref<3x80x128xf32, #tpu.memory_space<vmem>>, vector<1x1x16xf32>,
        %get3A_2536 = vector.shape_cast %get3A_2535 : vector<1x1x16xf32> to vector<16xf32>
        %mul3A_2537 = vector.broadcast %squeeze3A_2527 : f32 to vector<16xf32>
        %mul3A_2538 = arith.mulf %get3A_2536, %mul3A_2537 : vector<16xf32>
        %swap3A_2539 = arith.index_cast %rem3A_1367 : i32 to index
        %swap3A_2540 = arith.index_cast %add3A_2531 : i32 to index
        %swap3A_2541 = arith.constant 0 : index
        %swap3A_2542 = tpu.vector_load %arg9[%swap3A_2539, %swap3A_2540, %swap3A_2541] {strides = array<i32>} : memref<3x80x128xf32, #tpu.memory_space<vmem>>, vector<1x1x16xf32>,
        %swap3A_2543 = vector.shape_cast %swap3A_2542 : vector<1x1x16xf32> to vector<16xf32>
        %swap3A_2544 = vector.shape_cast %mul3A_2538 : vector<16xf32> to vector<1x1x16xf32>
        tpu.vector_store %arg9[%swap3A_2539, %swap3A_2540, %swap3A_2541], %swap3A_2544 {strides = array<i32>} : memref<3x80x128xf32, #tpu.memory_space<vmem>>, vector<1x1x16xf32>,
        %get3A_2545 = arith.index_cast %rem3A_1367 : i32 to index
        %get3A_2546 = arith.index_cast %add3A_2531 : i32 to index
        %get3A_2547 = arith.constant 16 : index
        %get3A_2548 = tpu.vector_load %arg9[%get3A_2545, %get3A_2546, %get3A_2547] {strides = array<i32>} : memref<3x80x128xf32, #tpu.memory_space<vmem>>, vector<1x1x16xf32>,
        %get3A_2549 = vector.shape_cast %get3A_2548 : vector<1x1x16xf32> to vector<16xf32>
        %mul3A_2550 = vector.broadcast %squeeze3A_2527 : f32 to vector<16xf32>
        %mul3A_2551 = arith.mulf %get3A_2549, %mul3A_2550 : vector<16xf32>
        %swap3A_2552 = arith.index_cast %rem3A_1367 : i32 to index
        %swap3A_2553 = arith.index_cast %add3A_2531 : i32 to index
        %swap3A_2554 = arith.constant 16 : index
        %swap3A_2555 = tpu.vector_load %arg9[%swap3A_2552, %swap3A_2553, %swap3A_2554] {strides = array<i32>} : memref<3x80x128xf32, #tpu.memory_space<vmem>>, vector<1x1x16xf32>,
        %swap3A_2556 = vector.shape_cast %swap3A_2555 : vector<1x1x16xf32> to vector<16xf32>
        %swap3A_2557 = vector.shape_cast %mul3A_2551 : vector<16xf32> to vector<1x1x16xf32>
        tpu.vector_store %arg9[%swap3A_2552, %swap3A_2553, %swap3A_2554], %swap3A_2557 {strides = array<i32>} : memref<3x80x128xf32, #tpu.memory_space<vmem>>, vector<1x1x16xf32>,
        %get3A_2558 = arith.index_cast %rem3A_1367 : i32 to index
        %get3A_2559 = arith.index_cast %add3A_2531 : i32 to index
        %get3A_2560 = arith.constant 32 : index
        %get3A_2561 = tpu.vector_load %arg9[%get3A_2558, %get3A_2559, %get3A_2560] {strides = array<i32>} : memref<3x80x128xf32, #tpu.memory_space<vmem>>, vector<1x1x16xf32>,
        %get3A_2562 = vector.shape_cast %get3A_2561 : vector<1x1x16xf32> to vector<16xf32>
        %mul3A_2563 = vector.broadcast %squeeze3A_2527 : f32 to vector<16xf32>
        %mul3A_2564 = arith.mulf %get3A_2562, %mul3A_2563 : vector<16xf32>
        %swap3A_2565 = arith.index_cast %rem3A_1367 : i32 to index
        %swap3A_2566 = arith.index_cast %add3A_2531 : i32 to index
        %swap3A_2567 = arith.constant 32 : index
        %swap3A_2568 = tpu.vector_load %arg9[%swap3A_2565, %swap3A_2566, %swap3A_2567] {strides = array<i32>} : memref<3x80x128xf32, #tpu.memory_space<vmem>>, vector<1x1x16xf32>,
        %swap3A_2569 = vector.shape_cast %swap3A_2568 : vector<1x1x16xf32> to vector<16xf32>
        %swap3A_2570 = vector.shape_cast %mul3A_2564 : vector<16xf32> to vector<1x1x16xf32>
        tpu.vector_store %arg9[%swap3A_2565, %swap3A_2566, %swap3A_2567], %swap3A_2570 {strides = array<i32>} : memref<3x80x128xf32, #tpu.memory_space<vmem>>, vector<1x1x16xf32>,
        %get3A_2571 = arith.index_cast %rem3A_1367 : i32 to index
        %get3A_2572 = arith.index_cast %add3A_2531 : i32 to index
        %get3A_2573 = arith.constant 48 : index
        %get3A_2574 = tpu.vector_load %arg9[%get3A_2571, %get3A_2572, %get3A_2573] {strides = array<i32>} : memref<3x80x128xf32, #tpu.memory_space<vmem>>, vector<1x1x16xf32>,
        %get3A_2575 = vector.shape_cast %get3A_2574 : vector<1x1x16xf32> to vector<16xf32>
        %mul3A_2576 = vector.broadcast %squeeze3A_2527 : f32 to vector<16xf32>
        %mul3A_2577 = arith.mulf %get3A_2575, %mul3A_2576 : vector<16xf32>
        %swap3A_2578 = arith.index_cast %rem3A_1367 : i32 to index
        %swap3A_2579 = arith.index_cast %add3A_2531 : i32 to index
        %swap3A_2580 = arith.constant 48 : index
        %swap3A_2581 = tpu.vector_load %arg9[%swap3A_2578, %swap3A_2579, %swap3A_2580] {strides = array<i32>} : memref<3x80x128xf32, #tpu.memory_space<vmem>>, vector<1x1x16xf32>,
        %swap3A_2582 = vector.shape_cast %swap3A_2581 : vector<1x1x16xf32> to vector<16xf32>
        %swap3A_2583 = vector.shape_cast %mul3A_2577 : vector<16xf32> to vector<1x1x16xf32>
        tpu.vector_store %arg9[%swap3A_2578, %swap3A_2579, %swap3A_2580], %swap3A_2583 {strides = array<i32>} : memref<3x80x128xf32, #tpu.memory_space<vmem>>, vector<1x1x16xf32>,
        %get3A_2584 = arith.index_cast %rem3A_1367 : i32 to index
        %get3A_2585 = arith.index_cast %add3A_2531 : i32 to index
        %get3A_2586 = arith.constant 64 : index
        %get3A_2587 = tpu.vector_load %arg9[%get3A_2584, %get3A_2585, %get3A_2586] {strides = array<i32>} : memref<3x80x128xf32, #tpu.memory_space<vmem>>, vector<1x1x16xf32>,
        %get3A_2588 = vector.shape_cast %get3A_2587 : vector<1x1x16xf32> to vector<16xf32>
        %mul3A_2589 = vector.broadcast %squeeze3A_2527 : f32 to vector<16xf32>
        %mul3A_2590 = arith.mulf %get3A_2588, %mul3A_2589 : vector<16xf32>
        %swap3A_2591 = arith.index_cast %rem3A_1367 : i32 to index
        %swap3A_2592 = arith.index_cast %add3A_2531 : i32 to index
        %swap3A_2593 = arith.constant 64 : index
        %swap3A_2594 = tpu.vector_load %arg9[%swap3A_2591, %swap3A_2592, %swap3A_2593] {strides = array<i32>} : memref<3x80x128xf32, #tpu.memory_space<vmem>>, vector<1x1x16xf32>,
        %swap3A_2595 = vector.shape_cast %swap3A_2594 : vector<1x1x16xf32> to vector<16xf32>
        %swap3A_2596 = vector.shape_cast %mul3A_2590 : vector<16xf32> to vector<1x1x16xf32>
        tpu.vector_store %arg9[%swap3A_2591, %swap3A_2592, %swap3A_2593], %swap3A_2596 {strides = array<i32>} : memref<3x80x128xf32, #tpu.memory_space<vmem>>, vector<1x1x16xf32>,
        %get3A_2597 = arith.index_cast %rem3A_1367 : i32 to index
        %get3A_2598 = arith.index_cast %add3A_2531 : i32 to index
        %get3A_2599 = arith.constant 80 : index
        %get3A_2600 = tpu.vector_load %arg9[%get3A_2597, %get3A_2598, %get3A_2599] {strides = array<i32>} : memref<3x80x128xf32, #tpu.memory_space<vmem>>, vector<1x1x16xf32>,
        %get3A_2601 = vector.shape_cast %get3A_2600 : vector<1x1x16xf32> to vector<16xf32>
        %mul3A_2602 = vector.broadcast %squeeze3A_2527 : f32 to vector<16xf32>
        %mul3A_2603 = arith.mulf %get3A_2601, %mul3A_2602 : vector<16xf32>
        %swap3A_2604 = arith.index_cast %rem3A_1367 : i32 to index
        %swap3A_2605 = arith.index_cast %add3A_2531 : i32 to index
        %swap3A_2606 = arith.constant 80 : index
        %swap3A_2607 = tpu.vector_load %arg9[%swap3A_2604, %swap3A_2605, %swap3A_2606] {strides = array<i32>} : memref<3x80x128xf32, #tpu.memory_space<vmem>>, vector<1x1x16xf32>,
        %swap3A_2608 = vector.shape_cast %swap3A_2607 : vector<1x1x16xf32> to vector<16xf32>
        %swap3A_2609 = vector.shape_cast %mul3A_2603 : vector<16xf32> to vector<1x1x16xf32>
        tpu.vector_store %arg9[%swap3A_2604, %swap3A_2605, %swap3A_2606], %swap3A_2609 {strides = array<i32>} : memref<3x80x128xf32, #tpu.memory_space<vmem>>, vector<1x1x16xf32>,
        %get3A_2610 = arith.index_cast %rem3A_1367 : i32 to index
        %get3A_2611 = arith.index_cast %add3A_2531 : i32 to index
        %get3A_2612 = arith.constant 96 : index
        %get3A_2613 = tpu.vector_load %arg9[%get3A_2610, %get3A_2611, %get3A_2612] {strides = array<i32>} : memref<3x80x128xf32, #tpu.memory_space<vmem>>, vector<1x1x16xf32>,
        %get3A_2614 = vector.shape_cast %get3A_2613 : vector<1x1x16xf32> to vector<16xf32>
        %mul3A_2615 = vector.broadcast %squeeze3A_2527 : f32 to vector<16xf32>
        %mul3A_2616 = arith.mulf %get3A_2614, %mul3A_2615 : vector<16xf32>
        %swap3A_2617 = arith.index_cast %rem3A_1367 : i32 to index
        %swap3A_2618 = arith.index_cast %add3A_2531 : i32 to index
        %swap3A_2619 = arith.constant 96 : index
        %swap3A_2620 = tpu.vector_load %arg9[%swap3A_2617, %swap3A_2618, %swap3A_2619] {strides = array<i32>} : memref<3x80x128xf32, #tpu.memory_space<vmem>>, vector<1x1x16xf32>,
        %swap3A_2621 = vector.shape_cast %swap3A_2620 : vector<1x1x16xf32> to vector<16xf32>
        %swap3A_2622 = vector.shape_cast %mul3A_2616 : vector<16xf32> to vector<1x1x16xf32>
        tpu.vector_store %arg9[%swap3A_2617, %swap3A_2618, %swap3A_2619], %swap3A_2622 {strides = array<i32>} : memref<3x80x128xf32, #tpu.memory_space<vmem>>, vector<1x1x16xf32>,
        %get3A_2623 = arith.index_cast %rem3A_1367 : i32 to index
        %get3A_2624 = arith.index_cast %add3A_2531 : i32 to index
        %get3A_2625 = arith.constant 112 : index
        %get3A_2626 = tpu.vector_load %arg9[%get3A_2623, %get3A_2624, %get3A_2625] {strides = array<i32>} : memref<3x80x128xf32, #tpu.memory_space<vmem>>, vector<1x1x16xf32>,
        %get3A_2627 = vector.shape_cast %get3A_2626 : vector<1x1x16xf32> to vector<16xf32>
        %mul3A_2628 = vector.broadcast %squeeze3A_2527 : f32 to vector<16xf32>
        %mul3A_2629 = arith.mulf %get3A_2627, %mul3A_2628 : vector<16xf32>
        %swap3A_2630 = arith.index_cast %rem3A_1367 : i32 to index
        %swap3A_2631 = arith.index_cast %add3A_2531 : i32 to index
        %swap3A_2632 = arith.constant 112 : index
        %swap3A_2633 = tpu.vector_load %arg9[%swap3A_2630, %swap3A_2631, %swap3A_2632] {strides = array<i32>} : memref<3x80x128xf32, #tpu.memory_space<vmem>>, vector<1x1x16xf32>,
        %swap3A_2634 = vector.shape_cast %swap3A_2633 : vector<1x1x16xf32> to vector<16xf32>
        %swap3A_2635 = vector.shape_cast %mul3A_2629 : vector<16xf32> to vector<1x1x16xf32>
        tpu.vector_store %arg9[%swap3A_2630, %swap3A_2631, %swap3A_2632], %swap3A_2635 {strides = array<i32>} : memref<3x80x128xf32, #tpu.memory_space<vmem>>, vector<1x1x16xf32>,
        %slice3A_2636 = vector.extract_strided_slice %get3A_1427 {offsets = [11], sizes = [1], strides = [1]} : vector<16xf32> to vector<1xf32>
        %squeeze3A_2637 = vector.extract %slice3A_2636[0] : f32 from vector<1xf32>
        %mul3A_2638 = arith.constant 16 : i32
        %mul3A_2639 = arith.muli %scan3A_1420, %mul3A_2638 : i32
        %add3A_2640 = arith.constant 11 : i32
        %add3A_2641 = arith.addi %mul3A_2639, %add3A_2640 : i32
        %get3A_2642 = arith.index_cast %rem3A_1367 : i32 to index
        %get3A_2643 = arith.index_cast %add3A_2641 : i32 to index
        %get3A_2644 = arith.constant 0 : index
        %get3A_2645 = tpu.vector_load %arg9[%get3A_2642, %get3A_2643, %get3A_2644] {strides = array<i32>} : memref<3x80x128xf32, #tpu.memory_space<vmem>>, vector<1x1x16xf32>,
        %get3A_2646 = vector.shape_cast %get3A_2645 : vector<1x1x16xf32> to vector<16xf32>
        %mul3A_2647 = vector.broadcast %squeeze3A_2637 : f32 to vector<16xf32>
        %mul3A_2648 = arith.mulf %get3A_2646, %mul3A_2647 : vector<16xf32>
        %swap3A_2649 = arith.index_cast %rem3A_1367 : i32 to index
        %swap3A_2650 = arith.index_cast %add3A_2641 : i32 to index
        %swap3A_2651 = arith.constant 0 : index
        %swap3A_2652 = tpu.vector_load %arg9[%swap3A_2649, %swap3A_2650, %swap3A_2651] {strides = array<i32>} : memref<3x80x128xf32, #tpu.memory_space<vmem>>, vector<1x1x16xf32>,
        %swap3A_2653 = vector.shape_cast %swap3A_2652 : vector<1x1x16xf32> to vector<16xf32>
        %swap3A_2654 = vector.shape_cast %mul3A_2648 : vector<16xf32> to vector<1x1x16xf32>
        tpu.vector_store %arg9[%swap3A_2649, %swap3A_2650, %swap3A_2651], %swap3A_2654 {strides = array<i32>} : memref<3x80x128xf32, #tpu.memory_space<vmem>>, vector<1x1x16xf32>,
        %get3A_2655 = arith.index_cast %rem3A_1367 : i32 to index
        %get3A_2656 = arith.index_cast %add3A_2641 : i32 to index
        %get3A_2657 = arith.constant 16 : index
        %get3A_2658 = tpu.vector_load %arg9[%get3A_2655, %get3A_2656, %get3A_2657] {strides = array<i32>} : memref<3x80x128xf32, #tpu.memory_space<vmem>>, vector<1x1x16xf32>,
        %get3A_2659 = vector.shape_cast %get3A_2658 : vector<1x1x16xf32> to vector<16xf32>
        %mul3A_2660 = vector.broadcast %squeeze3A_2637 : f32 to vector<16xf32>
        %mul3A_2661 = arith.mulf %get3A_2659, %mul3A_2660 : vector<16xf32>
        %swap3A_2662 = arith.index_cast %rem3A_1367 : i32 to index
        %swap3A_2663 = arith.index_cast %add3A_2641 : i32 to index
        %swap3A_2664 = arith.constant 16 : index
        %swap3A_2665 = tpu.vector_load %arg9[%swap3A_2662, %swap3A_2663, %swap3A_2664] {strides = array<i32>} : memref<3x80x128xf32, #tpu.memory_space<vmem>>, vector<1x1x16xf32>,
        %swap3A_2666 = vector.shape_cast %swap3A_2665 : vector<1x1x16xf32> to vector<16xf32>
        %swap3A_2667 = vector.shape_cast %mul3A_2661 : vector<16xf32> to vector<1x1x16xf32>
        tpu.vector_store %arg9[%swap3A_2662, %swap3A_2663, %swap3A_2664], %swap3A_2667 {strides = array<i32>} : memref<3x80x128xf32, #tpu.memory_space<vmem>>, vector<1x1x16xf32>,
        %get3A_2668 = arith.index_cast %rem3A_1367 : i32 to index
        %get3A_2669 = arith.index_cast %add3A_2641 : i32 to index
        %get3A_2670 = arith.constant 32 : index
        %get3A_2671 = tpu.vector_load %arg9[%get3A_2668, %get3A_2669, %get3A_2670] {strides = array<i32>} : memref<3x80x128xf32, #tpu.memory_space<vmem>>, vector<1x1x16xf32>,
        %get3A_2672 = vector.shape_cast %get3A_2671 : vector<1x1x16xf32> to vector<16xf32>
        %mul3A_2673 = vector.broadcast %squeeze3A_2637 : f32 to vector<16xf32>
        %mul3A_2674 = arith.mulf %get3A_2672, %mul3A_2673 : vector<16xf32>
        %swap3A_2675 = arith.index_cast %rem3A_1367 : i32 to index
        %swap3A_2676 = arith.index_cast %add3A_2641 : i32 to index
        %swap3A_2677 = arith.constant 32 : index
        %swap3A_2678 = tpu.vector_load %arg9[%swap3A_2675, %swap3A_2676, %swap3A_2677] {strides = array<i32>} : memref<3x80x128xf32, #tpu.memory_space<vmem>>, vector<1x1x16xf32>,
        %swap3A_2679 = vector.shape_cast %swap3A_2678 : vector<1x1x16xf32> to vector<16xf32>
        %swap3A_2680 = vector.shape_cast %mul3A_2674 : vector<16xf32> to vector<1x1x16xf32>
        tpu.vector_store %arg9[%swap3A_2675, %swap3A_2676, %swap3A_2677], %swap3A_2680 {strides = array<i32>} : memref<3x80x128xf32, #tpu.memory_space<vmem>>, vector<1x1x16xf32>,
        %get3A_2681 = arith.index_cast %rem3A_1367 : i32 to index
        %get3A_2682 = arith.index_cast %add3A_2641 : i32 to index
        %get3A_2683 = arith.constant 48 : index
        %get3A_2684 = tpu.vector_load %arg9[%get3A_2681, %get3A_2682, %get3A_2683] {strides = array<i32>} : memref<3x80x128xf32, #tpu.memory_space<vmem>>, vector<1x1x16xf32>,
        %get3A_2685 = vector.shape_cast %get3A_2684 : vector<1x1x16xf32> to vector<16xf32>
        %mul3A_2686 = vector.broadcast %squeeze3A_2637 : f32 to vector<16xf32>
        %mul3A_2687 = arith.mulf %get3A_2685, %mul3A_2686 : vector<16xf32>
        %swap3A_2688 = arith.index_cast %rem3A_1367 : i32 to index
        %swap3A_2689 = arith.index_cast %add3A_2641 : i32 to index
        %swap3A_2690 = arith.constant 48 : index
        %swap3A_2691 = tpu.vector_load %arg9[%swap3A_2688, %swap3A_2689, %swap3A_2690] {strides = array<i32>} : memref<3x80x128xf32, #tpu.memory_space<vmem>>, vector<1x1x16xf32>,
        %swap3A_2692 = vector.shape_cast %swap3A_2691 : vector<1x1x16xf32> to vector<16xf32>
        %swap3A_2693 = vector.shape_cast %mul3A_2687 : vector<16xf32> to vector<1x1x16xf32>
        tpu.vector_store %arg9[%swap3A_2688, %swap3A_2689, %swap3A_2690], %swap3A_2693 {strides = array<i32>} : memref<3x80x128xf32, #tpu.memory_space<vmem>>, vector<1x1x16xf32>,
        %get3A_2694 = arith.index_cast %rem3A_1367 : i32 to index
        %get3A_2695 = arith.index_cast %add3A_2641 : i32 to index
        %get3A_2696 = arith.constant 64 : index
        %get3A_2697 = tpu.vector_load %arg9[%get3A_2694, %get3A_2695, %get3A_2696] {strides = array<i32>} : memref<3x80x128xf32, #tpu.memory_space<vmem>>, vector<1x1x16xf32>,
        %get3A_2698 = vector.shape_cast %get3A_2697 : vector<1x1x16xf32> to vector<16xf32>
        %mul3A_2699 = vector.broadcast %squeeze3A_2637 : f32 to vector<16xf32>
        %mul3A_2700 = arith.mulf %get3A_2698, %mul3A_2699 : vector<16xf32>
        %swap3A_2701 = arith.index_cast %rem3A_1367 : i32 to index
        %swap3A_2702 = arith.index_cast %add3A_2641 : i32 to index
        %swap3A_2703 = arith.constant 64 : index
        %swap3A_2704 = tpu.vector_load %arg9[%swap3A_2701, %swap3A_2702, %swap3A_2703] {strides = array<i32>} : memref<3x80x128xf32, #tpu.memory_space<vmem>>, vector<1x1x16xf32>,
        %swap3A_2705 = vector.shape_cast %swap3A_2704 : vector<1x1x16xf32> to vector<16xf32>
        %swap3A_2706 = vector.shape_cast %mul3A_2700 : vector<16xf32> to vector<1x1x16xf32>
        tpu.vector_store %arg9[%swap3A_2701, %swap3A_2702, %swap3A_2703], %swap3A_2706 {strides = array<i32>} : memref<3x80x128xf32, #tpu.memory_space<vmem>>, vector<1x1x16xf32>,
        %get3A_2707 = arith.index_cast %rem3A_1367 : i32 to index
        %get3A_2708 = arith.index_cast %add3A_2641 : i32 to index
        %get3A_2709 = arith.constant 80 : index
        %get3A_2710 = tpu.vector_load %arg9[%get3A_2707, %get3A_2708, %get3A_2709] {strides = array<i32>} : memref<3x80x128xf32, #tpu.memory_space<vmem>>, vector<1x1x16xf32>,
        %get3A_2711 = vector.shape_cast %get3A_2710 : vector<1x1x16xf32> to vector<16xf32>
        %mul3A_2712 = vector.broadcast %squeeze3A_2637 : f32 to vector<16xf32>
        %mul3A_2713 = arith.mulf %get3A_2711, %mul3A_2712 : vector<16xf32>
        %swap3A_2714 = arith.index_cast %rem3A_1367 : i32 to index
        %swap3A_2715 = arith.index_cast %add3A_2641 : i32 to index
        %swap3A_2716 = arith.constant 80 : index
        %swap3A_2717 = tpu.vector_load %arg9[%swap3A_2714, %swap3A_2715, %swap3A_2716] {strides = array<i32>} : memref<3x80x128xf32, #tpu.memory_space<vmem>>, vector<1x1x16xf32>,
        %swap3A_2718 = vector.shape_cast %swap3A_2717 : vector<1x1x16xf32> to vector<16xf32>
        %swap3A_2719 = vector.shape_cast %mul3A_2713 : vector<16xf32> to vector<1x1x16xf32>
        tpu.vector_store %arg9[%swap3A_2714, %swap3A_2715, %swap3A_2716], %swap3A_2719 {strides = array<i32>} : memref<3x80x128xf32, #tpu.memory_space<vmem>>, vector<1x1x16xf32>,
        %get3A_2720 = arith.index_cast %rem3A_1367 : i32 to index
        %get3A_2721 = arith.index_cast %add3A_2641 : i32 to index
        %get3A_2722 = arith.constant 96 : index
        %get3A_2723 = tpu.vector_load %arg9[%get3A_2720, %get3A_2721, %get3A_2722] {strides = array<i32>} : memref<3x80x128xf32, #tpu.memory_space<vmem>>, vector<1x1x16xf32>,
        %get3A_2724 = vector.shape_cast %get3A_2723 : vector<1x1x16xf32> to vector<16xf32>
        %mul3A_2725 = vector.broadcast %squeeze3A_2637 : f32 to vector<16xf32>
        %mul3A_2726 = arith.mulf %get3A_2724, %mul3A_2725 : vector<16xf32>
        %swap3A_2727 = arith.index_cast %rem3A_1367 : i32 to index
        %swap3A_2728 = arith.index_cast %add3A_2641 : i32 to index
        %swap3A_2729 = arith.constant 96 : index
        %swap3A_2730 = tpu.vector_load %arg9[%swap3A_2727, %swap3A_2728, %swap3A_2729] {strides = array<i32>} : memref<3x80x128xf32, #tpu.memory_space<vmem>>, vector<1x1x16xf32>,
        %swap3A_2731 = vector.shape_cast %swap3A_2730 : vector<1x1x16xf32> to vector<16xf32>
        %swap3A_2732 = vector.shape_cast %mul3A_2726 : vector<16xf32> to vector<1x1x16xf32>
        tpu.vector_store %arg9[%swap3A_2727, %swap3A_2728, %swap3A_2729], %swap3A_2732 {strides = array<i32>} : memref<3x80x128xf32, #tpu.memory_space<vmem>>, vector<1x1x16xf32>,
        %get3A_2733 = arith.index_cast %rem3A_1367 : i32 to index
        %get3A_2734 = arith.index_cast %add3A_2641 : i32 to index
        %get3A_2735 = arith.constant 112 : index
        %get3A_2736 = tpu.vector_load %arg9[%get3A_2733, %get3A_2734, %get3A_2735] {strides = array<i32>} : memref<3x80x128xf32, #tpu.memory_space<vmem>>, vector<1x1x16xf32>,
        %get3A_2737 = vector.shape_cast %get3A_2736 : vector<1x1x16xf32> to vector<16xf32>
        %mul3A_2738 = vector.broadcast %squeeze3A_2637 : f32 to vector<16xf32>
        %mul3A_2739 = arith.mulf %get3A_2737, %mul3A_2738 : vector<16xf32>
        %swap3A_2740 = arith.index_cast %rem3A_1367 : i32 to index
        %swap3A_2741 = arith.index_cast %add3A_2641 : i32 to index
        %swap3A_2742 = arith.constant 112 : index
        %swap3A_2743 = tpu.vector_load %arg9[%swap3A_2740, %swap3A_2741, %swap3A_2742] {strides = array<i32>} : memref<3x80x128xf32, #tpu.memory_space<vmem>>, vector<1x1x16xf32>,
        %swap3A_2744 = vector.shape_cast %swap3A_2743 : vector<1x1x16xf32> to vector<16xf32>
        %swap3A_2745 = vector.shape_cast %mul3A_2739 : vector<16xf32> to vector<1x1x16xf32>
        tpu.vector_store %arg9[%swap3A_2740, %swap3A_2741, %swap3A_2742], %swap3A_2745 {strides = array<i32>} : memref<3x80x128xf32, #tpu.memory_space<vmem>>, vector<1x1x16xf32>,
        %slice3A_2746 = vector.extract_strided_slice %get3A_1427 {offsets = [12], sizes = [1], strides = [1]} : vector<16xf32> to vector<1xf32>
        %squeeze3A_2747 = vector.extract %slice3A_2746[0] : f32 from vector<1xf32>
        %mul3A_2748 = arith.constant 16 : i32
        %mul3A_2749 = arith.muli %scan3A_1420, %mul3A_2748 : i32
        %add3A_2750 = arith.constant 12 : i32
        %add3A_2751 = arith.addi %mul3A_2749, %add3A_2750 : i32
        %get3A_2752 = arith.index_cast %rem3A_1367 : i32 to index
        %get3A_2753 = arith.index_cast %add3A_2751 : i32 to index
        %get3A_2754 = arith.constant 0 : index
        %get3A_2755 = tpu.vector_load %arg9[%get3A_2752, %get3A_2753, %get3A_2754] {strides = array<i32>} : memref<3x80x128xf32, #tpu.memory_space<vmem>>, vector<1x1x16xf32>,
        %get3A_2756 = vector.shape_cast %get3A_2755 : vector<1x1x16xf32> to vector<16xf32>
        %mul3A_2757 = vector.broadcast %squeeze3A_2747 : f32 to vector<16xf32>
        %mul3A_2758 = arith.mulf %get3A_2756, %mul3A_2757 : vector<16xf32>
        %swap3A_2759 = arith.index_cast %rem3A_1367 : i32 to index
        %swap3A_2760 = arith.index_cast %add3A_2751 : i32 to index
        %swap3A_2761 = arith.constant 0 : index
        %swap3A_2762 = tpu.vector_load %arg9[%swap3A_2759, %swap3A_2760, %swap3A_2761] {strides = array<i32>} : memref<3x80x128xf32, #tpu.memory_space<vmem>>, vector<1x1x16xf32>,
        %swap3A_2763 = vector.shape_cast %swap3A_2762 : vector<1x1x16xf32> to vector<16xf32>
        %swap3A_2764 = vector.shape_cast %mul3A_2758 : vector<16xf32> to vector<1x1x16xf32>
        tpu.vector_store %arg9[%swap3A_2759, %swap3A_2760, %swap3A_2761], %swap3A_2764 {strides = array<i32>} : memref<3x80x128xf32, #tpu.memory_space<vmem>>, vector<1x1x16xf32>,
        %get3A_2765 = arith.index_cast %rem3A_1367 : i32 to index
        %get3A_2766 = arith.index_cast %add3A_2751 : i32 to index
        %get3A_2767 = arith.constant 16 : index
        %get3A_2768 = tpu.vector_load %arg9[%get3A_2765, %get3A_2766, %get3A_2767] {strides = array<i32>} : memref<3x80x128xf32, #tpu.memory_space<vmem>>, vector<1x1x16xf32>,
        %get3A_2769 = vector.shape_cast %get3A_2768 : vector<1x1x16xf32> to vector<16xf32>
        %mul3A_2770 = vector.broadcast %squeeze3A_2747 : f32 to vector<16xf32>
        %mul3A_2771 = arith.mulf %get3A_2769, %mul3A_2770 : vector<16xf32>
        %swap3A_2772 = arith.index_cast %rem3A_1367 : i32 to index
        %swap3A_2773 = arith.index_cast %add3A_2751 : i32 to index
        %swap3A_2774 = arith.constant 16 : index
        %swap3A_2775 = tpu.vector_load %arg9[%swap3A_2772, %swap3A_2773, %swap3A_2774] {strides = array<i32>} : memref<3x80x128xf32, #tpu.memory_space<vmem>>, vector<1x1x16xf32>,
        %swap3A_2776 = vector.shape_cast %swap3A_2775 : vector<1x1x16xf32> to vector<16xf32>
        %swap3A_2777 = vector.shape_cast %mul3A_2771 : vector<16xf32> to vector<1x1x16xf32>
        tpu.vector_store %arg9[%swap3A_2772, %swap3A_2773, %swap3A_2774], %swap3A_2777 {strides = array<i32>} : memref<3x80x128xf32, #tpu.memory_space<vmem>>, vector<1x1x16xf32>,
        %get3A_2778 = arith.index_cast %rem3A_1367 : i32 to index
        %get3A_2779 = arith.index_cast %add3A_2751 : i32 to index
        %get3A_2780 = arith.constant 32 : index
        %get3A_2781 = tpu.vector_load %arg9[%get3A_2778, %get3A_2779, %get3A_2780] {strides = array<i32>} : memref<3x80x128xf32, #tpu.memory_space<vmem>>, vector<1x1x16xf32>,
        %get3A_2782 = vector.shape_cast %get3A_2781 : vector<1x1x16xf32> to vector<16xf32>
        %mul3A_2783 = vector.broadcast %squeeze3A_2747 : f32 to vector<16xf32>
        %mul3A_2784 = arith.mulf %get3A_2782, %mul3A_2783 : vector<16xf32>
        %swap3A_2785 = arith.index_cast %rem3A_1367 : i32 to index
        %swap3A_2786 = arith.index_cast %add3A_2751 : i32 to index
        %swap3A_2787 = arith.constant 32 : index
        %swap3A_2788 = tpu.vector_load %arg9[%swap3A_2785, %swap3A_2786, %swap3A_2787] {strides = array<i32>} : memref<3x80x128xf32, #tpu.memory_space<vmem>>, vector<1x1x16xf32>,
        %swap3A_2789 = vector.shape_cast %swap3A_2788 : vector<1x1x16xf32> to vector<16xf32>
        %swap3A_2790 = vector.shape_cast %mul3A_2784 : vector<16xf32> to vector<1x1x16xf32>
        tpu.vector_store %arg9[%swap3A_2785, %swap3A_2786, %swap3A_2787], %swap3A_2790 {strides = array<i32>} : memref<3x80x128xf32, #tpu.memory_space<vmem>>, vector<1x1x16xf32>,
        %get3A_2791 = arith.index_cast %rem3A_1367 : i32 to index
        %get3A_2792 = arith.index_cast %add3A_2751 : i32 to index
        %get3A_2793 = arith.constant 48 : index
        %get3A_2794 = tpu.vector_load %arg9[%get3A_2791, %get3A_2792, %get3A_2793] {strides = array<i32>} : memref<3x80x128xf32, #tpu.memory_space<vmem>>, vector<1x1x16xf32>,
        %get3A_2795 = vector.shape_cast %get3A_2794 : vector<1x1x16xf32> to vector<16xf32>
        %mul3A_2796 = vector.broadcast %squeeze3A_2747 : f32 to vector<16xf32>
        %mul3A_2797 = arith.mulf %get3A_2795, %mul3A_2796 : vector<16xf32>
        %swap3A_2798 = arith.index_cast %rem3A_1367 : i32 to index
        %swap3A_2799 = arith.index_cast %add3A_2751 : i32 to index
        %swap3A_2800 = arith.constant 48 : index
        %swap3A_2801 = tpu.vector_load %arg9[%swap3A_2798, %swap3A_2799, %swap3A_2800] {strides = array<i32>} : memref<3x80x128xf32, #tpu.memory_space<vmem>>, vector<1x1x16xf32>,
        %swap3A_2802 = vector.shape_cast %swap3A_2801 : vector<1x1x16xf32> to vector<16xf32>
        %swap3A_2803 = vector.shape_cast %mul3A_2797 : vector<16xf32> to vector<1x1x16xf32>
        tpu.vector_store %arg9[%swap3A_2798, %swap3A_2799, %swap3A_2800], %swap3A_2803 {strides = array<i32>} : memref<3x80x128xf32, #tpu.memory_space<vmem>>, vector<1x1x16xf32>,
        %get3A_2804 = arith.index_cast %rem3A_1367 : i32 to index
        %get3A_2805 = arith.index_cast %add3A_2751 : i32 to index
        %get3A_2806 = arith.constant 64 : index
        %get3A_2807 = tpu.vector_load %arg9[%get3A_2804, %get3A_2805, %get3A_2806] {strides = array<i32>} : memref<3x80x128xf32, #tpu.memory_space<vmem>>, vector<1x1x16xf32>,
        %get3A_2808 = vector.shape_cast %get3A_2807 : vector<1x1x16xf32> to vector<16xf32>
        %mul3A_2809 = vector.broadcast %squeeze3A_2747 : f32 to vector<16xf32>
        %mul3A_2810 = arith.mulf %get3A_2808, %mul3A_2809 : vector<16xf32>
        %swap3A_2811 = arith.index_cast %rem3A_1367 : i32 to index
        %swap3A_2812 = arith.index_cast %add3A_2751 : i32 to index
        %swap3A_2813 = arith.constant 64 : index
        %swap3A_2814 = tpu.vector_load %arg9[%swap3A_2811, %swap3A_2812, %swap3A_2813] {strides = array<i32>} : memref<3x80x128xf32, #tpu.memory_space<vmem>>, vector<1x1x16xf32>,
        %swap3A_2815 = vector.shape_cast %swap3A_2814 : vector<1x1x16xf32> to vector<16xf32>
        %swap3A_2816 = vector.shape_cast %mul3A_2810 : vector<16xf32> to vector<1x1x16xf32>
        tpu.vector_store %arg9[%swap3A_2811, %swap3A_2812, %swap3A_2813], %swap3A_2816 {strides = array<i32>} : memref<3x80x128xf32, #tpu.memory_space<vmem>>, vector<1x1x16xf32>,
        %get3A_2817 = arith.index_cast %rem3A_1367 : i32 to index
        %get3A_2818 = arith.index_cast %add3A_2751 : i32 to index
        %get3A_2819 = arith.constant 80 : index
        %get3A_2820 = tpu.vector_load %arg9[%get3A_2817, %get3A_2818, %get3A_2819] {strides = array<i32>} : memref<3x80x128xf32, #tpu.memory_space<vmem>>, vector<1x1x16xf32>,
        %get3A_2821 = vector.shape_cast %get3A_2820 : vector<1x1x16xf32> to vector<16xf32>
        %mul3A_2822 = vector.broadcast %squeeze3A_2747 : f32 to vector<16xf32>
        %mul3A_2823 = arith.mulf %get3A_2821, %mul3A_2822 : vector<16xf32>
        %swap3A_2824 = arith.index_cast %rem3A_1367 : i32 to index
        %swap3A_2825 = arith.index_cast %add3A_2751 : i32 to index
        %swap3A_2826 = arith.constant 80 : index
        %swap3A_2827 = tpu.vector_load %arg9[%swap3A_2824, %swap3A_2825, %swap3A_2826] {strides = array<i32>} : memref<3x80x128xf32, #tpu.memory_space<vmem>>, vector<1x1x16xf32>,
        %swap3A_2828 = vector.shape_cast %swap3A_2827 : vector<1x1x16xf32> to vector<16xf32>
        %swap3A_2829 = vector.shape_cast %mul3A_2823 : vector<16xf32> to vector<1x1x16xf32>
        tpu.vector_store %arg9[%swap3A_2824, %swap3A_2825, %swap3A_2826], %swap3A_2829 {strides = array<i32>} : memref<3x80x128xf32, #tpu.memory_space<vmem>>, vector<1x1x16xf32>,
        %get3A_2830 = arith.index_cast %rem3A_1367 : i32 to index
        %get3A_2831 = arith.index_cast %add3A_2751 : i32 to index
        %get3A_2832 = arith.constant 96 : index
        %get3A_2833 = tpu.vector_load %arg9[%get3A_2830, %get3A_2831, %get3A_2832] {strides = array<i32>} : memref<3x80x128xf32, #tpu.memory_space<vmem>>, vector<1x1x16xf32>,
        %get3A_2834 = vector.shape_cast %get3A_2833 : vector<1x1x16xf32> to vector<16xf32>
        %mul3A_2835 = vector.broadcast %squeeze3A_2747 : f32 to vector<16xf32>
        %mul3A_2836 = arith.mulf %get3A_2834, %mul3A_2835 : vector<16xf32>
        %swap3A_2837 = arith.index_cast %rem3A_1367 : i32 to index
        %swap3A_2838 = arith.index_cast %add3A_2751 : i32 to index
        %swap3A_2839 = arith.constant 96 : index
        %swap3A_2840 = tpu.vector_load %arg9[%swap3A_2837, %swap3A_2838, %swap3A_2839] {strides = array<i32>} : memref<3x80x128xf32, #tpu.memory_space<vmem>>, vector<1x1x16xf32>,
        %swap3A_2841 = vector.shape_cast %swap3A_2840 : vector<1x1x16xf32> to vector<16xf32>
        %swap3A_2842 = vector.shape_cast %mul3A_2836 : vector<16xf32> to vector<1x1x16xf32>
        tpu.vector_store %arg9[%swap3A_2837, %swap3A_2838, %swap3A_2839], %swap3A_2842 {strides = array<i32>} : memref<3x80x128xf32, #tpu.memory_space<vmem>>, vector<1x1x16xf32>,
        %get3A_2843 = arith.index_cast %rem3A_1367 : i32 to index
        %get3A_2844 = arith.index_cast %add3A_2751 : i32 to index
        %get3A_2845 = arith.constant 112 : index
        %get3A_2846 = tpu.vector_load %arg9[%get3A_2843, %get3A_2844, %get3A_2845] {strides = array<i32>} : memref<3x80x128xf32, #tpu.memory_space<vmem>>, vector<1x1x16xf32>,
        %get3A_2847 = vector.shape_cast %get3A_2846 : vector<1x1x16xf32> to vector<16xf32>
        %mul3A_2848 = vector.broadcast %squeeze3A_2747 : f32 to vector<16xf32>
        %mul3A_2849 = arith.mulf %get3A_2847, %mul3A_2848 : vector<16xf32>
        %swap3A_2850 = arith.index_cast %rem3A_1367 : i32 to index
        %swap3A_2851 = arith.index_cast %add3A_2751 : i32 to index
        %swap3A_2852 = arith.constant 112 : index
        %swap3A_2853 = tpu.vector_load %arg9[%swap3A_2850, %swap3A_2851, %swap3A_2852] {strides = array<i32>} : memref<3x80x128xf32, #tpu.memory_space<vmem>>, vector<1x1x16xf32>,
        %swap3A_2854 = vector.shape_cast %swap3A_2853 : vector<1x1x16xf32> to vector<16xf32>
        %swap3A_2855 = vector.shape_cast %mul3A_2849 : vector<16xf32> to vector<1x1x16xf32>
        tpu.vector_store %arg9[%swap3A_2850, %swap3A_2851, %swap3A_2852], %swap3A_2855 {strides = array<i32>} : memref<3x80x128xf32, #tpu.memory_space<vmem>>, vector<1x1x16xf32>,
        %slice3A_2856 = vector.extract_strided_slice %get3A_1427 {offsets = [13], sizes = [1], strides = [1]} : vector<16xf32> to vector<1xf32>
        %squeeze3A_2857 = vector.extract %slice3A_2856[0] : f32 from vector<1xf32>
        %mul3A_2858 = arith.constant 16 : i32
        %mul3A_2859 = arith.muli %scan3A_1420, %mul3A_2858 : i32
        %add3A_2860 = arith.constant 13 : i32
        %add3A_2861 = arith.addi %mul3A_2859, %add3A_2860 : i32
        %get3A_2862 = arith.index_cast %rem3A_1367 : i32 to index
        %get3A_2863 = arith.index_cast %add3A_2861 : i32 to index
        %get3A_2864 = arith.constant 0 : index
        %get3A_2865 = tpu.vector_load %arg9[%get3A_2862, %get3A_2863, %get3A_2864] {strides = array<i32>} : memref<3x80x128xf32, #tpu.memory_space<vmem>>, vector<1x1x16xf32>,
        %get3A_2866 = vector.shape_cast %get3A_2865 : vector<1x1x16xf32> to vector<16xf32>
        %mul3A_2867 = vector.broadcast %squeeze3A_2857 : f32 to vector<16xf32>
        %mul3A_2868 = arith.mulf %get3A_2866, %mul3A_2867 : vector<16xf32>
        %swap3A_2869 = arith.index_cast %rem3A_1367 : i32 to index
        %swap3A_2870 = arith.index_cast %add3A_2861 : i32 to index
        %swap3A_2871 = arith.constant 0 : index
        %swap3A_2872 = tpu.vector_load %arg9[%swap3A_2869, %swap3A_2870, %swap3A_2871] {strides = array<i32>} : memref<3x80x128xf32, #tpu.memory_space<vmem>>, vector<1x1x16xf32>,
        %swap3A_2873 = vector.shape_cast %swap3A_2872 : vector<1x1x16xf32> to vector<16xf32>
        %swap3A_2874 = vector.shape_cast %mul3A_2868 : vector<16xf32> to vector<1x1x16xf32>
        tpu.vector_store %arg9[%swap3A_2869, %swap3A_2870, %swap3A_2871], %swap3A_2874 {strides = array<i32>} : memref<3x80x128xf32, #tpu.memory_space<vmem>>, vector<1x1x16xf32>,
        %get3A_2875 = arith.index_cast %rem3A_1367 : i32 to index
        %get3A_2876 = arith.index_cast %add3A_2861 : i32 to index
        %get3A_2877 = arith.constant 16 : index
        %get3A_2878 = tpu.vector_load %arg9[%get3A_2875, %get3A_2876, %get3A_2877] {strides = array<i32>} : memref<3x80x128xf32, #tpu.memory_space<vmem>>, vector<1x1x16xf32>,
        %get3A_2879 = vector.shape_cast %get3A_2878 : vector<1x1x16xf32> to vector<16xf32>
        %mul3A_2880 = vector.broadcast %squeeze3A_2857 : f32 to vector<16xf32>
        %mul3A_2881 = arith.mulf %get3A_2879, %mul3A_2880 : vector<16xf32>
        %swap3A_2882 = arith.index_cast %rem3A_1367 : i32 to index
        %swap3A_2883 = arith.index_cast %add3A_2861 : i32 to index
        %swap3A_2884 = arith.constant 16 : index
        %swap3A_2885 = tpu.vector_load %arg9[%swap3A_2882, %swap3A_2883, %swap3A_2884] {strides = array<i32>} : memref<3x80x128xf32, #tpu.memory_space<vmem>>, vector<1x1x16xf32>,
        %swap3A_2886 = vector.shape_cast %swap3A_2885 : vector<1x1x16xf32> to vector<16xf32>
        %swap3A_2887 = vector.shape_cast %mul3A_2881 : vector<16xf32> to vector<1x1x16xf32>
        tpu.vector_store %arg9[%swap3A_2882, %swap3A_2883, %swap3A_2884], %swap3A_2887 {strides = array<i32>} : memref<3x80x128xf32, #tpu.memory_space<vmem>>, vector<1x1x16xf32>,
        %get3A_2888 = arith.index_cast %rem3A_1367 : i32 to index
        %get3A_2889 = arith.index_cast %add3A_2861 : i32 to index
        %get3A_2890 = arith.constant 32 : index
        %get3A_2891 = tpu.vector_load %arg9[%get3A_2888, %get3A_2889, %get3A_2890] {strides = array<i32>} : memref<3x80x128xf32, #tpu.memory_space<vmem>>, vector<1x1x16xf32>,
        %get3A_2892 = vector.shape_cast %get3A_2891 : vector<1x1x16xf32> to vector<16xf32>
        %mul3A_2893 = vector.broadcast %squeeze3A_2857 : f32 to vector<16xf32>
        %mul3A_2894 = arith.mulf %get3A_2892, %mul3A_2893 : vector<16xf32>
        %swap3A_2895 = arith.index_cast %rem3A_1367 : i32 to index
        %swap3A_2896 = arith.index_cast %add3A_2861 : i32 to index
        %swap3A_2897 = arith.constant 32 : index
        %swap3A_2898 = tpu.vector_load %arg9[%swap3A_2895, %swap3A_2896, %swap3A_2897] {strides = array<i32>} : memref<3x80x128xf32, #tpu.memory_space<vmem>>, vector<1x1x16xf32>,
        %swap3A_2899 = vector.shape_cast %swap3A_2898 : vector<1x1x16xf32> to vector<16xf32>
        %swap3A_2900 = vector.shape_cast %mul3A_2894 : vector<16xf32> to vector<1x1x16xf32>
        tpu.vector_store %arg9[%swap3A_2895, %swap3A_2896, %swap3A_2897], %swap3A_2900 {strides = array<i32>} : memref<3x80x128xf32, #tpu.memory_space<vmem>>, vector<1x1x16xf32>,
        %get3A_2901 = arith.index_cast %rem3A_1367 : i32 to index
        %get3A_2902 = arith.index_cast %add3A_2861 : i32 to index
        %get3A_2903 = arith.constant 48 : index
        %get3A_2904 = tpu.vector_load %arg9[%get3A_2901, %get3A_2902, %get3A_2903] {strides = array<i32>} : memref<3x80x128xf32, #tpu.memory_space<vmem>>, vector<1x1x16xf32>,
        %get3A_2905 = vector.shape_cast %get3A_2904 : vector<1x1x16xf32> to vector<16xf32>
        %mul3A_2906 = vector.broadcast %squeeze3A_2857 : f32 to vector<16xf32>
        %mul3A_2907 = arith.mulf %get3A_2905, %mul3A_2906 : vector<16xf32>
        %swap3A_2908 = arith.index_cast %rem3A_1367 : i32 to index
        %swap3A_2909 = arith.index_cast %add3A_2861 : i32 to index
        %swap3A_2910 = arith.constant 48 : index
        %swap3A_2911 = tpu.vector_load %arg9[%swap3A_2908, %swap3A_2909, %swap3A_2910] {strides = array<i32>} : memref<3x80x128xf32, #tpu.memory_space<vmem>>, vector<1x1x16xf32>,
        %swap3A_2912 = vector.shape_cast %swap3A_2911 : vector<1x1x16xf32> to vector<16xf32>
        %swap3A_2913 = vector.shape_cast %mul3A_2907 : vector<16xf32> to vector<1x1x16xf32>
        tpu.vector_store %arg9[%swap3A_2908, %swap3A_2909, %swap3A_2910], %swap3A_2913 {strides = array<i32>} : memref<3x80x128xf32, #tpu.memory_space<vmem>>, vector<1x1x16xf32>,
        %get3A_2914 = arith.index_cast %rem3A_1367 : i32 to index
        %get3A_2915 = arith.index_cast %add3A_2861 : i32 to index
        %get3A_2916 = arith.constant 64 : index
        %get3A_2917 = tpu.vector_load %arg9[%get3A_2914, %get3A_2915, %get3A_2916] {strides = array<i32>} : memref<3x80x128xf32, #tpu.memory_space<vmem>>, vector<1x1x16xf32>,
        %get3A_2918 = vector.shape_cast %get3A_2917 : vector<1x1x16xf32> to vector<16xf32>
        %mul3A_2919 = vector.broadcast %squeeze3A_2857 : f32 to vector<16xf32>
        %mul3A_2920 = arith.mulf %get3A_2918, %mul3A_2919 : vector<16xf32>
        %swap3A_2921 = arith.index_cast %rem3A_1367 : i32 to index
        %swap3A_2922 = arith.index_cast %add3A_2861 : i32 to index
        %swap3A_2923 = arith.constant 64 : index
        %swap3A_2924 = tpu.vector_load %arg9[%swap3A_2921, %swap3A_2922, %swap3A_2923] {strides = array<i32>} : memref<3x80x128xf32, #tpu.memory_space<vmem>>, vector<1x1x16xf32>,
        %swap3A_2925 = vector.shape_cast %swap3A_2924 : vector<1x1x16xf32> to vector<16xf32>
        %swap3A_2926 = vector.shape_cast %mul3A_2920 : vector<16xf32> to vector<1x1x16xf32>
        tpu.vector_store %arg9[%swap3A_2921, %swap3A_2922, %swap3A_2923], %swap3A_2926 {strides = array<i32>} : memref<3x80x128xf32, #tpu.memory_space<vmem>>, vector<1x1x16xf32>,
        %get3A_2927 = arith.index_cast %rem3A_1367 : i32 to index
        %get3A_2928 = arith.index_cast %add3A_2861 : i32 to index
        %get3A_2929 = arith.constant 80 : index
        %get3A_2930 = tpu.vector_load %arg9[%get3A_2927, %get3A_2928, %get3A_2929] {strides = array<i32>} : memref<3x80x128xf32, #tpu.memory_space<vmem>>, vector<1x1x16xf32>,
        %get3A_2931 = vector.shape_cast %get3A_2930 : vector<1x1x16xf32> to vector<16xf32>
        %mul3A_2932 = vector.broadcast %squeeze3A_2857 : f32 to vector<16xf32>
        %mul3A_2933 = arith.mulf %get3A_2931, %mul3A_2932 : vector<16xf32>
        %swap3A_2934 = arith.index_cast %rem3A_1367 : i32 to index
        %swap3A_2935 = arith.index_cast %add3A_2861 : i32 to index
        %swap3A_2936 = arith.constant 80 : index
        %swap3A_2937 = tpu.vector_load %arg9[%swap3A_2934, %swap3A_2935, %swap3A_2936] {strides = array<i32>} : memref<3x80x128xf32, #tpu.memory_space<vmem>>, vector<1x1x16xf32>,
        %swap3A_2938 = vector.shape_cast %swap3A_2937 : vector<1x1x16xf32> to vector<16xf32>
        %swap3A_2939 = vector.shape_cast %mul3A_2933 : vector<16xf32> to vector<1x1x16xf32>
        tpu.vector_store %arg9[%swap3A_2934, %swap3A_2935, %swap3A_2936], %swap3A_2939 {strides = array<i32>} : memref<3x80x128xf32, #tpu.memory_space<vmem>>, vector<1x1x16xf32>,
        %get3A_2940 = arith.index_cast %rem3A_1367 : i32 to index
        %get3A_2941 = arith.index_cast %add3A_2861 : i32 to index
        %get3A_2942 = arith.constant 96 : index
        %get3A_2943 = tpu.vector_load %arg9[%get3A_2940, %get3A_2941, %get3A_2942] {strides = array<i32>} : memref<3x80x128xf32, #tpu.memory_space<vmem>>, vector<1x1x16xf32>,
        %get3A_2944 = vector.shape_cast %get3A_2943 : vector<1x1x16xf32> to vector<16xf32>
        %mul3A_2945 = vector.broadcast %squeeze3A_2857 : f32 to vector<16xf32>
        %mul3A_2946 = arith.mulf %get3A_2944, %mul3A_2945 : vector<16xf32>
        %swap3A_2947 = arith.index_cast %rem3A_1367 : i32 to index
        %swap3A_2948 = arith.index_cast %add3A_2861 : i32 to index
        %swap3A_2949 = arith.constant 96 : index
        %swap3A_2950 = tpu.vector_load %arg9[%swap3A_2947, %swap3A_2948, %swap3A_2949] {strides = array<i32>} : memref<3x80x128xf32, #tpu.memory_space<vmem>>, vector<1x1x16xf32>,
        %swap3A_2951 = vector.shape_cast %swap3A_2950 : vector<1x1x16xf32> to vector<16xf32>
        %swap3A_2952 = vector.shape_cast %mul3A_2946 : vector<16xf32> to vector<1x1x16xf32>
        tpu.vector_store %arg9[%swap3A_2947, %swap3A_2948, %swap3A_2949], %swap3A_2952 {strides = array<i32>} : memref<3x80x128xf32, #tpu.memory_space<vmem>>, vector<1x1x16xf32>,
        %get3A_2953 = arith.index_cast %rem3A_1367 : i32 to index
        %get3A_2954 = arith.index_cast %add3A_2861 : i32 to index
        %get3A_2955 = arith.constant 112 : index
        %get3A_2956 = tpu.vector_load %arg9[%get3A_2953, %get3A_2954, %get3A_2955] {strides = array<i32>} : memref<3x80x128xf32, #tpu.memory_space<vmem>>, vector<1x1x16xf32>,
        %get3A_2957 = vector.shape_cast %get3A_2956 : vector<1x1x16xf32> to vector<16xf32>
        %mul3A_2958 = vector.broadcast %squeeze3A_2857 : f32 to vector<16xf32>
        %mul3A_2959 = arith.mulf %get3A_2957, %mul3A_2958 : vector<16xf32>
        %swap3A_2960 = arith.index_cast %rem3A_1367 : i32 to index
        %swap3A_2961 = arith.index_cast %add3A_2861 : i32 to index
        %swap3A_2962 = arith.constant 112 : index
        %swap3A_2963 = tpu.vector_load %arg9[%swap3A_2960, %swap3A_2961, %swap3A_2962] {strides = array<i32>} : memref<3x80x128xf32, #tpu.memory_space<vmem>>, vector<1x1x16xf32>,
        %swap3A_2964 = vector.shape_cast %swap3A_2963 : vector<1x1x16xf32> to vector<16xf32>
        %swap3A_2965 = vector.shape_cast %mul3A_2959 : vector<16xf32> to vector<1x1x16xf32>
        tpu.vector_store %arg9[%swap3A_2960, %swap3A_2961, %swap3A_2962], %swap3A_2965 {strides = array<i32>} : memref<3x80x128xf32, #tpu.memory_space<vmem>>, vector<1x1x16xf32>,
        %slice3A_2966 = vector.extract_strided_slice %get3A_1427 {offsets = [14], sizes = [1], strides = [1]} : vector<16xf32> to vector<1xf32>
        %squeeze3A_2967 = vector.extract %slice3A_2966[0] : f32 from vector<1xf32>
        %mul3A_2968 = arith.constant 16 : i32
        %mul3A_2969 = arith.muli %scan3A_1420, %mul3A_2968 : i32
        %add3A_2970 = arith.constant 14 : i32
        %add3A_2971 = arith.addi %mul3A_2969, %add3A_2970 : i32
        %get3A_2972 = arith.index_cast %rem3A_1367 : i32 to index
        %get3A_2973 = arith.index_cast %add3A_2971 : i32 to index
        %get3A_2974 = arith.constant 0 : index
        %get3A_2975 = tpu.vector_load %arg9[%get3A_2972, %get3A_2973, %get3A_2974] {strides = array<i32>} : memref<3x80x128xf32, #tpu.memory_space<vmem>>, vector<1x1x16xf32>,
        %get3A_2976 = vector.shape_cast %get3A_2975 : vector<1x1x16xf32> to vector<16xf32>
        %mul3A_2977 = vector.broadcast %squeeze3A_2967 : f32 to vector<16xf32>
        %mul3A_2978 = arith.mulf %get3A_2976, %mul3A_2977 : vector<16xf32>
        %swap3A_2979 = arith.index_cast %rem3A_1367 : i32 to index
        %swap3A_2980 = arith.index_cast %add3A_2971 : i32 to index
        %swap3A_2981 = arith.constant 0 : index
        %swap3A_2982 = tpu.vector_load %arg9[%swap3A_2979, %swap3A_2980, %swap3A_2981] {strides = array<i32>} : memref<3x80x128xf32, #tpu.memory_space<vmem>>, vector<1x1x16xf32>,
        %swap3A_2983 = vector.shape_cast %swap3A_2982 : vector<1x1x16xf32> to vector<16xf32>
        %swap3A_2984 = vector.shape_cast %mul3A_2978 : vector<16xf32> to vector<1x1x16xf32>
        tpu.vector_store %arg9[%swap3A_2979, %swap3A_2980, %swap3A_2981], %swap3A_2984 {strides = array<i32>} : memref<3x80x128xf32, #tpu.memory_space<vmem>>, vector<1x1x16xf32>,
        %get3A_2985 = arith.index_cast %rem3A_1367 : i32 to index
        %get3A_2986 = arith.index_cast %add3A_2971 : i32 to index
        %get3A_2987 = arith.constant 16 : index
        %get3A_2988 = tpu.vector_load %arg9[%get3A_2985, %get3A_2986, %get3A_2987] {strides = array<i32>} : memref<3x80x128xf32, #tpu.memory_space<vmem>>, vector<1x1x16xf32>,
        %get3A_2989 = vector.shape_cast %get3A_2988 : vector<1x1x16xf32> to vector<16xf32>
        %mul3A_2990 = vector.broadcast %squeeze3A_2967 : f32 to vector<16xf32>
        %mul3A_2991 = arith.mulf %get3A_2989, %mul3A_2990 : vector<16xf32>
        %swap3A_2992 = arith.index_cast %rem3A_1367 : i32 to index
        %swap3A_2993 = arith.index_cast %add3A_2971 : i32 to index
        %swap3A_2994 = arith.constant 16 : index
        %swap3A_2995 = tpu.vector_load %arg9[%swap3A_2992, %swap3A_2993, %swap3A_2994] {strides = array<i32>} : memref<3x80x128xf32, #tpu.memory_space<vmem>>, vector<1x1x16xf32>,
        %swap3A_2996 = vector.shape_cast %swap3A_2995 : vector<1x1x16xf32> to vector<16xf32>
        %swap3A_2997 = vector.shape_cast %mul3A_2991 : vector<16xf32> to vector<1x1x16xf32>
        tpu.vector_store %arg9[%swap3A_2992, %swap3A_2993, %swap3A_2994], %swap3A_2997 {strides = array<i32>} : memref<3x80x128xf32, #tpu.memory_space<vmem>>, vector<1x1x16xf32>,
        %get3A_2998 = arith.index_cast %rem3A_1367 : i32 to index
        %get3A_2999 = arith.index_cast %add3A_2971 : i32 to index
        %get3A_3000 = arith.constant 32 : index
        %get3A_3001 = tpu.vector_load %arg9[%get3A_2998, %get3A_2999, %get3A_3000] {strides = array<i32>} : memref<3x80x128xf32, #tpu.memory_space<vmem>>, vector<1x1x16xf32>,
        %get3A_3002 = vector.shape_cast %get3A_3001 : vector<1x1x16xf32> to vector<16xf32>
        %mul3A_3003 = vector.broadcast %squeeze3A_2967 : f32 to vector<16xf32>
        %mul3A_3004 = arith.mulf %get3A_3002, %mul3A_3003 : vector<16xf32>
        %swap3A_3005 = arith.index_cast %rem3A_1367 : i32 to index
        %swap3A_3006 = arith.index_cast %add3A_2971 : i32 to index
        %swap3A_3007 = arith.constant 32 : index
        %swap3A_3008 = tpu.vector_load %arg9[%swap3A_3005, %swap3A_3006, %swap3A_3007] {strides = array<i32>} : memref<3x80x128xf32, #tpu.memory_space<vmem>>, vector<1x1x16xf32>,
        %swap3A_3009 = vector.shape_cast %swap3A_3008 : vector<1x1x16xf32> to vector<16xf32>
        %swap3A_3010 = vector.shape_cast %mul3A_3004 : vector<16xf32> to vector<1x1x16xf32>
        tpu.vector_store %arg9[%swap3A_3005, %swap3A_3006, %swap3A_3007], %swap3A_3010 {strides = array<i32>} : memref<3x80x128xf32, #tpu.memory_space<vmem>>, vector<1x1x16xf32>,
        %get3A_3011 = arith.index_cast %rem3A_1367 : i32 to index
        %get3A_3012 = arith.index_cast %add3A_2971 : i32 to index
        %get3A_3013 = arith.constant 48 : index
        %get3A_3014 = tpu.vector_load %arg9[%get3A_3011, %get3A_3012, %get3A_3013] {strides = array<i32>} : memref<3x80x128xf32, #tpu.memory_space<vmem>>, vector<1x1x16xf32>,
        %get3A_3015 = vector.shape_cast %get3A_3014 : vector<1x1x16xf32> to vector<16xf32>
        %mul3A_3016 = vector.broadcast %squeeze3A_2967 : f32 to vector<16xf32>
        %mul3A_3017 = arith.mulf %get3A_3015, %mul3A_3016 : vector<16xf32>
        %swap3A_3018 = arith.index_cast %rem3A_1367 : i32 to index
        %swap3A_3019 = arith.index_cast %add3A_2971 : i32 to index
        %swap3A_3020 = arith.constant 48 : index
        %swap3A_3021 = tpu.vector_load %arg9[%swap3A_3018, %swap3A_3019, %swap3A_3020] {strides = array<i32>} : memref<3x80x128xf32, #tpu.memory_space<vmem>>, vector<1x1x16xf32>,
        %swap3A_3022 = vector.shape_cast %swap3A_3021 : vector<1x1x16xf32> to vector<16xf32>
        %swap3A_3023 = vector.shape_cast %mul3A_3017 : vector<16xf32> to vector<1x1x16xf32>
        tpu.vector_store %arg9[%swap3A_3018, %swap3A_3019, %swap3A_3020], %swap3A_3023 {strides = array<i32>} : memref<3x80x128xf32, #tpu.memory_space<vmem>>, vector<1x1x16xf32>,
        %get3A_3024 = arith.index_cast %rem3A_1367 : i32 to index
        %get3A_3025 = arith.index_cast %add3A_2971 : i32 to index
        %get3A_3026 = arith.constant 64 : index
        %get3A_3027 = tpu.vector_load %arg9[%get3A_3024, %get3A_3025, %get3A_3026] {strides = array<i32>} : memref<3x80x128xf32, #tpu.memory_space<vmem>>, vector<1x1x16xf32>,
        %get3A_3028 = vector.shape_cast %get3A_3027 : vector<1x1x16xf32> to vector<16xf32>
        %mul3A_3029 = vector.broadcast %squeeze3A_2967 : f32 to vector<16xf32>
        %mul3A_3030 = arith.mulf %get3A_3028, %mul3A_3029 : vector<16xf32>
        %swap3A_3031 = arith.index_cast %rem3A_1367 : i32 to index
        %swap3A_3032 = arith.index_cast %add3A_2971 : i32 to index
        %swap3A_3033 = arith.constant 64 : index
        %swap3A_3034 = tpu.vector_load %arg9[%swap3A_3031, %swap3A_3032, %swap3A_3033] {strides = array<i32>} : memref<3x80x128xf32, #tpu.memory_space<vmem>>, vector<1x1x16xf32>,
        %swap3A_3035 = vector.shape_cast %swap3A_3034 : vector<1x1x16xf32> to vector<16xf32>
        %swap3A_3036 = vector.shape_cast %mul3A_3030 : vector<16xf32> to vector<1x1x16xf32>
        tpu.vector_store %arg9[%swap3A_3031, %swap3A_3032, %swap3A_3033], %swap3A_3036 {strides = array<i32>} : memref<3x80x128xf32, #tpu.memory_space<vmem>>, vector<1x1x16xf32>,
        %get3A_3037 = arith.index_cast %rem3A_1367 : i32 to index
        %get3A_3038 = arith.index_cast %add3A_2971 : i32 to index
        %get3A_3039 = arith.constant 80 : index
        %get3A_3040 = tpu.vector_load %arg9[%get3A_3037, %get3A_3038, %get3A_3039] {strides = array<i32>} : memref<3x80x128xf32, #tpu.memory_space<vmem>>, vector<1x1x16xf32>,
        %get3A_3041 = vector.shape_cast %get3A_3040 : vector<1x1x16xf32> to vector<16xf32>
        %mul3A_3042 = vector.broadcast %squeeze3A_2967 : f32 to vector<16xf32>
        %mul3A_3043 = arith.mulf %get3A_3041, %mul3A_3042 : vector<16xf32>
        %swap3A_3044 = arith.index_cast %rem3A_1367 : i32 to index
        %swap3A_3045 = arith.index_cast %add3A_2971 : i32 to index
        %swap3A_3046 = arith.constant 80 : index
        %swap3A_3047 = tpu.vector_load %arg9[%swap3A_3044, %swap3A_3045, %swap3A_3046] {strides = array<i32>} : memref<3x80x128xf32, #tpu.memory_space<vmem>>, vector<1x1x16xf32>,
        %swap3A_3048 = vector.shape_cast %swap3A_3047 : vector<1x1x16xf32> to vector<16xf32>
        %swap3A_3049 = vector.shape_cast %mul3A_3043 : vector<16xf32> to vector<1x1x16xf32>
        tpu.vector_store %arg9[%swap3A_3044, %swap3A_3045, %swap3A_3046], %swap3A_3049 {strides = array<i32>} : memref<3x80x128xf32, #tpu.memory_space<vmem>>, vector<1x1x16xf32>,
        %get3A_3050 = arith.index_cast %rem3A_1367 : i32 to index
        %get3A_3051 = arith.index_cast %add3A_2971 : i32 to index
        %get3A_3052 = arith.constant 96 : index
        %get3A_3053 = tpu.vector_load %arg9[%get3A_3050, %get3A_3051, %get3A_3052] {strides = array<i32>} : memref<3x80x128xf32, #tpu.memory_space<vmem>>, vector<1x1x16xf32>,
        %get3A_3054 = vector.shape_cast %get3A_3053 : vector<1x1x16xf32> to vector<16xf32>
        %mul3A_3055 = vector.broadcast %squeeze3A_2967 : f32 to vector<16xf32>
        %mul3A_3056 = arith.mulf %get3A_3054, %mul3A_3055 : vector<16xf32>
        %swap3A_3057 = arith.index_cast %rem3A_1367 : i32 to index
        %swap3A_3058 = arith.index_cast %add3A_2971 : i32 to index
        %swap3A_3059 = arith.constant 96 : index
        %swap3A_3060 = tpu.vector_load %arg9[%swap3A_3057, %swap3A_3058, %swap3A_3059] {strides = array<i32>} : memref<3x80x128xf32, #tpu.memory_space<vmem>>, vector<1x1x16xf32>,
        %swap3A_3061 = vector.shape_cast %swap3A_3060 : vector<1x1x16xf32> to vector<16xf32>
        %swap3A_3062 = vector.shape_cast %mul3A_3056 : vector<16xf32> to vector<1x1x16xf32>
        tpu.vector_store %arg9[%swap3A_3057, %swap3A_3058, %swap3A_3059], %swap3A_3062 {strides = array<i32>} : memref<3x80x128xf32, #tpu.memory_space<vmem>>, vector<1x1x16xf32>,
        %get3A_3063 = arith.index_cast %rem3A_1367 : i32 to index
        %get3A_3064 = arith.index_cast %add3A_2971 : i32 to index
        %get3A_3065 = arith.constant 112 : index
        %get3A_3066 = tpu.vector_load %arg9[%get3A_3063, %get3A_3064, %get3A_3065] {strides = array<i32>} : memref<3x80x128xf32, #tpu.memory_space<vmem>>, vector<1x1x16xf32>,
        %get3A_3067 = vector.shape_cast %get3A_3066 : vector<1x1x16xf32> to vector<16xf32>
        %mul3A_3068 = vector.broadcast %squeeze3A_2967 : f32 to vector<16xf32>
        %mul3A_3069 = arith.mulf %get3A_3067, %mul3A_3068 : vector<16xf32>
        %swap3A_3070 = arith.index_cast %rem3A_1367 : i32 to index
        %swap3A_3071 = arith.index_cast %add3A_2971 : i32 to index
        %swap3A_3072 = arith.constant 112 : index
        %swap3A_3073 = tpu.vector_load %arg9[%swap3A_3070, %swap3A_3071, %swap3A_3072] {strides = array<i32>} : memref<3x80x128xf32, #tpu.memory_space<vmem>>, vector<1x1x16xf32>,
        %swap3A_3074 = vector.shape_cast %swap3A_3073 : vector<1x1x16xf32> to vector<16xf32>
        %swap3A_3075 = vector.shape_cast %mul3A_3069 : vector<16xf32> to vector<1x1x16xf32>
        tpu.vector_store %arg9[%swap3A_3070, %swap3A_3071, %swap3A_3072], %swap3A_3075 {strides = array<i32>} : memref<3x80x128xf32, #tpu.memory_space<vmem>>, vector<1x1x16xf32>,
        %slice3A_3076 = vector.extract_strided_slice %get3A_1427 {offsets = [15], sizes = [1], strides = [1]} : vector<16xf32> to vector<1xf32>
        %squeeze3A_3077 = vector.extract %slice3A_3076[0] : f32 from vector<1xf32>
        %mul3A_3078 = arith.constant 16 : i32
        %mul3A_3079 = arith.muli %scan3A_1420, %mul3A_3078 : i32
        %add3A_3080 = arith.constant 15 : i32
        %add3A_3081 = arith.addi %mul3A_3079, %add3A_3080 : i32
        %get3A_3082 = arith.index_cast %rem3A_1367 : i32 to index
        %get3A_3083 = arith.index_cast %add3A_3081 : i32 to index
        %get3A_3084 = arith.constant 0 : index
        %get3A_3085 = tpu.vector_load %arg9[%get3A_3082, %get3A_3083, %get3A_3084] {strides = array<i32>} : memref<3x80x128xf32, #tpu.memory_space<vmem>>, vector<1x1x16xf32>,
        %get3A_3086 = vector.shape_cast %get3A_3085 : vector<1x1x16xf32> to vector<16xf32>
        %mul3A_3087 = vector.broadcast %squeeze3A_3077 : f32 to vector<16xf32>
        %mul3A_3088 = arith.mulf %get3A_3086, %mul3A_3087 : vector<16xf32>
        %swap3A_3089 = arith.index_cast %rem3A_1367 : i32 to index
        %swap3A_3090 = arith.index_cast %add3A_3081 : i32 to index
        %swap3A_3091 = arith.constant 0 : index
        %swap3A_3092 = tpu.vector_load %arg9[%swap3A_3089, %swap3A_3090, %swap3A_3091] {strides = array<i32>} : memref<3x80x128xf32, #tpu.memory_space<vmem>>, vector<1x1x16xf32>,
        %swap3A_3093 = vector.shape_cast %swap3A_3092 : vector<1x1x16xf32> to vector<16xf32>
        %swap3A_3094 = vector.shape_cast %mul3A_3088 : vector<16xf32> to vector<1x1x16xf32>
        tpu.vector_store %arg9[%swap3A_3089, %swap3A_3090, %swap3A_3091], %swap3A_3094 {strides = array<i32>} : memref<3x80x128xf32, #tpu.memory_space<vmem>>, vector<1x1x16xf32>,
        %get3A_3095 = arith.index_cast %rem3A_1367 : i32 to index
        %get3A_3096 = arith.index_cast %add3A_3081 : i32 to index
        %get3A_3097 = arith.constant 16 : index
        %get3A_3098 = tpu.vector_load %arg9[%get3A_3095, %get3A_3096, %get3A_3097] {strides = array<i32>} : memref<3x80x128xf32, #tpu.memory_space<vmem>>, vector<1x1x16xf32>,
        %get3A_3099 = vector.shape_cast %get3A_3098 : vector<1x1x16xf32> to vector<16xf32>
        %mul3A_3100 = vector.broadcast %squeeze3A_3077 : f32 to vector<16xf32>
        %mul3A_3101 = arith.mulf %get3A_3099, %mul3A_3100 : vector<16xf32>
        %swap3A_3102 = arith.index_cast %rem3A_1367 : i32 to index
        %swap3A_3103 = arith.index_cast %add3A_3081 : i32 to index
        %swap3A_3104 = arith.constant 16 : index
        %swap3A_3105 = tpu.vector_load %arg9[%swap3A_3102, %swap3A_3103, %swap3A_3104] {strides = array<i32>} : memref<3x80x128xf32, #tpu.memory_space<vmem>>, vector<1x1x16xf32>,
        %swap3A_3106 = vector.shape_cast %swap3A_3105 : vector<1x1x16xf32> to vector<16xf32>
        %swap3A_3107 = vector.shape_cast %mul3A_3101 : vector<16xf32> to vector<1x1x16xf32>
        tpu.vector_store %arg9[%swap3A_3102, %swap3A_3103, %swap3A_3104], %swap3A_3107 {strides = array<i32>} : memref<3x80x128xf32, #tpu.memory_space<vmem>>, vector<1x1x16xf32>,
        %get3A_3108 = arith.index_cast %rem3A_1367 : i32 to index
        %get3A_3109 = arith.index_cast %add3A_3081 : i32 to index
        %get3A_3110 = arith.constant 32 : index
        %get3A_3111 = tpu.vector_load %arg9[%get3A_3108, %get3A_3109, %get3A_3110] {strides = array<i32>} : memref<3x80x128xf32, #tpu.memory_space<vmem>>, vector<1x1x16xf32>,
        %get3A_3112 = vector.shape_cast %get3A_3111 : vector<1x1x16xf32> to vector<16xf32>
        %mul3A_3113 = vector.broadcast %squeeze3A_3077 : f32 to vector<16xf32>
        %mul3A_3114 = arith.mulf %get3A_3112, %mul3A_3113 : vector<16xf32>
        %swap3A_3115 = arith.index_cast %rem3A_1367 : i32 to index
        %swap3A_3116 = arith.index_cast %add3A_3081 : i32 to index
        %swap3A_3117 = arith.constant 32 : index
        %swap3A_3118 = tpu.vector_load %arg9[%swap3A_3115, %swap3A_3116, %swap3A_3117] {strides = array<i32>} : memref<3x80x128xf32, #tpu.memory_space<vmem>>, vector<1x1x16xf32>,
        %swap3A_3119 = vector.shape_cast %swap3A_3118 : vector<1x1x16xf32> to vector<16xf32>
        %swap3A_3120 = vector.shape_cast %mul3A_3114 : vector<16xf32> to vector<1x1x16xf32>
        tpu.vector_store %arg9[%swap3A_3115, %swap3A_3116, %swap3A_3117], %swap3A_3120 {strides = array<i32>} : memref<3x80x128xf32, #tpu.memory_space<vmem>>, vector<1x1x16xf32>,
        %get3A_3121 = arith.index_cast %rem3A_1367 : i32 to index
        %get3A_3122 = arith.index_cast %add3A_3081 : i32 to index
        %get3A_3123 = arith.constant 48 : index
        %get3A_3124 = tpu.vector_load %arg9[%get3A_3121, %get3A_3122, %get3A_3123] {strides = array<i32>} : memref<3x80x128xf32, #tpu.memory_space<vmem>>, vector<1x1x16xf32>,
        %get3A_3125 = vector.shape_cast %get3A_3124 : vector<1x1x16xf32> to vector<16xf32>
        %mul3A_3126 = vector.broadcast %squeeze3A_3077 : f32 to vector<16xf32>
        %mul3A_3127 = arith.mulf %get3A_3125, %mul3A_3126 : vector<16xf32>
        %swap3A_3128 = arith.index_cast %rem3A_1367 : i32 to index
        %swap3A_3129 = arith.index_cast %add3A_3081 : i32 to index
        %swap3A_3130 = arith.constant 48 : index
        %swap3A_3131 = tpu.vector_load %arg9[%swap3A_3128, %swap3A_3129, %swap3A_3130] {strides = array<i32>} : memref<3x80x128xf32, #tpu.memory_space<vmem>>, vector<1x1x16xf32>,
        %swap3A_3132 = vector.shape_cast %swap3A_3131 : vector<1x1x16xf32> to vector<16xf32>
        %swap3A_3133 = vector.shape_cast %mul3A_3127 : vector<16xf32> to vector<1x1x16xf32>
        tpu.vector_store %arg9[%swap3A_3128, %swap3A_3129, %swap3A_3130], %swap3A_3133 {strides = array<i32>} : memref<3x80x128xf32, #tpu.memory_space<vmem>>, vector<1x1x16xf32>,
        %get3A_3134 = arith.index_cast %rem3A_1367 : i32 to index
        %get3A_3135 = arith.index_cast %add3A_3081 : i32 to index
        %get3A_3136 = arith.constant 64 : index
        %get3A_3137 = tpu.vector_load %arg9[%get3A_3134, %get3A_3135, %get3A_3136] {strides = array<i32>} : memref<3x80x128xf32, #tpu.memory_space<vmem>>, vector<1x1x16xf32>,
        %get3A_3138 = vector.shape_cast %get3A_3137 : vector<1x1x16xf32> to vector<16xf32>
        %mul3A_3139 = vector.broadcast %squeeze3A_3077 : f32 to vector<16xf32>
        %mul3A_3140 = arith.mulf %get3A_3138, %mul3A_3139 : vector<16xf32>
        %swap3A_3141 = arith.index_cast %rem3A_1367 : i32 to index
        %swap3A_3142 = arith.index_cast %add3A_3081 : i32 to index
        %swap3A_3143 = arith.constant 64 : index
        %swap3A_3144 = tpu.vector_load %arg9[%swap3A_3141, %swap3A_3142, %swap3A_3143] {strides = array<i32>} : memref<3x80x128xf32, #tpu.memory_space<vmem>>, vector<1x1x16xf32>,
        %swap3A_3145 = vector.shape_cast %swap3A_3144 : vector<1x1x16xf32> to vector<16xf32>
        %swap3A_3146 = vector.shape_cast %mul3A_3140 : vector<16xf32> to vector<1x1x16xf32>
        tpu.vector_store %arg9[%swap3A_3141, %swap3A_3142, %swap3A_3143], %swap3A_3146 {strides = array<i32>} : memref<3x80x128xf32, #tpu.memory_space<vmem>>, vector<1x1x16xf32>,
        %get3A_3147 = arith.index_cast %rem3A_1367 : i32 to index
        %get3A_3148 = arith.index_cast %add3A_3081 : i32 to index
        %get3A_3149 = arith.constant 80 : index
        %get3A_3150 = tpu.vector_load %arg9[%get3A_3147, %get3A_3148, %get3A_3149] {strides = array<i32>} : memref<3x80x128xf32, #tpu.memory_space<vmem>>, vector<1x1x16xf32>,
        %get3A_3151 = vector.shape_cast %get3A_3150 : vector<1x1x16xf32> to vector<16xf32>
        %mul3A_3152 = vector.broadcast %squeeze3A_3077 : f32 to vector<16xf32>
        %mul3A_3153 = arith.mulf %get3A_3151, %mul3A_3152 : vector<16xf32>
        %swap3A_3154 = arith.index_cast %rem3A_1367 : i32 to index
        %swap3A_3155 = arith.index_cast %add3A_3081 : i32 to index
        %swap3A_3156 = arith.constant 80 : index
        %swap3A_3157 = tpu.vector_load %arg9[%swap3A_3154, %swap3A_3155, %swap3A_3156] {strides = array<i32>} : memref<3x80x128xf32, #tpu.memory_space<vmem>>, vector<1x1x16xf32>,
        %swap3A_3158 = vector.shape_cast %swap3A_3157 : vector<1x1x16xf32> to vector<16xf32>
        %swap3A_3159 = vector.shape_cast %mul3A_3153 : vector<16xf32> to vector<1x1x16xf32>
        tpu.vector_store %arg9[%swap3A_3154, %swap3A_3155, %swap3A_3156], %swap3A_3159 {strides = array<i32>} : memref<3x80x128xf32, #tpu.memory_space<vmem>>, vector<1x1x16xf32>,
        %get3A_3160 = arith.index_cast %rem3A_1367 : i32 to index
        %get3A_3161 = arith.index_cast %add3A_3081 : i32 to index
        %get3A_3162 = arith.constant 96 : index
        %get3A_3163 = tpu.vector_load %arg9[%get3A_3160, %get3A_3161, %get3A_3162] {strides = array<i32>} : memref<3x80x128xf32, #tpu.memory_space<vmem>>, vector<1x1x16xf32>,
        %get3A_3164 = vector.shape_cast %get3A_3163 : vector<1x1x16xf32> to vector<16xf32>
        %mul3A_3165 = vector.broadcast %squeeze3A_3077 : f32 to vector<16xf32>
        %mul3A_3166 = arith.mulf %get3A_3164, %mul3A_3165 : vector<16xf32>
        %swap3A_3167 = arith.index_cast %rem3A_1367 : i32 to index
        %swap3A_3168 = arith.index_cast %add3A_3081 : i32 to index
        %swap3A_3169 = arith.constant 96 : index
        %swap3A_3170 = tpu.vector_load %arg9[%swap3A_3167, %swap3A_3168, %swap3A_3169] {strides = array<i32>} : memref<3x80x128xf32, #tpu.memory_space<vmem>>, vector<1x1x16xf32>,
        %swap3A_3171 = vector.shape_cast %swap3A_3170 : vector<1x1x16xf32> to vector<16xf32>
        %swap3A_3172 = vector.shape_cast %mul3A_3166 : vector<16xf32> to vector<1x1x16xf32>
        tpu.vector_store %arg9[%swap3A_3167, %swap3A_3168, %swap3A_3169], %swap3A_3172 {strides = array<i32>} : memref<3x80x128xf32, #tpu.memory_space<vmem>>, vector<1x1x16xf32>,
        %get3A_3173 = arith.index_cast %rem3A_1367 : i32 to index
        %get3A_3174 = arith.index_cast %add3A_3081 : i32 to index
        %get3A_3175 = arith.constant 112 : index
        %get3A_3176 = tpu.vector_load %arg9[%get3A_3173, %get3A_3174, %get3A_3175] {strides = array<i32>} : memref<3x80x128xf32, #tpu.memory_space<vmem>>, vector<1x1x16xf32>,
        %get3A_3177 = vector.shape_cast %get3A_3176 : vector<1x1x16xf32> to vector<16xf32>
        %mul3A_3178 = vector.broadcast %squeeze3A_3077 : f32 to vector<16xf32>
        %mul3A_3179 = arith.mulf %get3A_3177, %mul3A_3178 : vector<16xf32>
        %swap3A_3180 = arith.index_cast %rem3A_1367 : i32 to index
        %swap3A_3181 = arith.index_cast %add3A_3081 : i32 to index
        %swap3A_3182 = arith.constant 112 : index
        %swap3A_3183 = tpu.vector_load %arg9[%swap3A_3180, %swap3A_3181, %swap3A_3182] {strides = array<i32>} : memref<3x80x128xf32, #tpu.memory_space<vmem>>, vector<1x1x16xf32>,
        %swap3A_3184 = vector.shape_cast %swap3A_3183 : vector<1x1x16xf32> to vector<16xf32>
        %swap3A_3185 = vector.shape_cast %mul3A_3179 : vector<16xf32> to vector<1x1x16xf32>
        tpu.vector_store %arg9[%swap3A_3180, %swap3A_3181, %swap3A_3182], %swap3A_3185 {strides = array<i32>} : memref<3x80x128xf32, #tpu.memory_space<vmem>>, vector<1x1x16xf32>,
        %scan3A_3186 = arith.constant 0 : i32
        scf.yield %scan3A_3186 : i32
      }
      %scan3A_1406 = arith.constant 5 : i32
      %dma_start3A_1407 = arith.constant 0 : i32
      %dma_start3A_1408 = arith.constant 0 : i32
      %dma_start3A_1409 = tpu.memref_slice %arg9[%rem3A_1367, %dma_start3A_1407, %dma_start3A_1408] : memref<3x80x128xf32, #tpu.memory_space<vmem>> -> memref<1x80x128xf32, #tpu.memory_space<vmem>>
      %dma_start3A_1410 = tpu.memref_squeeze %dma_start3A_1409 : memref<1x80x128xf32, #tpu.memory_space<vmem>> -> memref<80x128xf32, #tpu.memory_space<vmem>>
      %dma_start3A_1411 = arith.constant 0 : i32
      %dma_start3A_1412 = tpu.memref_slice %arg8[%rem3A_1367, %dma_start3A_1411] : memref<3x80xi32, #tpu.memory_space<vmem>> -> memref<1x80xi32, #tpu.memory_space<vmem>>
      %dma_start3A_1413 = tpu.memref_squeeze %dma_start3A_1412 : memref<1x80xi32, #tpu.memory_space<vmem>> -> memref<80xi32, #tpu.memory_space<vmem>>
      %dma_start3A_1414 = arith.constant 0 : i32
      %dma_start3A_1415 = arith.constant 0 : i32
      %dma_start3A_1416 = tpu.memref_slice %arg11[%dma_start3A_1414, %dma_start3A_1415] : memref<10000x128xf32, #tpu.memory_space<vmem_shared>> -> memref<10000x128xf32, #tpu.memory_space<vmem_shared>>
      %dma_start3A_1417 = tpu.memref_slice %arg13[%rem3A_1367] : memref<3x!tpu.dma_semaphore, #tpu.memory_space<semaphore_mem>> -> memref<1x!tpu.dma_semaphore, #tpu.memory_space<semaphore_mem>>
      %dma_start3A_1418 = tpu.memref_squeeze %dma_start3A_1417 : memref<1x!tpu.dma_semaphore, #tpu.memory_space<semaphore_mem>> -> memref<!tpu.dma_semaphore, #tpu.memory_space<semaphore_mem>>
      tpu.enqueue_indirect_dma source(%dma_start3A_1410 : memref<80x128xf32, #tpu.memory_space<vmem>>) target(%dma_start3A_1416 : memref<10000x128xf32, #tpu.memory_space<vmem_shared>>) offsets(%dma_start3A_1413 : memref<80xi32, #tpu.memory_space<vmem>>) semaphore(%dma_start3A_1418 : memref<!tpu.dma_semaphore, #tpu.memory_space<semaphore_mem>>) {add = true}
      %scan3A_1419 = arith.constant 0 : i32
      scf.yield %scan3A_1419 : i32
    }
    %scan3A_1324 = arith.constant 125 : i32
    %dma_wait3A_1325 = arith.constant 0 : i32
    %dma_wait3A_1326 = arith.constant 0 : i32
    %dma_wait3A_1327 = arith.constant 0 : i32
    %dma_wait3A_1328 = arith.constant 0 : i32
    %dma_wait3A_1329 = arith.constant 0 : i32
    %dma_wait3A_1330 = tpu.memref_slice %arg9[%dma_wait3A_1325, %dma_wait3A_1328, %dma_wait3A_1329] : memref<3x80x128xf32, #tpu.memory_space<vmem>> -> memref<1x80x128xf32, #tpu.memory_space<vmem>>
    %dma_wait3A_1331 = tpu.memref_squeeze %dma_wait3A_1330 : memref<1x80x128xf32, #tpu.memory_space<vmem>> -> memref<80x128xf32, #tpu.memory_space<vmem>>
    %dma_wait3A_1332 = arith.constant 0 : i32
    %dma_wait3A_1333 = tpu.memref_slice %arg8[%dma_wait3A_1326, %dma_wait3A_1332] : memref<3x80xi32, #tpu.memory_space<vmem>> -> memref<1x80xi32, #tpu.memory_space<vmem>>
    %dma_wait3A_1334 = tpu.memref_squeeze %dma_wait3A_1333 : memref<1x80xi32, #tpu.memory_space<vmem>> -> memref<80xi32, #tpu.memory_space<vmem>>
    %dma_wait3A_1335 = arith.constant 0 : i32
    %dma_wait3A_1336 = arith.constant 0 : i32
    %dma_wait3A_1337 = tpu.memref_slice %arg11[%dma_wait3A_1335, %dma_wait3A_1336] : memref<10000x128xf32, #tpu.memory_space<vmem_shared>> -> memref<10000x128xf32, #tpu.memory_space<vmem_shared>>
    %dma_wait3A_1338 = tpu.memref_slice %arg13[%dma_wait3A_1327] : memref<3x!tpu.dma_semaphore, #tpu.memory_space<semaphore_mem>> -> memref<1x!tpu.dma_semaphore, #tpu.memory_space<semaphore_mem>>
    %dma_wait3A_1339 = tpu.memref_squeeze %dma_wait3A_1338 : memref<1x!tpu.dma_semaphore, #tpu.memory_space<semaphore_mem>> -> memref<!tpu.dma_semaphore, #tpu.memory_space<semaphore_mem>>
    tpu.wait_indirect_dma semaphore(%dma_wait3A_1339 : memref<!tpu.dma_semaphore, #tpu.memory_space<semaphore_mem>>) src(%dma_wait3A_1331 : memref<80x128xf32, #tpu.memory_space<vmem>>) dst(%dma_wait3A_1337 : memref<10000x128xf32, #tpu.memory_space<vmem_shared>>)
    %dma_wait3A_1340 = arith.constant 1 : i32
    %dma_wait3A_1341 = arith.constant 1 : i32
    %dma_wait3A_1342 = arith.constant 1 : i32
    %dma_wait3A_1343 = arith.constant 0 : i32
    %dma_wait3A_1344 = arith.constant 0 : i32
    %dma_wait3A_1345 = tpu.memref_slice %arg9[%dma_wait3A_1340, %dma_wait3A_1343, %dma_wait3A_1344] : memref<3x80x128xf32, #tpu.memory_space<vmem>> -> memref<1x80x128xf32, #tpu.memory_space<vmem>>
    %dma_wait3A_1346 = tpu.memref_squeeze %dma_wait3A_1345 : memref<1x80x128xf32, #tpu.memory_space<vmem>> -> memref<80x128xf32, #tpu.memory_space<vmem>>
    %dma_wait3A_1347 = arith.constant 0 : i32
    %dma_wait3A_1348 = tpu.memref_slice %arg8[%dma_wait3A_1341, %dma_wait3A_1347] : memref<3x80xi32, #tpu.memory_space<vmem>> -> memref<1x80xi32, #tpu.memory_space<vmem>>
    %dma_wait3A_1349 = tpu.memref_squeeze %dma_wait3A_1348 : memref<1x80xi32, #tpu.memory_space<vmem>> -> memref<80xi32, #tpu.memory_space<vmem>>
    %dma_wait3A_1350 = arith.constant 0 : i32
    %dma_wait3A_1351 = arith.constant 0 : i32
    %dma_wait3A_1352 = tpu.memref_slice %arg11[%dma_wait3A_1350, %dma_wait3A_1351] : memref<10000x128xf32, #tpu.memory_space<vmem_shared>> -> memref<10000x128xf32, #tpu.memory_space<vmem_shared>>
    %dma_wait3A_1353 = tpu.memref_slice %arg13[%dma_wait3A_1342] : memref<3x!tpu.dma_semaphore, #tpu.memory_space<semaphore_mem>> -> memref<1x!tpu.dma_semaphore, #tpu.memory_space<semaphore_mem>>
    %dma_wait3A_1354 = tpu.memref_squeeze %dma_wait3A_1353 : memref<1x!tpu.dma_semaphore, #tpu.memory_space<semaphore_mem>> -> memref<!tpu.dma_semaphore, #tpu.memory_space<semaphore_mem>>
    tpu.wait_indirect_dma semaphore(%dma_wait3A_1354 : memref<!tpu.dma_semaphore, #tpu.memory_space<semaphore_mem>>) src(%dma_wait3A_1346 : memref<80x128xf32, #tpu.memory_space<vmem>>) dst(%dma_wait3A_1352 : memref<10000x128xf32, #tpu.memory_space<vmem_shared>>)
    %barrier3A_1355 = arith.constant 0 : index
    tpu.barrier barrier_id(%barrier3A_1355)
    %lt3A = arith.constant 15 : i32
    %lt3A_1356 = arith.cmpi slt, %arg1, %lt3A : i32
    %convert_element_type3A_1357 = arith.extui %lt3A_1356 : i1 to i32
    %cond3A_1358 = arith.constant 0 : i32
    %cond3A_1359 = arith.cmpi ne, %convert_element_type3A_1357, %cond3A_1358 : i32
    scf.if %cond3A_1359 {
      "tpu.region"() ({
        %run_scoped3A = tpu.sem_alloc : memref<!tpu.dma_semaphore, #tpu.memory_space<semaphore_mem>>
        %dma_start3A_1365 = arith.constant 0 : i32
        %dma_start3A_1366 = tpu.memref_slice %arg5[%arg0, %multiple_of3A, %dma_start3A_1365] : memref<2x10000x128xf32, #tpu.memory_space<hbm>> -> memref<1x624x128xf32, #tpu.memory_space<hbm>>
        %dma_start3A_1367 = tpu.memref_squeeze %dma_start3A_1366 : memref<1x624x128xf32, #tpu.memory_space<hbm>> -> memref<624x128xf32, #tpu.memory_space<hbm>>
        %dma_start3A_1368 = arith.constant 0 : i32
        %dma_start3A_1369 = tpu.memref_slice %arg11[%multiple_of3A, %dma_start3A_1368] : memref<10000x128xf32, #tpu.memory_space<vmem_shared>> -> memref<624x128xf32, #tpu.memory_space<vmem_shared>>
        tpu.enqueue_dma source(%dma_start3A_1369 : memref<624x128xf32, #tpu.memory_space<vmem_shared>>) target(%dma_start3A_1367 : memref<624x128xf32, #tpu.memory_space<hbm>>) target_semaphore(%run_scoped3A : memref<!tpu.dma_semaphore, #tpu.memory_space<semaphore_mem>>)
        %dma_wait3A_1370 = arith.constant 0 : i32
        %dma_wait3A_1371 = tpu.memref_slice %arg5[%arg0, %multiple_of3A, %dma_wait3A_1370] : memref<2x10000x128xf32, #tpu.memory_space<hbm>> -> memref<1x624x128xf32, #tpu.memory_space<hbm>>
        %dma_wait3A_1372 = tpu.memref_squeeze %dma_wait3A_1371 : memref<1x624x128xf32, #tpu.memory_space<hbm>> -> memref<624x128xf32, #tpu.memory_space<hbm>>
        %dma_wait3A_1373 = arith.constant 0 : i32
        %dma_wait3A_1374 = tpu.memref_slice %arg11[%multiple_of3A, %dma_wait3A_1373] : memref<10000x128xf32, #tpu.memory_space<vmem_shared>> -> memref<624x128xf32, #tpu.memory_space<vmem_shared>>
        tpu.wait_dma2 semaphore(%run_scoped3A : memref<!tpu.dma_semaphore, #tpu.memory_space<semaphore_mem>>) src(%dma_wait3A_1374 : memref<624x128xf32, #tpu.memory_space<vmem_shared>>) dst(%dma_wait3A_1372 : memref<624x128xf32, #tpu.memory_space<hbm>>)
        tpu.yield
      }) : () -> ()
    } else {
    }
    %eq3A_1360 = arith.constant 15 : i32
    %eq3A_1361 = arith.cmpi eq, %arg1, %eq3A_1360 : i32
    %convert_element_type3A_1362 = arith.extui %eq3A_1361 : i1 to i32
    %cond3A_1363 = arith.constant 0 : i32
    %cond3A_1364 = arith.cmpi ne, %convert_element_type3A_1362, %cond3A_1363 : i32
    scf.if %cond3A_1364 {
      "tpu.region"() ({
        %run_scoped3A = tpu.sem_alloc : memref<!tpu.dma_semaphore, #tpu.memory_space<semaphore_mem>>
        %dma_start3A_1365 = arith.constant 0 : i32
        %dma_start3A_1366 = tpu.memref_slice %arg5[%arg0, %multiple_of3A, %dma_start3A_1365] : memref<2x10000x128xf32, #tpu.memory_space<hbm>> -> memref<1x640x128xf32, #tpu.memory_space<hbm>>
        %dma_start3A_1367 = tpu.memref_squeeze %dma_start3A_1366 : memref<1x640x128xf32, #tpu.memory_space<hbm>> -> memref<640x128xf32, #tpu.memory_space<hbm>>
        %dma_start3A_1368 = arith.constant 0 : i32
        %dma_start3A_1369 = tpu.memref_slice %arg11[%multiple_of3A, %dma_start3A_1368] : memref<10000x128xf32, #tpu.memory_space<vmem_shared>> -> memref<640x128xf32, #tpu.memory_space<vmem_shared>>
        tpu.enqueue_dma source(%dma_start3A_1369 : memref<640x128xf32, #tpu.memory_space<vmem_shared>>) target(%dma_start3A_1367 : memref<640x128xf32, #tpu.memory_space<hbm>>) target_semaphore(%run_scoped3A : memref<!tpu.dma_semaphore, #tpu.memory_space<semaphore_mem>>)
        %dma_wait3A_1370 = arith.constant 0 : i32
        %dma_wait3A_1371 = tpu.memref_slice %arg5[%arg0, %multiple_of3A, %dma_wait3A_1370] : memref<2x10000x128xf32, #tpu.memory_space<hbm>> -> memref<1x640x128xf32, #tpu.memory_space<hbm>>
        %dma_wait3A_1372 = tpu.memref_squeeze %dma_wait3A_1371 : memref<1x640x128xf32, #tpu.memory_space<hbm>> -> memref<640x128xf32, #tpu.memory_space<hbm>>
        %dma_wait3A_1373 = arith.constant 0 : i32
        %dma_wait3A_1374 = tpu.memref_slice %arg11[%multiple_of3A, %dma_wait3A_1373] : memref<10000x128xf32, #tpu.memory_space<vmem_shared>> -> memref<640x128xf32, #tpu.memory_space<vmem_shared>>
        tpu.wait_dma2 semaphore(%run_scoped3A : memref<!tpu.dma_semaphore, #tpu.memory_space<semaphore_mem>>) src(%dma_wait3A_1374 : memref<640x128xf32, #tpu.memory_space<vmem_shared>>) dst(%dma_wait3A_1372 : memref<640x128xf32, #tpu.memory_space<hbm>>)
        tpu.yield
      }) : () -> ()
    } else {
    }
    return
  }
}

module attributes {stable_mosaic.version = 14 : i64} {
  func.func @body(%arg0: i32, %arg1: memref<2x1000x128xf32, #tpu.memory_space<vmem>>, %arg2: memref<128x128xf32, #tpu.memory_space<vmem>>, %arg3: memref<1x128xf32, #tpu.memory_space<vmem>>, %arg4: memref<1000x128xf32, #tpu.memory_space<vmem>>) attributes {dimension_semantics = [#tpu.dimension_semantics<arbitrary>], iteration_bounds = array<i64: 10>, scalar_prefetch = 0 : i64, scratch_operands = 0 : i64, tpu.core_type = #tpu.core_type<tc>, window_params = [{transform_indices = @transform_0, window_bounds = array<i64: 2, 1000, 128>}, {pipeline_mode = #tpu.pipeline_mode<synchronous>, transform_indices = @transform_1, window_bounds = array<i64: 128, 128>}, {pipeline_mode = #tpu.pipeline_mode<synchronous>, transform_indices = @transform_2, window_bounds = array<i64: 1, 128>}, {transform_indices = @transform_3, window_bounds = array<i64: 1000, 128>}]} {
    %get3A = arith.constant 0 : index
    %get3A_0 = arith.constant 0 : index
    %get3A_1 = arith.constant 0 : index
    %get3A_2 = vector.load %arg1[%get3A, %get3A_0, %get3A_1] : memref<2x1000x128xf32, #tpu.memory_space<vmem>>, vector<1x1000x128xf32>
    %get3A_3 = vector.shape_cast %get3A_2 : vector<1x1000x128xf32> to vector<1000x128xf32>
    %get3A_4 = arith.constant 1 : index
    %get3A_5 = arith.constant 0 : index
    %get3A_6 = arith.constant 0 : index
    %get3A_7 = vector.load %arg1[%get3A_4, %get3A_5, %get3A_6] : memref<2x1000x128xf32, #tpu.memory_space<vmem>>, vector<1x1000x128xf32>
    %get3A_8 = vector.shape_cast %get3A_7 : vector<1x1000x128xf32> to vector<1000x128xf32>
    %add3A = arith.addf %get3A_3, %get3A_8 : vector<1000x128xf32>
    %get3A_9 = arith.constant 0 : index
    %get3A_10 = arith.constant 0 : index
    %get3A_11 = vector.load %arg2[%get3A_9, %get3A_10] : memref<128x128xf32, #tpu.memory_space<vmem>>, vector<128x128xf32>
    %dot_general3A = arith.constant dense<0.000000e+00> : vector<1000x128xf32>
    %dot_general3A_12 = tpu.matmul %add3A, %get3A_11, %dot_general3A {dimension_numbers = #tpu.dot_dimension_numbers<[1], [0], [0], [1], [0, 0, 1, 1], [], []>, transpose_lhs_hint = false} : vector<1000x128xf32>, vector<128x128xf32>, vector<1000x128xf32> -> vector<1000x128xf32>
    %get3A_13 = arith.constant 0 : index
    %get3A_14 = arith.constant 0 : index
    %get3A_15 = vector.load %arg3[%get3A_13, %get3A_14] : memref<1x128xf32, #tpu.memory_space<vmem>>, vector<1x128xf32>
    %add3A_16 = vector.broadcast %get3A_15 : vector<1x128xf32> to vector<1000x128xf32>
    %add3A_17 = arith.addf %dot_general3A_12, %add3A_16 : vector<1000x128xf32>
    %max3A = arith.constant 0.000000e+00 : f32
    %max3A_18 = vector.broadcast %max3A : f32 to vector<1000x128xf32>
    %max3A_19 = arith.maximumf %add3A_17, %max3A_18 : vector<1000x128xf32>
    %swap3A = arith.constant 0 : index
    %swap3A_20 = arith.constant 0 : index
    %swap3A_21 = vector.load %arg4[%swap3A, %swap3A_20] : memref<1000x128xf32, #tpu.memory_space<vmem>>, vector<1000x128xf32>
    tpu.vector_store %arg4[%swap3A, %swap3A_20], %max3A_19 {strides = array<i32>} : memref<1000x128xf32, #tpu.memory_space<vmem>>, vector<1000x128xf32>,
    return
  }
  func.func @transform_0(%arg0: i32) -> (i32, i32, i32) {
    %c0_i32 = arith.constant 0 : i32
    %c0_i32_0 = arith.constant 0 : i32
    %c0_i32_1 = arith.constant 0 : i32
    return %c0_i32, %arg0, %c0_i32_0 : i32, i32, i32
  }
  func.func @transform_1(%arg0: i32) -> (i32, i32) {
    %c0_i32 = arith.constant 0 : i32
    %c0_i32_0 = arith.constant 0 : i32
    %c0_i32_1 = arith.constant 0 : i32
    return %c0_i32, %c0_i32_0 : i32, i32
  }
  func.func @transform_2(%arg0: i32) -> (i32, i32) {
    %c0_i32 = arith.constant 0 : i32
    %c0_i32_0 = arith.constant 0 : i32
    %c0_i32_1 = arith.constant 0 : i32
    return %c0_i32, %c0_i32_0 : i32, i32
  }
  func.func @transform_3(%arg0: i32) -> (i32, i32) {
    %c0_i32 = arith.constant 0 : i32
    %c0_i32_0 = arith.constant 0 : i32
    return %arg0, %c0_i32 : i32, i32
  }
}

</mosaic_0001>

<sc_bundles>
// kernel: kernel.4.cloned.1.call-start
scs
__scs_entry_jumppad:
0x0: {  	(pc) =	sbr.rel $0x88, $3  }
0x1: {  	(tag) =	ssettag $0x0;
	lr =	simm.s32 $0x1  }
0x2: {  	[smem:$0x3F9C] =	sst lr;
	_ =	strace $0xD0000000  }
0x3: {  	_ = 	snop  }
0x4: {  	_ = 	snop  }
0x5: {  	_ = 	snop  }
0x6: {  	_ = 	snop  }
0x7: {  	_ = 	snop  }
__scs_overlays_trampoline_lowered:
0x8: {  	[smem:$0x3FAB] =	sst s0  }
0x9: {  	[smem:$0x3FAC] =	sst s1  }
0xa: {  	[smem:$0x3FAD] =	sst s2  }
0xb: {  	[smem:$0x3FAE] =	sst s3  }
0xc: {  	[smem:$0x3FAF] =	sst s4  }
0xd: {  	[smem:$0x3FB0] =	sst s5  }
0xe: {  	[smem:$0x3FB1] =	sst s6  }
0xf: {  	[smem:$0x3FB2] =	sst s7  }
0x10: {  	[smem:$0x3FB3] =	sst s8  }
0x11: {  	[smem:$0x3FB4] =	sst s9;
	s0 =	simm.s32 @!p0 $0x0  }
0x12: {  	s1 =	sld [smem:$0x3F9A];
	s0 =	simm.s32 @p0 $0x1  }
0x13: {  	[smem:$0x3FB5] =	sst s0;
	s0 =	simm.s32 @!p1 $0x0  }
0x14: {  	s2 =	sld [smem:$0x3F99];
	s0 =	simm.s32 @p1 $0x1  }
0x15: {  	[smem:$0x3FB6] =	sst s0;
	s0 =	simm.s32 @!p2 $0x0  }
0x16: {  	s3 =	sld [smem:$0x3FDB];
	s0 =	simm.s32 @p2 $0x1  }
0x17: {  	s4 =	simm.s32 $0x1BF5;
	[smem:$0x3FB8] =	sst s0  }
0x18: {  	s0 =	sld [smem:$0x3F9B];
	_ =	swait.ge [sflag:s4], $0x0  }
0x19: {  	s7 =	sld [smem:$0x3F9C]  }
0x1a: {  	s8 =	sadd.s32 $0xFFFFE003, lr  }
0x1b: {  	s9 =	sadd.s32 $0xFFFFFEF7, lr;
	s5 =	simm.s32 $0xFFFFFFFF;
	p2 =	slt.u32 s8, $0xFFFFF086  }
0x1c: {  	p1 =	slt.u32 s9, $0xF7A;
	s5 =	simm.s32 @!p2 $0x0  }
0x1d: {  	s5 =	simm.s32 @p1 $0x1;
	p0 =	seq.s32 s7, s2  }
0x1e: {  	s7 =	smul.u32 @!p0 $0xF7A, s2;
	p2 =	seq.s32 @!p0 s5, $0x0  }
0x1f: {  	s9 =	smul.u32 $0xF7A, s1;
	s8 =	simm.s32 @!p0 $0x1BF5;
	p2 =	por !p2, p0  }
0x20: {  	[sflag:s8] =	ssyncset.s32 @!p0 $0xFFFFF086;
	s6 =	sadd.s32 @!p0 s3, s7;
	s7 =	simm.s32 @!p0 $0x108  }
0x21: {  	s3 =	sadd.s32 s3, s9;
	s6 =	sadd.s32 @!p0 $0x88, s6;
	s7 =	simm.s32 @p2 $0x1082  }
0x22: {  	[simem:s7], [sflag:s8] =	dma.local @!p0 [hbm:s6], $0xF7A  }
0x23: {  	s9 =	sor.u32 $0xD0000000, s2;
	s6 =	simm.s32 $0x108;
	_ =	swait.ge @!p0 [sflag:s8], $0x0  }
0x24: {  	s3 =	sadd.s32 $0x88, s3;
	s6 =	simm.s32 @!p1 $0x1082;
	[sflag:s4] =	ssyncset.s32 $0xFFFFF086  }
0x25: {  	[simem:s6], [sflag:s4] =	dma.local [hbm:s3], $0xF7A  }
0x26: {  	[smem:$0x3F9C] =	sst s1;
	(tag) =	ssettag s2;
	_ =	strace s9  }
0x27: {  	s1 =	sld [smem:$0x3FAC]  }
0x28: {  	s2 =	sld [smem:$0x3FAD]  }
0x29: {  	s4 =	sld [smem:$0x3FAF]  }
0x2a: {  	p0 =	seq.s32 s5, $0x0;
	s5 =	sld [smem:$0x3FB0]  }
0x2b: {  	s6 =	sld [smem:$0x3FB1]  }
0x2c: {  	s7 =	sld [smem:$0x3FB2]  }
0x2d: {  	s3 =	simm.s32 $0x108;
	s8 =	sld [smem:$0x3FB3]  }
0x2e: {  	s3 =	simm.s32 @!p0 $0x1082;
	s9 =	sld [smem:$0x3FB4]  }
0x2f: {  	lr =	sadd.s32 s0, s3;
	s0 =	sld [smem:$0x3FAB]  }
0x30: {  	s3 =	sld [smem:$0x3FAE]  }
0x31: {  	[smem:$0x3FB7] =	sst s10  }
0x32: {  	s10 =	sld [smem:$0x3FB5];
	_ =	sdelay $0x3  }
0x33: {  	p0 =	seq.s32 s10, $0x1;
	s10 =	sld [smem:$0x3FB7];
	_ =	sdelay $0x3  }
0x34: {  	[smem:$0x3FB7] =	sst s10  }
0x35: {  	s10 =	sld [smem:$0x3FB6];
	_ =	sdelay $0x3  }
0x36: {  	p1 =	seq.s32 s10, $0x1;
	s10 =	sld [smem:$0x3FB7];
	_ =	sdelay $0x3  }
0x37: {  	[smem:$0x3FB7] =	sst s10  }
0x38: {  	s10 =	sld [smem:$0x3FB8]  }
0x39: {  	_ = 	snop;
	(pc) =	sbr.ind lr, $3  }
0x3a: {  	_ = 	snop  }
0x3b: {  	_ = 	snop  }
0x3c: {  	p2 =	seq.s32 s10, $0x1;
	s10 =	sld [smem:$0x3FB7]  }
0x3d: {  	_ =	shalt  }
0x3e: {  	_ =	shalt  }
0x3f: {  	_ =	shalt  }
0x40: {  	_ =	shalt  }
0x41: {  	_ =	shalt  }
0x42: {  	_ =	shalt  }
0x43: {  	_ =	shalt  }
0x44: {  	_ =	shalt  }
0x45: {  	_ =	shalt  }
0x46: {  	_ =	shalt  }
0x47: {  	_ =	shalt  }
0x48: {  	_ =	shalt  }
0x49: {  	_ =	shalt  }
0x4a: {  	_ =	shalt  }
0x4b: {  	_ =	shalt  }
0x4c: {  	_ =	shalt  }
0x4d: {  	_ =	shalt  }
0x4e: {  	_ =	shalt  }
0x4f: {  	_ =	shalt  }
0x50: {  	_ =	shalt  }
0x51: {  	_ =	shalt  }
0x52: {  	_ =	shalt  }
0x53: {  	_ =	shalt  }
0x54: {  	_ =	shalt  }
0x55: {  	_ =	shalt  }
0x56: {  	_ =	shalt  }
0x57: {  	_ =	shalt  }
0x58: {  	_ =	shalt  }
0x59: {  	_ =	shalt  }
0x5a: {  	_ =	shalt  }
0x5b: {  	_ =	shalt  }
0x5c: {  	_ =	shalt  }
0x5d: {  	_ =	shalt  }
0x5e: {  	_ =	shalt  }
0x5f: {  	_ =	shalt  }
0x60: {  	_ =	shalt  }
0x61: {  	_ =	shalt  }
0x62: {  	_ =	shalt  }
0x63: {  	_ =	shalt  }
0x64: {  	_ =	shalt  }
0x65: {  	_ =	shalt  }
0x66: {  	_ =	shalt  }
0x67: {  	_ =	shalt  }
0x68: {  	_ =	shalt  }
0x69: {  	_ =	shalt  }
0x6a: {  	_ =	shalt  }
0x6b: {  	_ =	shalt  }
0x6c: {  	_ =	shalt  }
0x6d: {  	_ =	shalt  }
0x6e: {  	_ =	shalt  }
0x6f: {  	_ =	shalt  }
0x70: {  	_ =	shalt  }
0x71: {  	_ =	shalt  }
0x72: {  	_ =	shalt  }
0x73: {  	_ =	shalt  }
0x74: {  	_ =	shalt  }
0x75: {  	_ =	shalt  }
0x76: {  	_ =	shalt  }
0x77: {  	_ =	shalt  }
0x78: {  	_ =	shalt  }
0x79: {  	_ =	shalt  }
0x7a: {  	_ =	shalt  }
0x7b: {  	_ =	shalt  }
0x7c: {  	_ =	shalt  }
0x7d: {  	_ =	shalt  }
0x7e: {  	_ =	shalt  }
0x7f: {  	_ =	shalt  }
0x80: {  	_ =	shalt  }
0x81: {  	_ =	shalt  }
0x82: {  	_ =	shalt  }
0x83: {  	_ =	shalt  }
0x84: {  	_ =	shalt  }
0x85: {  	_ =	shalt  }
0x86: {  	_ =	shalt  }
0x87: {  	_ =	shalt  }
.Lfunc_end0:
.L_simem_size_0:
called_computation_lowered:
.L_overlay_start_0:
0x88: {  	s2 =	sld [smem:$0x3FD9]  }
0x89: {  	s3 =	sld [smem:$0x3FFE];
	_ =	sdelay $0x1  }
0x8a: {  	s1 =	srdreg.scid  }
0x8b: {  	s0 =	sand.u32 $0x1, s1  }
0x8c: {  	s17 =	sshll.u32 s0, $0xA;
	s2 =	sadd.s32 s3, s2  }
0x8d: {  	s2 =	sadd.s32 s2, s17  }
0x8e: {  	[smem:$0x3FC3] =	sst s2  }
0x8f: {  	_ = 	snop  }
0x90: {  	s2 =	sld [smem:$0x3FC9]  }
0x91: {  	s18 =	sld [smem:$0x3FC7]  }
0x92: {  	s4 =	sld [smem:$0x3FD0];
	(tm) =	ssettm $0x1  }
0x93: {  	s5 =	sld [smem:$0x3FFB];
	_ =	sdelay $0x3  }
0x94: {  	_ =	strace s5  }
0x95: {  	s5 =	sld [smem:$0x3FFC];
	_ =	sdelay $0x3  }
0x96: {  	_ =	strace s5  }
0x97: {  	s5 =	sld [smem:$0x3FFD];
	_ =	sdelay $0x3  }
0x98: {  	_ =	strace s5  }
0x99: {  	_ =	strace $0x8FFFFFFF  }
0x9a: {  	s19 =	sld [smem:$0x3FDB];
	_ =	sdelay $0x1  }
0x9b: {  	s6 =	simm.s32 $_scs_section_size  }
0x9c: {  	s7 =	simm.s32 $_size__tile_overlayer_lowered;
	s8 =	simm.s32 $_tile_overlayer_lowered  }
0x9d: {  	s22 =	simm.s32 $0x1BFF;
	s21 =	sshll.u32 s8, $0x1;
	s5 =	sadd.s32 s6, s19  }
0x9e: {  	s9 =	simm.s32 $0x0;
	s20 =	sshll.u32 s7, $0x1;
	s7 =	sadd.s32 s21, s5  }
0x9f: {  	[timem:s9], [sflag:s22] =	dma.local [hbm:s7], s20  }
0xa0: {  	_ =	swait.ge [sflag:s22], s20  }
0xa1: {  	s6 =	ssub.s32 $0x0, s20;
	[sflag:s22] =	ssyncset.done $0x0  }
0xa2: {  	[sflag:s22] =	ssyncadd.s32 s6;
	_ =	sdelay $0x1  }
0xa3: {  	s23 =	simm.s32 $0x1B8B  }
0xa4: {  	_ =	swait.ge [sflag:s23], $0x1  }
0xa5: {  	[sflag:s23] =	ssyncset.done $0x0  }
0xa6: {  	s25 =	simm.s32 $0x1B8E;
	s24 =	sld [smem:$0x3FFE];
	[sflag:s23] =	ssyncadd.s32 $0xFFFFFFFF  }
0xa7: {  	s26 =	simm.s32 $execute0_lowered;
	[smem:$0x3FD2] =	sst s25  }
0xa8: {  	s7 =	sshll.u32 s26, $0x1;
	_ =	strace $0x80000046;
	[dreg:$0x1] =	wrdreg $0xFFFFFFFF  }
0xa9: {  	s28 =	simm.s32 $_size_execute0_lowered;
	s5 =	sadd.s32 s5, s7;
	[dreg:$0x0] =	wrdreg $0x0  }
0xaa: {  	s7 =	sshll.u32 s28, $0x1;
	[dreg:$0x2] =	wrdreg s5  }
0xab: {  	[dreg:$0x3] =	wrdreg s7  }
0xac: {  	[dreg:$0x4] =	wrdreg $0xC0  }
0xad: {  	_ =	task [dreg:s9], $0x5FFFF  }
0xae: {  	[dreg:$0x1] =	wrdreg $0xFFFFFFFF  }
0xaf: {  	[dreg:$0x0] =	wrdreg $0x60  }
0xb0: {  	[dreg:$0x2] =	wrdreg s2  }
0xb1: {  	[dreg:$0x3] =	wrdreg s4  }
0xb2: {  	[dreg:$0x4] =	wrdreg s18  }
0xb3: {  	[dreg:$0x5] =	wrdreg s24  }
0xb4: {  	[dreg:$0x6] =	wrdreg $0x86000  }
0xb5: {  	[dreg:$0x7] =	wrdreg $0x9  }
0xb6: {  	_ =	task.clear_ibuf [dreg:s9], $0x8FFFF;
	_ =	strace $0x90000046  }
0xb7: {  	s29 =	simm.s32 $0x9;
	_ =	strace $0x80000048  }
0xb8: {  	_ =	swait.ge [sflag:s29], $0x1  }
0xb9: {  	[sflag:s29] =	ssyncadd.s32 $0xFFFFFFFF  }
0xba: {  	_ =	strace $0x90000048  }
0xbb: {  	_ =	sfence  }
0xbc: {  	s30 =	sld [smem:$0x0];
	_ =	sdelay $0x2  }
0xbd: {  	s31 =	sshll.u32 s1, $0xD;
	s1 =	sshrl.u32 s1, $0x2  }
0xbe: {  	s3 =	sand.u32 $0x4000, s31;
	s1 =	sadd.s32 s1, s30  }
0xbf: {  	s0 =	sor.u32 s3, s0;
	s1 =	sshll.u32 s1, $0x11  }
0xc0: {  	s0 =	sor.u32 s1, s0  }
0xc1: {  	s0 =	sadd.s32 $0x8F2B, s0  }
0xc2: {  	[sflag:s0] =	ssyncadd.remote.s32 $0x1  }
0xc3: {  	_ =	sfence.sel $0xFFFF  }
0xc4: {  	[dreg:$0x0] =	wrdreg $0xFFFFFFFF;
	(pc) =	sbr.abs _section_cstart, $3  }
0xc5: {  	[dreg:$0x1] =	wrdreg $0xFFFFFFFF  }
0xc6: {  	_ =	task.clear_ibuf [dreg:s9], $0x2FFFF;
	_ =	strace $0x9FFFFFFF  }
0xc7: {  	(tm) =	ssettm $0x7FFFFFFF  }
tec
execute0_lowered:
.L_overlay_start_1:
0x0: {  	(tag) =	ssettag $0x1  }
0x1: {  	s1 =	rddreg [dreg:$0x0]  }
0x2: {  	s2 =	rddreg [dreg:$0x1];
	s12 =	stileid.u32  }
0x3: {  	s3 =	rddreg [dreg:$0x2];
	s7 =	smul.u32 $0x4E000, s12  }
0x4: {  	s0 =	rddreg [dreg:$0x3]  }
0x5: {  	s5 =	rddreg [dreg:$0x4];
	s6 =	simm.s32 $0x0;
	s7 =	sshrl.u32 s7, $0x2  }
0x6: {  	s4 =	srdreg.scid;
	[smem:$0x7FF] =	sst s6;
	s7 =	sadd.s32 s7, s5  }
0x7: {  	s4 =	sand.u32 $0x1, s4;
	s0 =	sadd.s32 $0x600, s0;
	s25 =	sadd.s32 $0x800, s7  }
0x8: {  	_ =	strace $0x80000047;
	s26 =	sadd.s32 $0x1000, s7;
	[dreg:$0x6] =	wrdreg s25  }
0x9: {  	s16 =	smul.u32 $0x13800, s12;
	s11 =	sadd.s32 $0x1800, s7;
	[dreg:$0x7] =	wrdreg s26  }
0xa: {  	p0 =	sne.s32 s12, $0xF;
	s13 =	sadd.s32 $0x2000, s7;
	[dreg:$0x8] =	wrdreg s11  }
0xb: {  	s8 =	ssub.s32 $0x2, s4;
	s14 =	sadd.s32 $0x2800, s7;
	[dreg:$0x9] =	wrdreg s13  }
0xc: {  	s10 =	sshll.u32 s4, $0x4;
	s15 =	sadd.s32 $0x3000, s7;
	[dreg:$0xa] =	wrdreg s14  }
0xd: {  	s9 =	sshrl.u32 s8, $0x1;
	s17 =	sadd.s32 $0x4000, s7;
	[dreg:$0xb] =	wrdreg s15  }
0xe: {  	s24 =	sor.u32 s12, s10;
	s18 =	sadd.s32 $0x4800, s7;
	[dreg:$0xd] =	wrdreg s17  }
0xf: {  	s9 =	ssub.s32 s8, s9;
	s19 =	sadd.s32 $0x5000, s7;
	[dreg:$0xe] =	wrdreg s18  }
0x10: {  	s8 =	smul.u32 $0x2710, s24;
	s24 =	smax.u32 s9, $0x1;
	[dreg:$0xf] =	wrdreg s19  }
0x11: {  	s4 =	smul.u32 $0x138800, s4;
	s9 =	sadd.s32 $0x7000, s7;
	[dreg:$0x16] =	wrdreg s24  }
0x12: {  	p1 =	seq.s32 s12, $0xF;
	s12 =	sadd.s32 $0x8800, s7;
	[dreg:$0x1a] =	wrdreg s9  }
0x13: {  	s10 =	sadd.s32 s16, s4;
	s16 =	sadd.s32 $0xA800, s7;
	[dreg:$0x1d] =	wrdreg s12  }
0x14: {  	s10 =	sshrl.u32 s10, $0x3;
	s11 =	sadd.s32 $0x3800, s7;
	[smem:$0x7F3] =	sst s16  }
0x15: {  	s10 =	sadd.s32 s0, s10;
	[dreg:$0xc] =	wrdreg s11  }
0x16: {  	s25 =	sadd.s32 $0x5800, s7;
	[dreg:$0x12] =	wrdreg s10  }
0x17: {  	s4 =	sshrl.u32 s4, $0x3;
	s26 =	sadd.s32 $0x6000, s7;
	[dreg:$0x17] =	wrdreg s25  }
0x18: {  	s0 =	sadd.s32 s0, s4;
	s4 =	sadd.s32 $0x6800, s7;
	[dreg:$0x18] =	wrdreg s26  }
0x19: {  	s14 =	sadd.s32 $0x9800, s7;
	[dreg:$0x19] =	wrdreg s4  }
0x1a: {  	s15 =	sadd.s32 $0xA000, s7;
	[dreg:$0x1f] =	wrdreg s14  }
0x1b: {  	s17 =	sadd.s32 $0xB000, s7;
	[smem:$0x7F2] =	sst s15  }
0x1c: {  	s18 =	sadd.s32 $0xB800, s7;
	[smem:$0x7F4] =	sst s17  }
0x1d: {  	s31 =	sadd.s32 $0x138000, s5;
	s19 =	sadd.s32 $0xC000, s7;
	[smem:$0x7F5] =	sst s18  }
0x1e: {  	s20 =	sshrl.u32 s8, $0x3;
	s24 =	sadd.s32 $0xE800, s7;
	[smem:$0x7F6] =	sst s19  }
0x1f: {  	s28 =	sadd.s32 $0x12000, s7;
	s13 =	sadd.s32 s2, s20;
	[smem:$0x7FB] =	sst s24  }
0x20: {  	s29 =	sadd.s32 $0x12800, s7;
	s21 =	sadd.s32 s3, s20;
	[dreg:$0x10] =	wrdreg s13  }
0x21: {  	s30 =	sadd.s32 $0x13000, s7;
	s0 =	sadd.s32 $0x24900, s0;
	[dreg:$0x11] =	wrdreg s21  }
0x22: {  	s9 =	simm.s32 $0x5;
	s10 =	sadd.s32 $0x7800, s7;
	[dreg:$0x15] =	wrdreg s0  }
0x23: {  	s11 =	sadd.s32 $0xA, s20;
	s20 =	sadd.s32 $0xC800, s7;
	[dreg:$0x1b] =	wrdreg s10  }
0x24: {  	s12 =	simm.s32 $0x2;
	s25 =	sadd.s32 $0xF000, s7;
	[smem:$0x7F7] =	sst s20  }
0x25: {  	s26 =	sadd.s32 $0xF800, s7;
	s24 =	sadd.s32 $0x10800, s7;
	[smem:$0x7FC] =	sst s25  }
0x26: {  	s4 =	simm.s32 $0x8;
	s22 =	sadd.s32 s2, s11;
	[smem:$0x7FD] =	sst s26  }
0x27: {  	s14 =	simm.s32 $0x0;
	s23 =	sadd.s32 s3, s11;
	[dreg:$0x13] =	wrdreg s22  }
0x28: {  	s11 =	sadd.s32 $0x8000, s7;
	s13 =	sadd.s32 $0x9000, s7;
	[dreg:$0x14] =	wrdreg s23  }
0x29: {  	s21 =	sadd.s32 $0xD000, s7;
	s25 =	sadd.s32 $0x11000, s7;
	[dreg:$0x1c] =	wrdreg s11  }
0x2a: {  	s26 =	sadd.s32 $0x11800, s7;
	s0 =	simm.s32 $0x7E00;
	[dreg:$0x1e] =	wrdreg s13  }
0x2b: {  	s10 =	simm.s32 $0x50;
	[smem:$0x7F8] =	sst s21;
	s22 =	sadd.s32 $0xD800, s7  }
0x2c: {  	s23 =	sadd.s32 $0xE000, s7;
	s11 =	simm.s32 $0x1;
	[smem:$0x7F9] =	sst s22  }
0x2d: {  	v0 =	vimm.f32 $0.0e+00;
	s13 =	simm.s32 $0x3;
	[smem:$0x7FA] =	sst s23;
	s23 =	sadd.s32 $0x10000, s7  }
.LBB2_1:
0x2e: {  	[tilespmem:$0x7E00] =	vst v0  }
0x2f: {  	[tilespmem:$0x7E10] =	vst v0  }
0x30: {  	[tilespmem:$0x7E20] =	vst v0  }
0x31: {  	[tilespmem:$0x7E30] =	vst v0  }
0x32: {  	[tilespmem:$0x7E40] =	vst v0  }
0x33: {  	[tilespmem:$0x7E50] =	vst v0  }
0x34: {  	[tilespmem:$0x7E60] =	vst v0  }
0x35: {  	[tilespmem:$0x7E70] =	vst v0  }
0x36: {  	[tilespmem:$0x7E80] =	vst v0  }
0x37: {  	[tilespmem:$0x7E90] =	vst v0  }
0x38: {  	[tilespmem:$0x7EA0] =	vst v0  }
0x39: {  	[tilespmem:$0x7EB0] =	vst v0  }
0x3a: {  	[tilespmem:$0x7EC0] =	vst v0  }
0x3b: {  	[tilespmem:$0x7ED0] =	vst v0  }
0x3c: {  	[tilespmem:$0x7EE0] =	vst v0  }
0x3d: {  	[tilespmem:$0x7EF0] =	vst v0  }
0x3e: {  	[tilespmem:$0x7F00] =	vst v0  }
0x3f: {  	[tilespmem:$0x7F10] =	vst v0  }
0x40: {  	[tilespmem:$0x7F20] =	vst v0  }
0x41: {  	[tilespmem:$0x7F30] =	vst v0  }
0x42: {  	[tilespmem:$0x7F40] =	vst v0  }
0x43: {  	[tilespmem:$0x7F50] =	vst v0  }
0x44: {  	[tilespmem:$0x7F60] =	vst v0  }
0x45: {  	[tilespmem:$0x7F70] =	vst v0  }
0x46: {  	[tilespmem:$0x7F80] =	vst v0  }
0x47: {  	[tilespmem:$0x7F90] =	vst v0  }
0x48: {  	[tilespmem:$0x7FA0] =	vst v0  }
0x49: {  	[tilespmem:$0x7FB0] =	vst v0  }
0x4a: {  	[tilespmem:$0x7FC0] =	vst v0  }
0x4b: {  	[tilespmem:$0x7FD0] =	vst v0  }
0x4c: {  	[tilespmem:$0x7FE0] =	vst v0  }
0x4d: {  	[tilespmem:$0x7FF0] =	vst v0  }
0x4e: {  	[tilespmem:$0x8000] =	vst v0  }
0x4f: {  	[tilespmem:$0x8010] =	vst v0  }
0x50: {  	[tilespmem:$0x8020] =	vst v0  }
0x51: {  	[tilespmem:$0x8030] =	vst v0  }
0x52: {  	[tilespmem:$0x8040] =	vst v0  }
0x53: {  	[tilespmem:$0x8050] =	vst v0  }
0x54: {  	[tilespmem:$0x8060] =	vst v0  }
0x55: {  	[tilespmem:$0x8070] =	vst v0  }
0x56: {  	[tilespmem:$0x8080] =	vst v0  }
0x57: {  	[tilespmem:$0x8090] =	vst v0  }
0x58: {  	[tilespmem:$0x80A0] =	vst v0  }
0x59: {  	[tilespmem:$0x80B0] =	vst v0  }
0x5a: {  	[tilespmem:$0x80C0] =	vst v0  }
0x5b: {  	[tilespmem:$0x80D0] =	vst v0  }
0x5c: {  	[tilespmem:$0x80E0] =	vst v0  }
0x5d: {  	[tilespmem:$0x80F0] =	vst v0  }
0x5e: {  	[tilespmem:$0x8100] =	vst v0  }
0x5f: {  	[tilespmem:$0x8110] =	vst v0  }
0x60: {  	[tilespmem:$0x8120] =	vst v0  }
0x61: {  	[tilespmem:$0x8130] =	vst v0  }
0x62: {  	[tilespmem:$0x8140] =	vst v0  }
0x63: {  	[tilespmem:$0x8150] =	vst v0  }
0x64: {  	[tilespmem:$0x8160] =	vst v0  }
0x65: {  	[tilespmem:$0x8170] =	vst v0  }
0x66: {  	[tilespmem:$0x8180] =	vst v0  }
0x67: {  	[tilespmem:$0x8190] =	vst v0  }
0x68: {  	[tilespmem:$0x81A0] =	vst v0  }
0x69: {  	[tilespmem:$0x81B0] =	vst v0  }
0x6a: {  	[tilespmem:$0x81C0] =	vst v0  }
0x6b: {  	[tilespmem:$0x81D0] =	vst v0  }
0x6c: {  	[tilespmem:$0x81E0] =	vst v0  }
0x6d: {  	[tilespmem:$0x81F0] =	vst v0  }
0x6e: {  	[tilespmem:$0x8200] =	vst v0  }
0x6f: {  	[tilespmem:$0x8210] =	vst v0  }
0x70: {  	[tilespmem:$0x8220] =	vst v0  }
0x71: {  	[tilespmem:$0x8230] =	vst v0  }
0x72: {  	[tilespmem:$0x8240] =	vst v0  }
0x73: {  	[tilespmem:$0x8250] =	vst v0  }
0x74: {  	[tilespmem:$0x8260] =	vst v0  }
0x75: {  	[tilespmem:$0x8270] =	vst v0  }
0x76: {  	[tilespmem:$0x8280] =	vst v0  }
0x77: {  	[tilespmem:$0x8290] =	vst v0  }
0x78: {  	[tilespmem:$0x82A0] =	vst v0  }
0x79: {  	[tilespmem:$0x82B0] =	vst v0  }
0x7a: {  	[tilespmem:$0x82C0] =	vst v0  }
0x7b: {  	[tilespmem:$0x82D0] =	vst v0  }
0x7c: {  	[tilespmem:$0x82E0] =	vst v0  }
0x7d: {  	[tilespmem:$0x82F0] =	vst v0  }
0x7e: {  	[tilespmem:$0x8300] =	vst v0  }
0x7f: {  	[tilespmem:$0x8310] =	vst v0  }
0x80: {  	[tilespmem:$0x8320] =	vst v0  }
0x81: {  	[tilespmem:$0x8330] =	vst v0  }
0x82: {  	[tilespmem:$0x8340] =	vst v0  }
0x83: {  	[tilespmem:$0x8350] =	vst v0  }
0x84: {  	[tilespmem:$0x8360] =	vst v0  }
0x85: {  	[tilespmem:$0x8370] =	vst v0  }
0x86: {  	[tilespmem:$0x8380] =	vst v0  }
0x87: {  	[tilespmem:$0x8390] =	vst v0  }
0x88: {  	[tilespmem:$0x83A0] =	vst v0  }
0x89: {  	[tilespmem:$0x83B0] =	vst v0  }
0x8a: {  	[tilespmem:$0x83C0] =	vst v0  }
0x8b: {  	[tilespmem:$0x83D0] =	vst v0  }
0x8c: {  	[tilespmem:$0x83E0] =	vst v0  }
0x8d: {  	[tilespmem:$0x83F0] =	vst v0  }
0x8e: {  	[tilespmem:$0x8400] =	vst v0  }
0x8f: {  	[tilespmem:$0x8410] =	vst v0  }
0x90: {  	[tilespmem:$0x8420] =	vst v0  }
0x91: {  	[tilespmem:$0x8430] =	vst v0  }
0x92: {  	[tilespmem:$0x8440] =	vst v0  }
0x93: {  	[tilespmem:$0x8450] =	vst v0  }
0x94: {  	[tilespmem:$0x8460] =	vst v0  }
0x95: {  	[tilespmem:$0x8470] =	vst v0  }
0x96: {  	[tilespmem:$0x8480] =	vst v0  }
0x97: {  	[tilespmem:$0x8490] =	vst v0  }
0x98: {  	[tilespmem:$0x84A0] =	vst v0  }
0x99: {  	[tilespmem:$0x84B0] =	vst v0  }
0x9a: {  	[tilespmem:$0x84C0] =	vst v0  }
0x9b: {  	[tilespmem:$0x84D0] =	vst v0  }
0x9c: {  	[tilespmem:$0x84E0] =	vst v0  }
0x9d: {  	[tilespmem:$0x84F0] =	vst v0  }
0x9e: {  	[tilespmem:$0x8500] =	vst v0  }
0x9f: {  	[tilespmem:$0x8510] =	vst v0  }
0xa0: {  	[tilespmem:$0x8520] =	vst v0  }
0xa1: {  	[tilespmem:$0x8530] =	vst v0  }
0xa2: {  	[tilespmem:$0x8540] =	vst v0  }
0xa3: {  	[tilespmem:$0x8550] =	vst v0  }
0xa4: {  	[tilespmem:$0x8560] =	vst v0  }
0xa5: {  	[tilespmem:$0x8570] =	vst v0  }
0xa6: {  	[tilespmem:$0x8580] =	vst v0  }
0xa7: {  	[tilespmem:$0x8590] =	vst v0  }
0xa8: {  	[tilespmem:$0x85A0] =	vst v0  }
0xa9: {  	[tilespmem:$0x85B0] =	vst v0  }
0xaa: {  	[tilespmem:$0x85C0] =	vst v0  }
0xab: {  	[tilespmem:$0x85D0] =	vst v0  }
0xac: {  	[tilespmem:$0x85E0] =	vst v0  }
0xad: {  	[tilespmem:$0x85F0] =	vst v0  }
0xae: {  	[spmem:s7] =	stream.linear.scatter [tilespmem:s0], [sflag:$0x8], $0x800, $0x38;
	[tilespmem:$0x1BE80] =	vst v63  }
0xaf: {  	_ =	swait.ge [sflag:s4], $0x800  }
0xb0: {  	[sflag:s4] =	ssyncset.done $0x0  }
0xb1: {  	s15 =	rddreg [dreg:$0x6];
	[sflag:s4] =	ssyncadd.s32 $0xFFFFF800  }
0xb2: {  	[spmem:s15] =	stream.linear.scatter [tilespmem:s0], [sflag:$0x8], $0x800, $0x38;
	[tilespmem:$0x1BE80] =	vst v63  }
0xb3: {  	_ =	swait.ge [sflag:s4], $0x800  }
0xb4: {  	[sflag:s4] =	ssyncset.done $0x0  }
0xb5: {  	s21 =	rddreg [dreg:$0x7];
	[sflag:s4] =	ssyncadd.s32 $0xFFFFF800  }
0xb6: {  	[spmem:s21] =	stream.linear.scatter [tilespmem:s0], [sflag:$0x8], $0x800, $0x38;
	[tilespmem:$0x1BE80] =	vst v63  }
0xb7: {  	_ =	swait.ge [sflag:s4], $0x800  }
0xb8: {  	[sflag:s4] =	ssyncset.done $0x0  }
0xb9: {  	s22 =	rddreg [dreg:$0x8];
	[sflag:s4] =	ssyncadd.s32 $0xFFFFF800  }
0xba: {  	[spmem:s22] =	stream.linear.scatter [tilespmem:s0], [sflag:$0x8], $0x800, $0x38;
	[tilespmem:$0x1BE80] =	vst v63  }
0xbb: {  	_ =	swait.ge [sflag:s4], $0x800  }
0xbc: {  	[sflag:s4] =	ssyncset.done $0x0  }
0xbd: {  	s16 =	rddreg [dreg:$0x9];
	[sflag:s4] =	ssyncadd.s32 $0xFFFFF800  }
0xbe: {  	[spmem:s16] =	stream.linear.scatter [tilespmem:s0], [sflag:$0x8], $0x800, $0x38;
	[tilespmem:$0x1BE80] =	vst v63  }
0xbf: {  	_ =	swait.ge [sflag:s4], $0x800  }
0xc0: {  	[sflag:s4] =	ssyncset.done $0x0  }
0xc1: {  	s17 =	rddreg [dreg:$0xa];
	[sflag:s4] =	ssyncadd.s32 $0xFFFFF800  }
0xc2: {  	[spmem:s17] =	stream.linear.scatter [tilespmem:s0], [sflag:$0x8], $0x800, $0x38;
	[tilespmem:$0x1BE80] =	vst v63  }
0xc3: {  	_ =	swait.ge [sflag:s4], $0x800  }
0xc4: {  	[sflag:s4] =	ssyncset.done $0x0  }
0xc5: {  	s18 =	rddreg [dreg:$0xb];
	[sflag:s4] =	ssyncadd.s32 $0xFFFFF800  }
0xc6: {  	[spmem:s18] =	stream.linear.scatter [tilespmem:s0], [sflag:$0x8], $0x800, $0x38;
	[tilespmem:$0x1BE80] =	vst v63  }
0xc7: {  	_ =	swait.ge [sflag:s4], $0x800  }
0xc8: {  	[sflag:s4] =	ssyncset.done $0x0  }
0xc9: {  	s19 =	rddreg [dreg:$0xc];
	[sflag:s4] =	ssyncadd.s32 $0xFFFFF800  }
0xca: {  	[spmem:s19] =	stream.linear.scatter [tilespmem:s0], [sflag:$0x8], $0x800, $0x38;
	[tilespmem:$0x1BE80] =	vst v63  }
0xcb: {  	_ =	swait.ge [sflag:s4], $0x800  }
0xcc: {  	[sflag:s4] =	ssyncset.done $0x0  }
0xcd: {  	s20 =	rddreg [dreg:$0xd];
	[sflag:s4] =	ssyncadd.s32 $0xFFFFF800  }
0xce: {  	[spmem:s20] =	stream.linear.scatter [tilespmem:s0], [sflag:$0x8], $0x800, $0x38;
	[tilespmem:$0x1BE80] =	vst v63  }
0xcf: {  	_ =	swait.ge [sflag:s4], $0x800  }
0xd0: {  	[sflag:s4] =	ssyncset.done $0x0  }
0xd1: {  	s21 =	rddreg [dreg:$0xe];
	[sflag:s4] =	ssyncadd.s32 $0xFFFFF800  }
0xd2: {  	[spmem:s21] =	stream.linear.scatter [tilespmem:s0], [sflag:$0x8], $0x800, $0x38;
	[tilespmem:$0x1BE80] =	vst v63  }
0xd3: {  	_ =	swait.ge [sflag:s4], $0x800  }
0xd4: {  	[sflag:s4] =	ssyncset.done $0x0  }
0xd5: {  	s22 =	rddreg [dreg:$0xf];
	[sflag:s4] =	ssyncadd.s32 $0xFFFFF800  }
0xd6: {  	[spmem:s22] =	stream.linear.scatter [tilespmem:s0], [sflag:$0x8], $0x800, $0x38;
	[tilespmem:$0x1BE80] =	vst v63  }
0xd7: {  	_ =	swait.ge [sflag:s4], $0x800  }
0xd8: {  	[sflag:s4] =	ssyncset.done $0x0  }
0xd9: {  	s16 =	rddreg [dreg:$0x17];
	[sflag:s4] =	ssyncadd.s32 $0xFFFFF800  }
0xda: {  	[spmem:s16] =	stream.linear.scatter [tilespmem:s0], [sflag:$0x8], $0x800, $0x38;
	[tilespmem:$0x1BE80] =	vst v63  }
0xdb: {  	_ =	swait.ge [sflag:s4], $0x800  }
0xdc: {  	[sflag:s4] =	ssyncset.done $0x0  }
0xdd: {  	s17 =	rddreg [dreg:$0x18];
	[sflag:s4] =	ssyncadd.s32 $0xFFFFF800  }
0xde: {  	[spmem:s17] =	stream.linear.scatter [tilespmem:s0], [sflag:$0x8], $0x800, $0x38;
	[tilespmem:$0x1BE80] =	vst v63  }
0xdf: {  	_ =	swait.ge [sflag:s4], $0x800  }
0xe0: {  	[sflag:s4] =	ssyncset.done $0x0  }
0xe1: {  	s18 =	rddreg [dreg:$0x19];
	[sflag:s4] =	ssyncadd.s32 $0xFFFFF800  }
0xe2: {  	[spmem:s18] =	stream.linear.scatter [tilespmem:s0], [sflag:$0x8], $0x800, $0x38;
	[tilespmem:$0x1BE80] =	vst v63  }
0xe3: {  	_ =	swait.ge [sflag:s4], $0x800  }
0xe4: {  	[sflag:s4] =	ssyncset.done $0x0  }
0xe5: {  	s19 =	rddreg [dreg:$0x1a];
	[sflag:s4] =	ssyncadd.s32 $0xFFFFF800  }
0xe6: {  	[spmem:s19] =	stream.linear.scatter [tilespmem:s0], [sflag:$0x8], $0x800, $0x38;
	[tilespmem:$0x1BE80] =	vst v63  }
0xe7: {  	_ =	swait.ge [sflag:s4], $0x800  }
0xe8: {  	[sflag:s4] =	ssyncset.done $0x0  }
0xe9: {  	s20 =	rddreg [dreg:$0x1b];
	[sflag:s4] =	ssyncadd.s32 $0xFFFFF800  }
0xea: {  	[spmem:s20] =	stream.linear.scatter [tilespmem:s0], [sflag:$0x8], $0x800, $0x38;
	[tilespmem:$0x1BE80] =	vst v63  }
0xeb: {  	_ =	swait.ge [sflag:s4], $0x800  }
0xec: {  	[sflag:s4] =	ssyncset.done $0x0  }
0xed: {  	s21 =	rddreg [dreg:$0x1c];
	[sflag:s4] =	ssyncadd.s32 $0xFFFFF800  }
0xee: {  	[spmem:s21] =	stream.linear.scatter [tilespmem:s0], [sflag:$0x8], $0x800, $0x38;
	[tilespmem:$0x1BE80] =	vst v63  }
0xef: {  	_ =	swait.ge [sflag:s4], $0x800  }
0xf0: {  	[sflag:s4] =	ssyncset.done $0x0  }
0xf1: {  	s22 =	rddreg [dreg:$0x1d];
	[sflag:s4] =	ssyncadd.s32 $0xFFFFF800  }
0xf2: {  	[spmem:s22] =	stream.linear.scatter [tilespmem:s0], [sflag:$0x8], $0x800, $0x38;
	[tilespmem:$0x1BE80] =	vst v63  }
0xf3: {  	_ =	swait.ge [sflag:s4], $0x800  }
0xf4: {  	[sflag:s4] =	ssyncset.done $0x0  }
0xf5: {  	s16 =	rddreg [dreg:$0x1e];
	[sflag:s4] =	ssyncadd.s32 $0xFFFFF800  }
0xf6: {  	[spmem:s16] =	stream.linear.scatter [tilespmem:s0], [sflag:$0x8], $0x800, $0x38;
	[tilespmem:$0x1BE80] =	vst v63  }
0xf7: {  	_ =	swait.ge [sflag:s4], $0x800  }
0xf8: {  	[sflag:s4] =	ssyncset.done $0x0  }
0xf9: {  	s17 =	rddreg [dreg:$0x1f];
	[sflag:s4] =	ssyncadd.s32 $0xFFFFF800  }
0xfa: {  	[spmem:s17] =	stream.linear.scatter [tilespmem:s0], [sflag:$0x8], $0x800, $0x38;
	[tilespmem:$0x1BE80] =	vst v63  }
0xfb: {  	_ =	swait.ge [sflag:s4], $0x800  }
0xfc: {  	s18 =	sld [smem:$0x7F2]  }
0xfd: {  	[sflag:s4] =	ssyncset.done $0x0  }
0xfe: {  	[sflag:s4] =	ssyncadd.s32 $0xFFFFF800  }
0xff: {  	[spmem:s18] =	stream.linear.scatter [tilespmem:s0], [sflag:$0x8], $0x800, $0x38;
	[tilespmem:$0x1BE80] =	vst v63  }
0x100: {  	_ =	swait.ge [sflag:s4], $0x800  }
0x101: {  	s19 =	sld [smem:$0x7F3]  }
0x102: {  	[sflag:s4] =	ssyncset.done $0x0  }
0x103: {  	[sflag:s4] =	ssyncadd.s32 $0xFFFFF800  }
0x104: {  	[spmem:s19] =	stream.linear.scatter [tilespmem:s0], [sflag:$0x8], $0x800, $0x38;
	[tilespmem:$0x1BE80] =	vst v63  }
0x105: {  	_ =	swait.ge [sflag:s4], $0x800  }
0x106: {  	s20 =	sld [smem:$0x7F4]  }
0x107: {  	[sflag:s4] =	ssyncset.done $0x0  }
0x108: {  	[sflag:s4] =	ssyncadd.s32 $0xFFFFF800  }
0x109: {  	[spmem:s20] =	stream.linear.scatter [tilespmem:s0], [sflag:$0x8], $0x800, $0x38;
	[tilespmem:$0x1BE80] =	vst v63  }
0x10a: {  	_ =	swait.ge [sflag:s4], $0x800  }
0x10b: {  	s21 =	sld [smem:$0x7F5]  }
0x10c: {  	[sflag:s4] =	ssyncset.done $0x0  }
0x10d: {  	[sflag:s4] =	ssyncadd.s32 $0xFFFFF800  }
0x10e: {  	[spmem:s21] =	stream.linear.scatter [tilespmem:s0], [sflag:$0x8], $0x800, $0x38;
	[tilespmem:$0x1BE80] =	vst v63  }
0x10f: {  	_ =	swait.ge [sflag:s4], $0x800  }
0x110: {  	s22 =	sld [smem:$0x7F6]  }
0x111: {  	[sflag:s4] =	ssyncset.done $0x0  }
0x112: {  	[sflag:s4] =	ssyncadd.s32 $0xFFFFF800  }
0x113: {  	[spmem:s22] =	stream.linear.scatter [tilespmem:s0], [sflag:$0x8], $0x800, $0x38;
	[tilespmem:$0x1BE80] =	vst v63  }
0x114: {  	_ =	swait.ge [sflag:s4], $0x800  }
0x115: {  	s16 =	sld [smem:$0x7F7]  }
0x116: {  	[sflag:s4] =	ssyncset.done $0x0  }
0x117: {  	[sflag:s4] =	ssyncadd.s32 $0xFFFFF800  }
0x118: {  	[spmem:s16] =	stream.linear.scatter [tilespmem:s0], [sflag:$0x8], $0x800, $0x38;
	[tilespmem:$0x1BE80] =	vst v63  }
0x119: {  	_ =	swait.ge [sflag:s4], $0x800  }
0x11a: {  	s17 =	sld [smem:$0x7F8]  }
0x11b: {  	[sflag:s4] =	ssyncset.done $0x0  }
0x11c: {  	[sflag:s4] =	ssyncadd.s32 $0xFFFFF800  }
0x11d: {  	[spmem:s17] =	stream.linear.scatter [tilespmem:s0], [sflag:$0x8], $0x800, $0x38;
	[tilespmem:$0x1BE80] =	vst v63  }
0x11e: {  	_ =	swait.ge [sflag:s4], $0x800  }
0x11f: {  	s18 =	sld [smem:$0x7F9]  }
0x120: {  	[sflag:s4] =	ssyncset.done $0x0  }
0x121: {  	[sflag:s4] =	ssyncadd.s32 $0xFFFFF800  }
0x122: {  	[spmem:s18] =	stream.linear.scatter [tilespmem:s0], [sflag:$0x8], $0x800, $0x38;
	[tilespmem:$0x1BE80] =	vst v63  }
0x123: {  	_ =	swait.ge [sflag:s4], $0x800  }
0x124: {  	s19 =	sld [smem:$0x7FA]  }
0x125: {  	[sflag:s4] =	ssyncset.done $0x0  }
0x126: {  	[sflag:s4] =	ssyncadd.s32 $0xFFFFF800  }
0x127: {  	[spmem:s19] =	stream.linear.scatter [tilespmem:s0], [sflag:$0x8], $0x800, $0x38;
	[tilespmem:$0x1BE80] =	vst v63  }
0x128: {  	_ =	swait.ge [sflag:s4], $0x800  }
0x129: {  	s20 =	sld [smem:$0x7FB]  }
0x12a: {  	[sflag:s4] =	ssyncset.done $0x0  }
0x12b: {  	[sflag:s4] =	ssyncadd.s32 $0xFFFFF800  }
0x12c: {  	[spmem:s20] =	stream.linear.scatter [tilespmem:s0], [sflag:$0x8], $0x800, $0x38;
	[tilespmem:$0x1BE80] =	vst v63  }
0x12d: {  	_ =	swait.ge [sflag:s4], $0x800  }
0x12e: {  	s21 =	sld [smem:$0x7FC]  }
0x12f: {  	[sflag:s4] =	ssyncset.done $0x0  }
0x130: {  	[sflag:s4] =	ssyncadd.s32 $0xFFFFF800  }
0x131: {  	[spmem:s21] =	stream.linear.scatter [tilespmem:s0], [sflag:$0x8], $0x800, $0x38;
	[tilespmem:$0x1BE80] =	vst v63  }
0x132: {  	_ =	swait.ge [sflag:s4], $0x800  }
0x133: {  	s22 =	sld [smem:$0x7FD]  }
0x134: {  	[sflag:s4] =	ssyncset.done $0x0  }
0x135: {  	[sflag:s4] =	ssyncadd.s32 $0xFFFFF800  }
0x136: {  	[spmem:s22] =	stream.linear.scatter [tilespmem:s0], [sflag:$0x8], $0x800, $0x38;
	[tilespmem:$0x1BE80] =	vst v63  }
0x137: {  	_ =	swait.ge [sflag:s4], $0x800  }
0x138: {  	[sflag:s4] =	ssyncset.done $0x0  }
0x139: {  	[sflag:s4] =	ssyncadd.s32 $0xFFFFF800  }
0x13a: {  	[spmem:s23] =	stream.linear.scatter [tilespmem:s0], [sflag:$0x8], $0x800, $0x38;
	[tilespmem:$0x1BE80] =	vst v63  }
0x13b: {  	_ =	swait.ge [sflag:s4], $0x800  }
0x13c: {  	[sflag:s4] =	ssyncset.done $0x0  }
0x13d: {  	[sflag:s4] =	ssyncadd.s32 $0xFFFFF800  }
0x13e: {  	[spmem:s24] =	stream.linear.scatter [tilespmem:s0], [sflag:$0x8], $0x800, $0x38;
	[tilespmem:$0x1BE80] =	vst v63  }
0x13f: {  	_ =	swait.ge [sflag:s4], $0x800  }
0x140: {  	[sflag:s4] =	ssyncset.done $0x0  }
0x141: {  	[sflag:s4] =	ssyncadd.s32 $0xFFFFF800  }
0x142: {  	[spmem:s25] =	stream.linear.scatter [tilespmem:s0], [sflag:$0x8], $0x800, $0x38;
	[tilespmem:$0x1BE80] =	vst v63  }
0x143: {  	_ =	swait.ge [sflag:s4], $0x800  }
0x144: {  	[sflag:s4] =	ssyncset.done $0x0  }
0x145: {  	[sflag:s4] =	ssyncadd.s32 $0xFFFFF800  }
0x146: {  	[spmem:s26] =	stream.linear.scatter [tilespmem:s0], [sflag:$0x8], $0x800, $0x38;
	[tilespmem:$0x1BE80] =	vst v63  }
0x147: {  	_ =	swait.ge [sflag:s4], $0x800  }
0x148: {  	[sflag:s4] =	ssyncset.done $0x0  }
0x149: {  	[sflag:s4] =	ssyncadd.s32 $0xFFFFF800  }
0x14a: {  	[spmem:s28] =	stream.linear.scatter [tilespmem:s0], [sflag:$0x8], $0x800, $0x38;
	[tilespmem:$0x1BE80] =	vst v63  }
0x14b: {  	_ =	swait.ge [sflag:s4], $0x800  }
0x14c: {  	[sflag:s4] =	ssyncset.done $0x0  }
0x14d: {  	[sflag:s4] =	ssyncadd.s32 $0xFFFFF800  }
0x14e: {  	[spmem:s29] =	stream.linear.scatter [tilespmem:s0], [sflag:$0x8], $0x800, $0x38;
	[tilespmem:$0x1BE80] =	vst v63  }
0x14f: {  	_ =	swait.ge [sflag:s4], $0x800  }
0x150: {  	[sflag:s4] =	ssyncset.done $0x0  }
0x151: {  	[sflag:s4] =	ssyncadd.s32 $0xFFFFF800  }
0x152: {  	[spmem:s30] =	stream.linear.scatter [tilespmem:s0], [sflag:$0x8], $0x800, $0x38;
	[tilespmem:$0x1BE80] =	vst v63  }
0x153: {  	_ =	swait.ge [sflag:s4], $0x800  }
0x154: {  	[sflag:s4] =	ssyncset.done $0x0  }
0x155: {  	s15 =	simm.s32 @!p0 $0x7E00;
	[sflag:s4] =	ssyncadd.s32 $0xFFFFF800  }
0x156: {  	[spmem:s31] =	stream.linear.scatter @!p0 [tilespmem:s15], [sflag:$0x8], $0x800, $0x38;
	[tilespmem:$0x1BE80] =	vst v63  }
0x157: {  	s15 =	simm.s32 @!p0 $0x8  }
0x158: {  	_ =	swait.ge @!p0 [sflag:s15], $0x800  }
0x159: {  	[sflag:s15] =	ssyncset.done @!p0 $0x0  }
0x15a: {  	[sflag:s15] =	ssyncadd.s32 @!p0 $0xFFFFF800  }
0x15b: {  	[bflag:$0x0] =	sbarrier.arrive $0xFFFF  }
0x15c: {  	s16 =	rddreg [dreg:$0x10]  }
0x15d: {  	[tilespmem:s6], [sflag:$0x5] =	stream.linear.gather [hbm4b:s16+s6], $0x50, $0x38;
	[tilespmem:$0x1BE80] =	vst v63  }
0x15e: {  	s17 =	rddreg [dreg:$0x11];
	s16 =	simm.s32 $0x200  }
0x15f: {  	[tilespmem:s16], [sflag:$0x5] =	stream.linear.gather [hbm4b:s17+s6], $0x50, $0x38;
	[tilespmem:$0x1BE80] =	vst v63  }
0x160: {  	_ =	swait.ge [sflag:s9], $0x50  }
0x161: {  	[sflag:s9] =	ssyncset.done $0x0  }
0x162: {  	[sflag:s9] =	ssyncadd.s32 $0xFFFFFFB0  }
0x163: {  	_ =	swait.ge [sflag:s9], $0x50  }
0x164: {  	[sflag:s9] =	ssyncset.done $0x0  }
0x165: {  	[sflag:s9] =	ssyncadd.s32 $0xFFFFFFB0  }
0x166: {  	v1 =	vld [tilespmem:$0x0];
	_ =	sdelay $0x1  }
0x167: {  	v2 =	vld [tilespmem:$0x10];
	_ =	sdelay $0x1  }
0x168: {  	v3 =	vld [tilespmem:$0x20]  }
0x169: {  	v4 =	vand.u32 $0xFFFF, v1  }
0x16a: {  	v63 =	vld [tilespmem:$0x30];
	v1 =	vshrl.u32 v1, $0x10;
	[tilespmem:$0x400] =	vst v4  }
0x16b: {  	[tilespmem:$0x0] =	vst v1;
	v1 =	vand.u32 $0xFFFF, v2  }
0x16c: {  	[tilespmem:$0x410] =	vst v1;
	v1 =	vshrl.u32 v2, $0x10;
	v2 =	vld [tilespmem:$0x40]  }
0x16d: {  	[tilespmem:$0x10] =	vst v1;
	v1 =	vand.u32 $0xFFFF, v3  }
0x16e: {  	[tilespmem:$0x420] =	vst v1;
	v1 =	vshrl.u32 v3, $0x10  }
0x16f: {  	[tilespmem:$0x20] =	vst v1;
	v1 =	vand.u32 $0xFFFF, v63  }
0x170: {  	[tilespmem:$0x430] =	vst v1;
	v1 =	vshrl.u32 v63, $0x10  }
0x171: {  	[tilespmem:$0x30] =	vst v1;
	v1 =	vand.u32 $0xFFFF, v2  }
0x172: {  	[tilespmem:$0x440] =	vst v1;
	v1 =	vshrl.u32 v2, $0x10  }
0x173: {  	s18 =	simm.s32 $0x600;
	[tilespmem:$0x40] =	vst v1  }
0x174: {  	[tilespmem:s18], [sflag:$0x1] =	stream.indirect.gather [hbm4b:s1+s10], $0x80, s6, s10, $0xb8;
	[tilespmem:$0x1BE80] =	vst v63  }
0x175: {  	s20 =	simm.s32 $0x80;
	s19 =	rddreg [dreg:$0x13]  }
0x176: {  	[tilespmem:s20], [sflag:$0x6] =	stream.linear.gather [hbm4b:s19+s6], $0x50, $0x38;
	[tilespmem:$0x1BE80] =	vst v63  }
0x177: {  	s22 =	simm.s32 $0x280;
	s16 =	simm.s32 $0x0;
	s21 =	rddreg [dreg:$0x14]  }
0x178: {  	[tilespmem:s22], [sflag:$0x6] =	stream.linear.gather [hbm4b:s21+s6], $0x50, $0x38;
	[tilespmem:$0x1BE80] =	vst v63  }
.LBB2_2:
0x179: {  	s17 =	smul.u32 $0xAB, s16;
	_ =	sdelay $0x1  }
0x17a: {  	s15 =	sadd.s32 $0xAB, s17  }
0x17b: {  	s15 =	sshrl.u32 s15, $0x9  }
0x17c: {  	s15 =	sand.u32 $0x7F, s15  }
0x17d: {  	p2 =	slt.u32 s16, $0x2;
	s18 =	smul.u32 $0x3, s15  }
0x17e: {  	p3 =	seq.s32 @!p2 s16, $0x7C;
	s15 =	sadd.s32 $0x1, s16  }
0x17f: {  	_ =	swait.ge [sflag:s11], $0x2800;
	p3 =	por p2, !p3;
	s18 =	ssub.s32 s15, s18  }
.Ltmp0:
0x180: {  	[sflag:s11] =	ssyncset.done $0x0;
	s18 =	sand.u32 $0xFF, s18;
	(pc) =	sbr.rel @!p3 .LBB2_4-.Ltmp0, $4  }
0x181: {  	[sflag:s11] =	ssyncadd.s32 $0xFFFFD800;
	s19 =	sadd.s32 @!p2 $0x2, s18  }
0x182: {  	_ =	swait.ge @!p2 [sflag:s19], $0x2800  }
0x183: {  	[sflag:s19] =	ssyncset.done @!p2 $0x0  }
0x184: {  	[sflag:s19] =	ssyncadd.s32 @!p2 $0xFFFFD800  }
0x185: {  	s19 =	sadd.s32 $0x5, s18  }
0x186: {  	_ =	swait.ge [sflag:s19], $0x50  }
0x187: {  	[sflag:s19] =	ssyncset.done $0x0  }
0x188: {  	[sflag:s19] =	ssyncadd.s32 $0xFFFFFFB0  }
0x189: {  	_ =	swait.ge [sflag:s19], $0x50  }
0x18a: {  	[sflag:s19] =	ssyncset.done $0x0  }
0x18b: {  	s20 =	sshll.u32 s18, $0x7;
	[sflag:s19] =	ssyncadd.s32 $0xFFFFFFB0  }
0x18c: {  	v1 =	vld [tilespmem:s20+$0x0];
	_ =	sdelay $0x1  }
0x18d: {  	v2 =	vld [tilespmem:s20+$0x10];
	_ =	sdelay $0x1  }
0x18e: {  	v3 =	vld [tilespmem:s20+$0x20]  }
0x18f: {  	v4 =	vand.u32 $0xFFFF, v1  }
0x190: {  	v63 =	vld [tilespmem:s20+$0x30];
	v1 =	vshrl.u32 v1, $0x10;
	[tilespmem:s20+$0x400] =	vst v4  }
0x191: {  	[tilespmem:s20+$0x0] =	vst v1;
	v1 =	vand.u32 $0xFFFF, v2  }
0x192: {  	[tilespmem:s20+$0x410] =	vst v1;
	v1 =	vshrl.u32 v2, $0x10;
	v2 =	vld [tilespmem:s20+$0x40]  }
0x193: {  	[tilespmem:s20+$0x10] =	vst v1;
	v1 =	vand.u32 $0xFFFF, v3  }
0x194: {  	[tilespmem:s20+$0x420] =	vst v1;
	v1 =	vshrl.u32 v3, $0x10  }
0x195: {  	[tilespmem:s20+$0x20] =	vst v1;
	v1 =	vand.u32 $0xFFFF, v63  }
0x196: {  	s22 =	smul.u32 $0xA000, s18;
	[tilespmem:s20+$0x430] =	vst v1;
	v1 =	vshrl.u32 v63, $0x10  }
0x197: {  	p2 =	sgt.u32 s16, $0x7A;
	[tilespmem:s20+$0x30] =	vst v1;
	v1 =	vand.u32 $0xFFFF, v2  }
0x198: {  	s18 =	sshrl.u32 s22, $0x2;
	s19 =	sadd.s32 @!p2 $0x2, s16;
	[tilespmem:s20+$0x440] =	vst v1;
	v1 =	vshrl.u32 v2, $0x10  }
0x199: {  	s18 =	sor.u32 $0x600, s18;
	s21 =	smul.u32 @!p2 $0xAB, s19;
	[tilespmem:s20+$0x40] =	vst v1  }
0x19a: {  	[tilespmem:s18], [sflag:$0x1] =	stream.indirect.gather [hbm4b:s1+s10], $0x80, s20, s10, $0xb8;
	[tilespmem:$0x1BE80] =	vst v63  }
0x19b: {  	s18 =	sshrl.u32 @!p2 s21, $0x9  }
0x19c: {  	s20 =	smul.u32 @!p2 $0x50, s19;
	s18 =	sand.u32 @!p2 $0x7F, s18  }
0x19d: {  	s18 =	smul.u32 @!p2 $0x3, s18;
	_ =	sdelay $0x1  }
0x19e: {  	s18 =	ssub.s32 @!p2 s19, s18;
	s19 =	sadd.s32 @!p2 s8, s20  }
0x19f: {  	s22 =	simm.s32 @!p2 $0x0;
	s18 =	sand.u32 @!p2 $0xFF, s18;
	s19 =	sshrl.u32 @!p2 s19, $0x3  }
0x1a0: {  	s20 =	sadd.s32 @!p2 $0x5, s18;
	s18 =	sshll.u32 @!p2 s18, $0x7;
	s21 =	sadd.s32 @!p2 s2, s19  }
0x1a1: {  	[tilespmem:s18], [sflag:s20] =	stream.linear.gather @!p2 [hbm4b:s21+s22], $0x50, $0x38;
	[tilespmem:$0x1BE80] =	vst v63  }
0x1a2: {  	s19 =	sadd.s32 @!p2 s3, s19;
	s18 =	sor.u32 @!p2 $0x200, s18  }
0x1a3: {  	[tilespmem:s18], [sflag:s20] =	stream.linear.gather @!p2 [hbm4b:s19+s22], $0x50, $0x38;
	[tilespmem:$0x1BE80] =	vst v63  }
.LBB2_4:
0x1a4: {  	s17 =	sshrl.u32 s17, $0x9  }
0x1a5: {  	s17 =	sand.u32 $0x7F, s17  }
0x1a6: {  	s17 =	smul.u32 $0x3, s17;
	_ =	sdelay $0x1  }
0x1a7: {  	s16 =	ssub.s32 s16, s17  }
0x1a8: {  	s16 =	sand.u32 $0xFF, s16  }
0x1a9: {  	s18 =	sshll.u32 s16, $0x9  }
0x1aa: {  	s22 =	smul.u32 $0xA000, s16;
	s18 =	sshrl.u32 s18, $0x2  }
0x1ab: {  	s20 =	sadd.s32 $0x200, s18  }
0x1ac: {  	s17 =	sshrl.u32 s22, $0x2;
	v1 =	vmov s20  }
0x1ad: {  	s17 =	sor.u32 $0x600, s17  }
0x1ae: {  	s19 =	simm.s32 $0x0;
	v2 =	vmov s17  }
.LBB2_5:
0x1af: {  	s20 =	sshll.u32 s19, $0x4  }
0x1b0: {  	s20 =	sand.u32 $0x3FFFFFF0, s20  }
0x1b1: {  	s22 =	sshll.u32 s19, $0xD;
	v3 =	vld.idx.msk [tilespmem:v1+s20+$0x0 ss:$0x1], $0xffff  }
0x1b2: {  	s20 =	sshra.s32 s22, $0x2  }
0x1b3: {  	v4 =	vld.idx.msk [tilespmem:v2+s20+$0x0 ss:$0x1], $0xffff;
	_ =	sdelay $0x2  }
0x1b4: {  	v5 =	vbroadcast v3, $0x0;
	_ =	sdelay $0x1  }
0x1b5: {  	v4 =	vmul.f32 v5, v4;
	_ =	sdelay $0x1  }
0x1b6: {  	[tilespmem:v2+s20+$0x0 ss:$0x1] =	vst.idx.msk $0xffff, v4  }
0x1b7: {  	v4 =	vld.idx.msk [tilespmem:v2+s20+$0x10 ss:$0x1], $0xffff;
	_ =	sdelay $0x4  }
0x1b8: {  	v4 =	vmul.f32 v4, v5;
	_ =	sdelay $0x1  }
0x1b9: {  	[tilespmem:v2+s20+$0x10 ss:$0x1] =	vst.idx.msk $0xffff, v4  }
0x1ba: {  	v4 =	vld.idx.msk [tilespmem:v2+s20+$0x20 ss:$0x1], $0xffff;
	_ =	sdelay $0x4  }
0x1bb: {  	v4 =	vmul.f32 v4, v5;
	_ =	sdelay $0x1  }
0x1bc: {  	[tilespmem:v2+s20+$0x20 ss:$0x1] =	vst.idx.msk $0xffff, v4  }
0x1bd: {  	v4 =	vld.idx.msk [tilespmem:v2+s20+$0x30 ss:$0x1], $0xffff;
	_ =	sdelay $0x4  }
0x1be: {  	v4 =	vmul.f32 v4, v5;
	_ =	sdelay $0x1  }
0x1bf: {  	[tilespmem:v2+s20+$0x30 ss:$0x1] =	vst.idx.msk $0xffff, v4  }
0x1c0: {  	v4 =	vld.idx.msk [tilespmem:v2+s20+$0x40 ss:$0x1], $0xffff;
	_ =	sdelay $0x4  }
0x1c1: {  	v4 =	vmul.f32 v4, v5;
	_ =	sdelay $0x1  }
0x1c2: {  	[tilespmem:v2+s20+$0x40 ss:$0x1] =	vst.idx.msk $0xffff, v4  }
0x1c3: {  	v4 =	vld.idx.msk [tilespmem:v2+s20+$0x50 ss:$0x1], $0xffff;
	_ =	sdelay $0x4  }
0x1c4: {  	v4 =	vmul.f32 v4, v5;
	_ =	sdelay $0x1  }
0x1c5: {  	[tilespmem:v2+s20+$0x50 ss:$0x1] =	vst.idx.msk $0xffff, v4  }
0x1c6: {  	v4 =	vld.idx.msk [tilespmem:v2+s20+$0x60 ss:$0x1], $0xffff;
	_ =	sdelay $0x4  }
0x1c7: {  	v4 =	vmul.f32 v4, v5;
	_ =	sdelay $0x1  }
0x1c8: {  	[tilespmem:v2+s20+$0x60 ss:$0x1] =	vst.idx.msk $0xffff, v4  }
0x1c9: {  	v4 =	vld.idx.msk [tilespmem:v2+s20+$0x70 ss:$0x1], $0xffff;
	_ =	sdelay $0x4  }
0x1ca: {  	v4 =	vmul.f32 v4, v5;
	_ =	sdelay $0x1  }
0x1cb: {  	[tilespmem:v2+s20+$0x70 ss:$0x1] =	vst.idx.msk $0xffff, v4  }
0x1cc: {  	v4 =	vld.idx.msk [tilespmem:v2+s20+$0x80 ss:$0x1], $0xffff;
	_ =	sdelay $0x2  }
0x1cd: {  	v50 =	vbroadcast v3, $0x1;
	_ =	sdelay $0x1  }
0x1ce: {  	v4 =	vmul.f32 v4, v50;
	_ =	sdelay $0x1  }
0x1cf: {  	[tilespmem:v2+s20+$0x80 ss:$0x1] =	vst.idx.msk $0xffff, v4  }
0x1d0: {  	v4 =	vld.idx.msk [tilespmem:v2+s20+$0x90 ss:$0x1], $0xffff;
	_ =	sdelay $0x4  }
0x1d1: {  	v4 =	vmul.f32 v4, v50;
	_ =	sdelay $0x1  }
0x1d2: {  	[tilespmem:v2+s20+$0x90 ss:$0x1] =	vst.idx.msk $0xffff, v4  }
0x1d3: {  	v4 =	vld.idx.msk [tilespmem:v2+s20+$0xA0 ss:$0x1], $0xffff;
	_ =	sdelay $0x4  }
0x1d4: {  	v4 =	vmul.f32 v4, v50;
	_ =	sdelay $0x1  }
0x1d5: {  	[tilespmem:v2+s20+$0xA0 ss:$0x1] =	vst.idx.msk $0xffff, v4  }
0x1d6: {  	v4 =	vld.idx.msk [tilespmem:v2+s20+$0xB0 ss:$0x1], $0xffff;
	_ =	sdelay $0x4  }
0x1d7: {  	v4 =	vmul.f32 v4, v50;
	_ =	sdelay $0x1  }
0x1d8: {  	[tilespmem:v2+s20+$0xB0 ss:$0x1] =	vst.idx.msk $0xffff, v4  }
0x1d9: {  	v4 =	vld.idx.msk [tilespmem:v2+s20+$0xC0 ss:$0x1], $0xffff;
	_ =	sdelay $0x4  }
0x1da: {  	v4 =	vmul.f32 v4, v50;
	_ =	sdelay $0x1  }
0x1db: {  	[tilespmem:v2+s20+$0xC0 ss:$0x1] =	vst.idx.msk $0xffff, v4  }
0x1dc: {  	v4 =	vld.idx.msk [tilespmem:v2+s20+$0xD0 ss:$0x1], $0xffff;
	_ =	sdelay $0x4  }
0x1dd: {  	v4 =	vmul.f32 v4, v50;
	_ =	sdelay $0x1  }
0x1de: {  	[tilespmem:v2+s20+$0xD0 ss:$0x1] =	vst.idx.msk $0xffff, v4  }
0x1df: {  	v4 =	vld.idx.msk [tilespmem:v2+s20+$0xE0 ss:$0x1], $0xffff;
	_ =	sdelay $0x4  }
0x1e0: {  	v4 =	vmul.f32 v4, v50;
	_ =	sdelay $0x1  }
0x1e1: {  	[tilespmem:v2+s20+$0xE0 ss:$0x1] =	vst.idx.msk $0xffff, v4  }
0x1e2: {  	v4 =	vld.idx.msk [tilespmem:v2+s20+$0xF0 ss:$0x1], $0xffff;
	_ =	sdelay $0x4  }
0x1e3: {  	v4 =	vmul.f32 v4, v50;
	_ =	sdelay $0x1  }
0x1e4: {  	[tilespmem:v2+s20+$0xF0 ss:$0x1] =	vst.idx.msk $0xffff, v4  }
0x1e5: {  	v4 =	vld.idx.msk [tilespmem:v2+s20+$0x100 ss:$0x1], $0xffff;
	_ =	sdelay $0x2  }
0x1e6: {  	v51 =	vbroadcast v3, $0x2;
	_ =	sdelay $0x1  }
0x1e7: {  	v4 =	vmul.f32 v4, v51;
	_ =	sdelay $0x1  }
0x1e8: {  	[tilespmem:v2+s20+$0x100 ss:$0x1] =	vst.idx.msk $0xffff, v4  }
0x1e9: {  	v4 =	vld.idx.msk [tilespmem:v2+s20+$0x110 ss:$0x1], $0xffff;
	_ =	sdelay $0x4  }
0x1ea: {  	v4 =	vmul.f32 v4, v51;
	_ =	sdelay $0x1  }
0x1eb: {  	[tilespmem:v2+s20+$0x110 ss:$0x1] =	vst.idx.msk $0xffff, v4  }
0x1ec: {  	v4 =	vld.idx.msk [tilespmem:v2+s20+$0x120 ss:$0x1], $0xffff;
	_ =	sdelay $0x4  }
0x1ed: {  	v4 =	vmul.f32 v4, v51;
	_ =	sdelay $0x1  }
0x1ee: {  	[tilespmem:v2+s20+$0x120 ss:$0x1] =	vst.idx.msk $0xffff, v4  }
0x1ef: {  	v4 =	vld.idx.msk [tilespmem:v2+s20+$0x130 ss:$0x1], $0xffff;
	_ =	sdelay $0x4  }
0x1f0: {  	v4 =	vmul.f32 v4, v51;
	_ =	sdelay $0x1  }
0x1f1: {  	[tilespmem:v2+s20+$0x130 ss:$0x1] =	vst.idx.msk $0xffff, v4  }
0x1f2: {  	v4 =	vld.idx.msk [tilespmem:v2+s20+$0x140 ss:$0x1], $0xffff;
	_ =	sdelay $0x4  }
0x1f3: {  	v4 =	vmul.f32 v4, v51;
	_ =	sdelay $0x1  }
0x1f4: {  	[tilespmem:v2+s20+$0x140 ss:$0x1] =	vst.idx.msk $0xffff, v4  }
0x1f5: {  	v4 =	vld.idx.msk [tilespmem:v2+s20+$0x150 ss:$0x1], $0xffff;
	_ =	sdelay $0x4  }
0x1f6: {  	v4 =	vmul.f32 v4, v51;
	_ =	sdelay $0x1  }
0x1f7: {  	[tilespmem:v2+s20+$0x150 ss:$0x1] =	vst.idx.msk $0xffff, v4  }
0x1f8: {  	v4 =	vld.idx.msk [tilespmem:v2+s20+$0x160 ss:$0x1], $0xffff;
	_ =	sdelay $0x4  }
0x1f9: {  	v4 =	vmul.f32 v4, v51;
	_ =	sdelay $0x1  }
0x1fa: {  	[tilespmem:v2+s20+$0x160 ss:$0x1] =	vst.idx.msk $0xffff, v4  }
0x1fb: {  	v4 =	vld.idx.msk [tilespmem:v2+s20+$0x170 ss:$0x1], $0xffff;
	_ =	sdelay $0x4  }
0x1fc: {  	v4 =	vmul.f32 v4, v51;
	_ =	sdelay $0x1  }
0x1fd: {  	[tilespmem:v2+s20+$0x170 ss:$0x1] =	vst.idx.msk $0xffff, v4  }
0x1fe: {  	v4 =	vld.idx.msk [tilespmem:v2+s20+$0x180 ss:$0x1], $0xffff;
	_ =	sdelay $0x2  }
0x1ff: {  	v52 =	vbroadcast v3, $0x3;
	_ =	sdelay $0x1  }
0x200: {  	v4 =	vmul.f32 v4, v52;
	_ =	sdelay $0x1  }
0x201: {  	[tilespmem:v2+s20+$0x180 ss:$0x1] =	vst.idx.msk $0xffff, v4  }
0x202: {  	v4 =	vld.idx.msk [tilespmem:v2+s20+$0x190 ss:$0x1], $0xffff;
	_ =	sdelay $0x4  }
0x203: {  	v4 =	vmul.f32 v4, v52;
	_ =	sdelay $0x1  }
0x204: {  	[tilespmem:v2+s20+$0x190 ss:$0x1] =	vst.idx.msk $0xffff, v4  }
0x205: {  	v4 =	vld.idx.msk [tilespmem:v2+s20+$0x1A0 ss:$0x1], $0xffff;
	_ =	sdelay $0x4  }
0x206: {  	v4 =	vmul.f32 v4, v52;
	_ =	sdelay $0x1  }
0x207: {  	[tilespmem:v2+s20+$0x1A0 ss:$0x1] =	vst.idx.msk $0xffff, v4  }
0x208: {  	v4 =	vld.idx.msk [tilespmem:v2+s20+$0x1B0 ss:$0x1], $0xffff;
	_ =	sdelay $0x4  }
0x209: {  	v4 =	vmul.f32 v4, v52;
	_ =	sdelay $0x1  }
0x20a: {  	[tilespmem:v2+s20+$0x1B0 ss:$0x1] =	vst.idx.msk $0xffff, v4  }
0x20b: {  	v4 =	vld.idx.msk [tilespmem:v2+s20+$0x1C0 ss:$0x1], $0xffff;
	_ =	sdelay $0x4  }
0x20c: {  	v4 =	vmul.f32 v4, v52;
	_ =	sdelay $0x1  }
0x20d: {  	[tilespmem:v2+s20+$0x1C0 ss:$0x1] =	vst.idx.msk $0xffff, v4  }
0x20e: {  	v4 =	vld.idx.msk [tilespmem:v2+s20+$0x1D0 ss:$0x1], $0xffff;
	_ =	sdelay $0x4  }
0x20f: {  	v4 =	vmul.f32 v4, v52;
	_ =	sdelay $0x1  }
0x210: {  	[tilespmem:v2+s20+$0x1D0 ss:$0x1] =	vst.idx.msk $0xffff, v4  }
0x211: {  	v4 =	vld.idx.msk [tilespmem:v2+s20+$0x1E0 ss:$0x1], $0xffff;
	_ =	sdelay $0x4  }
0x212: {  	v4 =	vmul.f32 v4, v52;
	_ =	sdelay $0x1  }
0x213: {  	[tilespmem:v2+s20+$0x1E0 ss:$0x1] =	vst.idx.msk $0xffff, v4  }
0x214: {  	v4 =	vld.idx.msk [tilespmem:v2+s20+$0x1F0 ss:$0x1], $0xffff;
	_ =	sdelay $0x4  }
0x215: {  	v4 =	vmul.f32 v4, v52;
	_ =	sdelay $0x1  }
0x216: {  	[tilespmem:v2+s20+$0x1F0 ss:$0x1] =	vst.idx.msk $0xffff, v4  }
0x217: {  	v4 =	vld.idx.msk [tilespmem:v2+s20+$0x200 ss:$0x1], $0xffff;
	_ =	sdelay $0x2  }
0x218: {  	v53 =	vbroadcast v3, $0x4;
	_ =	sdelay $0x1  }
0x219: {  	v4 =	vmul.f32 v4, v53;
	_ =	sdelay $0x1  }
0x21a: {  	[tilespmem:v2+s20+$0x200 ss:$0x1] =	vst.idx.msk $0xffff, v4  }
0x21b: {  	v4 =	vld.idx.msk [tilespmem:v2+s20+$0x210 ss:$0x1], $0xffff;
	_ =	sdelay $0x4  }
0x21c: {  	v4 =	vmul.f32 v4, v53;
	_ =	sdelay $0x1  }
0x21d: {  	[tilespmem:v2+s20+$0x210 ss:$0x1] =	vst.idx.msk $0xffff, v4  }
0x21e: {  	v4 =	vld.idx.msk [tilespmem:v2+s20+$0x220 ss:$0x1], $0xffff;
	_ =	sdelay $0x4  }
0x21f: {  	v4 =	vmul.f32 v4, v53;
	_ =	sdelay $0x1  }
0x220: {  	[tilespmem:v2+s20+$0x220 ss:$0x1] =	vst.idx.msk $0xffff, v4  }
0x221: {  	v4 =	vld.idx.msk [tilespmem:v2+s20+$0x230 ss:$0x1], $0xffff;
	_ =	sdelay $0x4  }
0x222: {  	v4 =	vmul.f32 v4, v53;
	_ =	sdelay $0x1  }
0x223: {  	[tilespmem:v2+s20+$0x230 ss:$0x1] =	vst.idx.msk $0xffff, v4  }
0x224: {  	v4 =	vld.idx.msk [tilespmem:v2+s20+$0x240 ss:$0x1], $0xffff;
	_ =	sdelay $0x4  }
0x225: {  	v4 =	vmul.f32 v4, v53;
	_ =	sdelay $0x1  }
0x226: {  	[tilespmem:v2+s20+$0x240 ss:$0x1] =	vst.idx.msk $0xffff, v4  }
0x227: {  	v4 =	vld.idx.msk [tilespmem:v2+s20+$0x250 ss:$0x1], $0xffff;
	_ =	sdelay $0x4  }
0x228: {  	v4 =	vmul.f32 v4, v53;
	_ =	sdelay $0x1  }
0x229: {  	[tilespmem:v2+s20+$0x250 ss:$0x1] =	vst.idx.msk $0xffff, v4  }
0x22a: {  	v4 =	vld.idx.msk [tilespmem:v2+s20+$0x260 ss:$0x1], $0xffff;
	_ =	sdelay $0x4  }
0x22b: {  	v4 =	vmul.f32 v4, v53;
	_ =	sdelay $0x1  }
0x22c: {  	[tilespmem:v2+s20+$0x260 ss:$0x1] =	vst.idx.msk $0xffff, v4  }
0x22d: {  	v4 =	vld.idx.msk [tilespmem:v2+s20+$0x270 ss:$0x1], $0xffff;
	_ =	sdelay $0x4  }
0x22e: {  	v4 =	vmul.f32 v4, v53;
	_ =	sdelay $0x1  }
0x22f: {  	[tilespmem:v2+s20+$0x270 ss:$0x1] =	vst.idx.msk $0xffff, v4  }
0x230: {  	v4 =	vld.idx.msk [tilespmem:v2+s20+$0x280 ss:$0x1], $0xffff;
	_ =	sdelay $0x2  }
0x231: {  	v54 =	vbroadcast v3, $0x5;
	_ =	sdelay $0x1  }
0x232: {  	v4 =	vmul.f32 v4, v54;
	_ =	sdelay $0x1  }
0x233: {  	[tilespmem:v2+s20+$0x280 ss:$0x1] =	vst.idx.msk $0xffff, v4  }
0x234: {  	v4 =	vld.idx.msk [tilespmem:v2+s20+$0x290 ss:$0x1], $0xffff;
	_ =	sdelay $0x4  }
0x235: {  	v4 =	vmul.f32 v4, v54;
	_ =	sdelay $0x1  }
0x236: {  	[tilespmem:v2+s20+$0x290 ss:$0x1] =	vst.idx.msk $0xffff, v4  }
0x237: {  	v4 =	vld.idx.msk [tilespmem:v2+s20+$0x2A0 ss:$0x1], $0xffff;
	_ =	sdelay $0x4  }
0x238: {  	v4 =	vmul.f32 v4, v54;
	_ =	sdelay $0x1  }
0x239: {  	[tilespmem:v2+s20+$0x2A0 ss:$0x1] =	vst.idx.msk $0xffff, v4  }
0x23a: {  	v4 =	vld.idx.msk [tilespmem:v2+s20+$0x2B0 ss:$0x1], $0xffff;
	_ =	sdelay $0x4  }
0x23b: {  	v4 =	vmul.f32 v4, v54;
	_ =	sdelay $0x1  }
0x23c: {  	[tilespmem:v2+s20+$0x2B0 ss:$0x1] =	vst.idx.msk $0xffff, v4  }
0x23d: {  	v4 =	vld.idx.msk [tilespmem:v2+s20+$0x2C0 ss:$0x1], $0xffff;
	_ =	sdelay $0x4  }
0x23e: {  	v4 =	vmul.f32 v4, v54;
	_ =	sdelay $0x1  }
0x23f: {  	[tilespmem:v2+s20+$0x2C0 ss:$0x1] =	vst.idx.msk $0xffff, v4  }
0x240: {  	v4 =	vld.idx.msk [tilespmem:v2+s20+$0x2D0 ss:$0x1], $0xffff;
	_ =	sdelay $0x4  }
0x241: {  	v4 =	vmul.f32 v4, v54;
	_ =	sdelay $0x1  }
0x242: {  	[tilespmem:v2+s20+$0x2D0 ss:$0x1] =	vst.idx.msk $0xffff, v4  }
0x243: {  	v4 =	vld.idx.msk [tilespmem:v2+s20+$0x2E0 ss:$0x1], $0xffff;
	_ =	sdelay $0x4  }
0x244: {  	v4 =	vmul.f32 v4, v54;
	_ =	sdelay $0x1  }
0x245: {  	[tilespmem:v2+s20+$0x2E0 ss:$0x1] =	vst.idx.msk $0xffff, v4  }
0x246: {  	v4 =	vld.idx.msk [tilespmem:v2+s20+$0x2F0 ss:$0x1], $0xffff;
	_ =	sdelay $0x4  }
0x247: {  	v4 =	vmul.f32 v4, v54;
	_ =	sdelay $0x1  }
0x248: {  	[tilespmem:v2+s20+$0x2F0 ss:$0x1] =	vst.idx.msk $0xffff, v4  }
0x249: {  	v4 =	vld.idx.msk [tilespmem:v2+s20+$0x300 ss:$0x1], $0xffff;
	_ =	sdelay $0x2  }
0x24a: {  	v55 =	vbroadcast v3, $0x6;
	_ =	sdelay $0x1  }
0x24b: {  	v4 =	vmul.f32 v4, v55;
	_ =	sdelay $0x1  }
0x24c: {  	[tilespmem:v2+s20+$0x300 ss:$0x1] =	vst.idx.msk $0xffff, v4  }
0x24d: {  	v4 =	vld.idx.msk [tilespmem:v2+s20+$0x310 ss:$0x1], $0xffff;
	_ =	sdelay $0x4  }
0x24e: {  	v4 =	vmul.f32 v4, v55;
	_ =	sdelay $0x1  }
0x24f: {  	[tilespmem:v2+s20+$0x310 ss:$0x1] =	vst.idx.msk $0xffff, v4  }
0x250: {  	v4 =	vld.idx.msk [tilespmem:v2+s20+$0x320 ss:$0x1], $0xffff;
	_ =	sdelay $0x4  }
0x251: {  	v4 =	vmul.f32 v4, v55;
	_ =	sdelay $0x1  }
0x252: {  	[tilespmem:v2+s20+$0x320 ss:$0x1] =	vst.idx.msk $0xffff, v4  }
0x253: {  	v4 =	vld.idx.msk [tilespmem:v2+s20+$0x330 ss:$0x1], $0xffff;
	_ =	sdelay $0x4  }
0x254: {  	v4 =	vmul.f32 v4, v55;
	_ =	sdelay $0x1  }
0x255: {  	[tilespmem:v2+s20+$0x330 ss:$0x1] =	vst.idx.msk $0xffff, v4  }
0x256: {  	v4 =	vld.idx.msk [tilespmem:v2+s20+$0x340 ss:$0x1], $0xffff;
	_ =	sdelay $0x4  }
0x257: {  	v4 =	vmul.f32 v4, v55;
	_ =	sdelay $0x1  }
0x258: {  	[tilespmem:v2+s20+$0x340 ss:$0x1] =	vst.idx.msk $0xffff, v4  }
0x259: {  	v4 =	vld.idx.msk [tilespmem:v2+s20+$0x350 ss:$0x1], $0xffff;
	_ =	sdelay $0x4  }
0x25a: {  	v4 =	vmul.f32 v4, v55;
	_ =	sdelay $0x1  }
0x25b: {  	[tilespmem:v2+s20+$0x350 ss:$0x1] =	vst.idx.msk $0xffff, v4  }
0x25c: {  	v4 =	vld.idx.msk [tilespmem:v2+s20+$0x360 ss:$0x1], $0xffff;
	_ =	sdelay $0x4  }
0x25d: {  	v4 =	vmul.f32 v4, v55;
	_ =	sdelay $0x1  }
0x25e: {  	[tilespmem:v2+s20+$0x360 ss:$0x1] =	vst.idx.msk $0xffff, v4  }
0x25f: {  	v4 =	vld.idx.msk [tilespmem:v2+s20+$0x370 ss:$0x1], $0xffff;
	_ =	sdelay $0x4  }
0x260: {  	v4 =	vmul.f32 v4, v55;
	_ =	sdelay $0x1  }
0x261: {  	[tilespmem:v2+s20+$0x370 ss:$0x1] =	vst.idx.msk $0xffff, v4  }
0x262: {  	v4 =	vld.idx.msk [tilespmem:v2+s20+$0x380 ss:$0x1], $0xffff;
	_ =	sdelay $0x2  }
0x263: {  	v56 =	vbroadcast v3, $0x7;
	_ =	sdelay $0x1  }
0x264: {  	v4 =	vmul.f32 v4, v56;
	_ =	sdelay $0x1  }
0x265: {  	[tilespmem:v2+s20+$0x380 ss:$0x1] =	vst.idx.msk $0xffff, v4  }
0x266: {  	v4 =	vld.idx.msk [tilespmem:v2+s20+$0x390 ss:$0x1], $0xffff;
	_ =	sdelay $0x4  }
0x267: {  	v4 =	vmul.f32 v4, v56;
	_ =	sdelay $0x1  }
0x268: {  	[tilespmem:v2+s20+$0x390 ss:$0x1] =	vst.idx.msk $0xffff, v4  }
0x269: {  	v4 =	vld.idx.msk [tilespmem:v2+s20+$0x3A0 ss:$0x1], $0xffff;
	_ =	sdelay $0x4  }
0x26a: {  	v4 =	vmul.f32 v4, v56;
	_ =	sdelay $0x1  }
0x26b: {  	[tilespmem:v2+s20+$0x3A0 ss:$0x1] =	vst.idx.msk $0xffff, v4  }
0x26c: {  	v4 =	vld.idx.msk [tilespmem:v2+s20+$0x3B0 ss:$0x1], $0xffff;
	_ =	sdelay $0x4  }
0x26d: {  	v4 =	vmul.f32 v4, v56;
	_ =	sdelay $0x1  }
0x26e: {  	[tilespmem:v2+s20+$0x3B0 ss:$0x1] =	vst.idx.msk $0xffff, v4  }
0x26f: {  	v4 =	vld.idx.msk [tilespmem:v2+s20+$0x3C0 ss:$0x1], $0xffff;
	_ =	sdelay $0x4  }
0x270: {  	v4 =	vmul.f32 v4, v56;
	_ =	sdelay $0x1  }
0x271: {  	[tilespmem:v2+s20+$0x3C0 ss:$0x1] =	vst.idx.msk $0xffff, v4  }
0x272: {  	v4 =	vld.idx.msk [tilespmem:v2+s20+$0x3D0 ss:$0x1], $0xffff;
	_ =	sdelay $0x4  }
0x273: {  	v4 =	vmul.f32 v4, v56;
	_ =	sdelay $0x1  }
0x274: {  	[tilespmem:v2+s20+$0x3D0 ss:$0x1] =	vst.idx.msk $0xffff, v4  }
0x275: {  	v4 =	vld.idx.msk [tilespmem:v2+s20+$0x3E0 ss:$0x1], $0xffff;
	_ =	sdelay $0x4  }
0x276: {  	v4 =	vmul.f32 v4, v56;
	_ =	sdelay $0x1  }
0x277: {  	[tilespmem:v2+s20+$0x3E0 ss:$0x1] =	vst.idx.msk $0xffff, v4  }
0x278: {  	v4 =	vld.idx.msk [tilespmem:v2+s20+$0x3F0 ss:$0x1], $0xffff;
	_ =	sdelay $0x4  }
0x279: {  	v4 =	vmul.f32 v4, v56;
	_ =	sdelay $0x1  }
0x27a: {  	[tilespmem:v2+s20+$0x3F0 ss:$0x1] =	vst.idx.msk $0xffff, v4  }
0x27b: {  	v4 =	vld.idx.msk [tilespmem:v2+s20+$0x400 ss:$0x1], $0xffff;
	_ =	sdelay $0x2  }
0x27c: {  	v57 =	vbroadcast v3, $0x8;
	_ =	sdelay $0x1  }
0x27d: {  	v4 =	vmul.f32 v4, v57;
	_ =	sdelay $0x1  }
0x27e: {  	[tilespmem:v2+s20+$0x400 ss:$0x1] =	vst.idx.msk $0xffff, v4  }
0x27f: {  	v4 =	vld.idx.msk [tilespmem:v2+s20+$0x410 ss:$0x1], $0xffff;
	_ =	sdelay $0x4  }
0x280: {  	v4 =	vmul.f32 v4, v57;
	_ =	sdelay $0x1  }
0x281: {  	[tilespmem:v2+s20+$0x410 ss:$0x1] =	vst.idx.msk $0xffff, v4  }
0x282: {  	v4 =	vld.idx.msk [tilespmem:v2+s20+$0x420 ss:$0x1], $0xffff;
	_ =	sdelay $0x4  }
0x283: {  	v4 =	vmul.f32 v4, v57;
	_ =	sdelay $0x1  }
0x284: {  	[tilespmem:v2+s20+$0x420 ss:$0x1] =	vst.idx.msk $0xffff, v4  }
0x285: {  	v4 =	vld.idx.msk [tilespmem:v2+s20+$0x430 ss:$0x1], $0xffff;
	_ =	sdelay $0x4  }
0x286: {  	v4 =	vmul.f32 v4, v57;
	_ =	sdelay $0x1  }
0x287: {  	[tilespmem:v2+s20+$0x430 ss:$0x1] =	vst.idx.msk $0xffff, v4  }
0x288: {  	v4 =	vld.idx.msk [tilespmem:v2+s20+$0x440 ss:$0x1], $0xffff;
	_ =	sdelay $0x4  }
0x289: {  	v4 =	vmul.f32 v4, v57;
	_ =	sdelay $0x1  }
0x28a: {  	[tilespmem:v2+s20+$0x440 ss:$0x1] =	vst.idx.msk $0xffff, v4  }
0x28b: {  	v4 =	vld.idx.msk [tilespmem:v2+s20+$0x450 ss:$0x1], $0xffff;
	_ =	sdelay $0x4  }
0x28c: {  	v4 =	vmul.f32 v4, v57;
	_ =	sdelay $0x1  }
0x28d: {  	[tilespmem:v2+s20+$0x450 ss:$0x1] =	vst.idx.msk $0xffff, v4  }
0x28e: {  	v4 =	vld.idx.msk [tilespmem:v2+s20+$0x460 ss:$0x1], $0xffff;
	_ =	sdelay $0x4  }
0x28f: {  	v4 =	vmul.f32 v4, v57;
	_ =	sdelay $0x1  }
0x290: {  	[tilespmem:v2+s20+$0x460 ss:$0x1] =	vst.idx.msk $0xffff, v4  }
0x291: {  	v4 =	vld.idx.msk [tilespmem:v2+s20+$0x470 ss:$0x1], $0xffff;
	_ =	sdelay $0x4  }
0x292: {  	v4 =	vmul.f32 v4, v57;
	_ =	sdelay $0x1  }
0x293: {  	[tilespmem:v2+s20+$0x470 ss:$0x1] =	vst.idx.msk $0xffff, v4  }
0x294: {  	v4 =	vld.idx.msk [tilespmem:v2+s20+$0x480 ss:$0x1], $0xffff;
	_ =	sdelay $0x2  }
0x295: {  	v58 =	vbroadcast v3, $0x9;
	_ =	sdelay $0x1  }
0x296: {  	v4 =	vmul.f32 v4, v58;
	_ =	sdelay $0x1  }
0x297: {  	[tilespmem:v2+s20+$0x480 ss:$0x1] =	vst.idx.msk $0xffff, v4  }
0x298: {  	v4 =	vld.idx.msk [tilespmem:v2+s20+$0x490 ss:$0x1], $0xffff;
	_ =	sdelay $0x4  }
0x299: {  	v4 =	vmul.f32 v4, v58;
	_ =	sdelay $0x1  }
0x29a: {  	[tilespmem:v2+s20+$0x490 ss:$0x1] =	vst.idx.msk $0xffff, v4  }
0x29b: {  	v4 =	vld.idx.msk [tilespmem:v2+s20+$0x4A0 ss:$0x1], $0xffff;
	_ =	sdelay $0x4  }
0x29c: {  	v4 =	vmul.f32 v4, v58;
	_ =	sdelay $0x1  }
0x29d: {  	[tilespmem:v2+s20+$0x4A0 ss:$0x1] =	vst.idx.msk $0xffff, v4  }
0x29e: {  	v4 =	vld.idx.msk [tilespmem:v2+s20+$0x4B0 ss:$0x1], $0xffff;
	_ =	sdelay $0x4  }
0x29f: {  	v4 =	vmul.f32 v4, v58;
	_ =	sdelay $0x1  }
0x2a0: {  	[tilespmem:v2+s20+$0x4B0 ss:$0x1] =	vst.idx.msk $0xffff, v4  }
0x2a1: {  	v4 =	vld.idx.msk [tilespmem:v2+s20+$0x4C0 ss:$0x1], $0xffff;
	_ =	sdelay $0x4  }
0x2a2: {  	v4 =	vmul.f32 v4, v58;
	_ =	sdelay $0x1  }
0x2a3: {  	[tilespmem:v2+s20+$0x4C0 ss:$0x1] =	vst.idx.msk $0xffff, v4  }
0x2a4: {  	v4 =	vld.idx.msk [tilespmem:v2+s20+$0x4D0 ss:$0x1], $0xffff;
	_ =	sdelay $0x4  }
0x2a5: {  	v4 =	vmul.f32 v4, v58;
	_ =	sdelay $0x1  }
0x2a6: {  	[tilespmem:v2+s20+$0x4D0 ss:$0x1] =	vst.idx.msk $0xffff, v4  }
0x2a7: {  	v4 =	vld.idx.msk [tilespmem:v2+s20+$0x4E0 ss:$0x1], $0xffff;
	_ =	sdelay $0x4  }
0x2a8: {  	v4 =	vmul.f32 v4, v58;
	_ =	sdelay $0x1  }
0x2a9: {  	[tilespmem:v2+s20+$0x4E0 ss:$0x1] =	vst.idx.msk $0xffff, v4  }
0x2aa: {  	v4 =	vld.idx.msk [tilespmem:v2+s20+$0x4F0 ss:$0x1], $0xffff;
	_ =	sdelay $0x4  }
0x2ab: {  	v4 =	vmul.f32 v4, v58;
	_ =	sdelay $0x1  }
0x2ac: {  	[tilespmem:v2+s20+$0x4F0 ss:$0x1] =	vst.idx.msk $0xffff, v4  }
0x2ad: {  	v4 =	vld.idx.msk [tilespmem:v2+s20+$0x500 ss:$0x1], $0xffff;
	_ =	sdelay $0x2  }
0x2ae: {  	v59 =	vbroadcast v3, $0xA;
	_ =	sdelay $0x1  }
0x2af: {  	v4 =	vmul.f32 v4, v59;
	_ =	sdelay $0x1  }
0x2b0: {  	[tilespmem:v2+s20+$0x500 ss:$0x1] =	vst.idx.msk $0xffff, v4  }
0x2b1: {  	v4 =	vld.idx.msk [tilespmem:v2+s20+$0x510 ss:$0x1], $0xffff;
	_ =	sdelay $0x4  }
0x2b2: {  	v4 =	vmul.f32 v4, v59;
	_ =	sdelay $0x1  }
0x2b3: {  	[tilespmem:v2+s20+$0x510 ss:$0x1] =	vst.idx.msk $0xffff, v4  }
0x2b4: {  	v4 =	vld.idx.msk [tilespmem:v2+s20+$0x520 ss:$0x1], $0xffff;
	_ =	sdelay $0x4  }
0x2b5: {  	v4 =	vmul.f32 v4, v59;
	_ =	sdelay $0x1  }
0x2b6: {  	[tilespmem:v2+s20+$0x520 ss:$0x1] =	vst.idx.msk $0xffff, v4  }
0x2b7: {  	v4 =	vld.idx.msk [tilespmem:v2+s20+$0x530 ss:$0x1], $0xffff;
	_ =	sdelay $0x4  }
0x2b8: {  	v4 =	vmul.f32 v4, v59;
	_ =	sdelay $0x1  }
0x2b9: {  	[tilespmem:v2+s20+$0x530 ss:$0x1] =	vst.idx.msk $0xffff, v4  }
0x2ba: {  	v4 =	vld.idx.msk [tilespmem:v2+s20+$0x540 ss:$0x1], $0xffff;
	_ =	sdelay $0x4  }
0x2bb: {  	v4 =	vmul.f32 v4, v59;
	_ =	sdelay $0x1  }
0x2bc: {  	[tilespmem:v2+s20+$0x540 ss:$0x1] =	vst.idx.msk $0xffff, v4  }
0x2bd: {  	v4 =	vld.idx.msk [tilespmem:v2+s20+$0x550 ss:$0x1], $0xffff;
	_ =	sdelay $0x4  }
0x2be: {  	v4 =	vmul.f32 v4, v59;
	_ =	sdelay $0x1  }
0x2bf: {  	[tilespmem:v2+s20+$0x550 ss:$0x1] =	vst.idx.msk $0xffff, v4  }
0x2c0: {  	v4 =	vld.idx.msk [tilespmem:v2+s20+$0x560 ss:$0x1], $0xffff;
	_ =	sdelay $0x4  }
0x2c1: {  	v4 =	vmul.f32 v4, v59;
	_ =	sdelay $0x1  }
0x2c2: {  	[tilespmem:v2+s20+$0x560 ss:$0x1] =	vst.idx.msk $0xffff, v4  }
0x2c3: {  	v4 =	vld.idx.msk [tilespmem:v2+s20+$0x570 ss:$0x1], $0xffff;
	_ =	sdelay $0x4  }
0x2c4: {  	v4 =	vmul.f32 v4, v59;
	_ =	sdelay $0x1  }
0x2c5: {  	[tilespmem:v2+s20+$0x570 ss:$0x1] =	vst.idx.msk $0xffff, v4  }
0x2c6: {  	v4 =	vld.idx.msk [tilespmem:v2+s20+$0x580 ss:$0x1], $0xffff;
	_ =	sdelay $0x2  }
0x2c7: {  	v60 =	vbroadcast v3, $0xB;
	_ =	sdelay $0x1  }
0x2c8: {  	v4 =	vmul.f32 v4, v60;
	_ =	sdelay $0x1  }
0x2c9: {  	[tilespmem:v2+s20+$0x580 ss:$0x1] =	vst.idx.msk $0xffff, v4  }
0x2ca: {  	v4 =	vld.idx.msk [tilespmem:v2+s20+$0x590 ss:$0x1], $0xffff;
	_ =	sdelay $0x4  }
0x2cb: {  	v4 =	vmul.f32 v4, v60;
	_ =	sdelay $0x1  }
0x2cc: {  	[tilespmem:v2+s20+$0x590 ss:$0x1] =	vst.idx.msk $0xffff, v4  }
0x2cd: {  	v4 =	vld.idx.msk [tilespmem:v2+s20+$0x5A0 ss:$0x1], $0xffff;
	_ =	sdelay $0x4  }
0x2ce: {  	v4 =	vmul.f32 v4, v60;
	_ =	sdelay $0x1  }
0x2cf: {  	[tilespmem:v2+s20+$0x5A0 ss:$0x1] =	vst.idx.msk $0xffff, v4  }
0x2d0: {  	v4 =	vld.idx.msk [tilespmem:v2+s20+$0x5B0 ss:$0x1], $0xffff;
	_ =	sdelay $0x4  }
0x2d1: {  	v4 =	vmul.f32 v4, v60;
	_ =	sdelay $0x1  }
0x2d2: {  	[tilespmem:v2+s20+$0x5B0 ss:$0x1] =	vst.idx.msk $0xffff, v4  }
0x2d3: {  	v4 =	vld.idx.msk [tilespmem:v2+s20+$0x5C0 ss:$0x1], $0xffff;
	_ =	sdelay $0x4  }
0x2d4: {  	v4 =	vmul.f32 v4, v60;
	_ =	sdelay $0x1  }
0x2d5: {  	[tilespmem:v2+s20+$0x5C0 ss:$0x1] =	vst.idx.msk $0xffff, v4  }
0x2d6: {  	v4 =	vld.idx.msk [tilespmem:v2+s20+$0x5D0 ss:$0x1], $0xffff;
	_ =	sdelay $0x4  }
0x2d7: {  	v4 =	vmul.f32 v4, v60;
	_ =	sdelay $0x1  }
0x2d8: {  	[tilespmem:v2+s20+$0x5D0 ss:$0x1] =	vst.idx.msk $0xffff, v4  }
0x2d9: {  	v4 =	vld.idx.msk [tilespmem:v2+s20+$0x5E0 ss:$0x1], $0xffff;
	_ =	sdelay $0x4  }
0x2da: {  	v4 =	vmul.f32 v4, v60;
	_ =	sdelay $0x1  }
0x2db: {  	[tilespmem:v2+s20+$0x5E0 ss:$0x1] =	vst.idx.msk $0xffff, v4  }
0x2dc: {  	v4 =	vld.idx.msk [tilespmem:v2+s20+$0x5F0 ss:$0x1], $0xffff;
	_ =	sdelay $0x4  }
0x2dd: {  	v4 =	vmul.f32 v4, v60;
	_ =	sdelay $0x1  }
0x2de: {  	[tilespmem:v2+s20+$0x5F0 ss:$0x1] =	vst.idx.msk $0xffff, v4  }
0x2df: {  	v4 =	vld.idx.msk [tilespmem:v2+s20+$0x600 ss:$0x1], $0xffff;
	_ =	sdelay $0x2  }
0x2e0: {  	v61 =	vbroadcast v3, $0xC;
	_ =	sdelay $0x1  }
0x2e1: {  	v4 =	vmul.f32 v4, v61;
	_ =	sdelay $0x1  }
0x2e2: {  	[tilespmem:v2+s20+$0x600 ss:$0x1] =	vst.idx.msk $0xffff, v4  }
0x2e3: {  	v4 =	vld.idx.msk [tilespmem:v2+s20+$0x610 ss:$0x1], $0xffff;
	_ =	sdelay $0x4  }
0x2e4: {  	v4 =	vmul.f32 v4, v61;
	_ =	sdelay $0x1  }
0x2e5: {  	[tilespmem:v2+s20+$0x610 ss:$0x1] =	vst.idx.msk $0xffff, v4  }
0x2e6: {  	v4 =	vld.idx.msk [tilespmem:v2+s20+$0x620 ss:$0x1], $0xffff;
	_ =	sdelay $0x4  }
0x2e7: {  	v4 =	vmul.f32 v4, v61;
	_ =	sdelay $0x1  }
0x2e8: {  	[tilespmem:v2+s20+$0x620 ss:$0x1] =	vst.idx.msk $0xffff, v4  }
0x2e9: {  	v4 =	vld.idx.msk [tilespmem:v2+s20+$0x630 ss:$0x1], $0xffff;
	_ =	sdelay $0x4  }
0x2ea: {  	v4 =	vmul.f32 v4, v61;
	_ =	sdelay $0x1  }
0x2eb: {  	[tilespmem:v2+s20+$0x630 ss:$0x1] =	vst.idx.msk $0xffff, v4  }
0x2ec: {  	v4 =	vld.idx.msk [tilespmem:v2+s20+$0x640 ss:$0x1], $0xffff;
	_ =	sdelay $0x4  }
0x2ed: {  	v4 =	vmul.f32 v4, v61;
	_ =	sdelay $0x1  }
0x2ee: {  	[tilespmem:v2+s20+$0x640 ss:$0x1] =	vst.idx.msk $0xffff, v4  }
0x2ef: {  	v4 =	vld.idx.msk [tilespmem:v2+s20+$0x650 ss:$0x1], $0xffff;
	_ =	sdelay $0x4  }
0x2f0: {  	v4 =	vmul.f32 v4, v61;
	_ =	sdelay $0x1  }
0x2f1: {  	[tilespmem:v2+s20+$0x650 ss:$0x1] =	vst.idx.msk $0xffff, v4  }
0x2f2: {  	v4 =	vld.idx.msk [tilespmem:v2+s20+$0x660 ss:$0x1], $0xffff;
	_ =	sdelay $0x4  }
0x2f3: {  	v4 =	vmul.f32 v4, v61;
	_ =	sdelay $0x1  }
0x2f4: {  	[tilespmem:v2+s20+$0x660 ss:$0x1] =	vst.idx.msk $0xffff, v4  }
0x2f5: {  	v4 =	vld.idx.msk [tilespmem:v2+s20+$0x670 ss:$0x1], $0xffff;
	_ =	sdelay $0x4  }
0x2f6: {  	v4 =	vmul.f32 v4, v61;
	_ =	sdelay $0x1  }
0x2f7: {  	[tilespmem:v2+s20+$0x670 ss:$0x1] =	vst.idx.msk $0xffff, v4  }
0x2f8: {  	v4 =	vld.idx.msk [tilespmem:v2+s20+$0x680 ss:$0x1], $0xffff;
	_ =	sdelay $0x2  }
0x2f9: {  	v62 =	vbroadcast v3, $0xD;
	_ =	sdelay $0x1  }
0x2fa: {  	v4 =	vmul.f32 v4, v62;
	_ =	sdelay $0x1  }
0x2fb: {  	[tilespmem:v2+s20+$0x680 ss:$0x1] =	vst.idx.msk $0xffff, v4  }
0x2fc: {  	v4 =	vld.idx.msk [tilespmem:v2+s20+$0x690 ss:$0x1], $0xffff;
	_ =	sdelay $0x4  }
0x2fd: {  	v4 =	vmul.f32 v4, v62;
	_ =	sdelay $0x1  }
0x2fe: {  	[tilespmem:v2+s20+$0x690 ss:$0x1] =	vst.idx.msk $0xffff, v4  }
0x2ff: {  	v4 =	vld.idx.msk [tilespmem:v2+s20+$0x6A0 ss:$0x1], $0xffff;
	_ =	sdelay $0x4  }
0x300: {  	v4 =	vmul.f32 v4, v62;
	_ =	sdelay $0x1  }
0x301: {  	[tilespmem:v2+s20+$0x6A0 ss:$0x1] =	vst.idx.msk $0xffff, v4  }
0x302: {  	v4 =	vld.idx.msk [tilespmem:v2+s20+$0x6B0 ss:$0x1], $0xffff;
	_ =	sdelay $0x4  }
0x303: {  	v4 =	vmul.f32 v4, v62;
	_ =	sdelay $0x1  }
0x304: {  	[tilespmem:v2+s20+$0x6B0 ss:$0x1] =	vst.idx.msk $0xffff, v4  }
0x305: {  	v4 =	vld.idx.msk [tilespmem:v2+s20+$0x6C0 ss:$0x1], $0xffff;
	_ =	sdelay $0x4  }
0x306: {  	v4 =	vmul.f32 v4, v62;
	_ =	sdelay $0x1  }
0x307: {  	[tilespmem:v2+s20+$0x6C0 ss:$0x1] =	vst.idx.msk $0xffff, v4  }
0x308: {  	v4 =	vld.idx.msk [tilespmem:v2+s20+$0x6D0 ss:$0x1], $0xffff;
	_ =	sdelay $0x4  }
0x309: {  	v4 =	vmul.f32 v4, v62;
	_ =	sdelay $0x1  }
0x30a: {  	[tilespmem:v2+s20+$0x6D0 ss:$0x1] =	vst.idx.msk $0xffff, v4  }
0x30b: {  	v4 =	vld.idx.msk [tilespmem:v2+s20+$0x6E0 ss:$0x1], $0xffff;
	_ =	sdelay $0x4  }
0x30c: {  	v4 =	vmul.f32 v4, v62;
	_ =	sdelay $0x1  }
0x30d: {  	[tilespmem:v2+s20+$0x6E0 ss:$0x1] =	vst.idx.msk $0xffff, v4  }
0x30e: {  	v4 =	vld.idx.msk [tilespmem:v2+s20+$0x6F0 ss:$0x1], $0xffff;
	_ =	sdelay $0x4  }
0x30f: {  	v4 =	vmul.f32 v4, v62;
	_ =	sdelay $0x1  }
0x310: {  	[tilespmem:v2+s20+$0x6F0 ss:$0x1] =	vst.idx.msk $0xffff, v4  }
0x311: {  	v4 =	vld.idx.msk [tilespmem:v2+s20+$0x700 ss:$0x1], $0xffff;
	_ =	sdelay $0x2  }
0x312: {  	v63 =	vbroadcast v3, $0xE;
	_ =	sdelay $0x1  }
0x313: {  	v4 =	vmul.f32 v4, v63;
	_ =	sdelay $0x1  }
0x314: {  	[tilespmem:v2+s20+$0x700 ss:$0x1] =	vst.idx.msk $0xffff, v4  }
0x315: {  	v4 =	vld.idx.msk [tilespmem:v2+s20+$0x710 ss:$0x1], $0xffff;
	_ =	sdelay $0x4  }
0x316: {  	v4 =	vmul.f32 v4, v63;
	_ =	sdelay $0x1  }
0x317: {  	[tilespmem:v2+s20+$0x710 ss:$0x1] =	vst.idx.msk $0xffff, v4  }
0x318: {  	v4 =	vld.idx.msk [tilespmem:v2+s20+$0x720 ss:$0x1], $0xffff;
	_ =	sdelay $0x4  }
0x319: {  	v4 =	vmul.f32 v4, v63;
	_ =	sdelay $0x1  }
0x31a: {  	[tilespmem:v2+s20+$0x720 ss:$0x1] =	vst.idx.msk $0xffff, v4  }
0x31b: {  	v4 =	vld.idx.msk [tilespmem:v2+s20+$0x730 ss:$0x1], $0xffff;
	_ =	sdelay $0x4  }
0x31c: {  	v4 =	vmul.f32 v4, v63;
	_ =	sdelay $0x1  }
0x31d: {  	[tilespmem:v2+s20+$0x730 ss:$0x1] =	vst.idx.msk $0xffff, v4  }
0x31e: {  	v4 =	vld.idx.msk [tilespmem:v2+s20+$0x740 ss:$0x1], $0xffff;
	_ =	sdelay $0x4  }
0x31f: {  	v4 =	vmul.f32 v4, v63;
	_ =	sdelay $0x1  }
0x320: {  	[tilespmem:v2+s20+$0x740 ss:$0x1] =	vst.idx.msk $0xffff, v4  }
0x321: {  	v4 =	vld.idx.msk [tilespmem:v2+s20+$0x750 ss:$0x1], $0xffff;
	_ =	sdelay $0x4  }
0x322: {  	v4 =	vmul.f32 v4, v63;
	_ =	sdelay $0x1  }
0x323: {  	[tilespmem:v2+s20+$0x750 ss:$0x1] =	vst.idx.msk $0xffff, v4  }
0x324: {  	v4 =	vld.idx.msk [tilespmem:v2+s20+$0x760 ss:$0x1], $0xffff;
	_ =	sdelay $0x4  }
0x325: {  	v4 =	vmul.f32 v4, v63;
	_ =	sdelay $0x1  }
0x326: {  	[tilespmem:v2+s20+$0x760 ss:$0x1] =	vst.idx.msk $0xffff, v4  }
0x327: {  	v4 =	vld.idx.msk [tilespmem:v2+s20+$0x770 ss:$0x1], $0xffff;
	_ =	sdelay $0x4  }
0x328: {  	v4 =	vmul.f32 v4, v63;
	_ =	sdelay $0x1  }
0x329: {  	[tilespmem:v2+s20+$0x770 ss:$0x1] =	vst.idx.msk $0xffff, v4  }
0x32a: {  	v4 =	vld.idx.msk [tilespmem:v2+s20+$0x780 ss:$0x1], $0xffff;
	_ =	sdelay $0x2  }
0x32b: {  	v3 =	vbroadcast v3, $0xF;
	_ =	sdelay $0x1  }
0x32c: {  	v4 =	vmul.f32 v4, v3;
	_ =	sdelay $0x1  }
0x32d: {  	[tilespmem:v2+s20+$0x780 ss:$0x1] =	vst.idx.msk $0xffff, v4  }
0x32e: {  	v4 =	vld.idx.msk [tilespmem:v2+s20+$0x790 ss:$0x1], $0xffff;
	_ =	sdelay $0x4  }
0x32f: {  	v4 =	vmul.f32 v4, v3;
	_ =	sdelay $0x1  }
0x330: {  	[tilespmem:v2+s20+$0x790 ss:$0x1] =	vst.idx.msk $0xffff, v4  }
0x331: {  	v4 =	vld.idx.msk [tilespmem:v2+s20+$0x7A0 ss:$0x1], $0xffff;
	_ =	sdelay $0x4  }
0x332: {  	v4 =	vmul.f32 v4, v3;
	_ =	sdelay $0x1  }
0x333: {  	[tilespmem:v2+s20+$0x7A0 ss:$0x1] =	vst.idx.msk $0xffff, v4  }
0x334: {  	v4 =	vld.idx.msk [tilespmem:v2+s20+$0x7B0 ss:$0x1], $0xffff;
	_ =	sdelay $0x4  }
0x335: {  	v4 =	vmul.f32 v4, v3;
	_ =	sdelay $0x1  }
0x336: {  	[tilespmem:v2+s20+$0x7B0 ss:$0x1] =	vst.idx.msk $0xffff, v4  }
0x337: {  	v4 =	vld.idx.msk [tilespmem:v2+s20+$0x7C0 ss:$0x1], $0xffff;
	_ =	sdelay $0x4  }
0x338: {  	v4 =	vmul.f32 v4, v3;
	_ =	sdelay $0x1  }
0x339: {  	[tilespmem:v2+s20+$0x7C0 ss:$0x1] =	vst.idx.msk $0xffff, v4  }
0x33a: {  	v4 =	vld.idx.msk [tilespmem:v2+s20+$0x7D0 ss:$0x1], $0xffff;
	_ =	sdelay $0x4  }
0x33b: {  	v4 =	vmul.f32 v4, v3;
	_ =	sdelay $0x1  }
0x33c: {  	[tilespmem:v2+s20+$0x7D0 ss:$0x1] =	vst.idx.msk $0xffff, v4  }
0x33d: {  	v4 =	vld.idx.msk [tilespmem:v2+s20+$0x7E0 ss:$0x1], $0xffff;
	_ =	sdelay $0x4  }
0x33e: {  	v4 =	vmul.f32 v4, v3;
	_ =	sdelay $0x1  }
0x33f: {  	[tilespmem:v2+s20+$0x7E0 ss:$0x1] =	vst.idx.msk $0xffff, v4  }
0x340: {  	v4 =	vld.idx.msk [tilespmem:v2+s20+$0x7F0 ss:$0x1], $0xffff;
	_ =	sdelay $0x1  }
0x341: {  	p2 =	sne.s32 s19, $0x4  }
.Ltmp1:
0x342: {  	_ = 	snop;
	(pc) =	sbr.rel @p2 .LBB2_5-.Ltmp1, $3  }
0x343: {  	_ = 	snop  }
0x344: {  	v3 =	vmul.f32 v4, v3;
	_ =	sdelay $0x1  }
0x345: {  	s19 =	sadd.s32 $0x1, s19;
	[tilespmem:v2+s20+$0x7F0 ss:$0x1] =	vst.idx.msk $0xffff, v3  }
0x346: {  	p2 =	sne.s32 s15, $0x7D  }
.Ltmp2:
0x347: {  	_ = 	snop;
	(pc) =	sbr.rel @p2 .LBB2_2-.Ltmp2, $4  }
0x348: {  	_ = 	snop  }
0x349: {  	s18 =	sadd.s32 $0x400, s18;
	s16 =	sadd.s32 $0x2, s16  }
0x34a: {  	[spmem:s5] =	stream.indirect.scatter.add.f32 [tilespmem:s17], [sflag:s16], $0x80, s18, s10, $0xb8;
	[tilespmem:$0x1BE80] =	vst v63  }
0x34b: {  	s16 =	smov.u32 s15  }
0x34c: {  	_ =	swait.ge [sflag:s12], $0x2800  }
0x34d: {  	[sflag:s12] =	ssyncset.done $0x0  }
0x34e: {  	[sflag:s12] =	ssyncadd.s32 $0xFFFFD800  }
0x34f: {  	_ =	swait.ge [sflag:s13], $0x2800  }
0x350: {  	[sflag:s13] =	ssyncset.done $0x0  }
0x351: {  	[sflag:s13] =	ssyncadd.s32 $0xFFFFD800  }
0x352: {  	[bflag:$0x0] =	sbarrier.arrive $0xFFFF  }
0x353: {  	s15 =	sshrl.u32 @p1 s7, $0x3;
	s16 =	simm.s32 @p1 $0x1FC8;
	s17 =	rddreg [dreg:$0x15]  }
0x354: {  	[hbm:s17], [sflag:s16] =	dma.local @p1 [spmem:s15], $0x2800  }
0x355: {  	s15 =	simm.s32 @p1 $0x8  }
0x356: {  	s16 =	stileid.u32;
	_ =	swait.ge @p1 [sflag:s15], $0x2800  }
0x357: {  	s16 =	sshll.u32 @!p1 s16, $0x6;
	[sflag:s15] =	ssyncset.done @p1 $0x0;
	s17 =	rddreg [dreg:$0x12]  }
0x358: {  	[sflag:s15] =	ssyncadd.s32 @p1 $0xFFFFD800;
	s15 =	sor.u32 @!p1 $0x1C08, s16;
	s16 =	sshrl.u32 @!p1 s7, $0x3  }
0x359: {  	[hbm:s17], [sflag:s15] =	dma.local @!p1 [spmem:s16], $0x2700  }
0x35a: {  	s15 =	simm.s32 @!p1 $0x8  }
0x35b: {  	_ =	swait.ge @!p1 [sflag:s15], $0x2700  }
0x35c: {  	s14 =	sadd.s32 $0x1, s14;
	s22 =	rddreg [dreg:$0x16]  }
0x35d: {  	p2 =	sne.s32 s14, s22  }
.Ltmp3:
0x35e: {  	_ = 	snop;
	(pc) =	sbr.rel @p2 .LBB2_1-.Ltmp3, $3  }
0x35f: {  	_ =	sdelay $0x1  }
0x360: {  	[sflag:s15] =	ssyncset.done @!p1 $0x0  }
0x361: {  	[sflag:s15] =	ssyncadd.s32 @!p1 $0xFFFFD900  }
0x362: {  	_ =	sfence.sel $0x180000  }
0x363: {  	[bflag:$0x0] =	sbarrier.arrive $0xFFFF  }
0x364: {  	_ =	strace $0x90000047  }
0x365: {  	s0 =	stileid.u32;
	[bflag:$0x2] =	sbarrier.arrive $0xFFFF  }
0x366: {  	p0 =	sne.s32 s0, $0x0;
	s0 =	rddreg [dreg:$0x5]  }
0x367: {  	s0 =	sadd.s32 @!p0 $0x100000, s0  }
0x368: {  	[sflag:s0] =	ssyncadd.tile.s32 @!p0 $0x1;
	_ =	shalt  }
.Lfunc_end2:
_tile_overlayer_lowered:
.L_overlay_start_2:
0x369: {  	(tag) =	ssettag $0x2  }
0x36a: {  	s0 =	rddreg [dreg:$0x0];
	s2 =	stileid.u32  }
0x36b: {  	s1 =	rddreg [dreg:$0x1];
	p0 =	sne.s32 s2, $0x0  }
0x36c: {  	s3 =	rddreg [dreg:$0x2];
	[bflag:$0x3] =	sbarrier.arrive $0xFFFF;
	s2 =	simm.s32 @!p0 $0x1C08  }
0x36d: {  	[timem:s3], [sflag:s2] =	dma.local @!p0 [hbm:s0], s1  }
0x36e: {  	s0 =	simm.s32 @!p0 $0x8  }
0x36f: {  	_ =	swait.ge @!p0 [sflag:s0], s1  }
0x370: {  	s1 =	ssub.s32 @!p0 $0x0, s1;
	[sflag:s0] =	ssyncset.done @!p0 $0x0  }
0x371: {  	[sflag:s0] =	ssyncadd.s32 @!p0 s1  }
0x372: {  	[bflag:$0x3] =	sbarrier.arrive $0xFFFF  }
0x373: {  	_ =	shalt  }

</sc_bundles>
